<compile_context>
chip_gen: v7x
topology: tpu7x:2x2x1
jax: 0.10.2.dev20260603
libtpu: 0.0.44.dev20260713+nightly
codegen_flags: <defaults>
</compile_context>

<pallas_src>
import functools

import jax
import jax.numpy as jnp
from jax import lax
from jax.experimental import pallas as pl
from jax.experimental.pallas import tpu as pltpu
from jax.experimental.pallas import tpu_sc as plsc

N = 10000
E = 320000
H = 128
G = 16

NC = 2
NS = 16
NW = NC * NS
EW = E // NW
CK = 80
NCH = EW // CK
DCK = 80
DNCH = EW // DCK
RPS = N // NS

def _sc_degree_body(dst_hbm, out_hbm, dst_v, ones_v, zb_v, hist_sh):
    c = lax.axis_index("c")
    s = lax.axis_index("s")
    w = s * NC + c

    for j in range(DCK // 16):
        ones_v[pl.ds(j * 16, 16)] = jnp.ones((16,), jnp.float32)
    for j in range(2000 // 16):
        zb_v[pl.ds(j * 16, 16)] = jnp.zeros((16,), jnp.float32)

    @pl.when(s < 5)
    def _():
        pltpu.sync_copy(zb_v, hist_sh.at[pl.ds(s * 2000, 2000)])

    plsc.subcore_barrier()

    pltpu.sync_copy(dst_hbm.at[w], dst_v)

    def body(j, carry):
        pltpu.sync_copy(ones_v, hist_sh.at[dst_v.at[j]], add=True)
        return carry

    lax.fori_loop(0, DNCH, body, 0)
    plsc.subcore_barrier()

    @pl.when(s == 0)
    def _():
        pltpu.sync_copy(hist_sh, out_hbm.at[c, 0, :])


def _sc_edge_agg_body(y_hbm, src_hbm, dst_hbm, out_hbm, src_v, dst_v, rows_v,
                      sem0, sem1, acc_sh):
    c = lax.axis_index("c")
    s = lax.axis_index("s")
    w = s * NC + c

    if True:
        for i in range(16):
            for j in range(H // 16):
                rows_v[0, i, pl.ds(j * 16, 16)] = jnp.zeros((16,), jnp.float32)

        base = s * 624
        nz = jnp.where(s == NS - 1, 40, 39)

        def zbody(t, carry):
            pltpu.sync_copy(rows_v.at[0, pl.ds(0, 16), :],
                            acc_sh.at[pl.ds(base + t * 16, 16), :])
            return carry

        lax.fori_loop(0, nz, zbody, 0)

        plsc.subcore_barrier()

        pltpu.sync_copy(src_hbm.at[w], src_v)
        pltpu.sync_copy(dst_hbm.at[w], dst_v)

        def gather(j, buf, sem):
            return pltpu.make_async_copy(
                y_hbm.at[src_v.at[pl.ds(j * CK, CK)]], rows_v.at[buf], sem)

        gather(0, 0, sem0).start()

        def body(t, carry):
            j0 = 2 * t
            gather(j0, 0, sem0).wait()
            gather(j0 + 1, 1, sem1).start()
            pltpu.sync_copy(rows_v.at[0], acc_sh.at[dst_v.at[j0]], add=True)
            gather(j0 + 1, 1, sem1).wait()
            gather(j0 + 2, 0, sem0).start()
            pltpu.sync_copy(rows_v.at[1], acc_sh.at[dst_v.at[j0 + 1]],
                            add=True)
            return carry

        lax.fori_loop(0, (NCH - 1) // 2, body, 0)
        gather(NCH - 1, 0, sem0).wait()
        pltpu.sync_copy(rows_v.at[0], acc_sh.at[dst_v.at[NCH - 1]], add=True)
        plsc.subcore_barrier()

        @pl.when(s < NS - 1)
        def _():
            pltpu.sync_copy(acc_sh.at[pl.ds(base, 624), :],
                            out_hbm.at[c, pl.ds(base, 624), :])

        @pl.when(s == NS - 1)
        def _():
            pltpu.sync_copy(acc_sh.at[pl.ds(15 * 624, 640), :],
                            out_hbm.at[c, pl.ds(15 * 624, 640), :])


@functools.cache
def _sc_kernels():
    mesh = plsc.VectorSubcoreMesh(
        core_axis_name="c", subcore_axis_name="s",
        num_cores=NC, num_subcores=NS)
    sc_degree = pl.kernel(
        _sc_degree_body,
        out_type=jax.ShapeDtypeStruct((NC, 1, N), jnp.float32),
        mesh=mesh,
        scratch_types=[
            pltpu.VMEM((DNCH, DCK), jnp.int32),
            pltpu.VMEM((DCK,), jnp.float32),
            pltpu.VMEM((2000,), jnp.float32),
            pltpu.VMEM_SHARED((N,), jnp.float32),
        ])
    sc_edge_agg = pl.kernel(
        _sc_edge_agg_body,
        out_type=jax.ShapeDtypeStruct((NC, N, H), jnp.float32),
        mesh=mesh,
        scratch_types=[
            pltpu.VMEM((EW,), jnp.int32),
            pltpu.VMEM((NCH, CK), jnp.int32),
            pltpu.VMEM((2, CK, H), jnp.float32),
            pltpu.SemaphoreType.DMA,
            pltpu.SemaphoreType.DMA,
            pltpu.VMEM_SHARED((N, H), jnp.float32),
        ])
    return sc_degree, sc_edge_agg


_R = 1000


def _tc1_body(z_ref, d0_ref, d1_ref, emb_ref, w1_ref, y_ref, dinv_ref):
    deg = d0_ref[...] + d1_ref[...] + 1.0
    dinv = lax.rsqrt(deg)
    z = z_ref[...]
    onehot = (z == lax.broadcasted_iota(jnp.int32, (_R, 128), 1)).astype(
        jnp.float32)
    embw = jnp.dot(emb_ref[...], w1_ref[...],
                   preferred_element_type=jnp.float32)
    xw = jnp.dot(onehot, embw, preferred_element_type=jnp.float32)
    y_ref[...] = dinv * xw
    dinv_ref[...] = dinv


def _tc2_body(ap_ref, y_ref, dinv_ref, b_ref, w_ref, out_ref):
    dinv = dinv_ref[...]
    x = dinv * (ap_ref[0] + ap_ref[1] + y_ref[...]) + b_ref[...]
    x = jnp.maximum(x, 0.0)
    out_ref[...] = dinv * jnp.dot(x, w_ref[...],
                                  preferred_element_type=jnp.float32)


def _tc3_body(ap_ref, y_ref, dinv_ref, b_ref, batch_ref, wr1_ref,
              br1_ref, wr2_ref, br2_ref, out_ref, acc_ref, cnt_ref):
    i = pl.program_id(0)
    dinv = dinv_ref[...]
    x = dinv * (ap_ref[0] + ap_ref[1] + y_ref[...]) + b_ref[...]
    x = jnp.maximum(x, 0.0)
    p = (batch_ref[...] == lax.broadcasted_iota(jnp.int32, (_R, G), 1)
         ).astype(jnp.float32)
    dn = (((0,), (0,)), ((), ()))
    psum = lax.dot_general(p, x, dn, preferred_element_type=jnp.float32)
    pcnt = lax.dot_general(p, jnp.ones((_R, 1), jnp.float32), dn,
                           preferred_element_type=jnp.float32)

    @pl.when(i == 0)
    def _():
        acc_ref[...] = jnp.zeros_like(acc_ref)
        cnt_ref[...] = jnp.zeros_like(cnt_ref)

    acc_ref[...] += psum
    cnt_ref[...] += pcnt

    @pl.when(i == pl.num_programs(0) - 1)
    def _():
        pooled = acc_ref[...] / jnp.maximum(cnt_ref[...], 1.0)
        h = jnp.dot(pooled, wr1_ref[...],
                    preferred_element_type=jnp.float32) + br1_ref[...]
        h = h * jax.nn.sigmoid(h)
        out_ref[...] = jnp.dot(h, wr2_ref[...],
                               preferred_element_type=jnp.float32) + br2_ref[...]


def _row_spec(width):
    return pl.BlockSpec((_R, width), lambda i: (i, 0))


def _pair_spec():
    return pl.BlockSpec((2, _R, H), lambda i: (0, i, 0))


def _full_spec(shape):
    return pl.BlockSpec(shape, lambda i: tuple(0 for _ in shape))


def kernel(pos, z, batch, edge_index, emb, W1, b1, W2, b2, Wr1, br1, Wr2, br2):
    del pos
    src3 = edge_index[0].reshape(NW, EW)
    dst3 = edge_index[1].reshape(NW, NCH, CK)
    dst3d = edge_index[1].reshape(NW, DNCH, DCK)
    z2 = z.reshape(N, 1)
    batch2 = batch.reshape(N, 1)
    embp = jnp.zeros((128, H), jnp.float32).at[:emb.shape[0]].set(emb)
    sc_degree, sc_edge_agg = _sc_kernels()

    deg_part = sc_degree(dst3d)
    d0 = deg_part[0, 0].reshape(N, 1)
    d1 = deg_part[1, 0].reshape(N, 1)

    grid = N // _R
    y1, dinv = pl.pallas_call(
        _tc1_body,
        grid=(grid,),
        in_specs=[_row_spec(1), _row_spec(1), _row_spec(1),
                  _full_spec((128, H)), _full_spec((H, H))],
        out_specs=[_row_spec(H), _row_spec(1)],
        out_shape=[jax.ShapeDtypeStruct((N, H), jnp.float32),
                   jax.ShapeDtypeStruct((N, 1), jnp.float32)],
    )(z2, d0, d1, embp, W1)

    agg1 = sc_edge_agg(y1, src3, dst3)

    y2 = pl.pallas_call(
        _tc2_body,
        grid=(grid,),
        in_specs=[_pair_spec(), _row_spec(H), _row_spec(1),
                  _full_spec((1, H)), _full_spec((H, H))],
        out_specs=_row_spec(H),
        out_shape=jax.ShapeDtypeStruct((N, H), jnp.float32),
    )(agg1, y1, dinv, b1.reshape(1, H), W2)

    agg2 = sc_edge_agg(y2, src3, dst3)

    energy = pl.pallas_call(
        _tc3_body,
        grid=(grid,),
        in_specs=[_pair_spec(), _row_spec(H), _row_spec(1),
                  _full_spec((1, H)), _row_spec(1),
                  _full_spec((H, H // 2)), _full_spec((1, H // 2)),
                  _full_spec((H // 2, 1)), _full_spec((1, 1))],
        out_specs=_full_spec((G, 1)),
        out_shape=jax.ShapeDtypeStruct((G, 1), jnp.float32),
        scratch_shapes=[pltpu.VMEM((G, H), jnp.float32),
                        pltpu.VMEM((G, 1), jnp.float32)],
    )(agg2, y2, dinv, b2.reshape(1, H), batch2,
      Wr1, br1.reshape(1, H // 2), Wr2, br2.reshape(1, 1))

    return energy.reshape(-1)

# --- scband reference (transcript-rebuilt; emitter-appended) ---
"""Pipeline reference for scband-simple-surrogate-80625126081179 (READ-ONLY COPY).

The authoritative reference and input builder live on the scoring server;
editing this copy changes nothing except your own understanding.
"""

import jax, jax.numpy as jnp
import numpy as np

N = 10000
E = 320000
H = 128
MAXZ = 100
G = 16


def setup_inputs(seed: int = 0) -> dict:
    key = jax.random.key(seed)
    ks = jax.random.split(key, 13)
    pos = jax.random.normal(ks[0], (N, 3), dtype=jnp.float32)
    z = jax.random.randint(ks[1], (N,), 0, MAXZ)
    batch = jnp.sort(jax.random.randint(ks[2], (N,), 0, G))
    edge_index = jax.random.randint(ks[3], (2, E), 0, N)
    emb = jax.random.normal(ks[4], (MAXZ, H), dtype=jnp.float32) * 0.1
    W1 = jax.random.normal(ks[5], (H, H), dtype=jnp.float32) * (1.0 / np.sqrt(H))
    b1 = jnp.zeros((H,), dtype=jnp.float32)
    W2 = jax.random.normal(ks[6], (H, H), dtype=jnp.float32) * (1.0 / np.sqrt(H))
    b2 = jnp.zeros((H,), dtype=jnp.float32)
    Wr1 = jax.random.normal(ks[7], (H, H // 2), dtype=jnp.float32) * (1.0 / np.sqrt(H))
    br1 = jnp.zeros((H // 2,), dtype=jnp.float32)
    Wr2 = jax.random.normal(ks[8], (H // 2, 1), dtype=jnp.float32) * (1.0 / np.sqrt(H // 2))
    br2 = jnp.zeros((1,), dtype=jnp.float32)
    return {"pos": pos, "z": z, "batch": batch, "edge_index": edge_index,
            "emb": emb, "W1": W1, "b1": b1, "W2": W2, "b2": b2,
            "Wr1": Wr1, "br1": br1, "Wr2": Wr2, "br2": br2}


def _gcn_conv(x, edge_index, W, b):
    # PyG GCNConv: add self-loops, symmetric normalization D^{-1/2} A_hat D^{-1/2}, then linear.
    loop = jnp.arange(N, dtype=edge_index.dtype)
    src = jnp.concatenate([edge_index[0], loop])
    dst = jnp.concatenate([edge_index[1], loop])
    xw = x @ W
    deg = jnp.zeros((N,), dtype=xw.dtype).at[dst].add(1.0)
    dinv = jnp.where(deg > 0, 1.0 / jnp.sqrt(deg), 0.0)
    norm = dinv[src] * dinv[dst]
    out = jnp.zeros_like(xw).at[dst].add(norm[:, None] * xw[src])
    return out + b


def reference(pos, z, batch, edge_index, emb, W1, b1, W2, b2, Wr1, br1, Wr2, br2):
    # embedding lookup
    x = jnp.take(emb, z, axis=0).astype(pos.dtype)
    # two GCN layers with relu
    x = jax.nn.relu(_gcn_conv(x, edge_index, W1, b1))
    x = jax.nn.relu(_gcn_conv(x, edge_index, W2, b2))
    # global mean pool per graph
    sums = jax.ops.segment_sum(x, batch, num_segments=G)
    cnt = jax.ops.segment_sum(jnp.ones((N,), dtype=x.dtype), batch, num_segments=G)
    pooled = sums / jnp.clip(cnt, 1.0)[:, None]
    # readout MLP: Linear -> SiLU -> Linear
    h = pooled @ Wr1 + br1
    h = h * jax.nn.sigmoid(h)
    energy = (h @ Wr2 + br2).reshape(-1)
    return energy

if __name__ == "__main__":
    import jax
    _d = setup_inputs()
    print(jax.jit(kernel)(*tuple(_d.values())))

</pallas_src>

<mosaic_0001>
#map = affine_map<(d0, d1) -> (0, 0)>
#map1 = affine_map<(d0, d1) -> (0, 0, 0)>
module attributes {stable_mosaic.version = 14 : i64} {
  func.func @_sc_edge_agg_body(%arg0: i32, %arg1: i32, %arg2: memref<10000x128xf32, #tpu.memory_space<hbm>>, %arg3: memref<32x10000xi32, #tpu.memory_space<hbm>>, %arg4: memref<32x125x80xi32, #tpu.memory_space<hbm>>, %arg5: memref<2x10000x128xf32, #tpu.memory_space<hbm>>, %arg6: memref<10000xi32, #tpu.memory_space<vmem>>, %arg7: memref<125x80xi32, #tpu.memory_space<vmem>>, %arg8: memref<2x80x128xf32, #tpu.memory_space<vmem>>, %arg9: memref<!tpu.dma_semaphore, #tpu.memory_space<semaphore_mem>>, %arg10: memref<!tpu.dma_semaphore, #tpu.memory_space<semaphore_mem>>, %arg11: memref<10000x128xf32, #tpu.memory_space<vmem_shared>>) attributes {dimension_semantics = [#tpu.dimension_semantics<core_parallel>, #tpu.dimension_semantics<subcore_parallel>], iteration_bounds = array<i64: 2, 16>, scalar_prefetch = 0 : i64, scratch_operands = 6 : i64, tpu.core_type = #tpu.core_type<sc_vector_subcore>, window_params = [{transform_indices = #map}, {transform_indices = #map}, {transform_indices = #map1}, {transform_indices = #map1}]} {
    %mul3A = arith.constant 2 : i32
    %mul3A_0 = arith.muli %arg1, %mul3A : i32
    %add3A = arith.addi %mul3A_0, %arg0 : i32
    %broadcast_in_dim3A = arith.constant 0.000000e+00 : f32
    %broadcast_in_dim3A_1 = vector.broadcast %broadcast_in_dim3A : f32 to vector<16xf32>
    %swap3A = arith.constant 0 : i32
    %swap3A_2 = arith.constant 0 : i32
    %swap3A_3 = arith.index_cast %swap3A : i32 to index
    %swap3A_4 = arith.index_cast %swap3A_2 : i32 to index
    %swap3A_5 = arith.constant 0 : index
    %swap3A_6 = tpu.vector_load %arg8[%swap3A_3, %swap3A_4, %swap3A_5] {strides = array<i32>} : memref<2x80x128xf32, #tpu.memory_space<vmem>>, vector<1x1x16xf32>,
    %swap3A_7 = vector.shape_cast %swap3A_6 : vector<1x1x16xf32> to vector<16xf32>
    %swap3A_8 = vector.shape_cast %broadcast_in_dim3A_1 : vector<16xf32> to vector<1x1x16xf32>
    tpu.vector_store %arg8[%swap3A_3, %swap3A_4, %swap3A_5], %swap3A_8 {strides = array<i32>} : memref<2x80x128xf32, #tpu.memory_space<vmem>>, vector<1x1x16xf32>,
    %broadcast_in_dim3A_9 = arith.constant 0.000000e+00 : f32
    %broadcast_in_dim3A_10 = vector.broadcast %broadcast_in_dim3A_9 : f32 to vector<16xf32>
    %swap3A_11 = arith.constant 0 : i32
    %swap3A_12 = arith.constant 0 : i32
    %swap3A_13 = arith.index_cast %swap3A_11 : i32 to index
    %swap3A_14 = arith.index_cast %swap3A_12 : i32 to index
    %swap3A_15 = arith.constant 16 : index
    %swap3A_16 = tpu.vector_load %arg8[%swap3A_13, %swap3A_14, %swap3A_15] {strides = array<i32>} : memref<2x80x128xf32, #tpu.memory_space<vmem>>, vector<1x1x16xf32>,
    %swap3A_17 = vector.shape_cast %swap3A_16 : vector<1x1x16xf32> to vector<16xf32>
    %swap3A_18 = vector.shape_cast %broadcast_in_dim3A_10 : vector<16xf32> to vector<1x1x16xf32>
    tpu.vector_store %arg8[%swap3A_13, %swap3A_14, %swap3A_15], %swap3A_18 {strides = array<i32>} : memref<2x80x128xf32, #tpu.memory_space<vmem>>, vector<1x1x16xf32>,
    %broadcast_in_dim3A_19 = arith.constant 0.000000e+00 : f32
    %broadcast_in_dim3A_20 = vector.broadcast %broadcast_in_dim3A_19 : f32 to vector<16xf32>
    %swap3A_21 = arith.constant 0 : i32
    %swap3A_22 = arith.constant 0 : i32
    %swap3A_23 = arith.index_cast %swap3A_21 : i32 to index
    %swap3A_24 = arith.index_cast %swap3A_22 : i32 to index
    %swap3A_25 = arith.constant 32 : index
    %swap3A_26 = tpu.vector_load %arg8[%swap3A_23, %swap3A_24, %swap3A_25] {strides = array<i32>} : memref<2x80x128xf32, #tpu.memory_space<vmem>>, vector<1x1x16xf32>,
    %swap3A_27 = vector.shape_cast %swap3A_26 : vector<1x1x16xf32> to vector<16xf32>
    %swap3A_28 = vector.shape_cast %broadcast_in_dim3A_20 : vector<16xf32> to vector<1x1x16xf32>
    tpu.vector_store %arg8[%swap3A_23, %swap3A_24, %swap3A_25], %swap3A_28 {strides = array<i32>} : memref<2x80x128xf32, #tpu.memory_space<vmem>>, vector<1x1x16xf32>,
    %broadcast_in_dim3A_29 = arith.constant 0.000000e+00 : f32
    %broadcast_in_dim3A_30 = vector.broadcast %broadcast_in_dim3A_29 : f32 to vector<16xf32>
    %swap3A_31 = arith.constant 0 : i32
    %swap3A_32 = arith.constant 0 : i32
    %swap3A_33 = arith.index_cast %swap3A_31 : i32 to index
    %swap3A_34 = arith.index_cast %swap3A_32 : i32 to index
    %swap3A_35 = arith.constant 48 : index
    %swap3A_36 = tpu.vector_load %arg8[%swap3A_33, %swap3A_34, %swap3A_35] {strides = array<i32>} : memref<2x80x128xf32, #tpu.memory_space<vmem>>, vector<1x1x16xf32>,
    %swap3A_37 = vector.shape_cast %swap3A_36 : vector<1x1x16xf32> to vector<16xf32>
    %swap3A_38 = vector.shape_cast %broadcast_in_dim3A_30 : vector<16xf32> to vector<1x1x16xf32>
    tpu.vector_store %arg8[%swap3A_33, %swap3A_34, %swap3A_35], %swap3A_38 {strides = array<i32>} : memref<2x80x128xf32, #tpu.memory_space<vmem>>, vector<1x1x16xf32>,
    %broadcast_in_dim3A_39 = arith.constant 0.000000e+00 : f32
    %broadcast_in_dim3A_40 = vector.broadcast %broadcast_in_dim3A_39 : f32 to vector<16xf32>
    %swap3A_41 = arith.constant 0 : i32
    %swap3A_42 = arith.constant 0 : i32
    %swap3A_43 = arith.index_cast %swap3A_41 : i32 to index
    %swap3A_44 = arith.index_cast %swap3A_42 : i32 to index
    %swap3A_45 = arith.constant 64 : index
    %swap3A_46 = tpu.vector_load %arg8[%swap3A_43, %swap3A_44, %swap3A_45] {strides = array<i32>} : memref<2x80x128xf32, #tpu.memory_space<vmem>>, vector<1x1x16xf32>,
    %swap3A_47 = vector.shape_cast %swap3A_46 : vector<1x1x16xf32> to vector<16xf32>
    %swap3A_48 = vector.shape_cast %broadcast_in_dim3A_40 : vector<16xf32> to vector<1x1x16xf32>
    tpu.vector_store %arg8[%swap3A_43, %swap3A_44, %swap3A_45], %swap3A_48 {strides = array<i32>} : memref<2x80x128xf32, #tpu.memory_space<vmem>>, vector<1x1x16xf32>,
    %broadcast_in_dim3A_49 = arith.constant 0.000000e+00 : f32
    %broadcast_in_dim3A_50 = vector.broadcast %broadcast_in_dim3A_49 : f32 to vector<16xf32>
    %swap3A_51 = arith.constant 0 : i32
    %swap3A_52 = arith.constant 0 : i32
    %swap3A_53 = arith.index_cast %swap3A_51 : i32 to index
    %swap3A_54 = arith.index_cast %swap3A_52 : i32 to index
    %swap3A_55 = arith.constant 80 : index
    %swap3A_56 = tpu.vector_load %arg8[%swap3A_53, %swap3A_54, %swap3A_55] {strides = array<i32>} : memref<2x80x128xf32, #tpu.memory_space<vmem>>, vector<1x1x16xf32>,
    %swap3A_57 = vector.shape_cast %swap3A_56 : vector<1x1x16xf32> to vector<16xf32>
    %swap3A_58 = vector.shape_cast %broadcast_in_dim3A_50 : vector<16xf32> to vector<1x1x16xf32>
    tpu.vector_store %arg8[%swap3A_53, %swap3A_54, %swap3A_55], %swap3A_58 {strides = array<i32>} : memref<2x80x128xf32, #tpu.memory_space<vmem>>, vector<1x1x16xf32>,
    %broadcast_in_dim3A_59 = arith.constant 0.000000e+00 : f32
    %broadcast_in_dim3A_60 = vector.broadcast %broadcast_in_dim3A_59 : f32 to vector<16xf32>
    %swap3A_61 = arith.constant 0 : i32
    %swap3A_62 = arith.constant 0 : i32
    %swap3A_63 = arith.index_cast %swap3A_61 : i32 to index
    %swap3A_64 = arith.index_cast %swap3A_62 : i32 to index
    %swap3A_65 = arith.constant 96 : index
    %swap3A_66 = tpu.vector_load %arg8[%swap3A_63, %swap3A_64, %swap3A_65] {strides = array<i32>} : memref<2x80x128xf32, #tpu.memory_space<vmem>>, vector<1x1x16xf32>,
    %swap3A_67 = vector.shape_cast %swap3A_66 : vector<1x1x16xf32> to vector<16xf32>
    %swap3A_68 = vector.shape_cast %broadcast_in_dim3A_60 : vector<16xf32> to vector<1x1x16xf32>
    tpu.vector_store %arg8[%swap3A_63, %swap3A_64, %swap3A_65], %swap3A_68 {strides = array<i32>} : memref<2x80x128xf32, #tpu.memory_space<vmem>>, vector<1x1x16xf32>,
    %broadcast_in_dim3A_69 = arith.constant 0.000000e+00 : f32
    %broadcast_in_dim3A_70 = vector.broadcast %broadcast_in_dim3A_69 : f32 to vector<16xf32>
    %swap3A_71 = arith.constant 0 : i32
    %swap3A_72 = arith.constant 0 : i32
    %swap3A_73 = arith.index_cast %swap3A_71 : i32 to index
    %swap3A_74 = arith.index_cast %swap3A_72 : i32 to index
    %swap3A_75 = arith.constant 112 : index
    %swap3A_76 = tpu.vector_load %arg8[%swap3A_73, %swap3A_74, %swap3A_75] {strides = array<i32>} : memref<2x80x128xf32, #tpu.memory_space<vmem>>, vector<1x1x16xf32>,
    %swap3A_77 = vector.shape_cast %swap3A_76 : vector<1x1x16xf32> to vector<16xf32>
    %swap3A_78 = vector.shape_cast %broadcast_in_dim3A_70 : vector<16xf32> to vector<1x1x16xf32>
    tpu.vector_store %arg8[%swap3A_73, %swap3A_74, %swap3A_75], %swap3A_78 {strides = array<i32>} : memref<2x80x128xf32, #tpu.memory_space<vmem>>, vector<1x1x16xf32>,
    %broadcast_in_dim3A_79 = arith.constant 0.000000e+00 : f32
    %broadcast_in_dim3A_80 = vector.broadcast %broadcast_in_dim3A_79 : f32 to vector<16xf32>
    %swap3A_81 = arith.constant 0 : i32
    %swap3A_82 = arith.constant 1 : i32
    %swap3A_83 = arith.index_cast %swap3A_81 : i32 to index
    %swap3A_84 = arith.index_cast %swap3A_82 : i32 to index
    %swap3A_85 = arith.constant 0 : index
    %swap3A_86 = tpu.vector_load %arg8[%swap3A_83, %swap3A_84, %swap3A_85] {strides = array<i32>} : memref<2x80x128xf32, #tpu.memory_space<vmem>>, vector<1x1x16xf32>,
    %swap3A_87 = vector.shape_cast %swap3A_86 : vector<1x1x16xf32> to vector<16xf32>
    %swap3A_88 = vector.shape_cast %broadcast_in_dim3A_80 : vector<16xf32> to vector<1x1x16xf32>
    tpu.vector_store %arg8[%swap3A_83, %swap3A_84, %swap3A_85], %swap3A_88 {strides = array<i32>} : memref<2x80x128xf32, #tpu.memory_space<vmem>>, vector<1x1x16xf32>,
    %broadcast_in_dim3A_89 = arith.constant 0.000000e+00 : f32
    %broadcast_in_dim3A_90 = vector.broadcast %broadcast_in_dim3A_89 : f32 to vector<16xf32>
    %swap3A_91 = arith.constant 0 : i32
    %swap3A_92 = arith.constant 1 : i32
    %swap3A_93 = arith.index_cast %swap3A_91 : i32 to index
    %swap3A_94 = arith.index_cast %swap3A_92 : i32 to index
    %swap3A_95 = arith.constant 16 : index
    %swap3A_96 = tpu.vector_load %arg8[%swap3A_93, %swap3A_94, %swap3A_95] {strides = array<i32>} : memref<2x80x128xf32, #tpu.memory_space<vmem>>, vector<1x1x16xf32>,
    %swap3A_97 = vector.shape_cast %swap3A_96 : vector<1x1x16xf32> to vector<16xf32>
    %swap3A_98 = vector.shape_cast %broadcast_in_dim3A_90 : vector<16xf32> to vector<1x1x16xf32>
    tpu.vector_store %arg8[%swap3A_93, %swap3A_94, %swap3A_95], %swap3A_98 {strides = array<i32>} : memref<2x80x128xf32, #tpu.memory_space<vmem>>, vector<1x1x16xf32>,
    %broadcast_in_dim3A_99 = arith.constant 0.000000e+00 : f32
    %broadcast_in_dim3A_100 = vector.broadcast %broadcast_in_dim3A_99 : f32 to vector<16xf32>
    %swap3A_101 = arith.constant 0 : i32
    %swap3A_102 = arith.constant 1 : i32
    %swap3A_103 = arith.index_cast %swap3A_101 : i32 to index
    %swap3A_104 = arith.index_cast %swap3A_102 : i32 to index
    %swap3A_105 = arith.constant 32 : index
    %swap3A_106 = tpu.vector_load %arg8[%swap3A_103, %swap3A_104, %swap3A_105] {strides = array<i32>} : memref<2x80x128xf32, #tpu.memory_space<vmem>>, vector<1x1x16xf32>,
    %swap3A_107 = vector.shape_cast %swap3A_106 : vector<1x1x16xf32> to vector<16xf32>
    %swap3A_108 = vector.shape_cast %broadcast_in_dim3A_100 : vector<16xf32> to vector<1x1x16xf32>
    tpu.vector_store %arg8[%swap3A_103, %swap3A_104, %swap3A_105], %swap3A_108 {strides = array<i32>} : memref<2x80x128xf32, #tpu.memory_space<vmem>>, vector<1x1x16xf32>,
    %broadcast_in_dim3A_109 = arith.constant 0.000000e+00 : f32
    %broadcast_in_dim3A_110 = vector.broadcast %broadcast_in_dim3A_109 : f32 to vector<16xf32>
    %swap3A_111 = arith.constant 0 : i32
    %swap3A_112 = arith.constant 1 : i32
    %swap3A_113 = arith.index_cast %swap3A_111 : i32 to index
    %swap3A_114 = arith.index_cast %swap3A_112 : i32 to index
    %swap3A_115 = arith.constant 48 : index
    %swap3A_116 = tpu.vector_load %arg8[%swap3A_113, %swap3A_114, %swap3A_115] {strides = array<i32>} : memref<2x80x128xf32, #tpu.memory_space<vmem>>, vector<1x1x16xf32>,
    %swap3A_117 = vector.shape_cast %swap3A_116 : vector<1x1x16xf32> to vector<16xf32>
    %swap3A_118 = vector.shape_cast %broadcast_in_dim3A_110 : vector<16xf32> to vector<1x1x16xf32>
    tpu.vector_store %arg8[%swap3A_113, %swap3A_114, %swap3A_115], %swap3A_118 {strides = array<i32>} : memref<2x80x128xf32, #tpu.memory_space<vmem>>, vector<1x1x16xf32>,
    %broadcast_in_dim3A_119 = arith.constant 0.000000e+00 : f32
    %broadcast_in_dim3A_120 = vector.broadcast %broadcast_in_dim3A_119 : f32 to vector<16xf32>
    %swap3A_121 = arith.constant 0 : i32
    %swap3A_122 = arith.constant 1 : i32
    %swap3A_123 = arith.index_cast %swap3A_121 : i32 to index
    %swap3A_124 = arith.index_cast %swap3A_122 : i32 to index
    %swap3A_125 = arith.constant 64 : index
    %swap3A_126 = tpu.vector_load %arg8[%swap3A_123, %swap3A_124, %swap3A_125] {strides = array<i32>} : memref<2x80x128xf32, #tpu.memory_space<vmem>>, vector<1x1x16xf32>,
    %swap3A_127 = vector.shape_cast %swap3A_126 : vector<1x1x16xf32> to vector<16xf32>
    %swap3A_128 = vector.shape_cast %broadcast_in_dim3A_120 : vector<16xf32> to vector<1x1x16xf32>
    tpu.vector_store %arg8[%swap3A_123, %swap3A_124, %swap3A_125], %swap3A_128 {strides = array<i32>} : memref<2x80x128xf32, #tpu.memory_space<vmem>>, vector<1x1x16xf32>,
    %broadcast_in_dim3A_129 = arith.constant 0.000000e+00 : f32
    %broadcast_in_dim3A_130 = vector.broadcast %broadcast_in_dim3A_129 : f32 to vector<16xf32>
    %swap3A_131 = arith.constant 0 : i32
    %swap3A_132 = arith.constant 1 : i32
    %swap3A_133 = arith.index_cast %swap3A_131 : i32 to index
    %swap3A_134 = arith.index_cast %swap3A_132 : i32 to index
    %swap3A_135 = arith.constant 80 : index
    %swap3A_136 = tpu.vector_load %arg8[%swap3A_133, %swap3A_134, %swap3A_135] {strides = array<i32>} : memref<2x80x128xf32, #tpu.memory_space<vmem>>, vector<1x1x16xf32>,
    %swap3A_137 = vector.shape_cast %swap3A_136 : vector<1x1x16xf32> to vector<16xf32>
    %swap3A_138 = vector.shape_cast %broadcast_in_dim3A_130 : vector<16xf32> to vector<1x1x16xf32>
    tpu.vector_store %arg8[%swap3A_133, %swap3A_134, %swap3A_135], %swap3A_138 {strides = array<i32>} : memref<2x80x128xf32, #tpu.memory_space<vmem>>, vector<1x1x16xf32>,
    %broadcast_in_dim3A_139 = arith.constant 0.000000e+00 : f32
    %broadcast_in_dim3A_140 = vector.broadcast %broadcast_in_dim3A_139 : f32 to vector<16xf32>
    %swap3A_141 = arith.constant 0 : i32
    %swap3A_142 = arith.constant 1 : i32
    %swap3A_143 = arith.index_cast %swap3A_141 : i32 to index
    %swap3A_144 = arith.index_cast %swap3A_142 : i32 to index
    %swap3A_145 = arith.constant 96 : index
    %swap3A_146 = tpu.vector_load %arg8[%swap3A_143, %swap3A_144, %swap3A_145] {strides = array<i32>} : memref<2x80x128xf32, #tpu.memory_space<vmem>>, vector<1x1x16xf32>,
    %swap3A_147 = vector.shape_cast %swap3A_146 : vector<1x1x16xf32> to vector<16xf32>
    %swap3A_148 = vector.shape_cast %broadcast_in_dim3A_140 : vector<16xf32> to vector<1x1x16xf32>
    tpu.vector_store %arg8[%swap3A_143, %swap3A_144, %swap3A_145], %swap3A_148 {strides = array<i32>} : memref<2x80x128xf32, #tpu.memory_space<vmem>>, vector<1x1x16xf32>,
    %broadcast_in_dim3A_149 = arith.constant 0.000000e+00 : f32
    %broadcast_in_dim3A_150 = vector.broadcast %broadcast_in_dim3A_149 : f32 to vector<16xf32>
    %swap3A_151 = arith.constant 0 : i32
    %swap3A_152 = arith.constant 1 : i32
    %swap3A_153 = arith.index_cast %swap3A_151 : i32 to index
    %swap3A_154 = arith.index_cast %swap3A_152 : i32 to index
    %swap3A_155 = arith.constant 112 : index
    %swap3A_156 = tpu.vector_load %arg8[%swap3A_153, %swap3A_154, %swap3A_155] {strides = array<i32>} : memref<2x80x128xf32, #tpu.memory_space<vmem>>, vector<1x1x16xf32>,
    %swap3A_157 = vector.shape_cast %swap3A_156 : vector<1x1x16xf32> to vector<16xf32>
    %swap3A_158 = vector.shape_cast %broadcast_in_dim3A_150 : vector<16xf32> to vector<1x1x16xf32>
    tpu.vector_store %arg8[%swap3A_153, %swap3A_154, %swap3A_155], %swap3A_158 {strides = array<i32>} : memref<2x80x128xf32, #tpu.memory_space<vmem>>, vector<1x1x16xf32>,
    %broadcast_in_dim3A_159 = arith.constant 0.000000e+00 : f32
    %broadcast_in_dim3A_160 = vector.broadcast %broadcast_in_dim3A_159 : f32 to vector<16xf32>
    %swap3A_161 = arith.constant 0 : i32
    %swap3A_162 = arith.constant 2 : i32
    %swap3A_163 = arith.index_cast %swap3A_161 : i32 to index
    %swap3A_164 = arith.index_cast %swap3A_162 : i32 to index
    %swap3A_165 = arith.constant 0 : index
    %swap3A_166 = tpu.vector_load %arg8[%swap3A_163, %swap3A_164, %swap3A_165] {strides = array<i32>} : memref<2x80x128xf32, #tpu.memory_space<vmem>>, vector<1x1x16xf32>,
    %swap3A_167 = vector.shape_cast %swap3A_166 : vector<1x1x16xf32> to vector<16xf32>
    %swap3A_168 = vector.shape_cast %broadcast_in_dim3A_160 : vector<16xf32> to vector<1x1x16xf32>
    tpu.vector_store %arg8[%swap3A_163, %swap3A_164, %swap3A_165], %swap3A_168 {strides = array<i32>} : memref<2x80x128xf32, #tpu.memory_space<vmem>>, vector<1x1x16xf32>,
    %broadcast_in_dim3A_169 = arith.constant 0.000000e+00 : f32
    %broadcast_in_dim3A_170 = vector.broadcast %broadcast_in_dim3A_169 : f32 to vector<16xf32>
    %swap3A_171 = arith.constant 0 : i32
    %swap3A_172 = arith.constant 2 : i32
    %swap3A_173 = arith.index_cast %swap3A_171 : i32 to index
    %swap3A_174 = arith.index_cast %swap3A_172 : i32 to index
    %swap3A_175 = arith.constant 16 : index
    %swap3A_176 = tpu.vector_load %arg8[%swap3A_173, %swap3A_174, %swap3A_175] {strides = array<i32>} : memref<2x80x128xf32, #tpu.memory_space<vmem>>, vector<1x1x16xf32>,
    %swap3A_177 = vector.shape_cast %swap3A_176 : vector<1x1x16xf32> to vector<16xf32>
    %swap3A_178 = vector.shape_cast %broadcast_in_dim3A_170 : vector<16xf32> to vector<1x1x16xf32>
    tpu.vector_store %arg8[%swap3A_173, %swap3A_174, %swap3A_175], %swap3A_178 {strides = array<i32>} : memref<2x80x128xf32, #tpu.memory_space<vmem>>, vector<1x1x16xf32>,
    %broadcast_in_dim3A_179 = arith.constant 0.000000e+00 : f32
    %broadcast_in_dim3A_180 = vector.broadcast %broadcast_in_dim3A_179 : f32 to vector<16xf32>
    %swap3A_181 = arith.constant 0 : i32
    %swap3A_182 = arith.constant 2 : i32
    %swap3A_183 = arith.index_cast %swap3A_181 : i32 to index
    %swap3A_184 = arith.index_cast %swap3A_182 : i32 to index
    %swap3A_185 = arith.constant 32 : index
    %swap3A_186 = tpu.vector_load %arg8[%swap3A_183, %swap3A_184, %swap3A_185] {strides = array<i32>} : memref<2x80x128xf32, #tpu.memory_space<vmem>>, vector<1x1x16xf32>,
    %swap3A_187 = vector.shape_cast %swap3A_186 : vector<1x1x16xf32> to vector<16xf32>
    %swap3A_188 = vector.shape_cast %broadcast_in_dim3A_180 : vector<16xf32> to vector<1x1x16xf32>
    tpu.vector_store %arg8[%swap3A_183, %swap3A_184, %swap3A_185], %swap3A_188 {strides = array<i32>} : memref<2x80x128xf32, #tpu.memory_space<vmem>>, vector<1x1x16xf32>,
    %broadcast_in_dim3A_189 = arith.constant 0.000000e+00 : f32
    %broadcast_in_dim3A_190 = vector.broadcast %broadcast_in_dim3A_189 : f32 to vector<16xf32>
    %swap3A_191 = arith.constant 0 : i32
    %swap3A_192 = arith.constant 2 : i32
    %swap3A_193 = arith.index_cast %swap3A_191 : i32 to index
    %swap3A_194 = arith.index_cast %swap3A_192 : i32 to index
    %swap3A_195 = arith.constant 48 : index
    %swap3A_196 = tpu.vector_load %arg8[%swap3A_193, %swap3A_194, %swap3A_195] {strides = array<i32>} : memref<2x80x128xf32, #tpu.memory_space<vmem>>, vector<1x1x16xf32>,
    %swap3A_197 = vector.shape_cast %swap3A_196 : vector<1x1x16xf32> to vector<16xf32>
    %swap3A_198 = vector.shape_cast %broadcast_in_dim3A_190 : vector<16xf32> to vector<1x1x16xf32>
    tpu.vector_store %arg8[%swap3A_193, %swap3A_194, %swap3A_195], %swap3A_198 {strides = array<i32>} : memref<2x80x128xf32, #tpu.memory_space<vmem>>, vector<1x1x16xf32>,
    %broadcast_in_dim3A_199 = arith.constant 0.000000e+00 : f32
    %broadcast_in_dim3A_200 = vector.broadcast %broadcast_in_dim3A_199 : f32 to vector<16xf32>
    %swap3A_201 = arith.constant 0 : i32
    %swap3A_202 = arith.constant 2 : i32
    %swap3A_203 = arith.index_cast %swap3A_201 : i32 to index
    %swap3A_204 = arith.index_cast %swap3A_202 : i32 to index
    %swap3A_205 = arith.constant 64 : index
    %swap3A_206 = tpu.vector_load %arg8[%swap3A_203, %swap3A_204, %swap3A_205] {strides = array<i32>} : memref<2x80x128xf32, #tpu.memory_space<vmem>>, vector<1x1x16xf32>,
    %swap3A_207 = vector.shape_cast %swap3A_206 : vector<1x1x16xf32> to vector<16xf32>
    %swap3A_208 = vector.shape_cast %broadcast_in_dim3A_200 : vector<16xf32> to vector<1x1x16xf32>
    tpu.vector_store %arg8[%swap3A_203, %swap3A_204, %swap3A_205], %swap3A_208 {strides = array<i32>} : memref<2x80x128xf32, #tpu.memory_space<vmem>>, vector<1x1x16xf32>,
    %broadcast_in_dim3A_209 = arith.constant 0.000000e+00 : f32
    %broadcast_in_dim3A_210 = vector.broadcast %broadcast_in_dim3A_209 : f32 to vector<16xf32>
    %swap3A_211 = arith.constant 0 : i32
    %swap3A_212 = arith.constant 2 : i32
    %swap3A_213 = arith.index_cast %swap3A_211 : i32 to index
    %swap3A_214 = arith.index_cast %swap3A_212 : i32 to index
    %swap3A_215 = arith.constant 80 : index
    %swap3A_216 = tpu.vector_load %arg8[%swap3A_213, %swap3A_214, %swap3A_215] {strides = array<i32>} : memref<2x80x128xf32, #tpu.memory_space<vmem>>, vector<1x1x16xf32>,
    %swap3A_217 = vector.shape_cast %swap3A_216 : vector<1x1x16xf32> to vector<16xf32>
    %swap3A_218 = vector.shape_cast %broadcast_in_dim3A_210 : vector<16xf32> to vector<1x1x16xf32>
    tpu.vector_store %arg8[%swap3A_213, %swap3A_214, %swap3A_215], %swap3A_218 {strides = array<i32>} : memref<2x80x128xf32, #tpu.memory_space<vmem>>, vector<1x1x16xf32>,
    %broadcast_in_dim3A_219 = arith.constant 0.000000e+00 : f32
    %broadcast_in_dim3A_220 = vector.broadcast %broadcast_in_dim3A_219 : f32 to vector<16xf32>
    %swap3A_221 = arith.constant 0 : i32
    %swap3A_222 = arith.constant 2 : i32
    %swap3A_223 = arith.index_cast %swap3A_221 : i32 to index
    %swap3A_224 = arith.index_cast %swap3A_222 : i32 to index
    %swap3A_225 = arith.constant 96 : index
    %swap3A_226 = tpu.vector_load %arg8[%swap3A_223, %swap3A_224, %swap3A_225] {strides = array<i32>} : memref<2x80x128xf32, #tpu.memory_space<vmem>>, vector<1x1x16xf32>,
    %swap3A_227 = vector.shape_cast %swap3A_226 : vector<1x1x16xf32> to vector<16xf32>
    %swap3A_228 = vector.shape_cast %broadcast_in_dim3A_220 : vector<16xf32> to vector<1x1x16xf32>
    tpu.vector_store %arg8[%swap3A_223, %swap3A_224, %swap3A_225], %swap3A_228 {strides = array<i32>} : memref<2x80x128xf32, #tpu.memory_space<vmem>>, vector<1x1x16xf32>,
    %broadcast_in_dim3A_229 = arith.constant 0.000000e+00 : f32
    %broadcast_in_dim3A_230 = vector.broadcast %broadcast_in_dim3A_229 : f32 to vector<16xf32>
    %swap3A_231 = arith.constant 0 : i32
    %swap3A_232 = arith.constant 2 : i32
    %swap3A_233 = arith.index_cast %swap3A_231 : i32 to index
    %swap3A_234 = arith.index_cast %swap3A_232 : i32 to index
    %swap3A_235 = arith.constant 112 : index
    %swap3A_236 = tpu.vector_load %arg8[%swap3A_233, %swap3A_234, %swap3A_235] {strides = array<i32>} : memref<2x80x128xf32, #tpu.memory_space<vmem>>, vector<1x1x16xf32>,
    %swap3A_237 = vector.shape_cast %swap3A_236 : vector<1x1x16xf32> to vector<16xf32>
    %swap3A_238 = vector.shape_cast %broadcast_in_dim3A_230 : vector<16xf32> to vector<1x1x16xf32>
    tpu.vector_store %arg8[%swap3A_233, %swap3A_234, %swap3A_235], %swap3A_238 {strides = array<i32>} : memref<2x80x128xf32, #tpu.memory_space<vmem>>, vector<1x1x16xf32>,
    %broadcast_in_dim3A_239 = arith.constant 0.000000e+00 : f32
    %broadcast_in_dim3A_240 = vector.broadcast %broadcast_in_dim3A_239 : f32 to vector<16xf32>
    %swap3A_241 = arith.constant 0 : i32
    %swap3A_242 = arith.constant 3 : i32
    %swap3A_243 = arith.index_cast %swap3A_241 : i32 to index
    %swap3A_244 = arith.index_cast %swap3A_242 : i32 to index
    %swap3A_245 = arith.constant 0 : index
    %swap3A_246 = tpu.vector_load %arg8[%swap3A_243, %swap3A_244, %swap3A_245] {strides = array<i32>} : memref<2x80x128xf32, #tpu.memory_space<vmem>>, vector<1x1x16xf32>,
    %swap3A_247 = vector.shape_cast %swap3A_246 : vector<1x1x16xf32> to vector<16xf32>
    %swap3A_248 = vector.shape_cast %broadcast_in_dim3A_240 : vector<16xf32> to vector<1x1x16xf32>
    tpu.vector_store %arg8[%swap3A_243, %swap3A_244, %swap3A_245], %swap3A_248 {strides = array<i32>} : memref<2x80x128xf32, #tpu.memory_space<vmem>>, vector<1x1x16xf32>,
    %broadcast_in_dim3A_249 = arith.constant 0.000000e+00 : f32
    %broadcast_in_dim3A_250 = vector.broadcast %broadcast_in_dim3A_249 : f32 to vector<16xf32>
    %swap3A_251 = arith.constant 0 : i32
    %swap3A_252 = arith.constant 3 : i32
    %swap3A_253 = arith.index_cast %swap3A_251 : i32 to index
    %swap3A_254 = arith.index_cast %swap3A_252 : i32 to index
    %swap3A_255 = arith.constant 16 : index
    %swap3A_256 = tpu.vector_load %arg8[%swap3A_253, %swap3A_254, %swap3A_255] {strides = array<i32>} : memref<2x80x128xf32, #tpu.memory_space<vmem>>, vector<1x1x16xf32>,
    %swap3A_257 = vector.shape_cast %swap3A_256 : vector<1x1x16xf32> to vector<16xf32>
    %swap3A_258 = vector.shape_cast %broadcast_in_dim3A_250 : vector<16xf32> to vector<1x1x16xf32>
    tpu.vector_store %arg8[%swap3A_253, %swap3A_254, %swap3A_255], %swap3A_258 {strides = array<i32>} : memref<2x80x128xf32, #tpu.memory_space<vmem>>, vector<1x1x16xf32>,
    %broadcast_in_dim3A_259 = arith.constant 0.000000e+00 : f32
    %broadcast_in_dim3A_260 = vector.broadcast %broadcast_in_dim3A_259 : f32 to vector<16xf32>
    %swap3A_261 = arith.constant 0 : i32
    %swap3A_262 = arith.constant 3 : i32
    %swap3A_263 = arith.index_cast %swap3A_261 : i32 to index
    %swap3A_264 = arith.index_cast %swap3A_262 : i32 to index
    %swap3A_265 = arith.constant 32 : index
    %swap3A_266 = tpu.vector_load %arg8[%swap3A_263, %swap3A_264, %swap3A_265] {strides = array<i32>} : memref<2x80x128xf32, #tpu.memory_space<vmem>>, vector<1x1x16xf32>,
    %swap3A_267 = vector.shape_cast %swap3A_266 : vector<1x1x16xf32> to vector<16xf32>
    %swap3A_268 = vector.shape_cast %broadcast_in_dim3A_260 : vector<16xf32> to vector<1x1x16xf32>
    tpu.vector_store %arg8[%swap3A_263, %swap3A_264, %swap3A_265], %swap3A_268 {strides = array<i32>} : memref<2x80x128xf32, #tpu.memory_space<vmem>>, vector<1x1x16xf32>,
    %broadcast_in_dim3A_269 = arith.constant 0.000000e+00 : f32
    %broadcast_in_dim3A_270 = vector.broadcast %broadcast_in_dim3A_269 : f32 to vector<16xf32>
    %swap3A_271 = arith.constant 0 : i32
    %swap3A_272 = arith.constant 3 : i32
    %swap3A_273 = arith.index_cast %swap3A_271 : i32 to index
    %swap3A_274 = arith.index_cast %swap3A_272 : i32 to index
    %swap3A_275 = arith.constant 48 : index
    %swap3A_276 = tpu.vector_load %arg8[%swap3A_273, %swap3A_274, %swap3A_275] {strides = array<i32>} : memref<2x80x128xf32, #tpu.memory_space<vmem>>, vector<1x1x16xf32>,
    %swap3A_277 = vector.shape_cast %swap3A_276 : vector<1x1x16xf32> to vector<16xf32>
    %swap3A_278 = vector.shape_cast %broadcast_in_dim3A_270 : vector<16xf32> to vector<1x1x16xf32>
    tpu.vector_store %arg8[%swap3A_273, %swap3A_274, %swap3A_275], %swap3A_278 {strides = array<i32>} : memref<2x80x128xf32, #tpu.memory_space<vmem>>, vector<1x1x16xf32>,
    %broadcast_in_dim3A_279 = arith.constant 0.000000e+00 : f32
    %broadcast_in_dim3A_280 = vector.broadcast %broadcast_in_dim3A_279 : f32 to vector<16xf32>
    %swap3A_281 = arith.constant 0 : i32
    %swap3A_282 = arith.constant 3 : i32
    %swap3A_283 = arith.index_cast %swap3A_281 : i32 to index
    %swap3A_284 = arith.index_cast %swap3A_282 : i32 to index
    %swap3A_285 = arith.constant 64 : index
    %swap3A_286 = tpu.vector_load %arg8[%swap3A_283, %swap3A_284, %swap3A_285] {strides = array<i32>} : memref<2x80x128xf32, #tpu.memory_space<vmem>>, vector<1x1x16xf32>,
    %swap3A_287 = vector.shape_cast %swap3A_286 : vector<1x1x16xf32> to vector<16xf32>
    %swap3A_288 = vector.shape_cast %broadcast_in_dim3A_280 : vector<16xf32> to vector<1x1x16xf32>
    tpu.vector_store %arg8[%swap3A_283, %swap3A_284, %swap3A_285], %swap3A_288 {strides = array<i32>} : memref<2x80x128xf32, #tpu.memory_space<vmem>>, vector<1x1x16xf32>,
    %broadcast_in_dim3A_289 = arith.constant 0.000000e+00 : f32
    %broadcast_in_dim3A_290 = vector.broadcast %broadcast_in_dim3A_289 : f32 to vector<16xf32>
    %swap3A_291 = arith.constant 0 : i32
    %swap3A_292 = arith.constant 3 : i32
    %swap3A_293 = arith.index_cast %swap3A_291 : i32 to index
    %swap3A_294 = arith.index_cast %swap3A_292 : i32 to index
    %swap3A_295 = arith.constant 80 : index
    %swap3A_296 = tpu.vector_load %arg8[%swap3A_293, %swap3A_294, %swap3A_295] {strides = array<i32>} : memref<2x80x128xf32, #tpu.memory_space<vmem>>, vector<1x1x16xf32>,
    %swap3A_297 = vector.shape_cast %swap3A_296 : vector<1x1x16xf32> to vector<16xf32>
    %swap3A_298 = vector.shape_cast %broadcast_in_dim3A_290 : vector<16xf32> to vector<1x1x16xf32>
    tpu.vector_store %arg8[%swap3A_293, %swap3A_294, %swap3A_295], %swap3A_298 {strides = array<i32>} : memref<2x80x128xf32, #tpu.memory_space<vmem>>, vector<1x1x16xf32>,
    %broadcast_in_dim3A_299 = arith.constant 0.000000e+00 : f32
    %broadcast_in_dim3A_300 = vector.broadcast %broadcast_in_dim3A_299 : f32 to vector<16xf32>
    %swap3A_301 = arith.constant 0 : i32
    %swap3A_302 = arith.constant 3 : i32
    %swap3A_303 = arith.index_cast %swap3A_301 : i32 to index
    %swap3A_304 = arith.index_cast %swap3A_302 : i32 to index
    %swap3A_305 = arith.constant 96 : index
    %swap3A_306 = tpu.vector_load %arg8[%swap3A_303, %swap3A_304, %swap3A_305] {strides = array<i32>} : memref<2x80x128xf32, #tpu.memory_space<vmem>>, vector<1x1x16xf32>,
    %swap3A_307 = vector.shape_cast %swap3A_306 : vector<1x1x16xf32> to vector<16xf32>
    %swap3A_308 = vector.shape_cast %broadcast_in_dim3A_300 : vector<16xf32> to vector<1x1x16xf32>
    tpu.vector_store %arg8[%swap3A_303, %swap3A_304, %swap3A_305], %swap3A_308 {strides = array<i32>} : memref<2x80x128xf32, #tpu.memory_space<vmem>>, vector<1x1x16xf32>,
    %broadcast_in_dim3A_309 = arith.constant 0.000000e+00 : f32
    %broadcast_in_dim3A_310 = vector.broadcast %broadcast_in_dim3A_309 : f32 to vector<16xf32>
    %swap3A_311 = arith.constant 0 : i32
    %swap3A_312 = arith.constant 3 : i32
    %swap3A_313 = arith.index_cast %swap3A_311 : i32 to index
    %swap3A_314 = arith.index_cast %swap3A_312 : i32 to index
    %swap3A_315 = arith.constant 112 : index
    %swap3A_316 = tpu.vector_load %arg8[%swap3A_313, %swap3A_314, %swap3A_315] {strides = array<i32>} : memref<2x80x128xf32, #tpu.memory_space<vmem>>, vector<1x1x16xf32>,
    %swap3A_317 = vector.shape_cast %swap3A_316 : vector<1x1x16xf32> to vector<16xf32>
    %swap3A_318 = vector.shape_cast %broadcast_in_dim3A_310 : vector<16xf32> to vector<1x1x16xf32>
    tpu.vector_store %arg8[%swap3A_313, %swap3A_314, %swap3A_315], %swap3A_318 {strides = array<i32>} : memref<2x80x128xf32, #tpu.memory_space<vmem>>, vector<1x1x16xf32>,
    %broadcast_in_dim3A_319 = arith.constant 0.000000e+00 : f32
    %broadcast_in_dim3A_320 = vector.broadcast %broadcast_in_dim3A_319 : f32 to vector<16xf32>
    %swap3A_321 = arith.constant 0 : i32
    %swap3A_322 = arith.constant 4 : i32
    %swap3A_323 = arith.index_cast %swap3A_321 : i32 to index
    %swap3A_324 = arith.index_cast %swap3A_322 : i32 to index
    %swap3A_325 = arith.constant 0 : index
    %swap3A_326 = tpu.vector_load %arg8[%swap3A_323, %swap3A_324, %swap3A_325] {strides = array<i32>} : memref<2x80x128xf32, #tpu.memory_space<vmem>>, vector<1x1x16xf32>,
    %swap3A_327 = vector.shape_cast %swap3A_326 : vector<1x1x16xf32> to vector<16xf32>
    %swap3A_328 = vector.shape_cast %broadcast_in_dim3A_320 : vector<16xf32> to vector<1x1x16xf32>
    tpu.vector_store %arg8[%swap3A_323, %swap3A_324, %swap3A_325], %swap3A_328 {strides = array<i32>} : memref<2x80x128xf32, #tpu.memory_space<vmem>>, vector<1x1x16xf32>,
    %broadcast_in_dim3A_329 = arith.constant 0.000000e+00 : f32
    %broadcast_in_dim3A_330 = vector.broadcast %broadcast_in_dim3A_329 : f32 to vector<16xf32>
    %swap3A_331 = arith.constant 0 : i32
    %swap3A_332 = arith.constant 4 : i32
    %swap3A_333 = arith.index_cast %swap3A_331 : i32 to index
    %swap3A_334 = arith.index_cast %swap3A_332 : i32 to index
    %swap3A_335 = arith.constant 16 : index
    %swap3A_336 = tpu.vector_load %arg8[%swap3A_333, %swap3A_334, %swap3A_335] {strides = array<i32>} : memref<2x80x128xf32, #tpu.memory_space<vmem>>, vector<1x1x16xf32>,
    %swap3A_337 = vector.shape_cast %swap3A_336 : vector<1x1x16xf32> to vector<16xf32>
    %swap3A_338 = vector.shape_cast %broadcast_in_dim3A_330 : vector<16xf32> to vector<1x1x16xf32>
    tpu.vector_store %arg8[%swap3A_333, %swap3A_334, %swap3A_335], %swap3A_338 {strides = array<i32>} : memref<2x80x128xf32, #tpu.memory_space<vmem>>, vector<1x1x16xf32>,
    %broadcast_in_dim3A_339 = arith.constant 0.000000e+00 : f32
    %broadcast_in_dim3A_340 = vector.broadcast %broadcast_in_dim3A_339 : f32 to vector<16xf32>
    %swap3A_341 = arith.constant 0 : i32
    %swap3A_342 = arith.constant 4 : i32
    %swap3A_343 = arith.index_cast %swap3A_341 : i32 to index
    %swap3A_344 = arith.index_cast %swap3A_342 : i32 to index
    %swap3A_345 = arith.constant 32 : index
    %swap3A_346 = tpu.vector_load %arg8[%swap3A_343, %swap3A_344, %swap3A_345] {strides = array<i32>} : memref<2x80x128xf32, #tpu.memory_space<vmem>>, vector<1x1x16xf32>,
    %swap3A_347 = vector.shape_cast %swap3A_346 : vector<1x1x16xf32> to vector<16xf32>
    %swap3A_348 = vector.shape_cast %broadcast_in_dim3A_340 : vector<16xf32> to vector<1x1x16xf32>
    tpu.vector_store %arg8[%swap3A_343, %swap3A_344, %swap3A_345], %swap3A_348 {strides = array<i32>} : memref<2x80x128xf32, #tpu.memory_space<vmem>>, vector<1x1x16xf32>,
    %broadcast_in_dim3A_349 = arith.constant 0.000000e+00 : f32
    %broadcast_in_dim3A_350 = vector.broadcast %broadcast_in_dim3A_349 : f32 to vector<16xf32>
    %swap3A_351 = arith.constant 0 : i32
    %swap3A_352 = arith.constant 4 : i32
    %swap3A_353 = arith.index_cast %swap3A_351 : i32 to index
    %swap3A_354 = arith.index_cast %swap3A_352 : i32 to index
    %swap3A_355 = arith.constant 48 : index
    %swap3A_356 = tpu.vector_load %arg8[%swap3A_353, %swap3A_354, %swap3A_355] {strides = array<i32>} : memref<2x80x128xf32, #tpu.memory_space<vmem>>, vector<1x1x16xf32>,
    %swap3A_357 = vector.shape_cast %swap3A_356 : vector<1x1x16xf32> to vector<16xf32>
    %swap3A_358 = vector.shape_cast %broadcast_in_dim3A_350 : vector<16xf32> to vector<1x1x16xf32>
    tpu.vector_store %arg8[%swap3A_353, %swap3A_354, %swap3A_355], %swap3A_358 {strides = array<i32>} : memref<2x80x128xf32, #tpu.memory_space<vmem>>, vector<1x1x16xf32>,
    %broadcast_in_dim3A_359 = arith.constant 0.000000e+00 : f32
    %broadcast_in_dim3A_360 = vector.broadcast %broadcast_in_dim3A_359 : f32 to vector<16xf32>
    %swap3A_361 = arith.constant 0 : i32
    %swap3A_362 = arith.constant 4 : i32
    %swap3A_363 = arith.index_cast %swap3A_361 : i32 to index
    %swap3A_364 = arith.index_cast %swap3A_362 : i32 to index
    %swap3A_365 = arith.constant 64 : index
    %swap3A_366 = tpu.vector_load %arg8[%swap3A_363, %swap3A_364, %swap3A_365] {strides = array<i32>} : memref<2x80x128xf32, #tpu.memory_space<vmem>>, vector<1x1x16xf32>,
    %swap3A_367 = vector.shape_cast %swap3A_366 : vector<1x1x16xf32> to vector<16xf32>
    %swap3A_368 = vector.shape_cast %broadcast_in_dim3A_360 : vector<16xf32> to vector<1x1x16xf32>
    tpu.vector_store %arg8[%swap3A_363, %swap3A_364, %swap3A_365], %swap3A_368 {strides = array<i32>} : memref<2x80x128xf32, #tpu.memory_space<vmem>>, vector<1x1x16xf32>,
    %broadcast_in_dim3A_369 = arith.constant 0.000000e+00 : f32
    %broadcast_in_dim3A_370 = vector.broadcast %broadcast_in_dim3A_369 : f32 to vector<16xf32>
    %swap3A_371 = arith.constant 0 : i32
    %swap3A_372 = arith.constant 4 : i32
    %swap3A_373 = arith.index_cast %swap3A_371 : i32 to index
    %swap3A_374 = arith.index_cast %swap3A_372 : i32 to index
    %swap3A_375 = arith.constant 80 : index
    %swap3A_376 = tpu.vector_load %arg8[%swap3A_373, %swap3A_374, %swap3A_375] {strides = array<i32>} : memref<2x80x128xf32, #tpu.memory_space<vmem>>, vector<1x1x16xf32>,
    %swap3A_377 = vector.shape_cast %swap3A_376 : vector<1x1x16xf32> to vector<16xf32>
    %swap3A_378 = vector.shape_cast %broadcast_in_dim3A_370 : vector<16xf32> to vector<1x1x16xf32>
    tpu.vector_store %arg8[%swap3A_373, %swap3A_374, %swap3A_375], %swap3A_378 {strides = array<i32>} : memref<2x80x128xf32, #tpu.memory_space<vmem>>, vector<1x1x16xf32>,
    %broadcast_in_dim3A_379 = arith.constant 0.000000e+00 : f32
    %broadcast_in_dim3A_380 = vector.broadcast %broadcast_in_dim3A_379 : f32 to vector<16xf32>
    %swap3A_381 = arith.constant 0 : i32
    %swap3A_382 = arith.constant 4 : i32
    %swap3A_383 = arith.index_cast %swap3A_381 : i32 to index
    %swap3A_384 = arith.index_cast %swap3A_382 : i32 to index
    %swap3A_385 = arith.constant 96 : index
    %swap3A_386 = tpu.vector_load %arg8[%swap3A_383, %swap3A_384, %swap3A_385] {strides = array<i32>} : memref<2x80x128xf32, #tpu.memory_space<vmem>>, vector<1x1x16xf32>,
    %swap3A_387 = vector.shape_cast %swap3A_386 : vector<1x1x16xf32> to vector<16xf32>
    %swap3A_388 = vector.shape_cast %broadcast_in_dim3A_380 : vector<16xf32> to vector<1x1x16xf32>
    tpu.vector_store %arg8[%swap3A_383, %swap3A_384, %swap3A_385], %swap3A_388 {strides = array<i32>} : memref<2x80x128xf32, #tpu.memory_space<vmem>>, vector<1x1x16xf32>,
    %broadcast_in_dim3A_389 = arith.constant 0.000000e+00 : f32
    %broadcast_in_dim3A_390 = vector.broadcast %broadcast_in_dim3A_389 : f32 to vector<16xf32>
    %swap3A_391 = arith.constant 0 : i32
    %swap3A_392 = arith.constant 4 : i32
    %swap3A_393 = arith.index_cast %swap3A_391 : i32 to index
    %swap3A_394 = arith.index_cast %swap3A_392 : i32 to index
    %swap3A_395 = arith.constant 112 : index
    %swap3A_396 = tpu.vector_load %arg8[%swap3A_393, %swap3A_394, %swap3A_395] {strides = array<i32>} : memref<2x80x128xf32, #tpu.memory_space<vmem>>, vector<1x1x16xf32>,
    %swap3A_397 = vector.shape_cast %swap3A_396 : vector<1x1x16xf32> to vector<16xf32>
    %swap3A_398 = vector.shape_cast %broadcast_in_dim3A_390 : vector<16xf32> to vector<1x1x16xf32>
    tpu.vector_store %arg8[%swap3A_393, %swap3A_394, %swap3A_395], %swap3A_398 {strides = array<i32>} : memref<2x80x128xf32, #tpu.memory_space<vmem>>, vector<1x1x16xf32>,
    %broadcast_in_dim3A_399 = arith.constant 0.000000e+00 : f32
    %broadcast_in_dim3A_400 = vector.broadcast %broadcast_in_dim3A_399 : f32 to vector<16xf32>
    %swap3A_401 = arith.constant 0 : i32
    %swap3A_402 = arith.constant 5 : i32
    %swap3A_403 = arith.index_cast %swap3A_401 : i32 to index
    %swap3A_404 = arith.index_cast %swap3A_402 : i32 to index
    %swap3A_405 = arith.constant 0 : index
    %swap3A_406 = tpu.vector_load %arg8[%swap3A_403, %swap3A_404, %swap3A_405] {strides = array<i32>} : memref<2x80x128xf32, #tpu.memory_space<vmem>>, vector<1x1x16xf32>,
    %swap3A_407 = vector.shape_cast %swap3A_406 : vector<1x1x16xf32> to vector<16xf32>
    %swap3A_408 = vector.shape_cast %broadcast_in_dim3A_400 : vector<16xf32> to vector<1x1x16xf32>
    tpu.vector_store %arg8[%swap3A_403, %swap3A_404, %swap3A_405], %swap3A_408 {strides = array<i32>} : memref<2x80x128xf32, #tpu.memory_space<vmem>>, vector<1x1x16xf32>,
    %broadcast_in_dim3A_409 = arith.constant 0.000000e+00 : f32
    %broadcast_in_dim3A_410 = vector.broadcast %broadcast_in_dim3A_409 : f32 to vector<16xf32>
    %swap3A_411 = arith.constant 0 : i32
    %swap3A_412 = arith.constant 5 : i32
    %swap3A_413 = arith.index_cast %swap3A_411 : i32 to index
    %swap3A_414 = arith.index_cast %swap3A_412 : i32 to index
    %swap3A_415 = arith.constant 16 : index
    %swap3A_416 = tpu.vector_load %arg8[%swap3A_413, %swap3A_414, %swap3A_415] {strides = array<i32>} : memref<2x80x128xf32, #tpu.memory_space<vmem>>, vector<1x1x16xf32>,
    %swap3A_417 = vector.shape_cast %swap3A_416 : vector<1x1x16xf32> to vector<16xf32>
    %swap3A_418 = vector.shape_cast %broadcast_in_dim3A_410 : vector<16xf32> to vector<1x1x16xf32>
    tpu.vector_store %arg8[%swap3A_413, %swap3A_414, %swap3A_415], %swap3A_418 {strides = array<i32>} : memref<2x80x128xf32, #tpu.memory_space<vmem>>, vector<1x1x16xf32>,
    %broadcast_in_dim3A_419 = arith.constant 0.000000e+00 : f32
    %broadcast_in_dim3A_420 = vector.broadcast %broadcast_in_dim3A_419 : f32 to vector<16xf32>
    %swap3A_421 = arith.constant 0 : i32
    %swap3A_422 = arith.constant 5 : i32
    %swap3A_423 = arith.index_cast %swap3A_421 : i32 to index
    %swap3A_424 = arith.index_cast %swap3A_422 : i32 to index
    %swap3A_425 = arith.constant 32 : index
    %swap3A_426 = tpu.vector_load %arg8[%swap3A_423, %swap3A_424, %swap3A_425] {strides = array<i32>} : memref<2x80x128xf32, #tpu.memory_space<vmem>>, vector<1x1x16xf32>,
    %swap3A_427 = vector.shape_cast %swap3A_426 : vector<1x1x16xf32> to vector<16xf32>
    %swap3A_428 = vector.shape_cast %broadcast_in_dim3A_420 : vector<16xf32> to vector<1x1x16xf32>
    tpu.vector_store %arg8[%swap3A_423, %swap3A_424, %swap3A_425], %swap3A_428 {strides = array<i32>} : memref<2x80x128xf32, #tpu.memory_space<vmem>>, vector<1x1x16xf32>,
    %broadcast_in_dim3A_429 = arith.constant 0.000000e+00 : f32
    %broadcast_in_dim3A_430 = vector.broadcast %broadcast_in_dim3A_429 : f32 to vector<16xf32>
    %swap3A_431 = arith.constant 0 : i32
    %swap3A_432 = arith.constant 5 : i32
    %swap3A_433 = arith.index_cast %swap3A_431 : i32 to index
    %swap3A_434 = arith.index_cast %swap3A_432 : i32 to index
    %swap3A_435 = arith.constant 48 : index
    %swap3A_436 = tpu.vector_load %arg8[%swap3A_433, %swap3A_434, %swap3A_435] {strides = array<i32>} : memref<2x80x128xf32, #tpu.memory_space<vmem>>, vector<1x1x16xf32>,
    %swap3A_437 = vector.shape_cast %swap3A_436 : vector<1x1x16xf32> to vector<16xf32>
    %swap3A_438 = vector.shape_cast %broadcast_in_dim3A_430 : vector<16xf32> to vector<1x1x16xf32>
    tpu.vector_store %arg8[%swap3A_433, %swap3A_434, %swap3A_435], %swap3A_438 {strides = array<i32>} : memref<2x80x128xf32, #tpu.memory_space<vmem>>, vector<1x1x16xf32>,
    %broadcast_in_dim3A_439 = arith.constant 0.000000e+00 : f32
    %broadcast_in_dim3A_440 = vector.broadcast %broadcast_in_dim3A_439 : f32 to vector<16xf32>
    %swap3A_441 = arith.constant 0 : i32
    %swap3A_442 = arith.constant 5 : i32
    %swap3A_443 = arith.index_cast %swap3A_441 : i32 to index
    %swap3A_444 = arith.index_cast %swap3A_442 : i32 to index
    %swap3A_445 = arith.constant 64 : index
    %swap3A_446 = tpu.vector_load %arg8[%swap3A_443, %swap3A_444, %swap3A_445] {strides = array<i32>} : memref<2x80x128xf32, #tpu.memory_space<vmem>>, vector<1x1x16xf32>,
    %swap3A_447 = vector.shape_cast %swap3A_446 : vector<1x1x16xf32> to vector<16xf32>
    %swap3A_448 = vector.shape_cast %broadcast_in_dim3A_440 : vector<16xf32> to vector<1x1x16xf32>
    tpu.vector_store %arg8[%swap3A_443, %swap3A_444, %swap3A_445], %swap3A_448 {strides = array<i32>} : memref<2x80x128xf32, #tpu.memory_space<vmem>>, vector<1x1x16xf32>,
    %broadcast_in_dim3A_449 = arith.constant 0.000000e+00 : f32
    %broadcast_in_dim3A_450 = vector.broadcast %broadcast_in_dim3A_449 : f32 to vector<16xf32>
    %swap3A_451 = arith.constant 0 : i32
    %swap3A_452 = arith.constant 5 : i32
    %swap3A_453 = arith.index_cast %swap3A_451 : i32 to index
    %swap3A_454 = arith.index_cast %swap3A_452 : i32 to index
    %swap3A_455 = arith.constant 80 : index
    %swap3A_456 = tpu.vector_load %arg8[%swap3A_453, %swap3A_454, %swap3A_455] {strides = array<i32>} : memref<2x80x128xf32, #tpu.memory_space<vmem>>, vector<1x1x16xf32>,
    %swap3A_457 = vector.shape_cast %swap3A_456 : vector<1x1x16xf32> to vector<16xf32>
    %swap3A_458 = vector.shape_cast %broadcast_in_dim3A_450 : vector<16xf32> to vector<1x1x16xf32>
    tpu.vector_store %arg8[%swap3A_453, %swap3A_454, %swap3A_455], %swap3A_458 {strides = array<i32>} : memref<2x80x128xf32, #tpu.memory_space<vmem>>, vector<1x1x16xf32>,
    %broadcast_in_dim3A_459 = arith.constant 0.000000e+00 : f32
    %broadcast_in_dim3A_460 = vector.broadcast %broadcast_in_dim3A_459 : f32 to vector<16xf32>
    %swap3A_461 = arith.constant 0 : i32
    %swap3A_462 = arith.constant 5 : i32
    %swap3A_463 = arith.index_cast %swap3A_461 : i32 to index
    %swap3A_464 = arith.index_cast %swap3A_462 : i32 to index
    %swap3A_465 = arith.constant 96 : index
    %swap3A_466 = tpu.vector_load %arg8[%swap3A_463, %swap3A_464, %swap3A_465] {strides = array<i32>} : memref<2x80x128xf32, #tpu.memory_space<vmem>>, vector<1x1x16xf32>,
    %swap3A_467 = vector.shape_cast %swap3A_466 : vector<1x1x16xf32> to vector<16xf32>
    %swap3A_468 = vector.shape_cast %broadcast_in_dim3A_460 : vector<16xf32> to vector<1x1x16xf32>
    tpu.vector_store %arg8[%swap3A_463, %swap3A_464, %swap3A_465], %swap3A_468 {strides = array<i32>} : memref<2x80x128xf32, #tpu.memory_space<vmem>>, vector<1x1x16xf32>,
    %broadcast_in_dim3A_469 = arith.constant 0.000000e+00 : f32
    %broadcast_in_dim3A_470 = vector.broadcast %broadcast_in_dim3A_469 : f32 to vector<16xf32>
    %swap3A_471 = arith.constant 0 : i32
    %swap3A_472 = arith.constant 5 : i32
    %swap3A_473 = arith.index_cast %swap3A_471 : i32 to index
    %swap3A_474 = arith.index_cast %swap3A_472 : i32 to index
    %swap3A_475 = arith.constant 112 : index
    %swap3A_476 = tpu.vector_load %arg8[%swap3A_473, %swap3A_474, %swap3A_475] {strides = array<i32>} : memref<2x80x128xf32, #tpu.memory_space<vmem>>, vector<1x1x16xf32>,
    %swap3A_477 = vector.shape_cast %swap3A_476 : vector<1x1x16xf32> to vector<16xf32>
    %swap3A_478 = vector.shape_cast %broadcast_in_dim3A_470 : vector<16xf32> to vector<1x1x16xf32>
    tpu.vector_store %arg8[%swap3A_473, %swap3A_474, %swap3A_475], %swap3A_478 {strides = array<i32>} : memref<2x80x128xf32, #tpu.memory_space<vmem>>, vector<1x1x16xf32>,
    %broadcast_in_dim3A_479 = arith.constant 0.000000e+00 : f32
    %broadcast_in_dim3A_480 = vector.broadcast %broadcast_in_dim3A_479 : f32 to vector<16xf32>
    %swap3A_481 = arith.constant 0 : i32
    %swap3A_482 = arith.constant 6 : i32
    %swap3A_483 = arith.index_cast %swap3A_481 : i32 to index
    %swap3A_484 = arith.index_cast %swap3A_482 : i32 to index
    %swap3A_485 = arith.constant 0 : index
    %swap3A_486 = tpu.vector_load %arg8[%swap3A_483, %swap3A_484, %swap3A_485] {strides = array<i32>} : memref<2x80x128xf32, #tpu.memory_space<vmem>>, vector<1x1x16xf32>,
    %swap3A_487 = vector.shape_cast %swap3A_486 : vector<1x1x16xf32> to vector<16xf32>
    %swap3A_488 = vector.shape_cast %broadcast_in_dim3A_480 : vector<16xf32> to vector<1x1x16xf32>
    tpu.vector_store %arg8[%swap3A_483, %swap3A_484, %swap3A_485], %swap3A_488 {strides = array<i32>} : memref<2x80x128xf32, #tpu.memory_space<vmem>>, vector<1x1x16xf32>,
    %broadcast_in_dim3A_489 = arith.constant 0.000000e+00 : f32
    %broadcast_in_dim3A_490 = vector.broadcast %broadcast_in_dim3A_489 : f32 to vector<16xf32>
    %swap3A_491 = arith.constant 0 : i32
    %swap3A_492 = arith.constant 6 : i32
    %swap3A_493 = arith.index_cast %swap3A_491 : i32 to index
    %swap3A_494 = arith.index_cast %swap3A_492 : i32 to index
    %swap3A_495 = arith.constant 16 : index
    %swap3A_496 = tpu.vector_load %arg8[%swap3A_493, %swap3A_494, %swap3A_495] {strides = array<i32>} : memref<2x80x128xf32, #tpu.memory_space<vmem>>, vector<1x1x16xf32>,
    %swap3A_497 = vector.shape_cast %swap3A_496 : vector<1x1x16xf32> to vector<16xf32>
    %swap3A_498 = vector.shape_cast %broadcast_in_dim3A_490 : vector<16xf32> to vector<1x1x16xf32>
    tpu.vector_store %arg8[%swap3A_493, %swap3A_494, %swap3A_495], %swap3A_498 {strides = array<i32>} : memref<2x80x128xf32, #tpu.memory_space<vmem>>, vector<1x1x16xf32>,
    %broadcast_in_dim3A_499 = arith.constant 0.000000e+00 : f32
    %broadcast_in_dim3A_500 = vector.broadcast %broadcast_in_dim3A_499 : f32 to vector<16xf32>
    %swap3A_501 = arith.constant 0 : i32
    %swap3A_502 = arith.constant 6 : i32
    %swap3A_503 = arith.index_cast %swap3A_501 : i32 to index
    %swap3A_504 = arith.index_cast %swap3A_502 : i32 to index
    %swap3A_505 = arith.constant 32 : index
    %swap3A_506 = tpu.vector_load %arg8[%swap3A_503, %swap3A_504, %swap3A_505] {strides = array<i32>} : memref<2x80x128xf32, #tpu.memory_space<vmem>>, vector<1x1x16xf32>,
    %swap3A_507 = vector.shape_cast %swap3A_506 : vector<1x1x16xf32> to vector<16xf32>
    %swap3A_508 = vector.shape_cast %broadcast_in_dim3A_500 : vector<16xf32> to vector<1x1x16xf32>
    tpu.vector_store %arg8[%swap3A_503, %swap3A_504, %swap3A_505], %swap3A_508 {strides = array<i32>} : memref<2x80x128xf32, #tpu.memory_space<vmem>>, vector<1x1x16xf32>,
    %broadcast_in_dim3A_509 = arith.constant 0.000000e+00 : f32
    %broadcast_in_dim3A_510 = vector.broadcast %broadcast_in_dim3A_509 : f32 to vector<16xf32>
    %swap3A_511 = arith.constant 0 : i32
    %swap3A_512 = arith.constant 6 : i32
    %swap3A_513 = arith.index_cast %swap3A_511 : i32 to index
    %swap3A_514 = arith.index_cast %swap3A_512 : i32 to index
    %swap3A_515 = arith.constant 48 : index
    %swap3A_516 = tpu.vector_load %arg8[%swap3A_513, %swap3A_514, %swap3A_515] {strides = array<i32>} : memref<2x80x128xf32, #tpu.memory_space<vmem>>, vector<1x1x16xf32>,
    %swap3A_517 = vector.shape_cast %swap3A_516 : vector<1x1x16xf32> to vector<16xf32>
    %swap3A_518 = vector.shape_cast %broadcast_in_dim3A_510 : vector<16xf32> to vector<1x1x16xf32>
    tpu.vector_store %arg8[%swap3A_513, %swap3A_514, %swap3A_515], %swap3A_518 {strides = array<i32>} : memref<2x80x128xf32, #tpu.memory_space<vmem>>, vector<1x1x16xf32>,
    %broadcast_in_dim3A_519 = arith.constant 0.000000e+00 : f32
    %broadcast_in_dim3A_520 = vector.broadcast %broadcast_in_dim3A_519 : f32 to vector<16xf32>
    %swap3A_521 = arith.constant 0 : i32
    %swap3A_522 = arith.constant 6 : i32
    %swap3A_523 = arith.index_cast %swap3A_521 : i32 to index
    %swap3A_524 = arith.index_cast %swap3A_522 : i32 to index
    %swap3A_525 = arith.constant 64 : index
    %swap3A_526 = tpu.vector_load %arg8[%swap3A_523, %swap3A_524, %swap3A_525] {strides = array<i32>} : memref<2x80x128xf32, #tpu.memory_space<vmem>>, vector<1x1x16xf32>,
    %swap3A_527 = vector.shape_cast %swap3A_526 : vector<1x1x16xf32> to vector<16xf32>
    %swap3A_528 = vector.shape_cast %broadcast_in_dim3A_520 : vector<16xf32> to vector<1x1x16xf32>
    tpu.vector_store %arg8[%swap3A_523, %swap3A_524, %swap3A_525], %swap3A_528 {strides = array<i32>} : memref<2x80x128xf32, #tpu.memory_space<vmem>>, vector<1x1x16xf32>,
    %broadcast_in_dim3A_529 = arith.constant 0.000000e+00 : f32
    %broadcast_in_dim3A_530 = vector.broadcast %broadcast_in_dim3A_529 : f32 to vector<16xf32>
    %swap3A_531 = arith.constant 0 : i32
    %swap3A_532 = arith.constant 6 : i32
    %swap3A_533 = arith.index_cast %swap3A_531 : i32 to index
    %swap3A_534 = arith.index_cast %swap3A_532 : i32 to index
    %swap3A_535 = arith.constant 80 : index
    %swap3A_536 = tpu.vector_load %arg8[%swap3A_533, %swap3A_534, %swap3A_535] {strides = array<i32>} : memref<2x80x128xf32, #tpu.memory_space<vmem>>, vector<1x1x16xf32>,
    %swap3A_537 = vector.shape_cast %swap3A_536 : vector<1x1x16xf32> to vector<16xf32>
    %swap3A_538 = vector.shape_cast %broadcast_in_dim3A_530 : vector<16xf32> to vector<1x1x16xf32>
    tpu.vector_store %arg8[%swap3A_533, %swap3A_534, %swap3A_535], %swap3A_538 {strides = array<i32>} : memref<2x80x128xf32, #tpu.memory_space<vmem>>, vector<1x1x16xf32>,
    %broadcast_in_dim3A_539 = arith.constant 0.000000e+00 : f32
    %broadcast_in_dim3A_540 = vector.broadcast %broadcast_in_dim3A_539 : f32 to vector<16xf32>
    %swap3A_541 = arith.constant 0 : i32
    %swap3A_542 = arith.constant 6 : i32
    %swap3A_543 = arith.index_cast %swap3A_541 : i32 to index
    %swap3A_544 = arith.index_cast %swap3A_542 : i32 to index
    %swap3A_545 = arith.constant 96 : index
    %swap3A_546 = tpu.vector_load %arg8[%swap3A_543, %swap3A_544, %swap3A_545] {strides = array<i32>} : memref<2x80x128xf32, #tpu.memory_space<vmem>>, vector<1x1x16xf32>,
    %swap3A_547 = vector.shape_cast %swap3A_546 : vector<1x1x16xf32> to vector<16xf32>
    %swap3A_548 = vector.shape_cast %broadcast_in_dim3A_540 : vector<16xf32> to vector<1x1x16xf32>
    tpu.vector_store %arg8[%swap3A_543, %swap3A_544, %swap3A_545], %swap3A_548 {strides = array<i32>} : memref<2x80x128xf32, #tpu.memory_space<vmem>>, vector<1x1x16xf32>,
    %broadcast_in_dim3A_549 = arith.constant 0.000000e+00 : f32
    %broadcast_in_dim3A_550 = vector.broadcast %broadcast_in_dim3A_549 : f32 to vector<16xf32>
    %swap3A_551 = arith.constant 0 : i32
    %swap3A_552 = arith.constant 6 : i32
    %swap3A_553 = arith.index_cast %swap3A_551 : i32 to index
    %swap3A_554 = arith.index_cast %swap3A_552 : i32 to index
    %swap3A_555 = arith.constant 112 : index
    %swap3A_556 = tpu.vector_load %arg8[%swap3A_553, %swap3A_554, %swap3A_555] {strides = array<i32>} : memref<2x80x128xf32, #tpu.memory_space<vmem>>, vector<1x1x16xf32>,
    %swap3A_557 = vector.shape_cast %swap3A_556 : vector<1x1x16xf32> to vector<16xf32>
    %swap3A_558 = vector.shape_cast %broadcast_in_dim3A_550 : vector<16xf32> to vector<1x1x16xf32>
    tpu.vector_store %arg8[%swap3A_553, %swap3A_554, %swap3A_555], %swap3A_558 {strides = array<i32>} : memref<2x80x128xf32, #tpu.memory_space<vmem>>, vector<1x1x16xf32>,
    %broadcast_in_dim3A_559 = arith.constant 0.000000e+00 : f32
    %broadcast_in_dim3A_560 = vector.broadcast %broadcast_in_dim3A_559 : f32 to vector<16xf32>
    %swap3A_561 = arith.constant 0 : i32
    %swap3A_562 = arith.constant 7 : i32
    %swap3A_563 = arith.index_cast %swap3A_561 : i32 to index
    %swap3A_564 = arith.index_cast %swap3A_562 : i32 to index
    %swap3A_565 = arith.constant 0 : index
    %swap3A_566 = tpu.vector_load %arg8[%swap3A_563, %swap3A_564, %swap3A_565] {strides = array<i32>} : memref<2x80x128xf32, #tpu.memory_space<vmem>>, vector<1x1x16xf32>,
    %swap3A_567 = vector.shape_cast %swap3A_566 : vector<1x1x16xf32> to vector<16xf32>
    %swap3A_568 = vector.shape_cast %broadcast_in_dim3A_560 : vector<16xf32> to vector<1x1x16xf32>
    tpu.vector_store %arg8[%swap3A_563, %swap3A_564, %swap3A_565], %swap3A_568 {strides = array<i32>} : memref<2x80x128xf32, #tpu.memory_space<vmem>>, vector<1x1x16xf32>,
    %broadcast_in_dim3A_569 = arith.constant 0.000000e+00 : f32
    %broadcast_in_dim3A_570 = vector.broadcast %broadcast_in_dim3A_569 : f32 to vector<16xf32>
    %swap3A_571 = arith.constant 0 : i32
    %swap3A_572 = arith.constant 7 : i32
    %swap3A_573 = arith.index_cast %swap3A_571 : i32 to index
    %swap3A_574 = arith.index_cast %swap3A_572 : i32 to index
    %swap3A_575 = arith.constant 16 : index
    %swap3A_576 = tpu.vector_load %arg8[%swap3A_573, %swap3A_574, %swap3A_575] {strides = array<i32>} : memref<2x80x128xf32, #tpu.memory_space<vmem>>, vector<1x1x16xf32>,
    %swap3A_577 = vector.shape_cast %swap3A_576 : vector<1x1x16xf32> to vector<16xf32>
    %swap3A_578 = vector.shape_cast %broadcast_in_dim3A_570 : vector<16xf32> to vector<1x1x16xf32>
    tpu.vector_store %arg8[%swap3A_573, %swap3A_574, %swap3A_575], %swap3A_578 {strides = array<i32>} : memref<2x80x128xf32, #tpu.memory_space<vmem>>, vector<1x1x16xf32>,
    %broadcast_in_dim3A_579 = arith.constant 0.000000e+00 : f32
    %broadcast_in_dim3A_580 = vector.broadcast %broadcast_in_dim3A_579 : f32 to vector<16xf32>
    %swap3A_581 = arith.constant 0 : i32
    %swap3A_582 = arith.constant 7 : i32
    %swap3A_583 = arith.index_cast %swap3A_581 : i32 to index
    %swap3A_584 = arith.index_cast %swap3A_582 : i32 to index
    %swap3A_585 = arith.constant 32 : index
    %swap3A_586 = tpu.vector_load %arg8[%swap3A_583, %swap3A_584, %swap3A_585] {strides = array<i32>} : memref<2x80x128xf32, #tpu.memory_space<vmem>>, vector<1x1x16xf32>,
    %swap3A_587 = vector.shape_cast %swap3A_586 : vector<1x1x16xf32> to vector<16xf32>
    %swap3A_588 = vector.shape_cast %broadcast_in_dim3A_580 : vector<16xf32> to vector<1x1x16xf32>
    tpu.vector_store %arg8[%swap3A_583, %swap3A_584, %swap3A_585], %swap3A_588 {strides = array<i32>} : memref<2x80x128xf32, #tpu.memory_space<vmem>>, vector<1x1x16xf32>,
    %broadcast_in_dim3A_589 = arith.constant 0.000000e+00 : f32
    %broadcast_in_dim3A_590 = vector.broadcast %broadcast_in_dim3A_589 : f32 to vector<16xf32>
    %swap3A_591 = arith.constant 0 : i32
    %swap3A_592 = arith.constant 7 : i32
    %swap3A_593 = arith.index_cast %swap3A_591 : i32 to index
    %swap3A_594 = arith.index_cast %swap3A_592 : i32 to index
    %swap3A_595 = arith.constant 48 : index
    %swap3A_596 = tpu.vector_load %arg8[%swap3A_593, %swap3A_594, %swap3A_595] {strides = array<i32>} : memref<2x80x128xf32, #tpu.memory_space<vmem>>, vector<1x1x16xf32>,
    %swap3A_597 = vector.shape_cast %swap3A_596 : vector<1x1x16xf32> to vector<16xf32>
    %swap3A_598 = vector.shape_cast %broadcast_in_dim3A_590 : vector<16xf32> to vector<1x1x16xf32>
    tpu.vector_store %arg8[%swap3A_593, %swap3A_594, %swap3A_595], %swap3A_598 {strides = array<i32>} : memref<2x80x128xf32, #tpu.memory_space<vmem>>, vector<1x1x16xf32>,
    %broadcast_in_dim3A_599 = arith.constant 0.000000e+00 : f32
    %broadcast_in_dim3A_600 = vector.broadcast %broadcast_in_dim3A_599 : f32 to vector<16xf32>
    %swap3A_601 = arith.constant 0 : i32
    %swap3A_602 = arith.constant 7 : i32
    %swap3A_603 = arith.index_cast %swap3A_601 : i32 to index
    %swap3A_604 = arith.index_cast %swap3A_602 : i32 to index
    %swap3A_605 = arith.constant 64 : index
    %swap3A_606 = tpu.vector_load %arg8[%swap3A_603, %swap3A_604, %swap3A_605] {strides = array<i32>} : memref<2x80x128xf32, #tpu.memory_space<vmem>>, vector<1x1x16xf32>,
    %swap3A_607 = vector.shape_cast %swap3A_606 : vector<1x1x16xf32> to vector<16xf32>
    %swap3A_608 = vector.shape_cast %broadcast_in_dim3A_600 : vector<16xf32> to vector<1x1x16xf32>
    tpu.vector_store %arg8[%swap3A_603, %swap3A_604, %swap3A_605], %swap3A_608 {strides = array<i32>} : memref<2x80x128xf32, #tpu.memory_space<vmem>>, vector<1x1x16xf32>,
    %broadcast_in_dim3A_609 = arith.constant 0.000000e+00 : f32
    %broadcast_in_dim3A_610 = vector.broadcast %broadcast_in_dim3A_609 : f32 to vector<16xf32>
    %swap3A_611 = arith.constant 0 : i32
    %swap3A_612 = arith.constant 7 : i32
    %swap3A_613 = arith.index_cast %swap3A_611 : i32 to index
    %swap3A_614 = arith.index_cast %swap3A_612 : i32 to index
    %swap3A_615 = arith.constant 80 : index
    %swap3A_616 = tpu.vector_load %arg8[%swap3A_613, %swap3A_614, %swap3A_615] {strides = array<i32>} : memref<2x80x128xf32, #tpu.memory_space<vmem>>, vector<1x1x16xf32>,
    %swap3A_617 = vector.shape_cast %swap3A_616 : vector<1x1x16xf32> to vector<16xf32>
    %swap3A_618 = vector.shape_cast %broadcast_in_dim3A_610 : vector<16xf32> to vector<1x1x16xf32>
    tpu.vector_store %arg8[%swap3A_613, %swap3A_614, %swap3A_615], %swap3A_618 {strides = array<i32>} : memref<2x80x128xf32, #tpu.memory_space<vmem>>, vector<1x1x16xf32>,
    %broadcast_in_dim3A_619 = arith.constant 0.000000e+00 : f32
    %broadcast_in_dim3A_620 = vector.broadcast %broadcast_in_dim3A_619 : f32 to vector<16xf32>
    %swap3A_621 = arith.constant 0 : i32
    %swap3A_622 = arith.constant 7 : i32
    %swap3A_623 = arith.index_cast %swap3A_621 : i32 to index
    %swap3A_624 = arith.index_cast %swap3A_622 : i32 to index
    %swap3A_625 = arith.constant 96 : index
    %swap3A_626 = tpu.vector_load %arg8[%swap3A_623, %swap3A_624, %swap3A_625] {strides = array<i32>} : memref<2x80x128xf32, #tpu.memory_space<vmem>>, vector<1x1x16xf32>,
    %swap3A_627 = vector.shape_cast %swap3A_626 : vector<1x1x16xf32> to vector<16xf32>
    %swap3A_628 = vector.shape_cast %broadcast_in_dim3A_620 : vector<16xf32> to vector<1x1x16xf32>
    tpu.vector_store %arg8[%swap3A_623, %swap3A_624, %swap3A_625], %swap3A_628 {strides = array<i32>} : memref<2x80x128xf32, #tpu.memory_space<vmem>>, vector<1x1x16xf32>,
    %broadcast_in_dim3A_629 = arith.constant 0.000000e+00 : f32
    %broadcast_in_dim3A_630 = vector.broadcast %broadcast_in_dim3A_629 : f32 to vector<16xf32>
    %swap3A_631 = arith.constant 0 : i32
    %swap3A_632 = arith.constant 7 : i32
    %swap3A_633 = arith.index_cast %swap3A_631 : i32 to index
    %swap3A_634 = arith.index_cast %swap3A_632 : i32 to index
    %swap3A_635 = arith.constant 112 : index
    %swap3A_636 = tpu.vector_load %arg8[%swap3A_633, %swap3A_634, %swap3A_635] {strides = array<i32>} : memref<2x80x128xf32, #tpu.memory_space<vmem>>, vector<1x1x16xf32>,
    %swap3A_637 = vector.shape_cast %swap3A_636 : vector<1x1x16xf32> to vector<16xf32>
    %swap3A_638 = vector.shape_cast %broadcast_in_dim3A_630 : vector<16xf32> to vector<1x1x16xf32>
    tpu.vector_store %arg8[%swap3A_633, %swap3A_634, %swap3A_635], %swap3A_638 {strides = array<i32>} : memref<2x80x128xf32, #tpu.memory_space<vmem>>, vector<1x1x16xf32>,
    %broadcast_in_dim3A_639 = arith.constant 0.000000e+00 : f32
    %broadcast_in_dim3A_640 = vector.broadcast %broadcast_in_dim3A_639 : f32 to vector<16xf32>
    %swap3A_641 = arith.constant 0 : i32
    %swap3A_642 = arith.constant 8 : i32
    %swap3A_643 = arith.index_cast %swap3A_641 : i32 to index
    %swap3A_644 = arith.index_cast %swap3A_642 : i32 to index
    %swap3A_645 = arith.constant 0 : index
    %swap3A_646 = tpu.vector_load %arg8[%swap3A_643, %swap3A_644, %swap3A_645] {strides = array<i32>} : memref<2x80x128xf32, #tpu.memory_space<vmem>>, vector<1x1x16xf32>,
    %swap3A_647 = vector.shape_cast %swap3A_646 : vector<1x1x16xf32> to vector<16xf32>
    %swap3A_648 = vector.shape_cast %broadcast_in_dim3A_640 : vector<16xf32> to vector<1x1x16xf32>
    tpu.vector_store %arg8[%swap3A_643, %swap3A_644, %swap3A_645], %swap3A_648 {strides = array<i32>} : memref<2x80x128xf32, #tpu.memory_space<vmem>>, vector<1x1x16xf32>,
    %broadcast_in_dim3A_649 = arith.constant 0.000000e+00 : f32
    %broadcast_in_dim3A_650 = vector.broadcast %broadcast_in_dim3A_649 : f32 to vector<16xf32>
    %swap3A_651 = arith.constant 0 : i32
    %swap3A_652 = arith.constant 8 : i32
    %swap3A_653 = arith.index_cast %swap3A_651 : i32 to index
    %swap3A_654 = arith.index_cast %swap3A_652 : i32 to index
    %swap3A_655 = arith.constant 16 : index
    %swap3A_656 = tpu.vector_load %arg8[%swap3A_653, %swap3A_654, %swap3A_655] {strides = array<i32>} : memref<2x80x128xf32, #tpu.memory_space<vmem>>, vector<1x1x16xf32>,
    %swap3A_657 = vector.shape_cast %swap3A_656 : vector<1x1x16xf32> to vector<16xf32>
    %swap3A_658 = vector.shape_cast %broadcast_in_dim3A_650 : vector<16xf32> to vector<1x1x16xf32>
    tpu.vector_store %arg8[%swap3A_653, %swap3A_654, %swap3A_655], %swap3A_658 {strides = array<i32>} : memref<2x80x128xf32, #tpu.memory_space<vmem>>, vector<1x1x16xf32>,
    %broadcast_in_dim3A_659 = arith.constant 0.000000e+00 : f32
    %broadcast_in_dim3A_660 = vector.broadcast %broadcast_in_dim3A_659 : f32 to vector<16xf32>
    %swap3A_661 = arith.constant 0 : i32
    %swap3A_662 = arith.constant 8 : i32
    %swap3A_663 = arith.index_cast %swap3A_661 : i32 to index
    %swap3A_664 = arith.index_cast %swap3A_662 : i32 to index
    %swap3A_665 = arith.constant 32 : index
    %swap3A_666 = tpu.vector_load %arg8[%swap3A_663, %swap3A_664, %swap3A_665] {strides = array<i32>} : memref<2x80x128xf32, #tpu.memory_space<vmem>>, vector<1x1x16xf32>,
    %swap3A_667 = vector.shape_cast %swap3A_666 : vector<1x1x16xf32> to vector<16xf32>
    %swap3A_668 = vector.shape_cast %broadcast_in_dim3A_660 : vector<16xf32> to vector<1x1x16xf32>
    tpu.vector_store %arg8[%swap3A_663, %swap3A_664, %swap3A_665], %swap3A_668 {strides = array<i32>} : memref<2x80x128xf32, #tpu.memory_space<vmem>>, vector<1x1x16xf32>,
    %broadcast_in_dim3A_669 = arith.constant 0.000000e+00 : f32
    %broadcast_in_dim3A_670 = vector.broadcast %broadcast_in_dim3A_669 : f32 to vector<16xf32>
    %swap3A_671 = arith.constant 0 : i32
    %swap3A_672 = arith.constant 8 : i32
    %swap3A_673 = arith.index_cast %swap3A_671 : i32 to index
    %swap3A_674 = arith.index_cast %swap3A_672 : i32 to index
    %swap3A_675 = arith.constant 48 : index
    %swap3A_676 = tpu.vector_load %arg8[%swap3A_673, %swap3A_674, %swap3A_675] {strides = array<i32>} : memref<2x80x128xf32, #tpu.memory_space<vmem>>, vector<1x1x16xf32>,
    %swap3A_677 = vector.shape_cast %swap3A_676 : vector<1x1x16xf32> to vector<16xf32>
    %swap3A_678 = vector.shape_cast %broadcast_in_dim3A_670 : vector<16xf32> to vector<1x1x16xf32>
    tpu.vector_store %arg8[%swap3A_673, %swap3A_674, %swap3A_675], %swap3A_678 {strides = array<i32>} : memref<2x80x128xf32, #tpu.memory_space<vmem>>, vector<1x1x16xf32>,
    %broadcast_in_dim3A_679 = arith.constant 0.000000e+00 : f32
    %broadcast_in_dim3A_680 = vector.broadcast %broadcast_in_dim3A_679 : f32 to vector<16xf32>
    %swap3A_681 = arith.constant 0 : i32
    %swap3A_682 = arith.constant 8 : i32
    %swap3A_683 = arith.index_cast %swap3A_681 : i32 to index
    %swap3A_684 = arith.index_cast %swap3A_682 : i32 to index
    %swap3A_685 = arith.constant 64 : index
    %swap3A_686 = tpu.vector_load %arg8[%swap3A_683, %swap3A_684, %swap3A_685] {strides = array<i32>} : memref<2x80x128xf32, #tpu.memory_space<vmem>>, vector<1x1x16xf32>,
    %swap3A_687 = vector.shape_cast %swap3A_686 : vector<1x1x16xf32> to vector<16xf32>
    %swap3A_688 = vector.shape_cast %broadcast_in_dim3A_680 : vector<16xf32> to vector<1x1x16xf32>
    tpu.vector_store %arg8[%swap3A_683, %swap3A_684, %swap3A_685], %swap3A_688 {strides = array<i32>} : memref<2x80x128xf32, #tpu.memory_space<vmem>>, vector<1x1x16xf32>,
    %broadcast_in_dim3A_689 = arith.constant 0.000000e+00 : f32
    %broadcast_in_dim3A_690 = vector.broadcast %broadcast_in_dim3A_689 : f32 to vector<16xf32>
    %swap3A_691 = arith.constant 0 : i32
    %swap3A_692 = arith.constant 8 : i32
    %swap3A_693 = arith.index_cast %swap3A_691 : i32 to index
    %swap3A_694 = arith.index_cast %swap3A_692 : i32 to index
    %swap3A_695 = arith.constant 80 : index
    %swap3A_696 = tpu.vector_load %arg8[%swap3A_693, %swap3A_694, %swap3A_695] {strides = array<i32>} : memref<2x80x128xf32, #tpu.memory_space<vmem>>, vector<1x1x16xf32>,
    %swap3A_697 = vector.shape_cast %swap3A_696 : vector<1x1x16xf32> to vector<16xf32>
    %swap3A_698 = vector.shape_cast %broadcast_in_dim3A_690 : vector<16xf32> to vector<1x1x16xf32>
    tpu.vector_store %arg8[%swap3A_693, %swap3A_694, %swap3A_695], %swap3A_698 {strides = array<i32>} : memref<2x80x128xf32, #tpu.memory_space<vmem>>, vector<1x1x16xf32>,
    %broadcast_in_dim3A_699 = arith.constant 0.000000e+00 : f32
    %broadcast_in_dim3A_700 = vector.broadcast %broadcast_in_dim3A_699 : f32 to vector<16xf32>
    %swap3A_701 = arith.constant 0 : i32
    %swap3A_702 = arith.constant 8 : i32
    %swap3A_703 = arith.index_cast %swap3A_701 : i32 to index
    %swap3A_704 = arith.index_cast %swap3A_702 : i32 to index
    %swap3A_705 = arith.constant 96 : index
    %swap3A_706 = tpu.vector_load %arg8[%swap3A_703, %swap3A_704, %swap3A_705] {strides = array<i32>} : memref<2x80x128xf32, #tpu.memory_space<vmem>>, vector<1x1x16xf32>,
    %swap3A_707 = vector.shape_cast %swap3A_706 : vector<1x1x16xf32> to vector<16xf32>
    %swap3A_708 = vector.shape_cast %broadcast_in_dim3A_700 : vector<16xf32> to vector<1x1x16xf32>
    tpu.vector_store %arg8[%swap3A_703, %swap3A_704, %swap3A_705], %swap3A_708 {strides = array<i32>} : memref<2x80x128xf32, #tpu.memory_space<vmem>>, vector<1x1x16xf32>,
    %broadcast_in_dim3A_709 = arith.constant 0.000000e+00 : f32
    %broadcast_in_dim3A_710 = vector.broadcast %broadcast_in_dim3A_709 : f32 to vector<16xf32>
    %swap3A_711 = arith.constant 0 : i32
    %swap3A_712 = arith.constant 8 : i32
    %swap3A_713 = arith.index_cast %swap3A_711 : i32 to index
    %swap3A_714 = arith.index_cast %swap3A_712 : i32 to index
    %swap3A_715 = arith.constant 112 : index
    %swap3A_716 = tpu.vector_load %arg8[%swap3A_713, %swap3A_714, %swap3A_715] {strides = array<i32>} : memref<2x80x128xf32, #tpu.memory_space<vmem>>, vector<1x1x16xf32>,
    %swap3A_717 = vector.shape_cast %swap3A_716 : vector<1x1x16xf32> to vector<16xf32>
    %swap3A_718 = vector.shape_cast %broadcast_in_dim3A_710 : vector<16xf32> to vector<1x1x16xf32>
    tpu.vector_store %arg8[%swap3A_713, %swap3A_714, %swap3A_715], %swap3A_718 {strides = array<i32>} : memref<2x80x128xf32, #tpu.memory_space<vmem>>, vector<1x1x16xf32>,
    %broadcast_in_dim3A_719 = arith.constant 0.000000e+00 : f32
    %broadcast_in_dim3A_720 = vector.broadcast %broadcast_in_dim3A_719 : f32 to vector<16xf32>
    %swap3A_721 = arith.constant 0 : i32
    %swap3A_722 = arith.constant 9 : i32
    %swap3A_723 = arith.index_cast %swap3A_721 : i32 to index
    %swap3A_724 = arith.index_cast %swap3A_722 : i32 to index
    %swap3A_725 = arith.constant 0 : index
    %swap3A_726 = tpu.vector_load %arg8[%swap3A_723, %swap3A_724, %swap3A_725] {strides = array<i32>} : memref<2x80x128xf32, #tpu.memory_space<vmem>>, vector<1x1x16xf32>,
    %swap3A_727 = vector.shape_cast %swap3A_726 : vector<1x1x16xf32> to vector<16xf32>
    %swap3A_728 = vector.shape_cast %broadcast_in_dim3A_720 : vector<16xf32> to vector<1x1x16xf32>
    tpu.vector_store %arg8[%swap3A_723, %swap3A_724, %swap3A_725], %swap3A_728 {strides = array<i32>} : memref<2x80x128xf32, #tpu.memory_space<vmem>>, vector<1x1x16xf32>,
    %broadcast_in_dim3A_729 = arith.constant 0.000000e+00 : f32
    %broadcast_in_dim3A_730 = vector.broadcast %broadcast_in_dim3A_729 : f32 to vector<16xf32>
    %swap3A_731 = arith.constant 0 : i32
    %swap3A_732 = arith.constant 9 : i32
    %swap3A_733 = arith.index_cast %swap3A_731 : i32 to index
    %swap3A_734 = arith.index_cast %swap3A_732 : i32 to index
    %swap3A_735 = arith.constant 16 : index
    %swap3A_736 = tpu.vector_load %arg8[%swap3A_733, %swap3A_734, %swap3A_735] {strides = array<i32>} : memref<2x80x128xf32, #tpu.memory_space<vmem>>, vector<1x1x16xf32>,
    %swap3A_737 = vector.shape_cast %swap3A_736 : vector<1x1x16xf32> to vector<16xf32>
    %swap3A_738 = vector.shape_cast %broadcast_in_dim3A_730 : vector<16xf32> to vector<1x1x16xf32>
    tpu.vector_store %arg8[%swap3A_733, %swap3A_734, %swap3A_735], %swap3A_738 {strides = array<i32>} : memref<2x80x128xf32, #tpu.memory_space<vmem>>, vector<1x1x16xf32>,
    %broadcast_in_dim3A_739 = arith.constant 0.000000e+00 : f32
    %broadcast_in_dim3A_740 = vector.broadcast %broadcast_in_dim3A_739 : f32 to vector<16xf32>
    %swap3A_741 = arith.constant 0 : i32
    %swap3A_742 = arith.constant 9 : i32
    %swap3A_743 = arith.index_cast %swap3A_741 : i32 to index
    %swap3A_744 = arith.index_cast %swap3A_742 : i32 to index
    %swap3A_745 = arith.constant 32 : index
    %swap3A_746 = tpu.vector_load %arg8[%swap3A_743, %swap3A_744, %swap3A_745] {strides = array<i32>} : memref<2x80x128xf32, #tpu.memory_space<vmem>>, vector<1x1x16xf32>,
    %swap3A_747 = vector.shape_cast %swap3A_746 : vector<1x1x16xf32> to vector<16xf32>
    %swap3A_748 = vector.shape_cast %broadcast_in_dim3A_740 : vector<16xf32> to vector<1x1x16xf32>
    tpu.vector_store %arg8[%swap3A_743, %swap3A_744, %swap3A_745], %swap3A_748 {strides = array<i32>} : memref<2x80x128xf32, #tpu.memory_space<vmem>>, vector<1x1x16xf32>,
    %broadcast_in_dim3A_749 = arith.constant 0.000000e+00 : f32
    %broadcast_in_dim3A_750 = vector.broadcast %broadcast_in_dim3A_749 : f32 to vector<16xf32>
    %swap3A_751 = arith.constant 0 : i32
    %swap3A_752 = arith.constant 9 : i32
    %swap3A_753 = arith.index_cast %swap3A_751 : i32 to index
    %swap3A_754 = arith.index_cast %swap3A_752 : i32 to index
    %swap3A_755 = arith.constant 48 : index
    %swap3A_756 = tpu.vector_load %arg8[%swap3A_753, %swap3A_754, %swap3A_755] {strides = array<i32>} : memref<2x80x128xf32, #tpu.memory_space<vmem>>, vector<1x1x16xf32>,
    %swap3A_757 = vector.shape_cast %swap3A_756 : vector<1x1x16xf32> to vector<16xf32>
    %swap3A_758 = vector.shape_cast %broadcast_in_dim3A_750 : vector<16xf32> to vector<1x1x16xf32>
    tpu.vector_store %arg8[%swap3A_753, %swap3A_754, %swap3A_755], %swap3A_758 {strides = array<i32>} : memref<2x80x128xf32, #tpu.memory_space<vmem>>, vector<1x1x16xf32>,
    %broadcast_in_dim3A_759 = arith.constant 0.000000e+00 : f32
    %broadcast_in_dim3A_760 = vector.broadcast %broadcast_in_dim3A_759 : f32 to vector<16xf32>
    %swap3A_761 = arith.constant 0 : i32
    %swap3A_762 = arith.constant 9 : i32
    %swap3A_763 = arith.index_cast %swap3A_761 : i32 to index
    %swap3A_764 = arith.index_cast %swap3A_762 : i32 to index
    %swap3A_765 = arith.constant 64 : index
    %swap3A_766 = tpu.vector_load %arg8[%swap3A_763, %swap3A_764, %swap3A_765] {strides = array<i32>} : memref<2x80x128xf32, #tpu.memory_space<vmem>>, vector<1x1x16xf32>,
    %swap3A_767 = vector.shape_cast %swap3A_766 : vector<1x1x16xf32> to vector<16xf32>
    %swap3A_768 = vector.shape_cast %broadcast_in_dim3A_760 : vector<16xf32> to vector<1x1x16xf32>
    tpu.vector_store %arg8[%swap3A_763, %swap3A_764, %swap3A_765], %swap3A_768 {strides = array<i32>} : memref<2x80x128xf32, #tpu.memory_space<vmem>>, vector<1x1x16xf32>,
    %broadcast_in_dim3A_769 = arith.constant 0.000000e+00 : f32
    %broadcast_in_dim3A_770 = vector.broadcast %broadcast_in_dim3A_769 : f32 to vector<16xf32>
    %swap3A_771 = arith.constant 0 : i32
    %swap3A_772 = arith.constant 9 : i32
    %swap3A_773 = arith.index_cast %swap3A_771 : i32 to index
    %swap3A_774 = arith.index_cast %swap3A_772 : i32 to index
    %swap3A_775 = arith.constant 80 : index
    %swap3A_776 = tpu.vector_load %arg8[%swap3A_773, %swap3A_774, %swap3A_775] {strides = array<i32>} : memref<2x80x128xf32, #tpu.memory_space<vmem>>, vector<1x1x16xf32>,
    %swap3A_777 = vector.shape_cast %swap3A_776 : vector<1x1x16xf32> to vector<16xf32>
    %swap3A_778 = vector.shape_cast %broadcast_in_dim3A_770 : vector<16xf32> to vector<1x1x16xf32>
    tpu.vector_store %arg8[%swap3A_773, %swap3A_774, %swap3A_775], %swap3A_778 {strides = array<i32>} : memref<2x80x128xf32, #tpu.memory_space<vmem>>, vector<1x1x16xf32>,
    %broadcast_in_dim3A_779 = arith.constant 0.000000e+00 : f32
    %broadcast_in_dim3A_780 = vector.broadcast %broadcast_in_dim3A_779 : f32 to vector<16xf32>
    %swap3A_781 = arith.constant 0 : i32
    %swap3A_782 = arith.constant 9 : i32
    %swap3A_783 = arith.index_cast %swap3A_781 : i32 to index
    %swap3A_784 = arith.index_cast %swap3A_782 : i32 to index
    %swap3A_785 = arith.constant 96 : index
    %swap3A_786 = tpu.vector_load %arg8[%swap3A_783, %swap3A_784, %swap3A_785] {strides = array<i32>} : memref<2x80x128xf32, #tpu.memory_space<vmem>>, vector<1x1x16xf32>,
    %swap3A_787 = vector.shape_cast %swap3A_786 : vector<1x1x16xf32> to vector<16xf32>
    %swap3A_788 = vector.shape_cast %broadcast_in_dim3A_780 : vector<16xf32> to vector<1x1x16xf32>
    tpu.vector_store %arg8[%swap3A_783, %swap3A_784, %swap3A_785], %swap3A_788 {strides = array<i32>} : memref<2x80x128xf32, #tpu.memory_space<vmem>>, vector<1x1x16xf32>,
    %broadcast_in_dim3A_789 = arith.constant 0.000000e+00 : f32
    %broadcast_in_dim3A_790 = vector.broadcast %broadcast_in_dim3A_789 : f32 to vector<16xf32>
    %swap3A_791 = arith.constant 0 : i32
    %swap3A_792 = arith.constant 9 : i32
    %swap3A_793 = arith.index_cast %swap3A_791 : i32 to index
    %swap3A_794 = arith.index_cast %swap3A_792 : i32 to index
    %swap3A_795 = arith.constant 112 : index
    %swap3A_796 = tpu.vector_load %arg8[%swap3A_793, %swap3A_794, %swap3A_795] {strides = array<i32>} : memref<2x80x128xf32, #tpu.memory_space<vmem>>, vector<1x1x16xf32>,
    %swap3A_797 = vector.shape_cast %swap3A_796 : vector<1x1x16xf32> to vector<16xf32>
    %swap3A_798 = vector.shape_cast %broadcast_in_dim3A_790 : vector<16xf32> to vector<1x1x16xf32>
    tpu.vector_store %arg8[%swap3A_793, %swap3A_794, %swap3A_795], %swap3A_798 {strides = array<i32>} : memref<2x80x128xf32, #tpu.memory_space<vmem>>, vector<1x1x16xf32>,
    %broadcast_in_dim3A_799 = arith.constant 0.000000e+00 : f32
    %broadcast_in_dim3A_800 = vector.broadcast %broadcast_in_dim3A_799 : f32 to vector<16xf32>
    %swap3A_801 = arith.constant 0 : i32
    %swap3A_802 = arith.constant 10 : i32
    %swap3A_803 = arith.index_cast %swap3A_801 : i32 to index
    %swap3A_804 = arith.index_cast %swap3A_802 : i32 to index
    %swap3A_805 = arith.constant 0 : index
    %swap3A_806 = tpu.vector_load %arg8[%swap3A_803, %swap3A_804, %swap3A_805] {strides = array<i32>} : memref<2x80x128xf32, #tpu.memory_space<vmem>>, vector<1x1x16xf32>,
    %swap3A_807 = vector.shape_cast %swap3A_806 : vector<1x1x16xf32> to vector<16xf32>
    %swap3A_808 = vector.shape_cast %broadcast_in_dim3A_800 : vector<16xf32> to vector<1x1x16xf32>
    tpu.vector_store %arg8[%swap3A_803, %swap3A_804, %swap3A_805], %swap3A_808 {strides = array<i32>} : memref<2x80x128xf32, #tpu.memory_space<vmem>>, vector<1x1x16xf32>,
    %broadcast_in_dim3A_809 = arith.constant 0.000000e+00 : f32
    %broadcast_in_dim3A_810 = vector.broadcast %broadcast_in_dim3A_809 : f32 to vector<16xf32>
    %swap3A_811 = arith.constant 0 : i32
    %swap3A_812 = arith.constant 10 : i32
    %swap3A_813 = arith.index_cast %swap3A_811 : i32 to index
    %swap3A_814 = arith.index_cast %swap3A_812 : i32 to index
    %swap3A_815 = arith.constant 16 : index
    %swap3A_816 = tpu.vector_load %arg8[%swap3A_813, %swap3A_814, %swap3A_815] {strides = array<i32>} : memref<2x80x128xf32, #tpu.memory_space<vmem>>, vector<1x1x16xf32>,
    %swap3A_817 = vector.shape_cast %swap3A_816 : vector<1x1x16xf32> to vector<16xf32>
    %swap3A_818 = vector.shape_cast %broadcast_in_dim3A_810 : vector<16xf32> to vector<1x1x16xf32>
    tpu.vector_store %arg8[%swap3A_813, %swap3A_814, %swap3A_815], %swap3A_818 {strides = array<i32>} : memref<2x80x128xf32, #tpu.memory_space<vmem>>, vector<1x1x16xf32>,
    %broadcast_in_dim3A_819 = arith.constant 0.000000e+00 : f32
    %broadcast_in_dim3A_820 = vector.broadcast %broadcast_in_dim3A_819 : f32 to vector<16xf32>
    %swap3A_821 = arith.constant 0 : i32
    %swap3A_822 = arith.constant 10 : i32
    %swap3A_823 = arith.index_cast %swap3A_821 : i32 to index
    %swap3A_824 = arith.index_cast %swap3A_822 : i32 to index
    %swap3A_825 = arith.constant 32 : index
    %swap3A_826 = tpu.vector_load %arg8[%swap3A_823, %swap3A_824, %swap3A_825] {strides = array<i32>} : memref<2x80x128xf32, #tpu.memory_space<vmem>>, vector<1x1x16xf32>,
    %swap3A_827 = vector.shape_cast %swap3A_826 : vector<1x1x16xf32> to vector<16xf32>
    %swap3A_828 = vector.shape_cast %broadcast_in_dim3A_820 : vector<16xf32> to vector<1x1x16xf32>
    tpu.vector_store %arg8[%swap3A_823, %swap3A_824, %swap3A_825], %swap3A_828 {strides = array<i32>} : memref<2x80x128xf32, #tpu.memory_space<vmem>>, vector<1x1x16xf32>,
    %broadcast_in_dim3A_829 = arith.constant 0.000000e+00 : f32
    %broadcast_in_dim3A_830 = vector.broadcast %broadcast_in_dim3A_829 : f32 to vector<16xf32>
    %swap3A_831 = arith.constant 0 : i32
    %swap3A_832 = arith.constant 10 : i32
    %swap3A_833 = arith.index_cast %swap3A_831 : i32 to index
    %swap3A_834 = arith.index_cast %swap3A_832 : i32 to index
    %swap3A_835 = arith.constant 48 : index
    %swap3A_836 = tpu.vector_load %arg8[%swap3A_833, %swap3A_834, %swap3A_835] {strides = array<i32>} : memref<2x80x128xf32, #tpu.memory_space<vmem>>, vector<1x1x16xf32>,
    %swap3A_837 = vector.shape_cast %swap3A_836 : vector<1x1x16xf32> to vector<16xf32>
    %swap3A_838 = vector.shape_cast %broadcast_in_dim3A_830 : vector<16xf32> to vector<1x1x16xf32>
    tpu.vector_store %arg8[%swap3A_833, %swap3A_834, %swap3A_835], %swap3A_838 {strides = array<i32>} : memref<2x80x128xf32, #tpu.memory_space<vmem>>, vector<1x1x16xf32>,
    %broadcast_in_dim3A_839 = arith.constant 0.000000e+00 : f32
    %broadcast_in_dim3A_840 = vector.broadcast %broadcast_in_dim3A_839 : f32 to vector<16xf32>
    %swap3A_841 = arith.constant 0 : i32
    %swap3A_842 = arith.constant 10 : i32
    %swap3A_843 = arith.index_cast %swap3A_841 : i32 to index
    %swap3A_844 = arith.index_cast %swap3A_842 : i32 to index
    %swap3A_845 = arith.constant 64 : index
    %swap3A_846 = tpu.vector_load %arg8[%swap3A_843, %swap3A_844, %swap3A_845] {strides = array<i32>} : memref<2x80x128xf32, #tpu.memory_space<vmem>>, vector<1x1x16xf32>,
    %swap3A_847 = vector.shape_cast %swap3A_846 : vector<1x1x16xf32> to vector<16xf32>
    %swap3A_848 = vector.shape_cast %broadcast_in_dim3A_840 : vector<16xf32> to vector<1x1x16xf32>
    tpu.vector_store %arg8[%swap3A_843, %swap3A_844, %swap3A_845], %swap3A_848 {strides = array<i32>} : memref<2x80x128xf32, #tpu.memory_space<vmem>>, vector<1x1x16xf32>,
    %broadcast_in_dim3A_849 = arith.constant 0.000000e+00 : f32
    %broadcast_in_dim3A_850 = vector.broadcast %broadcast_in_dim3A_849 : f32 to vector<16xf32>
    %swap3A_851 = arith.constant 0 : i32
    %swap3A_852 = arith.constant 10 : i32
    %swap3A_853 = arith.index_cast %swap3A_851 : i32 to index
    %swap3A_854 = arith.index_cast %swap3A_852 : i32 to index
    %swap3A_855 = arith.constant 80 : index
    %swap3A_856 = tpu.vector_load %arg8[%swap3A_853, %swap3A_854, %swap3A_855] {strides = array<i32>} : memref<2x80x128xf32, #tpu.memory_space<vmem>>, vector<1x1x16xf32>,
    %swap3A_857 = vector.shape_cast %swap3A_856 : vector<1x1x16xf32> to vector<16xf32>
    %swap3A_858 = vector.shape_cast %broadcast_in_dim3A_850 : vector<16xf32> to vector<1x1x16xf32>
    tpu.vector_store %arg8[%swap3A_853, %swap3A_854, %swap3A_855], %swap3A_858 {strides = array<i32>} : memref<2x80x128xf32, #tpu.memory_space<vmem>>, vector<1x1x16xf32>,
    %broadcast_in_dim3A_859 = arith.constant 0.000000e+00 : f32
    %broadcast_in_dim3A_860 = vector.broadcast %broadcast_in_dim3A_859 : f32 to vector<16xf32>
    %swap3A_861 = arith.constant 0 : i32
    %swap3A_862 = arith.constant 10 : i32
    %swap3A_863 = arith.index_cast %swap3A_861 : i32 to index
    %swap3A_864 = arith.index_cast %swap3A_862 : i32 to index
    %swap3A_865 = arith.constant 96 : index
    %swap3A_866 = tpu.vector_load %arg8[%swap3A_863, %swap3A_864, %swap3A_865] {strides = array<i32>} : memref<2x80x128xf32, #tpu.memory_space<vmem>>, vector<1x1x16xf32>,
    %swap3A_867 = vector.shape_cast %swap3A_866 : vector<1x1x16xf32> to vector<16xf32>
    %swap3A_868 = vector.shape_cast %broadcast_in_dim3A_860 : vector<16xf32> to vector<1x1x16xf32>
    tpu.vector_store %arg8[%swap3A_863, %swap3A_864, %swap3A_865], %swap3A_868 {strides = array<i32>} : memref<2x80x128xf32, #tpu.memory_space<vmem>>, vector<1x1x16xf32>,
    %broadcast_in_dim3A_869 = arith.constant 0.000000e+00 : f32
    %broadcast_in_dim3A_870 = vector.broadcast %broadcast_in_dim3A_869 : f32 to vector<16xf32>
    %swap3A_871 = arith.constant 0 : i32
    %swap3A_872 = arith.constant 10 : i32
    %swap3A_873 = arith.index_cast %swap3A_871 : i32 to index
    %swap3A_874 = arith.index_cast %swap3A_872 : i32 to index
    %swap3A_875 = arith.constant 112 : index
    %swap3A_876 = tpu.vector_load %arg8[%swap3A_873, %swap3A_874, %swap3A_875] {strides = array<i32>} : memref<2x80x128xf32, #tpu.memory_space<vmem>>, vector<1x1x16xf32>,
    %swap3A_877 = vector.shape_cast %swap3A_876 : vector<1x1x16xf32> to vector<16xf32>
    %swap3A_878 = vector.shape_cast %broadcast_in_dim3A_870 : vector<16xf32> to vector<1x1x16xf32>
    tpu.vector_store %arg8[%swap3A_873, %swap3A_874, %swap3A_875], %swap3A_878 {strides = array<i32>} : memref<2x80x128xf32, #tpu.memory_space<vmem>>, vector<1x1x16xf32>,
    %broadcast_in_dim3A_879 = arith.constant 0.000000e+00 : f32
    %broadcast_in_dim3A_880 = vector.broadcast %broadcast_in_dim3A_879 : f32 to vector<16xf32>
    %swap3A_881 = arith.constant 0 : i32
    %swap3A_882 = arith.constant 11 : i32
    %swap3A_883 = arith.index_cast %swap3A_881 : i32 to index
    %swap3A_884 = arith.index_cast %swap3A_882 : i32 to index
    %swap3A_885 = arith.constant 0 : index
    %swap3A_886 = tpu.vector_load %arg8[%swap3A_883, %swap3A_884, %swap3A_885] {strides = array<i32>} : memref<2x80x128xf32, #tpu.memory_space<vmem>>, vector<1x1x16xf32>,
    %swap3A_887 = vector.shape_cast %swap3A_886 : vector<1x1x16xf32> to vector<16xf32>
    %swap3A_888 = vector.shape_cast %broadcast_in_dim3A_880 : vector<16xf32> to vector<1x1x16xf32>
    tpu.vector_store %arg8[%swap3A_883, %swap3A_884, %swap3A_885], %swap3A_888 {strides = array<i32>} : memref<2x80x128xf32, #tpu.memory_space<vmem>>, vector<1x1x16xf32>,
    %broadcast_in_dim3A_889 = arith.constant 0.000000e+00 : f32
    %broadcast_in_dim3A_890 = vector.broadcast %broadcast_in_dim3A_889 : f32 to vector<16xf32>
    %swap3A_891 = arith.constant 0 : i32
    %swap3A_892 = arith.constant 11 : i32
    %swap3A_893 = arith.index_cast %swap3A_891 : i32 to index
    %swap3A_894 = arith.index_cast %swap3A_892 : i32 to index
    %swap3A_895 = arith.constant 16 : index
    %swap3A_896 = tpu.vector_load %arg8[%swap3A_893, %swap3A_894, %swap3A_895] {strides = array<i32>} : memref<2x80x128xf32, #tpu.memory_space<vmem>>, vector<1x1x16xf32>,
    %swap3A_897 = vector.shape_cast %swap3A_896 : vector<1x1x16xf32> to vector<16xf32>
    %swap3A_898 = vector.shape_cast %broadcast_in_dim3A_890 : vector<16xf32> to vector<1x1x16xf32>
    tpu.vector_store %arg8[%swap3A_893, %swap3A_894, %swap3A_895], %swap3A_898 {strides = array<i32>} : memref<2x80x128xf32, #tpu.memory_space<vmem>>, vector<1x1x16xf32>,
    %broadcast_in_dim3A_899 = arith.constant 0.000000e+00 : f32
    %broadcast_in_dim3A_900 = vector.broadcast %broadcast_in_dim3A_899 : f32 to vector<16xf32>
    %swap3A_901 = arith.constant 0 : i32
    %swap3A_902 = arith.constant 11 : i32
    %swap3A_903 = arith.index_cast %swap3A_901 : i32 to index
    %swap3A_904 = arith.index_cast %swap3A_902 : i32 to index
    %swap3A_905 = arith.constant 32 : index
    %swap3A_906 = tpu.vector_load %arg8[%swap3A_903, %swap3A_904, %swap3A_905] {strides = array<i32>} : memref<2x80x128xf32, #tpu.memory_space<vmem>>, vector<1x1x16xf32>,
    %swap3A_907 = vector.shape_cast %swap3A_906 : vector<1x1x16xf32> to vector<16xf32>
    %swap3A_908 = vector.shape_cast %broadcast_in_dim3A_900 : vector<16xf32> to vector<1x1x16xf32>
    tpu.vector_store %arg8[%swap3A_903, %swap3A_904, %swap3A_905], %swap3A_908 {strides = array<i32>} : memref<2x80x128xf32, #tpu.memory_space<vmem>>, vector<1x1x16xf32>,
    %broadcast_in_dim3A_909 = arith.constant 0.000000e+00 : f32
    %broadcast_in_dim3A_910 = vector.broadcast %broadcast_in_dim3A_909 : f32 to vector<16xf32>
    %swap3A_911 = arith.constant 0 : i32
    %swap3A_912 = arith.constant 11 : i32
    %swap3A_913 = arith.index_cast %swap3A_911 : i32 to index
    %swap3A_914 = arith.index_cast %swap3A_912 : i32 to index
    %swap3A_915 = arith.constant 48 : index
    %swap3A_916 = tpu.vector_load %arg8[%swap3A_913, %swap3A_914, %swap3A_915] {strides = array<i32>} : memref<2x80x128xf32, #tpu.memory_space<vmem>>, vector<1x1x16xf32>,
    %swap3A_917 = vector.shape_cast %swap3A_916 : vector<1x1x16xf32> to vector<16xf32>
    %swap3A_918 = vector.shape_cast %broadcast_in_dim3A_910 : vector<16xf32> to vector<1x1x16xf32>
    tpu.vector_store %arg8[%swap3A_913, %swap3A_914, %swap3A_915], %swap3A_918 {strides = array<i32>} : memref<2x80x128xf32, #tpu.memory_space<vmem>>, vector<1x1x16xf32>,
    %broadcast_in_dim3A_919 = arith.constant 0.000000e+00 : f32
    %broadcast_in_dim3A_920 = vector.broadcast %broadcast_in_dim3A_919 : f32 to vector<16xf32>
    %swap3A_921 = arith.constant 0 : i32
    %swap3A_922 = arith.constant 11 : i32
    %swap3A_923 = arith.index_cast %swap3A_921 : i32 to index
    %swap3A_924 = arith.index_cast %swap3A_922 : i32 to index
    %swap3A_925 = arith.constant 64 : index
    %swap3A_926 = tpu.vector_load %arg8[%swap3A_923, %swap3A_924, %swap3A_925] {strides = array<i32>} : memref<2x80x128xf32, #tpu.memory_space<vmem>>, vector<1x1x16xf32>,
    %swap3A_927 = vector.shape_cast %swap3A_926 : vector<1x1x16xf32> to vector<16xf32>
    %swap3A_928 = vector.shape_cast %broadcast_in_dim3A_920 : vector<16xf32> to vector<1x1x16xf32>
    tpu.vector_store %arg8[%swap3A_923, %swap3A_924, %swap3A_925], %swap3A_928 {strides = array<i32>} : memref<2x80x128xf32, #tpu.memory_space<vmem>>, vector<1x1x16xf32>,
    %broadcast_in_dim3A_929 = arith.constant 0.000000e+00 : f32
    %broadcast_in_dim3A_930 = vector.broadcast %broadcast_in_dim3A_929 : f32 to vector<16xf32>
    %swap3A_931 = arith.constant 0 : i32
    %swap3A_932 = arith.constant 11 : i32
    %swap3A_933 = arith.index_cast %swap3A_931 : i32 to index
    %swap3A_934 = arith.index_cast %swap3A_932 : i32 to index
    %swap3A_935 = arith.constant 80 : index
    %swap3A_936 = tpu.vector_load %arg8[%swap3A_933, %swap3A_934, %swap3A_935] {strides = array<i32>} : memref<2x80x128xf32, #tpu.memory_space<vmem>>, vector<1x1x16xf32>,
    %swap3A_937 = vector.shape_cast %swap3A_936 : vector<1x1x16xf32> to vector<16xf32>
    %swap3A_938 = vector.shape_cast %broadcast_in_dim3A_930 : vector<16xf32> to vector<1x1x16xf32>
    tpu.vector_store %arg8[%swap3A_933, %swap3A_934, %swap3A_935], %swap3A_938 {strides = array<i32>} : memref<2x80x128xf32, #tpu.memory_space<vmem>>, vector<1x1x16xf32>,
    %broadcast_in_dim3A_939 = arith.constant 0.000000e+00 : f32
    %broadcast_in_dim3A_940 = vector.broadcast %broadcast_in_dim3A_939 : f32 to vector<16xf32>
    %swap3A_941 = arith.constant 0 : i32
    %swap3A_942 = arith.constant 11 : i32
    %swap3A_943 = arith.index_cast %swap3A_941 : i32 to index
    %swap3A_944 = arith.index_cast %swap3A_942 : i32 to index
    %swap3A_945 = arith.constant 96 : index
    %swap3A_946 = tpu.vector_load %arg8[%swap3A_943, %swap3A_944, %swap3A_945] {strides = array<i32>} : memref<2x80x128xf32, #tpu.memory_space<vmem>>, vector<1x1x16xf32>,
    %swap3A_947 = vector.shape_cast %swap3A_946 : vector<1x1x16xf32> to vector<16xf32>
    %swap3A_948 = vector.shape_cast %broadcast_in_dim3A_940 : vector<16xf32> to vector<1x1x16xf32>
    tpu.vector_store %arg8[%swap3A_943, %swap3A_944, %swap3A_945], %swap3A_948 {strides = array<i32>} : memref<2x80x128xf32, #tpu.memory_space<vmem>>, vector<1x1x16xf32>,
    %broadcast_in_dim3A_949 = arith.constant 0.000000e+00 : f32
    %broadcast_in_dim3A_950 = vector.broadcast %broadcast_in_dim3A_949 : f32 to vector<16xf32>
    %swap3A_951 = arith.constant 0 : i32
    %swap3A_952 = arith.constant 11 : i32
    %swap3A_953 = arith.index_cast %swap3A_951 : i32 to index
    %swap3A_954 = arith.index_cast %swap3A_952 : i32 to index
    %swap3A_955 = arith.constant 112 : index
    %swap3A_956 = tpu.vector_load %arg8[%swap3A_953, %swap3A_954, %swap3A_955] {strides = array<i32>} : memref<2x80x128xf32, #tpu.memory_space<vmem>>, vector<1x1x16xf32>,
    %swap3A_957 = vector.shape_cast %swap3A_956 : vector<1x1x16xf32> to vector<16xf32>
    %swap3A_958 = vector.shape_cast %broadcast_in_dim3A_950 : vector<16xf32> to vector<1x1x16xf32>
    tpu.vector_store %arg8[%swap3A_953, %swap3A_954, %swap3A_955], %swap3A_958 {strides = array<i32>} : memref<2x80x128xf32, #tpu.memory_space<vmem>>, vector<1x1x16xf32>,
    %broadcast_in_dim3A_959 = arith.constant 0.000000e+00 : f32
    %broadcast_in_dim3A_960 = vector.broadcast %broadcast_in_dim3A_959 : f32 to vector<16xf32>
    %swap3A_961 = arith.constant 0 : i32
    %swap3A_962 = arith.constant 12 : i32
    %swap3A_963 = arith.index_cast %swap3A_961 : i32 to index
    %swap3A_964 = arith.index_cast %swap3A_962 : i32 to index
    %swap3A_965 = arith.constant 0 : index
    %swap3A_966 = tpu.vector_load %arg8[%swap3A_963, %swap3A_964, %swap3A_965] {strides = array<i32>} : memref<2x80x128xf32, #tpu.memory_space<vmem>>, vector<1x1x16xf32>,
    %swap3A_967 = vector.shape_cast %swap3A_966 : vector<1x1x16xf32> to vector<16xf32>
    %swap3A_968 = vector.shape_cast %broadcast_in_dim3A_960 : vector<16xf32> to vector<1x1x16xf32>
    tpu.vector_store %arg8[%swap3A_963, %swap3A_964, %swap3A_965], %swap3A_968 {strides = array<i32>} : memref<2x80x128xf32, #tpu.memory_space<vmem>>, vector<1x1x16xf32>,
    %broadcast_in_dim3A_969 = arith.constant 0.000000e+00 : f32
    %broadcast_in_dim3A_970 = vector.broadcast %broadcast_in_dim3A_969 : f32 to vector<16xf32>
    %swap3A_971 = arith.constant 0 : i32
    %swap3A_972 = arith.constant 12 : i32
    %swap3A_973 = arith.index_cast %swap3A_971 : i32 to index
    %swap3A_974 = arith.index_cast %swap3A_972 : i32 to index
    %swap3A_975 = arith.constant 16 : index
    %swap3A_976 = tpu.vector_load %arg8[%swap3A_973, %swap3A_974, %swap3A_975] {strides = array<i32>} : memref<2x80x128xf32, #tpu.memory_space<vmem>>, vector<1x1x16xf32>,
    %swap3A_977 = vector.shape_cast %swap3A_976 : vector<1x1x16xf32> to vector<16xf32>
    %swap3A_978 = vector.shape_cast %broadcast_in_dim3A_970 : vector<16xf32> to vector<1x1x16xf32>
    tpu.vector_store %arg8[%swap3A_973, %swap3A_974, %swap3A_975], %swap3A_978 {strides = array<i32>} : memref<2x80x128xf32, #tpu.memory_space<vmem>>, vector<1x1x16xf32>,
    %broadcast_in_dim3A_979 = arith.constant 0.000000e+00 : f32
    %broadcast_in_dim3A_980 = vector.broadcast %broadcast_in_dim3A_979 : f32 to vector<16xf32>
    %swap3A_981 = arith.constant 0 : i32
    %swap3A_982 = arith.constant 12 : i32
    %swap3A_983 = arith.index_cast %swap3A_981 : i32 to index
    %swap3A_984 = arith.index_cast %swap3A_982 : i32 to index
    %swap3A_985 = arith.constant 32 : index
    %swap3A_986 = tpu.vector_load %arg8[%swap3A_983, %swap3A_984, %swap3A_985] {strides = array<i32>} : memref<2x80x128xf32, #tpu.memory_space<vmem>>, vector<1x1x16xf32>,
    %swap3A_987 = vector.shape_cast %swap3A_986 : vector<1x1x16xf32> to vector<16xf32>
    %swap3A_988 = vector.shape_cast %broadcast_in_dim3A_980 : vector<16xf32> to vector<1x1x16xf32>
    tpu.vector_store %arg8[%swap3A_983, %swap3A_984, %swap3A_985], %swap3A_988 {strides = array<i32>} : memref<2x80x128xf32, #tpu.memory_space<vmem>>, vector<1x1x16xf32>,
    %broadcast_in_dim3A_989 = arith.constant 0.000000e+00 : f32
    %broadcast_in_dim3A_990 = vector.broadcast %broadcast_in_dim3A_989 : f32 to vector<16xf32>
    %swap3A_991 = arith.constant 0 : i32
    %swap3A_992 = arith.constant 12 : i32
    %swap3A_993 = arith.index_cast %swap3A_991 : i32 to index
    %swap3A_994 = arith.index_cast %swap3A_992 : i32 to index
    %swap3A_995 = arith.constant 48 : index
    %swap3A_996 = tpu.vector_load %arg8[%swap3A_993, %swap3A_994, %swap3A_995] {strides = array<i32>} : memref<2x80x128xf32, #tpu.memory_space<vmem>>, vector<1x1x16xf32>,
    %swap3A_997 = vector.shape_cast %swap3A_996 : vector<1x1x16xf32> to vector<16xf32>
    %swap3A_998 = vector.shape_cast %broadcast_in_dim3A_990 : vector<16xf32> to vector<1x1x16xf32>
    tpu.vector_store %arg8[%swap3A_993, %swap3A_994, %swap3A_995], %swap3A_998 {strides = array<i32>} : memref<2x80x128xf32, #tpu.memory_space<vmem>>, vector<1x1x16xf32>,
    %broadcast_in_dim3A_999 = arith.constant 0.000000e+00 : f32
    %broadcast_in_dim3A_1000 = vector.broadcast %broadcast_in_dim3A_999 : f32 to vector<16xf32>
    %swap3A_1001 = arith.constant 0 : i32
    %swap3A_1002 = arith.constant 12 : i32
    %swap3A_1003 = arith.index_cast %swap3A_1001 : i32 to index
    %swap3A_1004 = arith.index_cast %swap3A_1002 : i32 to index
    %swap3A_1005 = arith.constant 64 : index
    %swap3A_1006 = tpu.vector_load %arg8[%swap3A_1003, %swap3A_1004, %swap3A_1005] {strides = array<i32>} : memref<2x80x128xf32, #tpu.memory_space<vmem>>, vector<1x1x16xf32>,
    %swap3A_1007 = vector.shape_cast %swap3A_1006 : vector<1x1x16xf32> to vector<16xf32>
    %swap3A_1008 = vector.shape_cast %broadcast_in_dim3A_1000 : vector<16xf32> to vector<1x1x16xf32>
    tpu.vector_store %arg8[%swap3A_1003, %swap3A_1004, %swap3A_1005], %swap3A_1008 {strides = array<i32>} : memref<2x80x128xf32, #tpu.memory_space<vmem>>, vector<1x1x16xf32>,
    %broadcast_in_dim3A_1009 = arith.constant 0.000000e+00 : f32
    %broadcast_in_dim3A_1010 = vector.broadcast %broadcast_in_dim3A_1009 : f32 to vector<16xf32>
    %swap3A_1011 = arith.constant 0 : i32
    %swap3A_1012 = arith.constant 12 : i32
    %swap3A_1013 = arith.index_cast %swap3A_1011 : i32 to index
    %swap3A_1014 = arith.index_cast %swap3A_1012 : i32 to index
    %swap3A_1015 = arith.constant 80 : index
    %swap3A_1016 = tpu.vector_load %arg8[%swap3A_1013, %swap3A_1014, %swap3A_1015] {strides = array<i32>} : memref<2x80x128xf32, #tpu.memory_space<vmem>>, vector<1x1x16xf32>,
    %swap3A_1017 = vector.shape_cast %swap3A_1016 : vector<1x1x16xf32> to vector<16xf32>
    %swap3A_1018 = vector.shape_cast %broadcast_in_dim3A_1010 : vector<16xf32> to vector<1x1x16xf32>
    tpu.vector_store %arg8[%swap3A_1013, %swap3A_1014, %swap3A_1015], %swap3A_1018 {strides = array<i32>} : memref<2x80x128xf32, #tpu.memory_space<vmem>>, vector<1x1x16xf32>,
    %broadcast_in_dim3A_1019 = arith.constant 0.000000e+00 : f32
    %broadcast_in_dim3A_1020 = vector.broadcast %broadcast_in_dim3A_1019 : f32 to vector<16xf32>
    %swap3A_1021 = arith.constant 0 : i32
    %swap3A_1022 = arith.constant 12 : i32
    %swap3A_1023 = arith.index_cast %swap3A_1021 : i32 to index
    %swap3A_1024 = arith.index_cast %swap3A_1022 : i32 to index
    %swap3A_1025 = arith.constant 96 : index
    %swap3A_1026 = tpu.vector_load %arg8[%swap3A_1023, %swap3A_1024, %swap3A_1025] {strides = array<i32>} : memref<2x80x128xf32, #tpu.memory_space<vmem>>, vector<1x1x16xf32>,
    %swap3A_1027 = vector.shape_cast %swap3A_1026 : vector<1x1x16xf32> to vector<16xf32>
    %swap3A_1028 = vector.shape_cast %broadcast_in_dim3A_1020 : vector<16xf32> to vector<1x1x16xf32>
    tpu.vector_store %arg8[%swap3A_1023, %swap3A_1024, %swap3A_1025], %swap3A_1028 {strides = array<i32>} : memref<2x80x128xf32, #tpu.memory_space<vmem>>, vector<1x1x16xf32>,
    %broadcast_in_dim3A_1029 = arith.constant 0.000000e+00 : f32
    %broadcast_in_dim3A_1030 = vector.broadcast %broadcast_in_dim3A_1029 : f32 to vector<16xf32>
    %swap3A_1031 = arith.constant 0 : i32
    %swap3A_1032 = arith.constant 12 : i32
    %swap3A_1033 = arith.index_cast %swap3A_1031 : i32 to index
    %swap3A_1034 = arith.index_cast %swap3A_1032 : i32 to index
    %swap3A_1035 = arith.constant 112 : index
    %swap3A_1036 = tpu.vector_load %arg8[%swap3A_1033, %swap3A_1034, %swap3A_1035] {strides = array<i32>} : memref<2x80x128xf32, #tpu.memory_space<vmem>>, vector<1x1x16xf32>,
    %swap3A_1037 = vector.shape_cast %swap3A_1036 : vector<1x1x16xf32> to vector<16xf32>
    %swap3A_1038 = vector.shape_cast %broadcast_in_dim3A_1030 : vector<16xf32> to vector<1x1x16xf32>
    tpu.vector_store %arg8[%swap3A_1033, %swap3A_1034, %swap3A_1035], %swap3A_1038 {strides = array<i32>} : memref<2x80x128xf32, #tpu.memory_space<vmem>>, vector<1x1x16xf32>,
    %broadcast_in_dim3A_1039 = arith.constant 0.000000e+00 : f32
    %broadcast_in_dim3A_1040 = vector.broadcast %broadcast_in_dim3A_1039 : f32 to vector<16xf32>
    %swap3A_1041 = arith.constant 0 : i32
    %swap3A_1042 = arith.constant 13 : i32
    %swap3A_1043 = arith.index_cast %swap3A_1041 : i32 to index
    %swap3A_1044 = arith.index_cast %swap3A_1042 : i32 to index
    %swap3A_1045 = arith.constant 0 : index
    %swap3A_1046 = tpu.vector_load %arg8[%swap3A_1043, %swap3A_1044, %swap3A_1045] {strides = array<i32>} : memref<2x80x128xf32, #tpu.memory_space<vmem>>, vector<1x1x16xf32>,
    %swap3A_1047 = vector.shape_cast %swap3A_1046 : vector<1x1x16xf32> to vector<16xf32>
    %swap3A_1048 = vector.shape_cast %broadcast_in_dim3A_1040 : vector<16xf32> to vector<1x1x16xf32>
    tpu.vector_store %arg8[%swap3A_1043, %swap3A_1044, %swap3A_1045], %swap3A_1048 {strides = array<i32>} : memref<2x80x128xf32, #tpu.memory_space<vmem>>, vector<1x1x16xf32>,
    %broadcast_in_dim3A_1049 = arith.constant 0.000000e+00 : f32
    %broadcast_in_dim3A_1050 = vector.broadcast %broadcast_in_dim3A_1049 : f32 to vector<16xf32>
    %swap3A_1051 = arith.constant 0 : i32
    %swap3A_1052 = arith.constant 13 : i32
    %swap3A_1053 = arith.index_cast %swap3A_1051 : i32 to index
    %swap3A_1054 = arith.index_cast %swap3A_1052 : i32 to index
    %swap3A_1055 = arith.constant 16 : index
    %swap3A_1056 = tpu.vector_load %arg8[%swap3A_1053, %swap3A_1054, %swap3A_1055] {strides = array<i32>} : memref<2x80x128xf32, #tpu.memory_space<vmem>>, vector<1x1x16xf32>,
    %swap3A_1057 = vector.shape_cast %swap3A_1056 : vector<1x1x16xf32> to vector<16xf32>
    %swap3A_1058 = vector.shape_cast %broadcast_in_dim3A_1050 : vector<16xf32> to vector<1x1x16xf32>
    tpu.vector_store %arg8[%swap3A_1053, %swap3A_1054, %swap3A_1055], %swap3A_1058 {strides = array<i32>} : memref<2x80x128xf32, #tpu.memory_space<vmem>>, vector<1x1x16xf32>,
    %broadcast_in_dim3A_1059 = arith.constant 0.000000e+00 : f32
    %broadcast_in_dim3A_1060 = vector.broadcast %broadcast_in_dim3A_1059 : f32 to vector<16xf32>
    %swap3A_1061 = arith.constant 0 : i32
    %swap3A_1062 = arith.constant 13 : i32
    %swap3A_1063 = arith.index_cast %swap3A_1061 : i32 to index
    %swap3A_1064 = arith.index_cast %swap3A_1062 : i32 to index
    %swap3A_1065 = arith.constant 32 : index
    %swap3A_1066 = tpu.vector_load %arg8[%swap3A_1063, %swap3A_1064, %swap3A_1065] {strides = array<i32>} : memref<2x80x128xf32, #tpu.memory_space<vmem>>, vector<1x1x16xf32>,
    %swap3A_1067 = vector.shape_cast %swap3A_1066 : vector<1x1x16xf32> to vector<16xf32>
    %swap3A_1068 = vector.shape_cast %broadcast_in_dim3A_1060 : vector<16xf32> to vector<1x1x16xf32>
    tpu.vector_store %arg8[%swap3A_1063, %swap3A_1064, %swap3A_1065], %swap3A_1068 {strides = array<i32>} : memref<2x80x128xf32, #tpu.memory_space<vmem>>, vector<1x1x16xf32>,
    %broadcast_in_dim3A_1069 = arith.constant 0.000000e+00 : f32
    %broadcast_in_dim3A_1070 = vector.broadcast %broadcast_in_dim3A_1069 : f32 to vector<16xf32>
    %swap3A_1071 = arith.constant 0 : i32
    %swap3A_1072 = arith.constant 13 : i32
    %swap3A_1073 = arith.index_cast %swap3A_1071 : i32 to index
    %swap3A_1074 = arith.index_cast %swap3A_1072 : i32 to index
    %swap3A_1075 = arith.constant 48 : index
    %swap3A_1076 = tpu.vector_load %arg8[%swap3A_1073, %swap3A_1074, %swap3A_1075] {strides = array<i32>} : memref<2x80x128xf32, #tpu.memory_space<vmem>>, vector<1x1x16xf32>,
    %swap3A_1077 = vector.shape_cast %swap3A_1076 : vector<1x1x16xf32> to vector<16xf32>
    %swap3A_1078 = vector.shape_cast %broadcast_in_dim3A_1070 : vector<16xf32> to vector<1x1x16xf32>
    tpu.vector_store %arg8[%swap3A_1073, %swap3A_1074, %swap3A_1075], %swap3A_1078 {strides = array<i32>} : memref<2x80x128xf32, #tpu.memory_space<vmem>>, vector<1x1x16xf32>,
    %broadcast_in_dim3A_1079 = arith.constant 0.000000e+00 : f32
    %broadcast_in_dim3A_1080 = vector.broadcast %broadcast_in_dim3A_1079 : f32 to vector<16xf32>
    %swap3A_1081 = arith.constant 0 : i32
    %swap3A_1082 = arith.constant 13 : i32
    %swap3A_1083 = arith.index_cast %swap3A_1081 : i32 to index
    %swap3A_1084 = arith.index_cast %swap3A_1082 : i32 to index
    %swap3A_1085 = arith.constant 64 : index
    %swap3A_1086 = tpu.vector_load %arg8[%swap3A_1083, %swap3A_1084, %swap3A_1085] {strides = array<i32>} : memref<2x80x128xf32, #tpu.memory_space<vmem>>, vector<1x1x16xf32>,
    %swap3A_1087 = vector.shape_cast %swap3A_1086 : vector<1x1x16xf32> to vector<16xf32>
    %swap3A_1088 = vector.shape_cast %broadcast_in_dim3A_1080 : vector<16xf32> to vector<1x1x16xf32>
    tpu.vector_store %arg8[%swap3A_1083, %swap3A_1084, %swap3A_1085], %swap3A_1088 {strides = array<i32>} : memref<2x80x128xf32, #tpu.memory_space<vmem>>, vector<1x1x16xf32>,
    %broadcast_in_dim3A_1089 = arith.constant 0.000000e+00 : f32
    %broadcast_in_dim3A_1090 = vector.broadcast %broadcast_in_dim3A_1089 : f32 to vector<16xf32>
    %swap3A_1091 = arith.constant 0 : i32
    %swap3A_1092 = arith.constant 13 : i32
    %swap3A_1093 = arith.index_cast %swap3A_1091 : i32 to index
    %swap3A_1094 = arith.index_cast %swap3A_1092 : i32 to index
    %swap3A_1095 = arith.constant 80 : index
    %swap3A_1096 = tpu.vector_load %arg8[%swap3A_1093, %swap3A_1094, %swap3A_1095] {strides = array<i32>} : memref<2x80x128xf32, #tpu.memory_space<vmem>>, vector<1x1x16xf32>,
    %swap3A_1097 = vector.shape_cast %swap3A_1096 : vector<1x1x16xf32> to vector<16xf32>
    %swap3A_1098 = vector.shape_cast %broadcast_in_dim3A_1090 : vector<16xf32> to vector<1x1x16xf32>
    tpu.vector_store %arg8[%swap3A_1093, %swap3A_1094, %swap3A_1095], %swap3A_1098 {strides = array<i32>} : memref<2x80x128xf32, #tpu.memory_space<vmem>>, vector<1x1x16xf32>,
    %broadcast_in_dim3A_1099 = arith.constant 0.000000e+00 : f32
    %broadcast_in_dim3A_1100 = vector.broadcast %broadcast_in_dim3A_1099 : f32 to vector<16xf32>
    %swap3A_1101 = arith.constant 0 : i32
    %swap3A_1102 = arith.constant 13 : i32
    %swap3A_1103 = arith.index_cast %swap3A_1101 : i32 to index
    %swap3A_1104 = arith.index_cast %swap3A_1102 : i32 to index
    %swap3A_1105 = arith.constant 96 : index
    %swap3A_1106 = tpu.vector_load %arg8[%swap3A_1103, %swap3A_1104, %swap3A_1105] {strides = array<i32>} : memref<2x80x128xf32, #tpu.memory_space<vmem>>, vector<1x1x16xf32>,
    %swap3A_1107 = vector.shape_cast %swap3A_1106 : vector<1x1x16xf32> to vector<16xf32>
    %swap3A_1108 = vector.shape_cast %broadcast_in_dim3A_1100 : vector<16xf32> to vector<1x1x16xf32>
    tpu.vector_store %arg8[%swap3A_1103, %swap3A_1104, %swap3A_1105], %swap3A_1108 {strides = array<i32>} : memref<2x80x128xf32, #tpu.memory_space<vmem>>, vector<1x1x16xf32>,
    %broadcast_in_dim3A_1109 = arith.constant 0.000000e+00 : f32
    %broadcast_in_dim3A_1110 = vector.broadcast %broadcast_in_dim3A_1109 : f32 to vector<16xf32>
    %swap3A_1111 = arith.constant 0 : i32
    %swap3A_1112 = arith.constant 13 : i32
    %swap3A_1113 = arith.index_cast %swap3A_1111 : i32 to index
    %swap3A_1114 = arith.index_cast %swap3A_1112 : i32 to index
    %swap3A_1115 = arith.constant 112 : index
    %swap3A_1116 = tpu.vector_load %arg8[%swap3A_1113, %swap3A_1114, %swap3A_1115] {strides = array<i32>} : memref<2x80x128xf32, #tpu.memory_space<vmem>>, vector<1x1x16xf32>,
    %swap3A_1117 = vector.shape_cast %swap3A_1116 : vector<1x1x16xf32> to vector<16xf32>
    %swap3A_1118 = vector.shape_cast %broadcast_in_dim3A_1110 : vector<16xf32> to vector<1x1x16xf32>
    tpu.vector_store %arg8[%swap3A_1113, %swap3A_1114, %swap3A_1115], %swap3A_1118 {strides = array<i32>} : memref<2x80x128xf32, #tpu.memory_space<vmem>>, vector<1x1x16xf32>,
    %broadcast_in_dim3A_1119 = arith.constant 0.000000e+00 : f32
    %broadcast_in_dim3A_1120 = vector.broadcast %broadcast_in_dim3A_1119 : f32 to vector<16xf32>
    %swap3A_1121 = arith.constant 0 : i32
    %swap3A_1122 = arith.constant 14 : i32
    %swap3A_1123 = arith.index_cast %swap3A_1121 : i32 to index
    %swap3A_1124 = arith.index_cast %swap3A_1122 : i32 to index
    %swap3A_1125 = arith.constant 0 : index
    %swap3A_1126 = tpu.vector_load %arg8[%swap3A_1123, %swap3A_1124, %swap3A_1125] {strides = array<i32>} : memref<2x80x128xf32, #tpu.memory_space<vmem>>, vector<1x1x16xf32>,
    %swap3A_1127 = vector.shape_cast %swap3A_1126 : vector<1x1x16xf32> to vector<16xf32>
    %swap3A_1128 = vector.shape_cast %broadcast_in_dim3A_1120 : vector<16xf32> to vector<1x1x16xf32>
    tpu.vector_store %arg8[%swap3A_1123, %swap3A_1124, %swap3A_1125], %swap3A_1128 {strides = array<i32>} : memref<2x80x128xf32, #tpu.memory_space<vmem>>, vector<1x1x16xf32>,
    %broadcast_in_dim3A_1129 = arith.constant 0.000000e+00 : f32
    %broadcast_in_dim3A_1130 = vector.broadcast %broadcast_in_dim3A_1129 : f32 to vector<16xf32>
    %swap3A_1131 = arith.constant 0 : i32
    %swap3A_1132 = arith.constant 14 : i32
    %swap3A_1133 = arith.index_cast %swap3A_1131 : i32 to index
    %swap3A_1134 = arith.index_cast %swap3A_1132 : i32 to index
    %swap3A_1135 = arith.constant 16 : index
    %swap3A_1136 = tpu.vector_load %arg8[%swap3A_1133, %swap3A_1134, %swap3A_1135] {strides = array<i32>} : memref<2x80x128xf32, #tpu.memory_space<vmem>>, vector<1x1x16xf32>,
    %swap3A_1137 = vector.shape_cast %swap3A_1136 : vector<1x1x16xf32> to vector<16xf32>
    %swap3A_1138 = vector.shape_cast %broadcast_in_dim3A_1130 : vector<16xf32> to vector<1x1x16xf32>
    tpu.vector_store %arg8[%swap3A_1133, %swap3A_1134, %swap3A_1135], %swap3A_1138 {strides = array<i32>} : memref<2x80x128xf32, #tpu.memory_space<vmem>>, vector<1x1x16xf32>,
    %broadcast_in_dim3A_1139 = arith.constant 0.000000e+00 : f32
    %broadcast_in_dim3A_1140 = vector.broadcast %broadcast_in_dim3A_1139 : f32 to vector<16xf32>
    %swap3A_1141 = arith.constant 0 : i32
    %swap3A_1142 = arith.constant 14 : i32
    %swap3A_1143 = arith.index_cast %swap3A_1141 : i32 to index
    %swap3A_1144 = arith.index_cast %swap3A_1142 : i32 to index
    %swap3A_1145 = arith.constant 32 : index
    %swap3A_1146 = tpu.vector_load %arg8[%swap3A_1143, %swap3A_1144, %swap3A_1145] {strides = array<i32>} : memref<2x80x128xf32, #tpu.memory_space<vmem>>, vector<1x1x16xf32>,
    %swap3A_1147 = vector.shape_cast %swap3A_1146 : vector<1x1x16xf32> to vector<16xf32>
    %swap3A_1148 = vector.shape_cast %broadcast_in_dim3A_1140 : vector<16xf32> to vector<1x1x16xf32>
    tpu.vector_store %arg8[%swap3A_1143, %swap3A_1144, %swap3A_1145], %swap3A_1148 {strides = array<i32>} : memref<2x80x128xf32, #tpu.memory_space<vmem>>, vector<1x1x16xf32>,
    %broadcast_in_dim3A_1149 = arith.constant 0.000000e+00 : f32
    %broadcast_in_dim3A_1150 = vector.broadcast %broadcast_in_dim3A_1149 : f32 to vector<16xf32>
    %swap3A_1151 = arith.constant 0 : i32
    %swap3A_1152 = arith.constant 14 : i32
    %swap3A_1153 = arith.index_cast %swap3A_1151 : i32 to index
    %swap3A_1154 = arith.index_cast %swap3A_1152 : i32 to index
    %swap3A_1155 = arith.constant 48 : index
    %swap3A_1156 = tpu.vector_load %arg8[%swap3A_1153, %swap3A_1154, %swap3A_1155] {strides = array<i32>} : memref<2x80x128xf32, #tpu.memory_space<vmem>>, vector<1x1x16xf32>,
    %swap3A_1157 = vector.shape_cast %swap3A_1156 : vector<1x1x16xf32> to vector<16xf32>
    %swap3A_1158 = vector.shape_cast %broadcast_in_dim3A_1150 : vector<16xf32> to vector<1x1x16xf32>
    tpu.vector_store %arg8[%swap3A_1153, %swap3A_1154, %swap3A_1155], %swap3A_1158 {strides = array<i32>} : memref<2x80x128xf32, #tpu.memory_space<vmem>>, vector<1x1x16xf32>,
    %broadcast_in_dim3A_1159 = arith.constant 0.000000e+00 : f32
    %broadcast_in_dim3A_1160 = vector.broadcast %broadcast_in_dim3A_1159 : f32 to vector<16xf32>
    %swap3A_1161 = arith.constant 0 : i32
    %swap3A_1162 = arith.constant 14 : i32
    %swap3A_1163 = arith.index_cast %swap3A_1161 : i32 to index
    %swap3A_1164 = arith.index_cast %swap3A_1162 : i32 to index
    %swap3A_1165 = arith.constant 64 : index
    %swap3A_1166 = tpu.vector_load %arg8[%swap3A_1163, %swap3A_1164, %swap3A_1165] {strides = array<i32>} : memref<2x80x128xf32, #tpu.memory_space<vmem>>, vector<1x1x16xf32>,
    %swap3A_1167 = vector.shape_cast %swap3A_1166 : vector<1x1x16xf32> to vector<16xf32>
    %swap3A_1168 = vector.shape_cast %broadcast_in_dim3A_1160 : vector<16xf32> to vector<1x1x16xf32>
    tpu.vector_store %arg8[%swap3A_1163, %swap3A_1164, %swap3A_1165], %swap3A_1168 {strides = array<i32>} : memref<2x80x128xf32, #tpu.memory_space<vmem>>, vector<1x1x16xf32>,
    %broadcast_in_dim3A_1169 = arith.constant 0.000000e+00 : f32
    %broadcast_in_dim3A_1170 = vector.broadcast %broadcast_in_dim3A_1169 : f32 to vector<16xf32>
    %swap3A_1171 = arith.constant 0 : i32
    %swap3A_1172 = arith.constant 14 : i32
    %swap3A_1173 = arith.index_cast %swap3A_1171 : i32 to index
    %swap3A_1174 = arith.index_cast %swap3A_1172 : i32 to index
    %swap3A_1175 = arith.constant 80 : index
    %swap3A_1176 = tpu.vector_load %arg8[%swap3A_1173, %swap3A_1174, %swap3A_1175] {strides = array<i32>} : memref<2x80x128xf32, #tpu.memory_space<vmem>>, vector<1x1x16xf32>,
    %swap3A_1177 = vector.shape_cast %swap3A_1176 : vector<1x1x16xf32> to vector<16xf32>
    %swap3A_1178 = vector.shape_cast %broadcast_in_dim3A_1170 : vector<16xf32> to vector<1x1x16xf32>
    tpu.vector_store %arg8[%swap3A_1173, %swap3A_1174, %swap3A_1175], %swap3A_1178 {strides = array<i32>} : memref<2x80x128xf32, #tpu.memory_space<vmem>>, vector<1x1x16xf32>,
    %broadcast_in_dim3A_1179 = arith.constant 0.000000e+00 : f32
    %broadcast_in_dim3A_1180 = vector.broadcast %broadcast_in_dim3A_1179 : f32 to vector<16xf32>
    %swap3A_1181 = arith.constant 0 : i32
    %swap3A_1182 = arith.constant 14 : i32
    %swap3A_1183 = arith.index_cast %swap3A_1181 : i32 to index
    %swap3A_1184 = arith.index_cast %swap3A_1182 : i32 to index
    %swap3A_1185 = arith.constant 96 : index
    %swap3A_1186 = tpu.vector_load %arg8[%swap3A_1183, %swap3A_1184, %swap3A_1185] {strides = array<i32>} : memref<2x80x128xf32, #tpu.memory_space<vmem>>, vector<1x1x16xf32>,
    %swap3A_1187 = vector.shape_cast %swap3A_1186 : vector<1x1x16xf32> to vector<16xf32>
    %swap3A_1188 = vector.shape_cast %broadcast_in_dim3A_1180 : vector<16xf32> to vector<1x1x16xf32>
    tpu.vector_store %arg8[%swap3A_1183, %swap3A_1184, %swap3A_1185], %swap3A_1188 {strides = array<i32>} : memref<2x80x128xf32, #tpu.memory_space<vmem>>, vector<1x1x16xf32>,
    %broadcast_in_dim3A_1189 = arith.constant 0.000000e+00 : f32
    %broadcast_in_dim3A_1190 = vector.broadcast %broadcast_in_dim3A_1189 : f32 to vector<16xf32>
    %swap3A_1191 = arith.constant 0 : i32
    %swap3A_1192 = arith.constant 14 : i32
    %swap3A_1193 = arith.index_cast %swap3A_1191 : i32 to index
    %swap3A_1194 = arith.index_cast %swap3A_1192 : i32 to index
    %swap3A_1195 = arith.constant 112 : index
    %swap3A_1196 = tpu.vector_load %arg8[%swap3A_1193, %swap3A_1194, %swap3A_1195] {strides = array<i32>} : memref<2x80x128xf32, #tpu.memory_space<vmem>>, vector<1x1x16xf32>,
    %swap3A_1197 = vector.shape_cast %swap3A_1196 : vector<1x1x16xf32> to vector<16xf32>
    %swap3A_1198 = vector.shape_cast %broadcast_in_dim3A_1190 : vector<16xf32> to vector<1x1x16xf32>
    tpu.vector_store %arg8[%swap3A_1193, %swap3A_1194, %swap3A_1195], %swap3A_1198 {strides = array<i32>} : memref<2x80x128xf32, #tpu.memory_space<vmem>>, vector<1x1x16xf32>,
    %broadcast_in_dim3A_1199 = arith.constant 0.000000e+00 : f32
    %broadcast_in_dim3A_1200 = vector.broadcast %broadcast_in_dim3A_1199 : f32 to vector<16xf32>
    %swap3A_1201 = arith.constant 0 : i32
    %swap3A_1202 = arith.constant 15 : i32
    %swap3A_1203 = arith.index_cast %swap3A_1201 : i32 to index
    %swap3A_1204 = arith.index_cast %swap3A_1202 : i32 to index
    %swap3A_1205 = arith.constant 0 : index
    %swap3A_1206 = tpu.vector_load %arg8[%swap3A_1203, %swap3A_1204, %swap3A_1205] {strides = array<i32>} : memref<2x80x128xf32, #tpu.memory_space<vmem>>, vector<1x1x16xf32>,
    %swap3A_1207 = vector.shape_cast %swap3A_1206 : vector<1x1x16xf32> to vector<16xf32>
    %swap3A_1208 = vector.shape_cast %broadcast_in_dim3A_1200 : vector<16xf32> to vector<1x1x16xf32>
    tpu.vector_store %arg8[%swap3A_1203, %swap3A_1204, %swap3A_1205], %swap3A_1208 {strides = array<i32>} : memref<2x80x128xf32, #tpu.memory_space<vmem>>, vector<1x1x16xf32>,
    %broadcast_in_dim3A_1209 = arith.constant 0.000000e+00 : f32
    %broadcast_in_dim3A_1210 = vector.broadcast %broadcast_in_dim3A_1209 : f32 to vector<16xf32>
    %swap3A_1211 = arith.constant 0 : i32
    %swap3A_1212 = arith.constant 15 : i32
    %swap3A_1213 = arith.index_cast %swap3A_1211 : i32 to index
    %swap3A_1214 = arith.index_cast %swap3A_1212 : i32 to index
    %swap3A_1215 = arith.constant 16 : index
    %swap3A_1216 = tpu.vector_load %arg8[%swap3A_1213, %swap3A_1214, %swap3A_1215] {strides = array<i32>} : memref<2x80x128xf32, #tpu.memory_space<vmem>>, vector<1x1x16xf32>,
    %swap3A_1217 = vector.shape_cast %swap3A_1216 : vector<1x1x16xf32> to vector<16xf32>
    %swap3A_1218 = vector.shape_cast %broadcast_in_dim3A_1210 : vector<16xf32> to vector<1x1x16xf32>
    tpu.vector_store %arg8[%swap3A_1213, %swap3A_1214, %swap3A_1215], %swap3A_1218 {strides = array<i32>} : memref<2x80x128xf32, #tpu.memory_space<vmem>>, vector<1x1x16xf32>,
    %broadcast_in_dim3A_1219 = arith.constant 0.000000e+00 : f32
    %broadcast_in_dim3A_1220 = vector.broadcast %broadcast_in_dim3A_1219 : f32 to vector<16xf32>
    %swap3A_1221 = arith.constant 0 : i32
    %swap3A_1222 = arith.constant 15 : i32
    %swap3A_1223 = arith.index_cast %swap3A_1221 : i32 to index
    %swap3A_1224 = arith.index_cast %swap3A_1222 : i32 to index
    %swap3A_1225 = arith.constant 32 : index
    %swap3A_1226 = tpu.vector_load %arg8[%swap3A_1223, %swap3A_1224, %swap3A_1225] {strides = array<i32>} : memref<2x80x128xf32, #tpu.memory_space<vmem>>, vector<1x1x16xf32>,
    %swap3A_1227 = vector.shape_cast %swap3A_1226 : vector<1x1x16xf32> to vector<16xf32>
    %swap3A_1228 = vector.shape_cast %broadcast_in_dim3A_1220 : vector<16xf32> to vector<1x1x16xf32>
    tpu.vector_store %arg8[%swap3A_1223, %swap3A_1224, %swap3A_1225], %swap3A_1228 {strides = array<i32>} : memref<2x80x128xf32, #tpu.memory_space<vmem>>, vector<1x1x16xf32>,
    %broadcast_in_dim3A_1229 = arith.constant 0.000000e+00 : f32
    %broadcast_in_dim3A_1230 = vector.broadcast %broadcast_in_dim3A_1229 : f32 to vector<16xf32>
    %swap3A_1231 = arith.constant 0 : i32
    %swap3A_1232 = arith.constant 15 : i32
    %swap3A_1233 = arith.index_cast %swap3A_1231 : i32 to index
    %swap3A_1234 = arith.index_cast %swap3A_1232 : i32 to index
    %swap3A_1235 = arith.constant 48 : index
    %swap3A_1236 = tpu.vector_load %arg8[%swap3A_1233, %swap3A_1234, %swap3A_1235] {strides = array<i32>} : memref<2x80x128xf32, #tpu.memory_space<vmem>>, vector<1x1x16xf32>,
    %swap3A_1237 = vector.shape_cast %swap3A_1236 : vector<1x1x16xf32> to vector<16xf32>
    %swap3A_1238 = vector.shape_cast %broadcast_in_dim3A_1230 : vector<16xf32> to vector<1x1x16xf32>
    tpu.vector_store %arg8[%swap3A_1233, %swap3A_1234, %swap3A_1235], %swap3A_1238 {strides = array<i32>} : memref<2x80x128xf32, #tpu.memory_space<vmem>>, vector<1x1x16xf32>,
    %broadcast_in_dim3A_1239 = arith.constant 0.000000e+00 : f32
    %broadcast_in_dim3A_1240 = vector.broadcast %broadcast_in_dim3A_1239 : f32 to vector<16xf32>
    %swap3A_1241 = arith.constant 0 : i32
    %swap3A_1242 = arith.constant 15 : i32
    %swap3A_1243 = arith.index_cast %swap3A_1241 : i32 to index
    %swap3A_1244 = arith.index_cast %swap3A_1242 : i32 to index
    %swap3A_1245 = arith.constant 64 : index
    %swap3A_1246 = tpu.vector_load %arg8[%swap3A_1243, %swap3A_1244, %swap3A_1245] {strides = array<i32>} : memref<2x80x128xf32, #tpu.memory_space<vmem>>, vector<1x1x16xf32>,
    %swap3A_1247 = vector.shape_cast %swap3A_1246 : vector<1x1x16xf32> to vector<16xf32>
    %swap3A_1248 = vector.shape_cast %broadcast_in_dim3A_1240 : vector<16xf32> to vector<1x1x16xf32>
    tpu.vector_store %arg8[%swap3A_1243, %swap3A_1244, %swap3A_1245], %swap3A_1248 {strides = array<i32>} : memref<2x80x128xf32, #tpu.memory_space<vmem>>, vector<1x1x16xf32>,
    %broadcast_in_dim3A_1249 = arith.constant 0.000000e+00 : f32
    %broadcast_in_dim3A_1250 = vector.broadcast %broadcast_in_dim3A_1249 : f32 to vector<16xf32>
    %swap3A_1251 = arith.constant 0 : i32
    %swap3A_1252 = arith.constant 15 : i32
    %swap3A_1253 = arith.index_cast %swap3A_1251 : i32 to index
    %swap3A_1254 = arith.index_cast %swap3A_1252 : i32 to index
    %swap3A_1255 = arith.constant 80 : index
    %swap3A_1256 = tpu.vector_load %arg8[%swap3A_1253, %swap3A_1254, %swap3A_1255] {strides = array<i32>} : memref<2x80x128xf32, #tpu.memory_space<vmem>>, vector<1x1x16xf32>,
    %swap3A_1257 = vector.shape_cast %swap3A_1256 : vector<1x1x16xf32> to vector<16xf32>
    %swap3A_1258 = vector.shape_cast %broadcast_in_dim3A_1250 : vector<16xf32> to vector<1x1x16xf32>
    tpu.vector_store %arg8[%swap3A_1253, %swap3A_1254, %swap3A_1255], %swap3A_1258 {strides = array<i32>} : memref<2x80x128xf32, #tpu.memory_space<vmem>>, vector<1x1x16xf32>,
    %broadcast_in_dim3A_1259 = arith.constant 0.000000e+00 : f32
    %broadcast_in_dim3A_1260 = vector.broadcast %broadcast_in_dim3A_1259 : f32 to vector<16xf32>
    %swap3A_1261 = arith.constant 0 : i32
    %swap3A_1262 = arith.constant 15 : i32
    %swap3A_1263 = arith.index_cast %swap3A_1261 : i32 to index
    %swap3A_1264 = arith.index_cast %swap3A_1262 : i32 to index
    %swap3A_1265 = arith.constant 96 : index
    %swap3A_1266 = tpu.vector_load %arg8[%swap3A_1263, %swap3A_1264, %swap3A_1265] {strides = array<i32>} : memref<2x80x128xf32, #tpu.memory_space<vmem>>, vector<1x1x16xf32>,
    %swap3A_1267 = vector.shape_cast %swap3A_1266 : vector<1x1x16xf32> to vector<16xf32>
    %swap3A_1268 = vector.shape_cast %broadcast_in_dim3A_1260 : vector<16xf32> to vector<1x1x16xf32>
    tpu.vector_store %arg8[%swap3A_1263, %swap3A_1264, %swap3A_1265], %swap3A_1268 {strides = array<i32>} : memref<2x80x128xf32, #tpu.memory_space<vmem>>, vector<1x1x16xf32>,
    %broadcast_in_dim3A_1269 = arith.constant 0.000000e+00 : f32
    %broadcast_in_dim3A_1270 = vector.broadcast %broadcast_in_dim3A_1269 : f32 to vector<16xf32>
    %swap3A_1271 = arith.constant 0 : i32
    %swap3A_1272 = arith.constant 15 : i32
    %swap3A_1273 = arith.index_cast %swap3A_1271 : i32 to index
    %swap3A_1274 = arith.index_cast %swap3A_1272 : i32 to index
    %swap3A_1275 = arith.constant 112 : index
    %swap3A_1276 = tpu.vector_load %arg8[%swap3A_1273, %swap3A_1274, %swap3A_1275] {strides = array<i32>} : memref<2x80x128xf32, #tpu.memory_space<vmem>>, vector<1x1x16xf32>,
    %swap3A_1277 = vector.shape_cast %swap3A_1276 : vector<1x1x16xf32> to vector<16xf32>
    %swap3A_1278 = vector.shape_cast %broadcast_in_dim3A_1270 : vector<16xf32> to vector<1x1x16xf32>
    tpu.vector_store %arg8[%swap3A_1273, %swap3A_1274, %swap3A_1275], %swap3A_1278 {strides = array<i32>} : memref<2x80x128xf32, #tpu.memory_space<vmem>>, vector<1x1x16xf32>,
    %mul3A_1279 = arith.constant 624 : i32
    %mul3A_1280 = arith.muli %arg1, %mul3A_1279 : i32
    %eq3A = arith.constant 15 : i32
    %eq3A_1281 = arith.cmpi eq, %arg1, %eq3A : i32
    %jit3A = arith.constant 40 : i32
    %jit3A_1282 = arith.constant 39 : i32
    %select_n3A = arith.select %eq3A_1281, %jit3A, %jit3A_1282 : i32
    %while3A = arith.constant 0 : i32
    %while3A_1283 = arith.constant 0 : i32
    %while3A_1284 = arith.subi %select_n3A, %while3A_1283 : i32
    %while3A_1285 = arith.addi %while3A_1283, %while3A_1284 : i32
    %while3A_1286 = arith.constant 1 : i32
    %while3A_1287 = arith.divsi %while3A_1284, %while3A_1286 : i32
    %while3A_1288 = arith.muli %while3A_1287, %while3A_1286 : i32
    %while3A_1289 = arith.addi %while3A_1283, %while3A_1288 : i32
    %while3A_1290 = arith.constant 1 : i32
    scf.for %while3A_1324 = %while3A_1283 to %while3A_1289 step %while3A_1290  : i32 {
      %mul3A_1325 = arith.constant 16 : i32
      %mul3A_1326 = arith.muli %while3A_1324, %mul3A_1325 : i32
      %add3A_1327 = arith.addi %mul3A_1280, %mul3A_1326 : i32
      %run_scoped3A_1328 = arith.constant 0 : i32
      "tpu.region"() ({
        %run_scoped3A_1329 = tpu.sem_alloc : memref<!tpu.dma_semaphore, #tpu.memory_space<semaphore_mem>>
        %dma_start3A_1330 = arith.constant 0 : i32
        %dma_start3A_1331 = arith.constant 0 : i32
        %dma_start3A_1332 = tpu.memref_slice %arg8[%run_scoped3A_1328, %dma_start3A_1330, %dma_start3A_1331] : memref<2x80x128xf32, #tpu.memory_space<vmem>> -> memref<1x16x128xf32, #tpu.memory_space<vmem>>
        %dma_start3A_1333 = tpu.memref_squeeze %dma_start3A_1332 : memref<1x16x128xf32, #tpu.memory_space<vmem>> -> memref<16x128xf32, #tpu.memory_space<vmem>>
        %dma_start3A_1334 = arith.constant 0 : i32
        %dma_start3A_1335 = tpu.memref_slice %arg11[%add3A_1327, %dma_start3A_1334] : memref<10000x128xf32, #tpu.memory_space<vmem_shared>> -> memref<16x128xf32, #tpu.memory_space<vmem_shared>>
        %dma_start3A_1336 = arith.constant 0 : i32
        %dma_start3A_1337 = tpu.memref_slice %arg11[%add3A_1327, %dma_start3A_1336] : memref<10000x128xf32, #tpu.memory_space<vmem_shared>> -> memref<16x128xf32, #tpu.memory_space<vmem_shared>>
        %dma_start3A_1338 = arith.constant 0 : i32
        %dma_start3A_1339 = arith.constant 0 : i32
        %dma_start3A_1340 = tpu.memref_slice %arg8[%run_scoped3A_1328, %dma_start3A_1338, %dma_start3A_1339] : memref<2x80x128xf32, #tpu.memory_space<vmem>> -> memref<1x16x128xf32, #tpu.memory_space<vmem>>
        %dma_start3A_1341 = tpu.memref_squeeze %dma_start3A_1340 : memref<1x16x128xf32, #tpu.memory_space<vmem>> -> memref<16x128xf32, #tpu.memory_space<vmem>>
        tpu.enqueue_dma source(%dma_start3A_1341 : memref<16x128xf32, #tpu.memory_space<vmem>>) target(%dma_start3A_1337 : memref<16x128xf32, #tpu.memory_space<vmem_shared>>) target_semaphore(%run_scoped3A_1329 : memref<!tpu.dma_semaphore, #tpu.memory_space<semaphore_mem>>)
        %dma_wait3A_1342 = arith.constant 0 : i32
        %dma_wait3A_1343 = arith.constant 0 : i32
        %dma_wait3A_1344 = tpu.memref_slice %arg8[%run_scoped3A_1328, %dma_wait3A_1342, %dma_wait3A_1343] : memref<2x80x128xf32, #tpu.memory_space<vmem>> -> memref<1x16x128xf32, #tpu.memory_space<vmem>>
        %dma_wait3A_1345 = tpu.memref_squeeze %dma_wait3A_1344 : memref<1x16x128xf32, #tpu.memory_space<vmem>> -> memref<16x128xf32, #tpu.memory_space<vmem>>
        %dma_wait3A_1346 = arith.constant 0 : i32
        %dma_wait3A_1347 = tpu.memref_slice %arg11[%add3A_1327, %dma_wait3A_1346] : memref<10000x128xf32, #tpu.memory_space<vmem_shared>> -> memref<16x128xf32, #tpu.memory_space<vmem_shared>>
        %dma_wait3A_1348 = arith.constant 0 : i32
        %dma_wait3A_1349 = tpu.memref_slice %arg11[%add3A_1327, %dma_wait3A_1348] : memref<10000x128xf32, #tpu.memory_space<vmem_shared>> -> memref<16x128xf32, #tpu.memory_space<vmem_shared>>
        %dma_wait3A_1350 = arith.constant 0 : i32
        %dma_wait3A_1351 = arith.constant 0 : i32
        %dma_wait3A_1352 = tpu.memref_slice %arg8[%run_scoped3A_1328, %dma_wait3A_1350, %dma_wait3A_1351] : memref<2x80x128xf32, #tpu.memory_space<vmem>> -> memref<1x16x128xf32, #tpu.memory_space<vmem>>
        %dma_wait3A_1353 = tpu.memref_squeeze %dma_wait3A_1352 : memref<1x16x128xf32, #tpu.memory_space<vmem>> -> memref<16x128xf32, #tpu.memory_space<vmem>>
        tpu.wait_dma2 semaphore(%run_scoped3A_1329 : memref<!tpu.dma_semaphore, #tpu.memory_space<semaphore_mem>>) src(%dma_wait3A_1353 : memref<16x128xf32, #tpu.memory_space<vmem>>) dst(%dma_wait3A_1349 : memref<16x128xf32, #tpu.memory_space<vmem_shared>>)
        tpu.yield
      }) : () -> ()
    }
    %while3A_1291 = arith.constant 1 : i32
    scf.for %while3A_1324 = %while3A_1289 to %while3A_1285 step %while3A_1291  : i32 {
      %mul3A_1325 = arith.constant 16 : i32
      %mul3A_1326 = arith.muli %while3A_1324, %mul3A_1325 : i32
      %add3A_1327 = arith.addi %mul3A_1280, %mul3A_1326 : i32
      %run_scoped3A_1328 = arith.constant 0 : i32
      "tpu.region"() ({
        %run_scoped3A_1329 = tpu.sem_alloc : memref<!tpu.dma_semaphore, #tpu.memory_space<semaphore_mem>>
        %dma_start3A_1330 = arith.constant 0 : i32
        %dma_start3A_1331 = arith.constant 0 : i32
        %dma_start3A_1332 = tpu.memref_slice %arg8[%run_scoped3A_1328, %dma_start3A_1330, %dma_start3A_1331] : memref<2x80x128xf32, #tpu.memory_space<vmem>> -> memref<1x16x128xf32, #tpu.memory_space<vmem>>
        %dma_start3A_1333 = tpu.memref_squeeze %dma_start3A_1332 : memref<1x16x128xf32, #tpu.memory_space<vmem>> -> memref<16x128xf32, #tpu.memory_space<vmem>>
        %dma_start3A_1334 = arith.constant 0 : i32
        %dma_start3A_1335 = tpu.memref_slice %arg11[%add3A_1327, %dma_start3A_1334] : memref<10000x128xf32, #tpu.memory_space<vmem_shared>> -> memref<16x128xf32, #tpu.memory_space<vmem_shared>>
        %dma_start3A_1336 = arith.constant 0 : i32
        %dma_start3A_1337 = tpu.memref_slice %arg11[%add3A_1327, %dma_start3A_1336] : memref<10000x128xf32, #tpu.memory_space<vmem_shared>> -> memref<16x128xf32, #tpu.memory_space<vmem_shared>>
        %dma_start3A_1338 = arith.constant 0 : i32
        %dma_start3A_1339 = arith.constant 0 : i32
        %dma_start3A_1340 = tpu.memref_slice %arg8[%run_scoped3A_1328, %dma_start3A_1338, %dma_start3A_1339] : memref<2x80x128xf32, #tpu.memory_space<vmem>> -> memref<1x16x128xf32, #tpu.memory_space<vmem>>
        %dma_start3A_1341 = tpu.memref_squeeze %dma_start3A_1340 : memref<1x16x128xf32, #tpu.memory_space<vmem>> -> memref<16x128xf32, #tpu.memory_space<vmem>>
        tpu.enqueue_dma source(%dma_start3A_1341 : memref<16x128xf32, #tpu.memory_space<vmem>>) target(%dma_start3A_1337 : memref<16x128xf32, #tpu.memory_space<vmem_shared>>) target_semaphore(%run_scoped3A_1329 : memref<!tpu.dma_semaphore, #tpu.memory_space<semaphore_mem>>)
        %dma_wait3A_1342 = arith.constant 0 : i32
        %dma_wait3A_1343 = arith.constant 0 : i32
        %dma_wait3A_1344 = tpu.memref_slice %arg8[%run_scoped3A_1328, %dma_wait3A_1342, %dma_wait3A_1343] : memref<2x80x128xf32, #tpu.memory_space<vmem>> -> memref<1x16x128xf32, #tpu.memory_space<vmem>>
        %dma_wait3A_1345 = tpu.memref_squeeze %dma_wait3A_1344 : memref<1x16x128xf32, #tpu.memory_space<vmem>> -> memref<16x128xf32, #tpu.memory_space<vmem>>
        %dma_wait3A_1346 = arith.constant 0 : i32
        %dma_wait3A_1347 = tpu.memref_slice %arg11[%add3A_1327, %dma_wait3A_1346] : memref<10000x128xf32, #tpu.memory_space<vmem_shared>> -> memref<16x128xf32, #tpu.memory_space<vmem_shared>>
        %dma_wait3A_1348 = arith.constant 0 : i32
        %dma_wait3A_1349 = tpu.memref_slice %arg11[%add3A_1327, %dma_wait3A_1348] : memref<10000x128xf32, #tpu.memory_space<vmem_shared>> -> memref<16x128xf32, #tpu.memory_space<vmem_shared>>
        %dma_wait3A_1350 = arith.constant 0 : i32
        %dma_wait3A_1351 = arith.constant 0 : i32
        %dma_wait3A_1352 = tpu.memref_slice %arg8[%run_scoped3A_1328, %dma_wait3A_1350, %dma_wait3A_1351] : memref<2x80x128xf32, #tpu.memory_space<vmem>> -> memref<1x16x128xf32, #tpu.memory_space<vmem>>
        %dma_wait3A_1353 = tpu.memref_squeeze %dma_wait3A_1352 : memref<1x16x128xf32, #tpu.memory_space<vmem>> -> memref<16x128xf32, #tpu.memory_space<vmem>>
        tpu.wait_dma2 semaphore(%run_scoped3A_1329 : memref<!tpu.dma_semaphore, #tpu.memory_space<semaphore_mem>>) src(%dma_wait3A_1353 : memref<16x128xf32, #tpu.memory_space<vmem>>) dst(%dma_wait3A_1349 : memref<16x128xf32, #tpu.memory_space<vmem_shared>>)
        tpu.yield
      }) : () -> ()
    }
    %barrier3A = arith.constant 0 : index
    tpu.barrier barrier_id(%barrier3A)
    "tpu.region"() ({
      %run_scoped3A_1324 = tpu.sem_alloc : memref<!tpu.dma_semaphore, #tpu.memory_space<semaphore_mem>>
      %dma_start3A_1325 = arith.constant 0 : i32
      %dma_start3A_1326 = tpu.memref_slice %arg3[%add3A, %dma_start3A_1325] : memref<32x10000xi32, #tpu.memory_space<hbm>> -> memref<1x10000xi32, #tpu.memory_space<hbm>>
      %dma_start3A_1327 = tpu.memref_squeeze %dma_start3A_1326 : memref<1x10000xi32, #tpu.memory_space<hbm>> -> memref<10000xi32, #tpu.memory_space<hbm>>
      %dma_start3A_1328 = arith.constant 0 : i32
      %dma_start3A_1329 = tpu.memref_slice %arg3[%add3A, %dma_start3A_1328] : memref<32x10000xi32, #tpu.memory_space<hbm>> -> memref<1x10000xi32, #tpu.memory_space<hbm>>
      %dma_start3A_1330 = tpu.memref_squeeze %dma_start3A_1329 : memref<1x10000xi32, #tpu.memory_space<hbm>> -> memref<10000xi32, #tpu.memory_space<hbm>>
      tpu.enqueue_dma source(%dma_start3A_1330 : memref<10000xi32, #tpu.memory_space<hbm>>) target(%arg6 : memref<10000xi32, #tpu.memory_space<vmem>>) target_semaphore(%run_scoped3A_1324 : memref<!tpu.dma_semaphore, #tpu.memory_space<semaphore_mem>>)
      %dma_wait3A_1331 = arith.constant 0 : i32
      %dma_wait3A_1332 = tpu.memref_slice %arg3[%add3A, %dma_wait3A_1331] : memref<32x10000xi32, #tpu.memory_space<hbm>> -> memref<1x10000xi32, #tpu.memory_space<hbm>>
      %dma_wait3A_1333 = tpu.memref_squeeze %dma_wait3A_1332 : memref<1x10000xi32, #tpu.memory_space<hbm>> -> memref<10000xi32, #tpu.memory_space<hbm>>
      %dma_wait3A_1334 = arith.constant 0 : i32
      %dma_wait3A_1335 = tpu.memref_slice %arg3[%add3A, %dma_wait3A_1334] : memref<32x10000xi32, #tpu.memory_space<hbm>> -> memref<1x10000xi32, #tpu.memory_space<hbm>>
      %dma_wait3A_1336 = tpu.memref_squeeze %dma_wait3A_1335 : memref<1x10000xi32, #tpu.memory_space<hbm>> -> memref<10000xi32, #tpu.memory_space<hbm>>
      tpu.wait_dma2 semaphore(%run_scoped3A_1324 : memref<!tpu.dma_semaphore, #tpu.memory_space<semaphore_mem>>) src(%dma_wait3A_1336 : memref<10000xi32, #tpu.memory_space<hbm>>) dst(%arg6 : memref<10000xi32, #tpu.memory_space<vmem>>)
      tpu.yield
    }) : () -> ()
    "tpu.region"() ({
      %run_scoped3A_1324 = tpu.sem_alloc : memref<!tpu.dma_semaphore, #tpu.memory_space<semaphore_mem>>
      %dma_start3A_1325 = arith.constant 0 : i32
      %dma_start3A_1326 = arith.constant 0 : i32
      %dma_start3A_1327 = tpu.memref_slice %arg4[%add3A, %dma_start3A_1325, %dma_start3A_1326] : memref<32x125x80xi32, #tpu.memory_space<hbm>> -> memref<1x125x80xi32, #tpu.memory_space<hbm>>
      %dma_start3A_1328 = tpu.memref_squeeze %dma_start3A_1327 : memref<1x125x80xi32, #tpu.memory_space<hbm>> -> memref<125x80xi32, #tpu.memory_space<hbm>>
      %dma_start3A_1329 = arith.constant 0 : i32
      %dma_start3A_1330 = arith.constant 0 : i32
      %dma_start3A_1331 = tpu.memref_slice %arg4[%add3A, %dma_start3A_1329, %dma_start3A_1330] : memref<32x125x80xi32, #tpu.memory_space<hbm>> -> memref<1x125x80xi32, #tpu.memory_space<hbm>>
      %dma_start3A_1332 = tpu.memref_squeeze %dma_start3A_1331 : memref<1x125x80xi32, #tpu.memory_space<hbm>> -> memref<125x80xi32, #tpu.memory_space<hbm>>
      tpu.enqueue_dma source(%dma_start3A_1332 : memref<125x80xi32, #tpu.memory_space<hbm>>) target(%arg7 : memref<125x80xi32, #tpu.memory_space<vmem>>) target_semaphore(%run_scoped3A_1324 : memref<!tpu.dma_semaphore, #tpu.memory_space<semaphore_mem>>)
      %dma_wait3A_1333 = arith.constant 0 : i32
      %dma_wait3A_1334 = arith.constant 0 : i32
      %dma_wait3A_1335 = tpu.memref_slice %arg4[%add3A, %dma_wait3A_1333, %dma_wait3A_1334] : memref<32x125x80xi32, #tpu.memory_space<hbm>> -> memref<1x125x80xi32, #tpu.memory_space<hbm>>
      %dma_wait3A_1336 = tpu.memref_squeeze %dma_wait3A_1335 : memref<1x125x80xi32, #tpu.memory_space<hbm>> -> memref<125x80xi32, #tpu.memory_space<hbm>>
      %dma_wait3A_1337 = arith.constant 0 : i32
      %dma_wait3A_1338 = arith.constant 0 : i32
      %dma_wait3A_1339 = tpu.memref_slice %arg4[%add3A, %dma_wait3A_1337, %dma_wait3A_1338] : memref<32x125x80xi32, #tpu.memory_space<hbm>> -> memref<1x125x80xi32, #tpu.memory_space<hbm>>
      %dma_wait3A_1340 = tpu.memref_squeeze %dma_wait3A_1339 : memref<1x125x80xi32, #tpu.memory_space<hbm>> -> memref<125x80xi32, #tpu.memory_space<hbm>>
      tpu.wait_dma2 semaphore(%run_scoped3A_1324 : memref<!tpu.dma_semaphore, #tpu.memory_space<semaphore_mem>>) src(%dma_wait3A_1340 : memref<125x80xi32, #tpu.memory_space<hbm>>) dst(%arg7 : memref<125x80xi32, #tpu.memory_space<vmem>>)
      tpu.yield
    }) : () -> ()
    %dma_start3A = arith.constant 0 : i32
    %dma_start3A_1292 = arith.constant 0 : i32
    %dma_start3A_1293 = arith.constant 0 : i32
    %dma_start3A_1294 = tpu.memref_slice %arg8[%dma_start3A, %dma_start3A_1292, %dma_start3A_1293] : memref<2x80x128xf32, #tpu.memory_space<vmem>> -> memref<1x80x128xf32, #tpu.memory_space<vmem>>
    %dma_start3A_1295 = tpu.memref_squeeze %dma_start3A_1294 : memref<1x80x128xf32, #tpu.memory_space<vmem>> -> memref<80x128xf32, #tpu.memory_space<vmem>>
    %dma_start3A_1296 = arith.constant 0 : i32
    %dma_start3A_1297 = tpu.memref_slice %arg6[%dma_start3A_1296] : memref<10000xi32, #tpu.memory_space<vmem>> -> memref<80xi32, #tpu.memory_space<vmem>>
    %dma_start3A_1298 = arith.constant 0 : i32
    %dma_start3A_1299 = arith.constant 0 : i32
    %dma_start3A_1300 = tpu.memref_slice %arg2[%dma_start3A_1298, %dma_start3A_1299] : memref<10000x128xf32, #tpu.memory_space<hbm>> -> memref<10000x128xf32, #tpu.memory_space<hbm>>
    tpu.enqueue_indirect_dma source(%dma_start3A_1300 : memref<10000x128xf32, #tpu.memory_space<hbm>>) target(%dma_start3A_1295 : memref<80x128xf32, #tpu.memory_space<vmem>>) offsets(%dma_start3A_1297 : memref<80xi32, #tpu.memory_space<vmem>>) semaphore(%arg9 : memref<!tpu.dma_semaphore, #tpu.memory_space<semaphore_mem>>)
    %scan3A = arith.constant 0 : i32
    %scan3A_1301 = arith.constant 0 : i32
    %scan3A_1302 = arith.constant 62 : i32
    %scan3A_1303 = arith.addi %scan3A_1301, %scan3A_1302 : i32
    %scan3A_1304 = arith.constant 1 : i32
    scf.for %scan3A_1324 = %scan3A_1301 to %scan3A_1303 step %scan3A_1304  : i32 {
      %mul3A_1325 = arith.constant 2 : i32
      %mul3A_1326 = arith.muli %mul3A_1325, %scan3A_1324 : i32
      %mul3A_1327 = arith.constant 80 : i32
      %mul3A_1328 = arith.muli %mul3A_1326, %mul3A_1327 : i32
      %dma_wait3A_1329 = arith.constant 0 : i32
      %dma_wait3A_1330 = arith.constant 0 : i32
      %dma_wait3A_1331 = arith.constant 0 : i32
      %dma_wait3A_1332 = tpu.memref_slice %arg8[%dma_wait3A_1329, %dma_wait3A_1330, %dma_wait3A_1331] : memref<2x80x128xf32, #tpu.memory_space<vmem>> -> memref<1x80x128xf32, #tpu.memory_space<vmem>>
      %dma_wait3A_1333 = tpu.memref_squeeze %dma_wait3A_1332 : memref<1x80x128xf32, #tpu.memory_space<vmem>> -> memref<80x128xf32, #tpu.memory_space<vmem>>
      %dma_wait3A_1334 = tpu.memref_slice %arg6[%mul3A_1328] : memref<10000xi32, #tpu.memory_space<vmem>> -> memref<80xi32, #tpu.memory_space<vmem>>
      %dma_wait3A_1335 = arith.constant 0 : i32
      %dma_wait3A_1336 = arith.constant 0 : i32
      %dma_wait3A_1337 = tpu.memref_slice %arg2[%dma_wait3A_1335, %dma_wait3A_1336] : memref<10000x128xf32, #tpu.memory_space<hbm>> -> memref<10000x128xf32, #tpu.memory_space<hbm>>
      tpu.wait_indirect_dma semaphore(%arg9 : memref<!tpu.dma_semaphore, #tpu.memory_space<semaphore_mem>>) src(%dma_wait3A_1337 : memref<10000x128xf32, #tpu.memory_space<hbm>>) dst(%dma_wait3A_1333 : memref<80x128xf32, #tpu.memory_space<vmem>>)
      %add3A_1338 = arith.constant 1 : i32
      %add3A_1339 = arith.addi %mul3A_1326, %add3A_1338 : i32
      %mul3A_1340 = arith.constant 80 : i32
      %mul3A_1341 = arith.muli %add3A_1339, %mul3A_1340 : i32
      %dma_start3A_1342 = arith.constant 1 : i32
      %dma_start3A_1343 = arith.constant 0 : i32
      %dma_start3A_1344 = arith.constant 0 : i32
      %dma_start3A_1345 = tpu.memref_slice %arg8[%dma_start3A_1342, %dma_start3A_1343, %dma_start3A_1344] : memref<2x80x128xf32, #tpu.memory_space<vmem>> -> memref<1x80x128xf32, #tpu.memory_space<vmem>>
      %dma_start3A_1346 = tpu.memref_squeeze %dma_start3A_1345 : memref<1x80x128xf32, #tpu.memory_space<vmem>> -> memref<80x128xf32, #tpu.memory_space<vmem>>
      %dma_start3A_1347 = tpu.memref_slice %arg6[%mul3A_1341] : memref<10000xi32, #tpu.memory_space<vmem>> -> memref<80xi32, #tpu.memory_space<vmem>>
      %dma_start3A_1348 = arith.constant 0 : i32
      %dma_start3A_1349 = arith.constant 0 : i32
      %dma_start3A_1350 = tpu.memref_slice %arg2[%dma_start3A_1348, %dma_start3A_1349] : memref<10000x128xf32, #tpu.memory_space<hbm>> -> memref<10000x128xf32, #tpu.memory_space<hbm>>
      tpu.enqueue_indirect_dma source(%dma_start3A_1350 : memref<10000x128xf32, #tpu.memory_space<hbm>>) target(%dma_start3A_1346 : memref<80x128xf32, #tpu.memory_space<vmem>>) offsets(%dma_start3A_1347 : memref<80xi32, #tpu.memory_space<vmem>>) semaphore(%arg10 : memref<!tpu.dma_semaphore, #tpu.memory_space<semaphore_mem>>)
      %run_scoped3A_1351 = arith.constant 0 : i32
      "tpu.region"() ({
        %run_scoped3A_1381 = tpu.sem_alloc : memref<!tpu.dma_semaphore, #tpu.memory_space<semaphore_mem>>
        %dma_start3A_1382 = arith.constant 0 : i32
        %dma_start3A_1383 = arith.constant 0 : i32
        %dma_start3A_1384 = tpu.memref_slice %arg8[%run_scoped3A_1351, %dma_start3A_1382, %dma_start3A_1383] : memref<2x80x128xf32, #tpu.memory_space<vmem>> -> memref<1x80x128xf32, #tpu.memory_space<vmem>>
        %dma_start3A_1385 = tpu.memref_squeeze %dma_start3A_1384 : memref<1x80x128xf32, #tpu.memory_space<vmem>> -> memref<80x128xf32, #tpu.memory_space<vmem>>
        %dma_start3A_1386 = arith.constant 0 : i32
        %dma_start3A_1387 = tpu.memref_slice %arg7[%mul3A_1326, %dma_start3A_1386] : memref<125x80xi32, #tpu.memory_space<vmem>> -> memref<1x80xi32, #tpu.memory_space<vmem>>
        %dma_start3A_1388 = tpu.memref_squeeze %dma_start3A_1387 : memref<1x80xi32, #tpu.memory_space<vmem>> -> memref<80xi32, #tpu.memory_space<vmem>>
        %dma_start3A_1389 = arith.constant 0 : i32
        %dma_start3A_1390 = arith.constant 0 : i32
        %dma_start3A_1391 = tpu.memref_slice %arg11[%dma_start3A_1389, %dma_start3A_1390] : memref<10000x128xf32, #tpu.memory_space<vmem_shared>> -> memref<10000x128xf32, #tpu.memory_space<vmem_shared>>
        tpu.enqueue_indirect_dma source(%dma_start3A_1385 : memref<80x128xf32, #tpu.memory_space<vmem>>) target(%dma_start3A_1391 : memref<10000x128xf32, #tpu.memory_space<vmem_shared>>) offsets(%dma_start3A_1388 : memref<80xi32, #tpu.memory_space<vmem>>) semaphore(%run_scoped3A_1381 : memref<!tpu.dma_semaphore, #tpu.memory_space<semaphore_mem>>) {add = true}
        %dma_wait3A_1392 = arith.constant 0 : i32
        %dma_wait3A_1393 = arith.constant 0 : i32
        %dma_wait3A_1394 = tpu.memref_slice %arg8[%run_scoped3A_1351, %dma_wait3A_1392, %dma_wait3A_1393] : memref<2x80x128xf32, #tpu.memory_space<vmem>> -> memref<1x80x128xf32, #tpu.memory_space<vmem>>
        %dma_wait3A_1395 = tpu.memref_squeeze %dma_wait3A_1394 : memref<1x80x128xf32, #tpu.memory_space<vmem>> -> memref<80x128xf32, #tpu.memory_space<vmem>>
        %dma_wait3A_1396 = arith.constant 0 : i32
        %dma_wait3A_1397 = tpu.memref_slice %arg7[%mul3A_1326, %dma_wait3A_1396] : memref<125x80xi32, #tpu.memory_space<vmem>> -> memref<1x80xi32, #tpu.memory_space<vmem>>
        %dma_wait3A_1398 = tpu.memref_squeeze %dma_wait3A_1397 : memref<1x80xi32, #tpu.memory_space<vmem>> -> memref<80xi32, #tpu.memory_space<vmem>>
        %dma_wait3A_1399 = arith.constant 0 : i32
        %dma_wait3A_1400 = arith.constant 0 : i32
        %dma_wait3A_1401 = tpu.memref_slice %arg11[%dma_wait3A_1399, %dma_wait3A_1400] : memref<10000x128xf32, #tpu.memory_space<vmem_shared>> -> memref<10000x128xf32, #tpu.memory_space<vmem_shared>>
        tpu.wait_indirect_dma semaphore(%run_scoped3A_1381 : memref<!tpu.dma_semaphore, #tpu.memory_space<semaphore_mem>>) src(%dma_wait3A_1395 : memref<80x128xf32, #tpu.memory_space<vmem>>) dst(%dma_wait3A_1401 : memref<10000x128xf32, #tpu.memory_space<vmem_shared>>)
        tpu.yield
      }) : () -> ()
      %add3A_1352 = arith.constant 1 : i32
      %add3A_1353 = arith.addi %mul3A_1326, %add3A_1352 : i32
      %mul3A_1354 = arith.constant 80 : i32
      %mul3A_1355 = arith.muli %add3A_1353, %mul3A_1354 : i32
      %dma_wait3A_1356 = arith.constant 1 : i32
      %dma_wait3A_1357 = arith.constant 0 : i32
      %dma_wait3A_1358 = arith.constant 0 : i32
      %dma_wait3A_1359 = tpu.memref_slice %arg8[%dma_wait3A_1356, %dma_wait3A_1357, %dma_wait3A_1358] : memref<2x80x128xf32, #tpu.memory_space<vmem>> -> memref<1x80x128xf32, #tpu.memory_space<vmem>>
      %dma_wait3A_1360 = tpu.memref_squeeze %dma_wait3A_1359 : memref<1x80x128xf32, #tpu.memory_space<vmem>> -> memref<80x128xf32, #tpu.memory_space<vmem>>
      %dma_wait3A_1361 = tpu.memref_slice %arg6[%mul3A_1355] : memref<10000xi32, #tpu.memory_space<vmem>> -> memref<80xi32, #tpu.memory_space<vmem>>
      %dma_wait3A_1362 = arith.constant 0 : i32
      %dma_wait3A_1363 = arith.constant 0 : i32
      %dma_wait3A_1364 = tpu.memref_slice %arg2[%dma_wait3A_1362, %dma_wait3A_1363] : memref<10000x128xf32, #tpu.memory_space<hbm>> -> memref<10000x128xf32, #tpu.memory_space<hbm>>
      tpu.wait_indirect_dma semaphore(%arg10 : memref<!tpu.dma_semaphore, #tpu.memory_space<semaphore_mem>>) src(%dma_wait3A_1364 : memref<10000x128xf32, #tpu.memory_space<hbm>>) dst(%dma_wait3A_1360 : memref<80x128xf32, #tpu.memory_space<vmem>>)
      %add3A_1365 = arith.constant 2 : i32
      %add3A_1366 = arith.addi %mul3A_1326, %add3A_1365 : i32
      %mul3A_1367 = arith.constant 80 : i32
      %mul3A_1368 = arith.muli %add3A_1366, %mul3A_1367 : i32
      %dma_start3A_1369 = arith.constant 0 : i32
      %dma_start3A_1370 = arith.constant 0 : i32
      %dma_start3A_1371 = arith.constant 0 : i32
      %dma_start3A_1372 = tpu.memref_slice %arg8[%dma_start3A_1369, %dma_start3A_1370, %dma_start3A_1371] : memref<2x80x128xf32, #tpu.memory_space<vmem>> -> memref<1x80x128xf32, #tpu.memory_space<vmem>>
      %dma_start3A_1373 = tpu.memref_squeeze %dma_start3A_1372 : memref<1x80x128xf32, #tpu.memory_space<vmem>> -> memref<80x128xf32, #tpu.memory_space<vmem>>
      %dma_start3A_1374 = tpu.memref_slice %arg6[%mul3A_1368] : memref<10000xi32, #tpu.memory_space<vmem>> -> memref<80xi32, #tpu.memory_space<vmem>>
      %dma_start3A_1375 = arith.constant 0 : i32
      %dma_start3A_1376 = arith.constant 0 : i32
      %dma_start3A_1377 = tpu.memref_slice %arg2[%dma_start3A_1375, %dma_start3A_1376] : memref<10000x128xf32, #tpu.memory_space<hbm>> -> memref<10000x128xf32, #tpu.memory_space<hbm>>
      tpu.enqueue_indirect_dma source(%dma_start3A_1377 : memref<10000x128xf32, #tpu.memory_space<hbm>>) target(%dma_start3A_1373 : memref<80x128xf32, #tpu.memory_space<vmem>>) offsets(%dma_start3A_1374 : memref<80xi32, #tpu.memory_space<vmem>>) semaphore(%arg9 : memref<!tpu.dma_semaphore, #tpu.memory_space<semaphore_mem>>)
      %add3A_1378 = arith.constant 1 : i32
      %add3A_1379 = arith.addi %mul3A_1326, %add3A_1378 : i32
      %run_scoped3A_1380 = arith.constant 1 : i32
      "tpu.region"() ({
        %run_scoped3A_1381 = tpu.sem_alloc : memref<!tpu.dma_semaphore, #tpu.memory_space<semaphore_mem>>
        %dma_start3A_1382 = arith.constant 0 : i32
        %dma_start3A_1383 = arith.constant 0 : i32
        %dma_start3A_1384 = tpu.memref_slice %arg8[%run_scoped3A_1380, %dma_start3A_1382, %dma_start3A_1383] : memref<2x80x128xf32, #tpu.memory_space<vmem>> -> memref<1x80x128xf32, #tpu.memory_space<vmem>>
        %dma_start3A_1385 = tpu.memref_squeeze %dma_start3A_1384 : memref<1x80x128xf32, #tpu.memory_space<vmem>> -> memref<80x128xf32, #tpu.memory_space<vmem>>
        %dma_start3A_1386 = arith.constant 0 : i32
        %dma_start3A_1387 = tpu.memref_slice %arg7[%add3A_1379, %dma_start3A_1386] : memref<125x80xi32, #tpu.memory_space<vmem>> -> memref<1x80xi32, #tpu.memory_space<vmem>>
        %dma_start3A_1388 = tpu.memref_squeeze %dma_start3A_1387 : memref<1x80xi32, #tpu.memory_space<vmem>> -> memref<80xi32, #tpu.memory_space<vmem>>
        %dma_start3A_1389 = arith.constant 0 : i32
        %dma_start3A_1390 = arith.constant 0 : i32
        %dma_start3A_1391 = tpu.memref_slice %arg11[%dma_start3A_1389, %dma_start3A_1390] : memref<10000x128xf32, #tpu.memory_space<vmem_shared>> -> memref<10000x128xf32, #tpu.memory_space<vmem_shared>>
        tpu.enqueue_indirect_dma source(%dma_start3A_1385 : memref<80x128xf32, #tpu.memory_space<vmem>>) target(%dma_start3A_1391 : memref<10000x128xf32, #tpu.memory_space<vmem_shared>>) offsets(%dma_start3A_1388 : memref<80xi32, #tpu.memory_space<vmem>>) semaphore(%run_scoped3A_1381 : memref<!tpu.dma_semaphore, #tpu.memory_space<semaphore_mem>>) {add = true}
        %dma_wait3A_1392 = arith.constant 0 : i32
        %dma_wait3A_1393 = arith.constant 0 : i32
        %dma_wait3A_1394 = tpu.memref_slice %arg8[%run_scoped3A_1380, %dma_wait3A_1392, %dma_wait3A_1393] : memref<2x80x128xf32, #tpu.memory_space<vmem>> -> memref<1x80x128xf32, #tpu.memory_space<vmem>>
        %dma_wait3A_1395 = tpu.memref_squeeze %dma_wait3A_1394 : memref<1x80x128xf32, #tpu.memory_space<vmem>> -> memref<80x128xf32, #tpu.memory_space<vmem>>
        %dma_wait3A_1396 = arith.constant 0 : i32
        %dma_wait3A_1397 = tpu.memref_slice %arg7[%add3A_1379, %dma_wait3A_1396] : memref<125x80xi32, #tpu.memory_space<vmem>> -> memref<1x80xi32, #tpu.memory_space<vmem>>
        %dma_wait3A_1398 = tpu.memref_squeeze %dma_wait3A_1397 : memref<1x80xi32, #tpu.memory_space<vmem>> -> memref<80xi32, #tpu.memory_space<vmem>>
        %dma_wait3A_1399 = arith.constant 0 : i32
        %dma_wait3A_1400 = arith.constant 0 : i32
        %dma_wait3A_1401 = tpu.memref_slice %arg11[%dma_wait3A_1399, %dma_wait3A_1400] : memref<10000x128xf32, #tpu.memory_space<vmem_shared>> -> memref<10000x128xf32, #tpu.memory_space<vmem_shared>>
        tpu.wait_indirect_dma semaphore(%run_scoped3A_1381 : memref<!tpu.dma_semaphore, #tpu.memory_space<semaphore_mem>>) src(%dma_wait3A_1395 : memref<80x128xf32, #tpu.memory_space<vmem>>) dst(%dma_wait3A_1401 : memref<10000x128xf32, #tpu.memory_space<vmem_shared>>)
        tpu.yield
      }) : () -> ()
    }
    %scan3A_1305 = arith.constant 62 : i32
    %dma_wait3A = arith.constant 0 : i32
    %dma_wait3A_1306 = arith.constant 0 : i32
    %dma_wait3A_1307 = arith.constant 0 : i32
    %dma_wait3A_1308 = tpu.memref_slice %arg8[%dma_wait3A, %dma_wait3A_1306, %dma_wait3A_1307] : memref<2x80x128xf32, #tpu.memory_space<vmem>> -> memref<1x80x128xf32, #tpu.memory_space<vmem>>
    %dma_wait3A_1309 = tpu.memref_squeeze %dma_wait3A_1308 : memref<1x80x128xf32, #tpu.memory_space<vmem>> -> memref<80x128xf32, #tpu.memory_space<vmem>>
    %dma_wait3A_1310 = arith.constant 9920 : i32
    %dma_wait3A_1311 = tpu.memref_slice %arg6[%dma_wait3A_1310] : memref<10000xi32, #tpu.memory_space<vmem>> -> memref<80xi32, #tpu.memory_space<vmem>>
    %dma_wait3A_1312 = arith.constant 0 : i32
    %dma_wait3A_1313 = arith.constant 0 : i32
    %dma_wait3A_1314 = tpu.memref_slice %arg2[%dma_wait3A_1312, %dma_wait3A_1313] : memref<10000x128xf32, #tpu.memory_space<hbm>> -> memref<10000x128xf32, #tpu.memory_space<hbm>>
    tpu.wait_indirect_dma semaphore(%arg9 : memref<!tpu.dma_semaphore, #tpu.memory_space<semaphore_mem>>) src(%dma_wait3A_1314 : memref<10000x128xf32, #tpu.memory_space<hbm>>) dst(%dma_wait3A_1309 : memref<80x128xf32, #tpu.memory_space<vmem>>)
    %run_scoped3A = arith.constant 0 : i32
    %run_scoped3A_1315 = arith.constant 124 : i32
    "tpu.region"() ({
      %run_scoped3A_1324 = tpu.sem_alloc : memref<!tpu.dma_semaphore, #tpu.memory_space<semaphore_mem>>
      %dma_start3A_1325 = arith.constant 0 : i32
      %dma_start3A_1326 = arith.constant 0 : i32
      %dma_start3A_1327 = tpu.memref_slice %arg8[%run_scoped3A, %dma_start3A_1325, %dma_start3A_1326] : memref<2x80x128xf32, #tpu.memory_space<vmem>> -> memref<1x80x128xf32, #tpu.memory_space<vmem>>
      %dma_start3A_1328 = tpu.memref_squeeze %dma_start3A_1327 : memref<1x80x128xf32, #tpu.memory_space<vmem>> -> memref<80x128xf32, #tpu.memory_space<vmem>>
      %dma_start3A_1329 = arith.constant 0 : i32
      %dma_start3A_1330 = tpu.memref_slice %arg7[%run_scoped3A_1315, %dma_start3A_1329] : memref<125x80xi32, #tpu.memory_space<vmem>> -> memref<1x80xi32, #tpu.memory_space<vmem>>
      %dma_start3A_1331 = tpu.memref_squeeze %dma_start3A_1330 : memref<1x80xi32, #tpu.memory_space<vmem>> -> memref<80xi32, #tpu.memory_space<vmem>>
      %dma_start3A_1332 = arith.constant 0 : i32
      %dma_start3A_1333 = arith.constant 0 : i32
      %dma_start3A_1334 = tpu.memref_slice %arg11[%dma_start3A_1332, %dma_start3A_1333] : memref<10000x128xf32, #tpu.memory_space<vmem_shared>> -> memref<10000x128xf32, #tpu.memory_space<vmem_shared>>
      tpu.enqueue_indirect_dma source(%dma_start3A_1328 : memref<80x128xf32, #tpu.memory_space<vmem>>) target(%dma_start3A_1334 : memref<10000x128xf32, #tpu.memory_space<vmem_shared>>) offsets(%dma_start3A_1331 : memref<80xi32, #tpu.memory_space<vmem>>) semaphore(%run_scoped3A_1324 : memref<!tpu.dma_semaphore, #tpu.memory_space<semaphore_mem>>) {add = true}
      %dma_wait3A_1335 = arith.constant 0 : i32
      %dma_wait3A_1336 = arith.constant 0 : i32
      %dma_wait3A_1337 = tpu.memref_slice %arg8[%run_scoped3A, %dma_wait3A_1335, %dma_wait3A_1336] : memref<2x80x128xf32, #tpu.memory_space<vmem>> -> memref<1x80x128xf32, #tpu.memory_space<vmem>>
      %dma_wait3A_1338 = tpu.memref_squeeze %dma_wait3A_1337 : memref<1x80x128xf32, #tpu.memory_space<vmem>> -> memref<80x128xf32, #tpu.memory_space<vmem>>
      %dma_wait3A_1339 = arith.constant 0 : i32
      %dma_wait3A_1340 = tpu.memref_slice %arg7[%run_scoped3A_1315, %dma_wait3A_1339] : memref<125x80xi32, #tpu.memory_space<vmem>> -> memref<1x80xi32, #tpu.memory_space<vmem>>
      %dma_wait3A_1341 = tpu.memref_squeeze %dma_wait3A_1340 : memref<1x80xi32, #tpu.memory_space<vmem>> -> memref<80xi32, #tpu.memory_space<vmem>>
      %dma_wait3A_1342 = arith.constant 0 : i32
      %dma_wait3A_1343 = arith.constant 0 : i32
      %dma_wait3A_1344 = tpu.memref_slice %arg11[%dma_wait3A_1342, %dma_wait3A_1343] : memref<10000x128xf32, #tpu.memory_space<vmem_shared>> -> memref<10000x128xf32, #tpu.memory_space<vmem_shared>>
      tpu.wait_indirect_dma semaphore(%run_scoped3A_1324 : memref<!tpu.dma_semaphore, #tpu.memory_space<semaphore_mem>>) src(%dma_wait3A_1338 : memref<80x128xf32, #tpu.memory_space<vmem>>) dst(%dma_wait3A_1344 : memref<10000x128xf32, #tpu.memory_space<vmem_shared>>)
      tpu.yield
    }) : () -> ()
    %barrier3A_1316 = arith.constant 0 : index
    tpu.barrier barrier_id(%barrier3A_1316)
    %lt3A = arith.constant 15 : i32
    %lt3A_1317 = arith.cmpi slt, %arg1, %lt3A : i32
    %convert_element_type3A = arith.extui %lt3A_1317 : i1 to i32
    %cond3A = arith.constant 0 : i32
    %cond3A_1318 = arith.cmpi ne, %convert_element_type3A, %cond3A : i32
    scf.if %cond3A_1318 {
      "tpu.region"() ({
        %run_scoped3A_1324 = tpu.sem_alloc : memref<!tpu.dma_semaphore, #tpu.memory_space<semaphore_mem>>
        %dma_start3A_1325 = arith.constant 0 : i32
        %dma_start3A_1326 = tpu.memref_slice %arg5[%arg0, %mul3A_1280, %dma_start3A_1325] : memref<2x10000x128xf32, #tpu.memory_space<hbm>> -> memref<1x624x128xf32, #tpu.memory_space<hbm>>
        %dma_start3A_1327 = tpu.memref_squeeze %dma_start3A_1326 : memref<1x624x128xf32, #tpu.memory_space<hbm>> -> memref<624x128xf32, #tpu.memory_space<hbm>>
        %dma_start3A_1328 = arith.constant 0 : i32
        %dma_start3A_1329 = tpu.memref_slice %arg11[%mul3A_1280, %dma_start3A_1328] : memref<10000x128xf32, #tpu.memory_space<vmem_shared>> -> memref<624x128xf32, #tpu.memory_space<vmem_shared>>
        tpu.enqueue_dma source(%dma_start3A_1329 : memref<624x128xf32, #tpu.memory_space<vmem_shared>>) target(%dma_start3A_1327 : memref<624x128xf32, #tpu.memory_space<hbm>>) target_semaphore(%run_scoped3A_1324 : memref<!tpu.dma_semaphore, #tpu.memory_space<semaphore_mem>>)
        %dma_wait3A_1330 = arith.constant 0 : i32
        %dma_wait3A_1331 = tpu.memref_slice %arg5[%arg0, %mul3A_1280, %dma_wait3A_1330] : memref<2x10000x128xf32, #tpu.memory_space<hbm>> -> memref<1x624x128xf32, #tpu.memory_space<hbm>>
        %dma_wait3A_1332 = tpu.memref_squeeze %dma_wait3A_1331 : memref<1x624x128xf32, #tpu.memory_space<hbm>> -> memref<624x128xf32, #tpu.memory_space<hbm>>
        %dma_wait3A_1333 = arith.constant 0 : i32
        %dma_wait3A_1334 = tpu.memref_slice %arg11[%mul3A_1280, %dma_wait3A_1333] : memref<10000x128xf32, #tpu.memory_space<vmem_shared>> -> memref<624x128xf32, #tpu.memory_space<vmem_shared>>
        tpu.wait_dma2 semaphore(%run_scoped3A_1324 : memref<!tpu.dma_semaphore, #tpu.memory_space<semaphore_mem>>) src(%dma_wait3A_1334 : memref<624x128xf32, #tpu.memory_space<vmem_shared>>) dst(%dma_wait3A_1332 : memref<624x128xf32, #tpu.memory_space<hbm>>)
        tpu.yield
      }) : () -> ()
    } else {
    }
    %eq3A_1319 = arith.constant 15 : i32
    %eq3A_1320 = arith.cmpi eq, %arg1, %eq3A_1319 : i32
    %convert_element_type3A_1321 = arith.extui %eq3A_1320 : i1 to i32
    %cond3A_1322 = arith.constant 0 : i32
    %cond3A_1323 = arith.cmpi ne, %convert_element_type3A_1321, %cond3A_1322 : i32
    scf.if %cond3A_1323 {
      "tpu.region"() ({
        %run_scoped3A_1324 = tpu.sem_alloc : memref<!tpu.dma_semaphore, #tpu.memory_space<semaphore_mem>>
        %dma_start3A_1325 = arith.constant 9360 : i32
        %dma_start3A_1326 = arith.constant 0 : i32
        %dma_start3A_1327 = tpu.memref_slice %arg5[%arg0, %dma_start3A_1325, %dma_start3A_1326] : memref<2x10000x128xf32, #tpu.memory_space<hbm>> -> memref<1x640x128xf32, #tpu.memory_space<hbm>>
        %dma_start3A_1328 = tpu.memref_squeeze %dma_start3A_1327 : memref<1x640x128xf32, #tpu.memory_space<hbm>> -> memref<640x128xf32, #tpu.memory_space<hbm>>
        %dma_start3A_1329 = arith.constant 9360 : i32
        %dma_start3A_1330 = arith.constant 0 : i32
        %dma_start3A_1331 = tpu.memref_slice %arg11[%dma_start3A_1329, %dma_start3A_1330] : memref<10000x128xf32, #tpu.memory_space<vmem_shared>> -> memref<640x128xf32, #tpu.memory_space<vmem_shared>>
        tpu.enqueue_dma source(%dma_start3A_1331 : memref<640x128xf32, #tpu.memory_space<vmem_shared>>) target(%dma_start3A_1328 : memref<640x128xf32, #tpu.memory_space<hbm>>) target_semaphore(%run_scoped3A_1324 : memref<!tpu.dma_semaphore, #tpu.memory_space<semaphore_mem>>)
        %dma_wait3A_1332 = arith.constant 9360 : i32
        %dma_wait3A_1333 = arith.constant 0 : i32
        %dma_wait3A_1334 = tpu.memref_slice %arg5[%arg0, %dma_wait3A_1332, %dma_wait3A_1333] : memref<2x10000x128xf32, #tpu.memory_space<hbm>> -> memref<1x640x128xf32, #tpu.memory_space<hbm>>
        %dma_wait3A_1335 = tpu.memref_squeeze %dma_wait3A_1334 : memref<1x640x128xf32, #tpu.memory_space<hbm>> -> memref<640x128xf32, #tpu.memory_space<hbm>>
        %dma_wait3A_1336 = arith.constant 9360 : i32
        %dma_wait3A_1337 = arith.constant 0 : i32
        %dma_wait3A_1338 = tpu.memref_slice %arg11[%dma_wait3A_1336, %dma_wait3A_1337] : memref<10000x128xf32, #tpu.memory_space<vmem_shared>> -> memref<640x128xf32, #tpu.memory_space<vmem_shared>>
        tpu.wait_dma2 semaphore(%run_scoped3A_1324 : memref<!tpu.dma_semaphore, #tpu.memory_space<semaphore_mem>>) src(%dma_wait3A_1338 : memref<640x128xf32, #tpu.memory_space<vmem_shared>>) dst(%dma_wait3A_1335 : memref<640x128xf32, #tpu.memory_space<hbm>>)
        tpu.yield
      }) : () -> ()
    } else {
    }
    return
  }
}

#map = affine_map<(d0, d1) -> (0, 0, 0)>
module attributes {stable_mosaic.version = 14 : i64} {
  func.func @_sc_degree_body(%arg0: i32, %arg1: i32, %arg2: memref<32x125x80xi32, #tpu.memory_space<hbm>>, %arg3: memref<2x1x10000xf32, #tpu.memory_space<hbm>>, %arg4: memref<125x80xi32, #tpu.memory_space<vmem>>, %arg5: memref<80xf32, #tpu.memory_space<vmem>>, %arg6: memref<2000xf32, #tpu.memory_space<vmem>>, %arg7: memref<10000xf32, #tpu.memory_space<vmem_shared>>) attributes {dimension_semantics = [#tpu.dimension_semantics<core_parallel>, #tpu.dimension_semantics<subcore_parallel>], iteration_bounds = array<i64: 2, 16>, scalar_prefetch = 0 : i64, scratch_operands = 4 : i64, tpu.core_type = #tpu.core_type<sc_vector_subcore>, window_params = [{transform_indices = #map}, {transform_indices = #map}]} {
    %mul3A = arith.constant 2 : i32
    %mul3A_0 = arith.muli %arg1, %mul3A : i32
    %add3A = arith.addi %mul3A_0, %arg0 : i32
    %broadcast_in_dim3A = arith.constant 1.000000e+00 : f32
    %broadcast_in_dim3A_1 = vector.broadcast %broadcast_in_dim3A : f32 to vector<16xf32>
    %swap3A = arith.constant 0 : index
    %swap3A_2 = tpu.vector_load %arg5[%swap3A] {strides = array<i32>} : memref<80xf32, #tpu.memory_space<vmem>>, vector<16xf32>,
    %swap3A_3 = vector.shape_cast %swap3A_2 : vector<16xf32> to vector<16xf32>
    %swap3A_4 = vector.shape_cast %broadcast_in_dim3A_1 : vector<16xf32> to vector<16xf32>
    tpu.vector_store %arg5[%swap3A], %swap3A_4 {strides = array<i32>} : memref<80xf32, #tpu.memory_space<vmem>>, vector<16xf32>,
    %broadcast_in_dim3A_5 = arith.constant 1.000000e+00 : f32
    %broadcast_in_dim3A_6 = vector.broadcast %broadcast_in_dim3A_5 : f32 to vector<16xf32>
    %swap3A_7 = arith.constant 16 : index
    %swap3A_8 = tpu.vector_load %arg5[%swap3A_7] {strides = array<i32>} : memref<80xf32, #tpu.memory_space<vmem>>, vector<16xf32>,
    %swap3A_9 = vector.shape_cast %swap3A_8 : vector<16xf32> to vector<16xf32>
    %swap3A_10 = vector.shape_cast %broadcast_in_dim3A_6 : vector<16xf32> to vector<16xf32>
    tpu.vector_store %arg5[%swap3A_7], %swap3A_10 {strides = array<i32>} : memref<80xf32, #tpu.memory_space<vmem>>, vector<16xf32>,
    %broadcast_in_dim3A_11 = arith.constant 1.000000e+00 : f32
    %broadcast_in_dim3A_12 = vector.broadcast %broadcast_in_dim3A_11 : f32 to vector<16xf32>
    %swap3A_13 = arith.constant 32 : index
    %swap3A_14 = tpu.vector_load %arg5[%swap3A_13] {strides = array<i32>} : memref<80xf32, #tpu.memory_space<vmem>>, vector<16xf32>,
    %swap3A_15 = vector.shape_cast %swap3A_14 : vector<16xf32> to vector<16xf32>
    %swap3A_16 = vector.shape_cast %broadcast_in_dim3A_12 : vector<16xf32> to vector<16xf32>
    tpu.vector_store %arg5[%swap3A_13], %swap3A_16 {strides = array<i32>} : memref<80xf32, #tpu.memory_space<vmem>>, vector<16xf32>,
    %broadcast_in_dim3A_17 = arith.constant 1.000000e+00 : f32
    %broadcast_in_dim3A_18 = vector.broadcast %broadcast_in_dim3A_17 : f32 to vector<16xf32>
    %swap3A_19 = arith.constant 48 : index
    %swap3A_20 = tpu.vector_load %arg5[%swap3A_19] {strides = array<i32>} : memref<80xf32, #tpu.memory_space<vmem>>, vector<16xf32>,
    %swap3A_21 = vector.shape_cast %swap3A_20 : vector<16xf32> to vector<16xf32>
    %swap3A_22 = vector.shape_cast %broadcast_in_dim3A_18 : vector<16xf32> to vector<16xf32>
    tpu.vector_store %arg5[%swap3A_19], %swap3A_22 {strides = array<i32>} : memref<80xf32, #tpu.memory_space<vmem>>, vector<16xf32>,
    %broadcast_in_dim3A_23 = arith.constant 1.000000e+00 : f32
    %broadcast_in_dim3A_24 = vector.broadcast %broadcast_in_dim3A_23 : f32 to vector<16xf32>
    %swap3A_25 = arith.constant 64 : index
    %swap3A_26 = tpu.vector_load %arg5[%swap3A_25] {strides = array<i32>} : memref<80xf32, #tpu.memory_space<vmem>>, vector<16xf32>,
    %swap3A_27 = vector.shape_cast %swap3A_26 : vector<16xf32> to vector<16xf32>
    %swap3A_28 = vector.shape_cast %broadcast_in_dim3A_24 : vector<16xf32> to vector<16xf32>
    tpu.vector_store %arg5[%swap3A_25], %swap3A_28 {strides = array<i32>} : memref<80xf32, #tpu.memory_space<vmem>>, vector<16xf32>,
    %broadcast_in_dim3A_29 = arith.constant 0.000000e+00 : f32
    %broadcast_in_dim3A_30 = vector.broadcast %broadcast_in_dim3A_29 : f32 to vector<16xf32>
    %swap3A_31 = arith.constant 0 : index
    %swap3A_32 = tpu.vector_load %arg6[%swap3A_31] {strides = array<i32>} : memref<2000xf32, #tpu.memory_space<vmem>>, vector<16xf32>,
    %swap3A_33 = vector.shape_cast %swap3A_32 : vector<16xf32> to vector<16xf32>
    %swap3A_34 = vector.shape_cast %broadcast_in_dim3A_30 : vector<16xf32> to vector<16xf32>
    tpu.vector_store %arg6[%swap3A_31], %swap3A_34 {strides = array<i32>} : memref<2000xf32, #tpu.memory_space<vmem>>, vector<16xf32>,
    %broadcast_in_dim3A_35 = arith.constant 0.000000e+00 : f32
    %broadcast_in_dim3A_36 = vector.broadcast %broadcast_in_dim3A_35 : f32 to vector<16xf32>
    %swap3A_37 = arith.constant 16 : index
    %swap3A_38 = tpu.vector_load %arg6[%swap3A_37] {strides = array<i32>} : memref<2000xf32, #tpu.memory_space<vmem>>, vector<16xf32>,
    %swap3A_39 = vector.shape_cast %swap3A_38 : vector<16xf32> to vector<16xf32>
    %swap3A_40 = vector.shape_cast %broadcast_in_dim3A_36 : vector<16xf32> to vector<16xf32>
    tpu.vector_store %arg6[%swap3A_37], %swap3A_40 {strides = array<i32>} : memref<2000xf32, #tpu.memory_space<vmem>>, vector<16xf32>,
    %broadcast_in_dim3A_41 = arith.constant 0.000000e+00 : f32
    %broadcast_in_dim3A_42 = vector.broadcast %broadcast_in_dim3A_41 : f32 to vector<16xf32>
    %swap3A_43 = arith.constant 32 : index
    %swap3A_44 = tpu.vector_load %arg6[%swap3A_43] {strides = array<i32>} : memref<2000xf32, #tpu.memory_space<vmem>>, vector<16xf32>,
    %swap3A_45 = vector.shape_cast %swap3A_44 : vector<16xf32> to vector<16xf32>
    %swap3A_46 = vector.shape_cast %broadcast_in_dim3A_42 : vector<16xf32> to vector<16xf32>
    tpu.vector_store %arg6[%swap3A_43], %swap3A_46 {strides = array<i32>} : memref<2000xf32, #tpu.memory_space<vmem>>, vector<16xf32>,
    %broadcast_in_dim3A_47 = arith.constant 0.000000e+00 : f32
    %broadcast_in_dim3A_48 = vector.broadcast %broadcast_in_dim3A_47 : f32 to vector<16xf32>
    %swap3A_49 = arith.constant 48 : index
    %swap3A_50 = tpu.vector_load %arg6[%swap3A_49] {strides = array<i32>} : memref<2000xf32, #tpu.memory_space<vmem>>, vector<16xf32>,
    %swap3A_51 = vector.shape_cast %swap3A_50 : vector<16xf32> to vector<16xf32>
    %swap3A_52 = vector.shape_cast %broadcast_in_dim3A_48 : vector<16xf32> to vector<16xf32>
    tpu.vector_store %arg6[%swap3A_49], %swap3A_52 {strides = array<i32>} : memref<2000xf32, #tpu.memory_space<vmem>>, vector<16xf32>,
    %broadcast_in_dim3A_53 = arith.constant 0.000000e+00 : f32
    %broadcast_in_dim3A_54 = vector.broadcast %broadcast_in_dim3A_53 : f32 to vector<16xf32>
    %swap3A_55 = arith.constant 64 : index
    %swap3A_56 = tpu.vector_load %arg6[%swap3A_55] {strides = array<i32>} : memref<2000xf32, #tpu.memory_space<vmem>>, vector<16xf32>,
    %swap3A_57 = vector.shape_cast %swap3A_56 : vector<16xf32> to vector<16xf32>
    %swap3A_58 = vector.shape_cast %broadcast_in_dim3A_54 : vector<16xf32> to vector<16xf32>
    tpu.vector_store %arg6[%swap3A_55], %swap3A_58 {strides = array<i32>} : memref<2000xf32, #tpu.memory_space<vmem>>, vector<16xf32>,
    %broadcast_in_dim3A_59 = arith.constant 0.000000e+00 : f32
    %broadcast_in_dim3A_60 = vector.broadcast %broadcast_in_dim3A_59 : f32 to vector<16xf32>
    %swap3A_61 = arith.constant 80 : index
    %swap3A_62 = tpu.vector_load %arg6[%swap3A_61] {strides = array<i32>} : memref<2000xf32, #tpu.memory_space<vmem>>, vector<16xf32>,
    %swap3A_63 = vector.shape_cast %swap3A_62 : vector<16xf32> to vector<16xf32>
    %swap3A_64 = vector.shape_cast %broadcast_in_dim3A_60 : vector<16xf32> to vector<16xf32>
    tpu.vector_store %arg6[%swap3A_61], %swap3A_64 {strides = array<i32>} : memref<2000xf32, #tpu.memory_space<vmem>>, vector<16xf32>,
    %broadcast_in_dim3A_65 = arith.constant 0.000000e+00 : f32
    %broadcast_in_dim3A_66 = vector.broadcast %broadcast_in_dim3A_65 : f32 to vector<16xf32>
    %swap3A_67 = arith.constant 96 : index
    %swap3A_68 = tpu.vector_load %arg6[%swap3A_67] {strides = array<i32>} : memref<2000xf32, #tpu.memory_space<vmem>>, vector<16xf32>,
    %swap3A_69 = vector.shape_cast %swap3A_68 : vector<16xf32> to vector<16xf32>
    %swap3A_70 = vector.shape_cast %broadcast_in_dim3A_66 : vector<16xf32> to vector<16xf32>
    tpu.vector_store %arg6[%swap3A_67], %swap3A_70 {strides = array<i32>} : memref<2000xf32, #tpu.memory_space<vmem>>, vector<16xf32>,
    %broadcast_in_dim3A_71 = arith.constant 0.000000e+00 : f32
    %broadcast_in_dim3A_72 = vector.broadcast %broadcast_in_dim3A_71 : f32 to vector<16xf32>
    %swap3A_73 = arith.constant 112 : index
    %swap3A_74 = tpu.vector_load %arg6[%swap3A_73] {strides = array<i32>} : memref<2000xf32, #tpu.memory_space<vmem>>, vector<16xf32>,
    %swap3A_75 = vector.shape_cast %swap3A_74 : vector<16xf32> to vector<16xf32>
    %swap3A_76 = vector.shape_cast %broadcast_in_dim3A_72 : vector<16xf32> to vector<16xf32>
    tpu.vector_store %arg6[%swap3A_73], %swap3A_76 {strides = array<i32>} : memref<2000xf32, #tpu.memory_space<vmem>>, vector<16xf32>,
    %broadcast_in_dim3A_77 = arith.constant 0.000000e+00 : f32
    %broadcast_in_dim3A_78 = vector.broadcast %broadcast_in_dim3A_77 : f32 to vector<16xf32>
    %swap3A_79 = arith.constant 128 : index
    %swap3A_80 = tpu.vector_load %arg6[%swap3A_79] {strides = array<i32>} : memref<2000xf32, #tpu.memory_space<vmem>>, vector<16xf32>,
    %swap3A_81 = vector.shape_cast %swap3A_80 : vector<16xf32> to vector<16xf32>
    %swap3A_82 = vector.shape_cast %broadcast_in_dim3A_78 : vector<16xf32> to vector<16xf32>
    tpu.vector_store %arg6[%swap3A_79], %swap3A_82 {strides = array<i32>} : memref<2000xf32, #tpu.memory_space<vmem>>, vector<16xf32>,
    %broadcast_in_dim3A_83 = arith.constant 0.000000e+00 : f32
    %broadcast_in_dim3A_84 = vector.broadcast %broadcast_in_dim3A_83 : f32 to vector<16xf32>
    %swap3A_85 = arith.constant 144 : index
    %swap3A_86 = tpu.vector_load %arg6[%swap3A_85] {strides = array<i32>} : memref<2000xf32, #tpu.memory_space<vmem>>, vector<16xf32>,
    %swap3A_87 = vector.shape_cast %swap3A_86 : vector<16xf32> to vector<16xf32>
    %swap3A_88 = vector.shape_cast %broadcast_in_dim3A_84 : vector<16xf32> to vector<16xf32>
    tpu.vector_store %arg6[%swap3A_85], %swap3A_88 {strides = array<i32>} : memref<2000xf32, #tpu.memory_space<vmem>>, vector<16xf32>,
    %broadcast_in_dim3A_89 = arith.constant 0.000000e+00 : f32
    %broadcast_in_dim3A_90 = vector.broadcast %broadcast_in_dim3A_89 : f32 to vector<16xf32>
    %swap3A_91 = arith.constant 160 : index
    %swap3A_92 = tpu.vector_load %arg6[%swap3A_91] {strides = array<i32>} : memref<2000xf32, #tpu.memory_space<vmem>>, vector<16xf32>,
    %swap3A_93 = vector.shape_cast %swap3A_92 : vector<16xf32> to vector<16xf32>
    %swap3A_94 = vector.shape_cast %broadcast_in_dim3A_90 : vector<16xf32> to vector<16xf32>
    tpu.vector_store %arg6[%swap3A_91], %swap3A_94 {strides = array<i32>} : memref<2000xf32, #tpu.memory_space<vmem>>, vector<16xf32>,
    %broadcast_in_dim3A_95 = arith.constant 0.000000e+00 : f32
    %broadcast_in_dim3A_96 = vector.broadcast %broadcast_in_dim3A_95 : f32 to vector<16xf32>
    %swap3A_97 = arith.constant 176 : index
    %swap3A_98 = tpu.vector_load %arg6[%swap3A_97] {strides = array<i32>} : memref<2000xf32, #tpu.memory_space<vmem>>, vector<16xf32>,
    %swap3A_99 = vector.shape_cast %swap3A_98 : vector<16xf32> to vector<16xf32>
    %swap3A_100 = vector.shape_cast %broadcast_in_dim3A_96 : vector<16xf32> to vector<16xf32>
    tpu.vector_store %arg6[%swap3A_97], %swap3A_100 {strides = array<i32>} : memref<2000xf32, #tpu.memory_space<vmem>>, vector<16xf32>,
    %broadcast_in_dim3A_101 = arith.constant 0.000000e+00 : f32
    %broadcast_in_dim3A_102 = vector.broadcast %broadcast_in_dim3A_101 : f32 to vector<16xf32>
    %swap3A_103 = arith.constant 192 : index
    %swap3A_104 = tpu.vector_load %arg6[%swap3A_103] {strides = array<i32>} : memref<2000xf32, #tpu.memory_space<vmem>>, vector<16xf32>,
    %swap3A_105 = vector.shape_cast %swap3A_104 : vector<16xf32> to vector<16xf32>
    %swap3A_106 = vector.shape_cast %broadcast_in_dim3A_102 : vector<16xf32> to vector<16xf32>
    tpu.vector_store %arg6[%swap3A_103], %swap3A_106 {strides = array<i32>} : memref<2000xf32, #tpu.memory_space<vmem>>, vector<16xf32>,
    %broadcast_in_dim3A_107 = arith.constant 0.000000e+00 : f32
    %broadcast_in_dim3A_108 = vector.broadcast %broadcast_in_dim3A_107 : f32 to vector<16xf32>
    %swap3A_109 = arith.constant 208 : index
    %swap3A_110 = tpu.vector_load %arg6[%swap3A_109] {strides = array<i32>} : memref<2000xf32, #tpu.memory_space<vmem>>, vector<16xf32>,
    %swap3A_111 = vector.shape_cast %swap3A_110 : vector<16xf32> to vector<16xf32>
    %swap3A_112 = vector.shape_cast %broadcast_in_dim3A_108 : vector<16xf32> to vector<16xf32>
    tpu.vector_store %arg6[%swap3A_109], %swap3A_112 {strides = array<i32>} : memref<2000xf32, #tpu.memory_space<vmem>>, vector<16xf32>,
    %broadcast_in_dim3A_113 = arith.constant 0.000000e+00 : f32
    %broadcast_in_dim3A_114 = vector.broadcast %broadcast_in_dim3A_113 : f32 to vector<16xf32>
    %swap3A_115 = arith.constant 224 : index
    %swap3A_116 = tpu.vector_load %arg6[%swap3A_115] {strides = array<i32>} : memref<2000xf32, #tpu.memory_space<vmem>>, vector<16xf32>,
    %swap3A_117 = vector.shape_cast %swap3A_116 : vector<16xf32> to vector<16xf32>
    %swap3A_118 = vector.shape_cast %broadcast_in_dim3A_114 : vector<16xf32> to vector<16xf32>
    tpu.vector_store %arg6[%swap3A_115], %swap3A_118 {strides = array<i32>} : memref<2000xf32, #tpu.memory_space<vmem>>, vector<16xf32>,
    %broadcast_in_dim3A_119 = arith.constant 0.000000e+00 : f32
    %broadcast_in_dim3A_120 = vector.broadcast %broadcast_in_dim3A_119 : f32 to vector<16xf32>
    %swap3A_121 = arith.constant 240 : index
    %swap3A_122 = tpu.vector_load %arg6[%swap3A_121] {strides = array<i32>} : memref<2000xf32, #tpu.memory_space<vmem>>, vector<16xf32>,
    %swap3A_123 = vector.shape_cast %swap3A_122 : vector<16xf32> to vector<16xf32>
    %swap3A_124 = vector.shape_cast %broadcast_in_dim3A_120 : vector<16xf32> to vector<16xf32>
    tpu.vector_store %arg6[%swap3A_121], %swap3A_124 {strides = array<i32>} : memref<2000xf32, #tpu.memory_space<vmem>>, vector<16xf32>,
    %broadcast_in_dim3A_125 = arith.constant 0.000000e+00 : f32
    %broadcast_in_dim3A_126 = vector.broadcast %broadcast_in_dim3A_125 : f32 to vector<16xf32>
    %swap3A_127 = arith.constant 256 : index
    %swap3A_128 = tpu.vector_load %arg6[%swap3A_127] {strides = array<i32>} : memref<2000xf32, #tpu.memory_space<vmem>>, vector<16xf32>,
    %swap3A_129 = vector.shape_cast %swap3A_128 : vector<16xf32> to vector<16xf32>
    %swap3A_130 = vector.shape_cast %broadcast_in_dim3A_126 : vector<16xf32> to vector<16xf32>
    tpu.vector_store %arg6[%swap3A_127], %swap3A_130 {strides = array<i32>} : memref<2000xf32, #tpu.memory_space<vmem>>, vector<16xf32>,
    %broadcast_in_dim3A_131 = arith.constant 0.000000e+00 : f32
    %broadcast_in_dim3A_132 = vector.broadcast %broadcast_in_dim3A_131 : f32 to vector<16xf32>
    %swap3A_133 = arith.constant 272 : index
    %swap3A_134 = tpu.vector_load %arg6[%swap3A_133] {strides = array<i32>} : memref<2000xf32, #tpu.memory_space<vmem>>, vector<16xf32>,
    %swap3A_135 = vector.shape_cast %swap3A_134 : vector<16xf32> to vector<16xf32>
    %swap3A_136 = vector.shape_cast %broadcast_in_dim3A_132 : vector<16xf32> to vector<16xf32>
    tpu.vector_store %arg6[%swap3A_133], %swap3A_136 {strides = array<i32>} : memref<2000xf32, #tpu.memory_space<vmem>>, vector<16xf32>,
    %broadcast_in_dim3A_137 = arith.constant 0.000000e+00 : f32
    %broadcast_in_dim3A_138 = vector.broadcast %broadcast_in_dim3A_137 : f32 to vector<16xf32>
    %swap3A_139 = arith.constant 288 : index
    %swap3A_140 = tpu.vector_load %arg6[%swap3A_139] {strides = array<i32>} : memref<2000xf32, #tpu.memory_space<vmem>>, vector<16xf32>,
    %swap3A_141 = vector.shape_cast %swap3A_140 : vector<16xf32> to vector<16xf32>
    %swap3A_142 = vector.shape_cast %broadcast_in_dim3A_138 : vector<16xf32> to vector<16xf32>
    tpu.vector_store %arg6[%swap3A_139], %swap3A_142 {strides = array<i32>} : memref<2000xf32, #tpu.memory_space<vmem>>, vector<16xf32>,
    %broadcast_in_dim3A_143 = arith.constant 0.000000e+00 : f32
    %broadcast_in_dim3A_144 = vector.broadcast %broadcast_in_dim3A_143 : f32 to vector<16xf32>
    %swap3A_145 = arith.constant 304 : index
    %swap3A_146 = tpu.vector_load %arg6[%swap3A_145] {strides = array<i32>} : memref<2000xf32, #tpu.memory_space<vmem>>, vector<16xf32>,
    %swap3A_147 = vector.shape_cast %swap3A_146 : vector<16xf32> to vector<16xf32>
    %swap3A_148 = vector.shape_cast %broadcast_in_dim3A_144 : vector<16xf32> to vector<16xf32>
    tpu.vector_store %arg6[%swap3A_145], %swap3A_148 {strides = array<i32>} : memref<2000xf32, #tpu.memory_space<vmem>>, vector<16xf32>,
    %broadcast_in_dim3A_149 = arith.constant 0.000000e+00 : f32
    %broadcast_in_dim3A_150 = vector.broadcast %broadcast_in_dim3A_149 : f32 to vector<16xf32>
    %swap3A_151 = arith.constant 320 : index
    %swap3A_152 = tpu.vector_load %arg6[%swap3A_151] {strides = array<i32>} : memref<2000xf32, #tpu.memory_space<vmem>>, vector<16xf32>,
    %swap3A_153 = vector.shape_cast %swap3A_152 : vector<16xf32> to vector<16xf32>
    %swap3A_154 = vector.shape_cast %broadcast_in_dim3A_150 : vector<16xf32> to vector<16xf32>
    tpu.vector_store %arg6[%swap3A_151], %swap3A_154 {strides = array<i32>} : memref<2000xf32, #tpu.memory_space<vmem>>, vector<16xf32>,
    %broadcast_in_dim3A_155 = arith.constant 0.000000e+00 : f32
    %broadcast_in_dim3A_156 = vector.broadcast %broadcast_in_dim3A_155 : f32 to vector<16xf32>
    %swap3A_157 = arith.constant 336 : index
    %swap3A_158 = tpu.vector_load %arg6[%swap3A_157] {strides = array<i32>} : memref<2000xf32, #tpu.memory_space<vmem>>, vector<16xf32>,
    %swap3A_159 = vector.shape_cast %swap3A_158 : vector<16xf32> to vector<16xf32>
    %swap3A_160 = vector.shape_cast %broadcast_in_dim3A_156 : vector<16xf32> to vector<16xf32>
    tpu.vector_store %arg6[%swap3A_157], %swap3A_160 {strides = array<i32>} : memref<2000xf32, #tpu.memory_space<vmem>>, vector<16xf32>,
    %broadcast_in_dim3A_161 = arith.constant 0.000000e+00 : f32
    %broadcast_in_dim3A_162 = vector.broadcast %broadcast_in_dim3A_161 : f32 to vector<16xf32>
    %swap3A_163 = arith.constant 352 : index
    %swap3A_164 = tpu.vector_load %arg6[%swap3A_163] {strides = array<i32>} : memref<2000xf32, #tpu.memory_space<vmem>>, vector<16xf32>,
    %swap3A_165 = vector.shape_cast %swap3A_164 : vector<16xf32> to vector<16xf32>
    %swap3A_166 = vector.shape_cast %broadcast_in_dim3A_162 : vector<16xf32> to vector<16xf32>
    tpu.vector_store %arg6[%swap3A_163], %swap3A_166 {strides = array<i32>} : memref<2000xf32, #tpu.memory_space<vmem>>, vector<16xf32>,
    %broadcast_in_dim3A_167 = arith.constant 0.000000e+00 : f32
    %broadcast_in_dim3A_168 = vector.broadcast %broadcast_in_dim3A_167 : f32 to vector<16xf32>
    %swap3A_169 = arith.constant 368 : index
    %swap3A_170 = tpu.vector_load %arg6[%swap3A_169] {strides = array<i32>} : memref<2000xf32, #tpu.memory_space<vmem>>, vector<16xf32>,
    %swap3A_171 = vector.shape_cast %swap3A_170 : vector<16xf32> to vector<16xf32>
    %swap3A_172 = vector.shape_cast %broadcast_in_dim3A_168 : vector<16xf32> to vector<16xf32>
    tpu.vector_store %arg6[%swap3A_169], %swap3A_172 {strides = array<i32>} : memref<2000xf32, #tpu.memory_space<vmem>>, vector<16xf32>,
    %broadcast_in_dim3A_173 = arith.constant 0.000000e+00 : f32
    %broadcast_in_dim3A_174 = vector.broadcast %broadcast_in_dim3A_173 : f32 to vector<16xf32>
    %swap3A_175 = arith.constant 384 : index
    %swap3A_176 = tpu.vector_load %arg6[%swap3A_175] {strides = array<i32>} : memref<2000xf32, #tpu.memory_space<vmem>>, vector<16xf32>,
    %swap3A_177 = vector.shape_cast %swap3A_176 : vector<16xf32> to vector<16xf32>
    %swap3A_178 = vector.shape_cast %broadcast_in_dim3A_174 : vector<16xf32> to vector<16xf32>
    tpu.vector_store %arg6[%swap3A_175], %swap3A_178 {strides = array<i32>} : memref<2000xf32, #tpu.memory_space<vmem>>, vector<16xf32>,
    %broadcast_in_dim3A_179 = arith.constant 0.000000e+00 : f32
    %broadcast_in_dim3A_180 = vector.broadcast %broadcast_in_dim3A_179 : f32 to vector<16xf32>
    %swap3A_181 = arith.constant 400 : index
    %swap3A_182 = tpu.vector_load %arg6[%swap3A_181] {strides = array<i32>} : memref<2000xf32, #tpu.memory_space<vmem>>, vector<16xf32>,
    %swap3A_183 = vector.shape_cast %swap3A_182 : vector<16xf32> to vector<16xf32>
    %swap3A_184 = vector.shape_cast %broadcast_in_dim3A_180 : vector<16xf32> to vector<16xf32>
    tpu.vector_store %arg6[%swap3A_181], %swap3A_184 {strides = array<i32>} : memref<2000xf32, #tpu.memory_space<vmem>>, vector<16xf32>,
    %broadcast_in_dim3A_185 = arith.constant 0.000000e+00 : f32
    %broadcast_in_dim3A_186 = vector.broadcast %broadcast_in_dim3A_185 : f32 to vector<16xf32>
    %swap3A_187 = arith.constant 416 : index
    %swap3A_188 = tpu.vector_load %arg6[%swap3A_187] {strides = array<i32>} : memref<2000xf32, #tpu.memory_space<vmem>>, vector<16xf32>,
    %swap3A_189 = vector.shape_cast %swap3A_188 : vector<16xf32> to vector<16xf32>
    %swap3A_190 = vector.shape_cast %broadcast_in_dim3A_186 : vector<16xf32> to vector<16xf32>
    tpu.vector_store %arg6[%swap3A_187], %swap3A_190 {strides = array<i32>} : memref<2000xf32, #tpu.memory_space<vmem>>, vector<16xf32>,
    %broadcast_in_dim3A_191 = arith.constant 0.000000e+00 : f32
    %broadcast_in_dim3A_192 = vector.broadcast %broadcast_in_dim3A_191 : f32 to vector<16xf32>
    %swap3A_193 = arith.constant 432 : index
    %swap3A_194 = tpu.vector_load %arg6[%swap3A_193] {strides = array<i32>} : memref<2000xf32, #tpu.memory_space<vmem>>, vector<16xf32>,
    %swap3A_195 = vector.shape_cast %swap3A_194 : vector<16xf32> to vector<16xf32>
    %swap3A_196 = vector.shape_cast %broadcast_in_dim3A_192 : vector<16xf32> to vector<16xf32>
    tpu.vector_store %arg6[%swap3A_193], %swap3A_196 {strides = array<i32>} : memref<2000xf32, #tpu.memory_space<vmem>>, vector<16xf32>,
    %broadcast_in_dim3A_197 = arith.constant 0.000000e+00 : f32
    %broadcast_in_dim3A_198 = vector.broadcast %broadcast_in_dim3A_197 : f32 to vector<16xf32>
    %swap3A_199 = arith.constant 448 : index
    %swap3A_200 = tpu.vector_load %arg6[%swap3A_199] {strides = array<i32>} : memref<2000xf32, #tpu.memory_space<vmem>>, vector<16xf32>,
    %swap3A_201 = vector.shape_cast %swap3A_200 : vector<16xf32> to vector<16xf32>
    %swap3A_202 = vector.shape_cast %broadcast_in_dim3A_198 : vector<16xf32> to vector<16xf32>
    tpu.vector_store %arg6[%swap3A_199], %swap3A_202 {strides = array<i32>} : memref<2000xf32, #tpu.memory_space<vmem>>, vector<16xf32>,
    %broadcast_in_dim3A_203 = arith.constant 0.000000e+00 : f32
    %broadcast_in_dim3A_204 = vector.broadcast %broadcast_in_dim3A_203 : f32 to vector<16xf32>
    %swap3A_205 = arith.constant 464 : index
    %swap3A_206 = tpu.vector_load %arg6[%swap3A_205] {strides = array<i32>} : memref<2000xf32, #tpu.memory_space<vmem>>, vector<16xf32>,
    %swap3A_207 = vector.shape_cast %swap3A_206 : vector<16xf32> to vector<16xf32>
    %swap3A_208 = vector.shape_cast %broadcast_in_dim3A_204 : vector<16xf32> to vector<16xf32>
    tpu.vector_store %arg6[%swap3A_205], %swap3A_208 {strides = array<i32>} : memref<2000xf32, #tpu.memory_space<vmem>>, vector<16xf32>,
    %broadcast_in_dim3A_209 = arith.constant 0.000000e+00 : f32
    %broadcast_in_dim3A_210 = vector.broadcast %broadcast_in_dim3A_209 : f32 to vector<16xf32>
    %swap3A_211 = arith.constant 480 : index
    %swap3A_212 = tpu.vector_load %arg6[%swap3A_211] {strides = array<i32>} : memref<2000xf32, #tpu.memory_space<vmem>>, vector<16xf32>,
    %swap3A_213 = vector.shape_cast %swap3A_212 : vector<16xf32> to vector<16xf32>
    %swap3A_214 = vector.shape_cast %broadcast_in_dim3A_210 : vector<16xf32> to vector<16xf32>
    tpu.vector_store %arg6[%swap3A_211], %swap3A_214 {strides = array<i32>} : memref<2000xf32, #tpu.memory_space<vmem>>, vector<16xf32>,
    %broadcast_in_dim3A_215 = arith.constant 0.000000e+00 : f32
    %broadcast_in_dim3A_216 = vector.broadcast %broadcast_in_dim3A_215 : f32 to vector<16xf32>
    %swap3A_217 = arith.constant 496 : index
    %swap3A_218 = tpu.vector_load %arg6[%swap3A_217] {strides = array<i32>} : memref<2000xf32, #tpu.memory_space<vmem>>, vector<16xf32>,
    %swap3A_219 = vector.shape_cast %swap3A_218 : vector<16xf32> to vector<16xf32>
    %swap3A_220 = vector.shape_cast %broadcast_in_dim3A_216 : vector<16xf32> to vector<16xf32>
    tpu.vector_store %arg6[%swap3A_217], %swap3A_220 {strides = array<i32>} : memref<2000xf32, #tpu.memory_space<vmem>>, vector<16xf32>,
    %broadcast_in_dim3A_221 = arith.constant 0.000000e+00 : f32
    %broadcast_in_dim3A_222 = vector.broadcast %broadcast_in_dim3A_221 : f32 to vector<16xf32>
    %swap3A_223 = arith.constant 512 : index
    %swap3A_224 = tpu.vector_load %arg6[%swap3A_223] {strides = array<i32>} : memref<2000xf32, #tpu.memory_space<vmem>>, vector<16xf32>,
    %swap3A_225 = vector.shape_cast %swap3A_224 : vector<16xf32> to vector<16xf32>
    %swap3A_226 = vector.shape_cast %broadcast_in_dim3A_222 : vector<16xf32> to vector<16xf32>
    tpu.vector_store %arg6[%swap3A_223], %swap3A_226 {strides = array<i32>} : memref<2000xf32, #tpu.memory_space<vmem>>, vector<16xf32>,
    %broadcast_in_dim3A_227 = arith.constant 0.000000e+00 : f32
    %broadcast_in_dim3A_228 = vector.broadcast %broadcast_in_dim3A_227 : f32 to vector<16xf32>
    %swap3A_229 = arith.constant 528 : index
    %swap3A_230 = tpu.vector_load %arg6[%swap3A_229] {strides = array<i32>} : memref<2000xf32, #tpu.memory_space<vmem>>, vector<16xf32>,
    %swap3A_231 = vector.shape_cast %swap3A_230 : vector<16xf32> to vector<16xf32>
    %swap3A_232 = vector.shape_cast %broadcast_in_dim3A_228 : vector<16xf32> to vector<16xf32>
    tpu.vector_store %arg6[%swap3A_229], %swap3A_232 {strides = array<i32>} : memref<2000xf32, #tpu.memory_space<vmem>>, vector<16xf32>,
    %broadcast_in_dim3A_233 = arith.constant 0.000000e+00 : f32
    %broadcast_in_dim3A_234 = vector.broadcast %broadcast_in_dim3A_233 : f32 to vector<16xf32>
    %swap3A_235 = arith.constant 544 : index
    %swap3A_236 = tpu.vector_load %arg6[%swap3A_235] {strides = array<i32>} : memref<2000xf32, #tpu.memory_space<vmem>>, vector<16xf32>,
    %swap3A_237 = vector.shape_cast %swap3A_236 : vector<16xf32> to vector<16xf32>
    %swap3A_238 = vector.shape_cast %broadcast_in_dim3A_234 : vector<16xf32> to vector<16xf32>
    tpu.vector_store %arg6[%swap3A_235], %swap3A_238 {strides = array<i32>} : memref<2000xf32, #tpu.memory_space<vmem>>, vector<16xf32>,
    %broadcast_in_dim3A_239 = arith.constant 0.000000e+00 : f32
    %broadcast_in_dim3A_240 = vector.broadcast %broadcast_in_dim3A_239 : f32 to vector<16xf32>
    %swap3A_241 = arith.constant 560 : index
    %swap3A_242 = tpu.vector_load %arg6[%swap3A_241] {strides = array<i32>} : memref<2000xf32, #tpu.memory_space<vmem>>, vector<16xf32>,
    %swap3A_243 = vector.shape_cast %swap3A_242 : vector<16xf32> to vector<16xf32>
    %swap3A_244 = vector.shape_cast %broadcast_in_dim3A_240 : vector<16xf32> to vector<16xf32>
    tpu.vector_store %arg6[%swap3A_241], %swap3A_244 {strides = array<i32>} : memref<2000xf32, #tpu.memory_space<vmem>>, vector<16xf32>,
    %broadcast_in_dim3A_245 = arith.constant 0.000000e+00 : f32
    %broadcast_in_dim3A_246 = vector.broadcast %broadcast_in_dim3A_245 : f32 to vector<16xf32>
    %swap3A_247 = arith.constant 576 : index
    %swap3A_248 = tpu.vector_load %arg6[%swap3A_247] {strides = array<i32>} : memref<2000xf32, #tpu.memory_space<vmem>>, vector<16xf32>,
    %swap3A_249 = vector.shape_cast %swap3A_248 : vector<16xf32> to vector<16xf32>
    %swap3A_250 = vector.shape_cast %broadcast_in_dim3A_246 : vector<16xf32> to vector<16xf32>
    tpu.vector_store %arg6[%swap3A_247], %swap3A_250 {strides = array<i32>} : memref<2000xf32, #tpu.memory_space<vmem>>, vector<16xf32>,
    %broadcast_in_dim3A_251 = arith.constant 0.000000e+00 : f32
    %broadcast_in_dim3A_252 = vector.broadcast %broadcast_in_dim3A_251 : f32 to vector<16xf32>
    %swap3A_253 = arith.constant 592 : index
    %swap3A_254 = tpu.vector_load %arg6[%swap3A_253] {strides = array<i32>} : memref<2000xf32, #tpu.memory_space<vmem>>, vector<16xf32>,
    %swap3A_255 = vector.shape_cast %swap3A_254 : vector<16xf32> to vector<16xf32>
    %swap3A_256 = vector.shape_cast %broadcast_in_dim3A_252 : vector<16xf32> to vector<16xf32>
    tpu.vector_store %arg6[%swap3A_253], %swap3A_256 {strides = array<i32>} : memref<2000xf32, #tpu.memory_space<vmem>>, vector<16xf32>,
    %broadcast_in_dim3A_257 = arith.constant 0.000000e+00 : f32
    %broadcast_in_dim3A_258 = vector.broadcast %broadcast_in_dim3A_257 : f32 to vector<16xf32>
    %swap3A_259 = arith.constant 608 : index
    %swap3A_260 = tpu.vector_load %arg6[%swap3A_259] {strides = array<i32>} : memref<2000xf32, #tpu.memory_space<vmem>>, vector<16xf32>,
    %swap3A_261 = vector.shape_cast %swap3A_260 : vector<16xf32> to vector<16xf32>
    %swap3A_262 = vector.shape_cast %broadcast_in_dim3A_258 : vector<16xf32> to vector<16xf32>
    tpu.vector_store %arg6[%swap3A_259], %swap3A_262 {strides = array<i32>} : memref<2000xf32, #tpu.memory_space<vmem>>, vector<16xf32>,
    %broadcast_in_dim3A_263 = arith.constant 0.000000e+00 : f32
    %broadcast_in_dim3A_264 = vector.broadcast %broadcast_in_dim3A_263 : f32 to vector<16xf32>
    %swap3A_265 = arith.constant 624 : index
    %swap3A_266 = tpu.vector_load %arg6[%swap3A_265] {strides = array<i32>} : memref<2000xf32, #tpu.memory_space<vmem>>, vector<16xf32>,
    %swap3A_267 = vector.shape_cast %swap3A_266 : vector<16xf32> to vector<16xf32>
    %swap3A_268 = vector.shape_cast %broadcast_in_dim3A_264 : vector<16xf32> to vector<16xf32>
    tpu.vector_store %arg6[%swap3A_265], %swap3A_268 {strides = array<i32>} : memref<2000xf32, #tpu.memory_space<vmem>>, vector<16xf32>,
    %broadcast_in_dim3A_269 = arith.constant 0.000000e+00 : f32
    %broadcast_in_dim3A_270 = vector.broadcast %broadcast_in_dim3A_269 : f32 to vector<16xf32>
    %swap3A_271 = arith.constant 640 : index
    %swap3A_272 = tpu.vector_load %arg6[%swap3A_271] {strides = array<i32>} : memref<2000xf32, #tpu.memory_space<vmem>>, vector<16xf32>,
    %swap3A_273 = vector.shape_cast %swap3A_272 : vector<16xf32> to vector<16xf32>
    %swap3A_274 = vector.shape_cast %broadcast_in_dim3A_270 : vector<16xf32> to vector<16xf32>
    tpu.vector_store %arg6[%swap3A_271], %swap3A_274 {strides = array<i32>} : memref<2000xf32, #tpu.memory_space<vmem>>, vector<16xf32>,
    %broadcast_in_dim3A_275 = arith.constant 0.000000e+00 : f32
    %broadcast_in_dim3A_276 = vector.broadcast %broadcast_in_dim3A_275 : f32 to vector<16xf32>
    %swap3A_277 = arith.constant 656 : index
    %swap3A_278 = tpu.vector_load %arg6[%swap3A_277] {strides = array<i32>} : memref<2000xf32, #tpu.memory_space<vmem>>, vector<16xf32>,
    %swap3A_279 = vector.shape_cast %swap3A_278 : vector<16xf32> to vector<16xf32>
    %swap3A_280 = vector.shape_cast %broadcast_in_dim3A_276 : vector<16xf32> to vector<16xf32>
    tpu.vector_store %arg6[%swap3A_277], %swap3A_280 {strides = array<i32>} : memref<2000xf32, #tpu.memory_space<vmem>>, vector<16xf32>,
    %broadcast_in_dim3A_281 = arith.constant 0.000000e+00 : f32
    %broadcast_in_dim3A_282 = vector.broadcast %broadcast_in_dim3A_281 : f32 to vector<16xf32>
    %swap3A_283 = arith.constant 672 : index
    %swap3A_284 = tpu.vector_load %arg6[%swap3A_283] {strides = array<i32>} : memref<2000xf32, #tpu.memory_space<vmem>>, vector<16xf32>,
    %swap3A_285 = vector.shape_cast %swap3A_284 : vector<16xf32> to vector<16xf32>
    %swap3A_286 = vector.shape_cast %broadcast_in_dim3A_282 : vector<16xf32> to vector<16xf32>
    tpu.vector_store %arg6[%swap3A_283], %swap3A_286 {strides = array<i32>} : memref<2000xf32, #tpu.memory_space<vmem>>, vector<16xf32>,
    %broadcast_in_dim3A_287 = arith.constant 0.000000e+00 : f32
    %broadcast_in_dim3A_288 = vector.broadcast %broadcast_in_dim3A_287 : f32 to vector<16xf32>
    %swap3A_289 = arith.constant 688 : index
    %swap3A_290 = tpu.vector_load %arg6[%swap3A_289] {strides = array<i32>} : memref<2000xf32, #tpu.memory_space<vmem>>, vector<16xf32>,
    %swap3A_291 = vector.shape_cast %swap3A_290 : vector<16xf32> to vector<16xf32>
    %swap3A_292 = vector.shape_cast %broadcast_in_dim3A_288 : vector<16xf32> to vector<16xf32>
    tpu.vector_store %arg6[%swap3A_289], %swap3A_292 {strides = array<i32>} : memref<2000xf32, #tpu.memory_space<vmem>>, vector<16xf32>,
    %broadcast_in_dim3A_293 = arith.constant 0.000000e+00 : f32
    %broadcast_in_dim3A_294 = vector.broadcast %broadcast_in_dim3A_293 : f32 to vector<16xf32>
    %swap3A_295 = arith.constant 704 : index
    %swap3A_296 = tpu.vector_load %arg6[%swap3A_295] {strides = array<i32>} : memref<2000xf32, #tpu.memory_space<vmem>>, vector<16xf32>,
    %swap3A_297 = vector.shape_cast %swap3A_296 : vector<16xf32> to vector<16xf32>
    %swap3A_298 = vector.shape_cast %broadcast_in_dim3A_294 : vector<16xf32> to vector<16xf32>
    tpu.vector_store %arg6[%swap3A_295], %swap3A_298 {strides = array<i32>} : memref<2000xf32, #tpu.memory_space<vmem>>, vector<16xf32>,
    %broadcast_in_dim3A_299 = arith.constant 0.000000e+00 : f32
    %broadcast_in_dim3A_300 = vector.broadcast %broadcast_in_dim3A_299 : f32 to vector<16xf32>
    %swap3A_301 = arith.constant 720 : index
    %swap3A_302 = tpu.vector_load %arg6[%swap3A_301] {strides = array<i32>} : memref<2000xf32, #tpu.memory_space<vmem>>, vector<16xf32>,
    %swap3A_303 = vector.shape_cast %swap3A_302 : vector<16xf32> to vector<16xf32>
    %swap3A_304 = vector.shape_cast %broadcast_in_dim3A_300 : vector<16xf32> to vector<16xf32>
    tpu.vector_store %arg6[%swap3A_301], %swap3A_304 {strides = array<i32>} : memref<2000xf32, #tpu.memory_space<vmem>>, vector<16xf32>,
    %broadcast_in_dim3A_305 = arith.constant 0.000000e+00 : f32
    %broadcast_in_dim3A_306 = vector.broadcast %broadcast_in_dim3A_305 : f32 to vector<16xf32>
    %swap3A_307 = arith.constant 736 : index
    %swap3A_308 = tpu.vector_load %arg6[%swap3A_307] {strides = array<i32>} : memref<2000xf32, #tpu.memory_space<vmem>>, vector<16xf32>,
    %swap3A_309 = vector.shape_cast %swap3A_308 : vector<16xf32> to vector<16xf32>
    %swap3A_310 = vector.shape_cast %broadcast_in_dim3A_306 : vector<16xf32> to vector<16xf32>
    tpu.vector_store %arg6[%swap3A_307], %swap3A_310 {strides = array<i32>} : memref<2000xf32, #tpu.memory_space<vmem>>, vector<16xf32>,
    %broadcast_in_dim3A_311 = arith.constant 0.000000e+00 : f32
    %broadcast_in_dim3A_312 = vector.broadcast %broadcast_in_dim3A_311 : f32 to vector<16xf32>
    %swap3A_313 = arith.constant 752 : index
    %swap3A_314 = tpu.vector_load %arg6[%swap3A_313] {strides = array<i32>} : memref<2000xf32, #tpu.memory_space<vmem>>, vector<16xf32>,
    %swap3A_315 = vector.shape_cast %swap3A_314 : vector<16xf32> to vector<16xf32>
    %swap3A_316 = vector.shape_cast %broadcast_in_dim3A_312 : vector<16xf32> to vector<16xf32>
    tpu.vector_store %arg6[%swap3A_313], %swap3A_316 {strides = array<i32>} : memref<2000xf32, #tpu.memory_space<vmem>>, vector<16xf32>,
    %broadcast_in_dim3A_317 = arith.constant 0.000000e+00 : f32
    %broadcast_in_dim3A_318 = vector.broadcast %broadcast_in_dim3A_317 : f32 to vector<16xf32>
    %swap3A_319 = arith.constant 768 : index
    %swap3A_320 = tpu.vector_load %arg6[%swap3A_319] {strides = array<i32>} : memref<2000xf32, #tpu.memory_space<vmem>>, vector<16xf32>,
    %swap3A_321 = vector.shape_cast %swap3A_320 : vector<16xf32> to vector<16xf32>
    %swap3A_322 = vector.shape_cast %broadcast_in_dim3A_318 : vector<16xf32> to vector<16xf32>
    tpu.vector_store %arg6[%swap3A_319], %swap3A_322 {strides = array<i32>} : memref<2000xf32, #tpu.memory_space<vmem>>, vector<16xf32>,
    %broadcast_in_dim3A_323 = arith.constant 0.000000e+00 : f32
    %broadcast_in_dim3A_324 = vector.broadcast %broadcast_in_dim3A_323 : f32 to vector<16xf32>
    %swap3A_325 = arith.constant 784 : index
    %swap3A_326 = tpu.vector_load %arg6[%swap3A_325] {strides = array<i32>} : memref<2000xf32, #tpu.memory_space<vmem>>, vector<16xf32>,
    %swap3A_327 = vector.shape_cast %swap3A_326 : vector<16xf32> to vector<16xf32>
    %swap3A_328 = vector.shape_cast %broadcast_in_dim3A_324 : vector<16xf32> to vector<16xf32>
    tpu.vector_store %arg6[%swap3A_325], %swap3A_328 {strides = array<i32>} : memref<2000xf32, #tpu.memory_space<vmem>>, vector<16xf32>,
    %broadcast_in_dim3A_329 = arith.constant 0.000000e+00 : f32
    %broadcast_in_dim3A_330 = vector.broadcast %broadcast_in_dim3A_329 : f32 to vector<16xf32>
    %swap3A_331 = arith.constant 800 : index
    %swap3A_332 = tpu.vector_load %arg6[%swap3A_331] {strides = array<i32>} : memref<2000xf32, #tpu.memory_space<vmem>>, vector<16xf32>,
    %swap3A_333 = vector.shape_cast %swap3A_332 : vector<16xf32> to vector<16xf32>
    %swap3A_334 = vector.shape_cast %broadcast_in_dim3A_330 : vector<16xf32> to vector<16xf32>
    tpu.vector_store %arg6[%swap3A_331], %swap3A_334 {strides = array<i32>} : memref<2000xf32, #tpu.memory_space<vmem>>, vector<16xf32>,
    %broadcast_in_dim3A_335 = arith.constant 0.000000e+00 : f32
    %broadcast_in_dim3A_336 = vector.broadcast %broadcast_in_dim3A_335 : f32 to vector<16xf32>
    %swap3A_337 = arith.constant 816 : index
    %swap3A_338 = tpu.vector_load %arg6[%swap3A_337] {strides = array<i32>} : memref<2000xf32, #tpu.memory_space<vmem>>, vector<16xf32>,
    %swap3A_339 = vector.shape_cast %swap3A_338 : vector<16xf32> to vector<16xf32>
    %swap3A_340 = vector.shape_cast %broadcast_in_dim3A_336 : vector<16xf32> to vector<16xf32>
    tpu.vector_store %arg6[%swap3A_337], %swap3A_340 {strides = array<i32>} : memref<2000xf32, #tpu.memory_space<vmem>>, vector<16xf32>,
    %broadcast_in_dim3A_341 = arith.constant 0.000000e+00 : f32
    %broadcast_in_dim3A_342 = vector.broadcast %broadcast_in_dim3A_341 : f32 to vector<16xf32>
    %swap3A_343 = arith.constant 832 : index
    %swap3A_344 = tpu.vector_load %arg6[%swap3A_343] {strides = array<i32>} : memref<2000xf32, #tpu.memory_space<vmem>>, vector<16xf32>,
    %swap3A_345 = vector.shape_cast %swap3A_344 : vector<16xf32> to vector<16xf32>
    %swap3A_346 = vector.shape_cast %broadcast_in_dim3A_342 : vector<16xf32> to vector<16xf32>
    tpu.vector_store %arg6[%swap3A_343], %swap3A_346 {strides = array<i32>} : memref<2000xf32, #tpu.memory_space<vmem>>, vector<16xf32>,
    %broadcast_in_dim3A_347 = arith.constant 0.000000e+00 : f32
    %broadcast_in_dim3A_348 = vector.broadcast %broadcast_in_dim3A_347 : f32 to vector<16xf32>
    %swap3A_349 = arith.constant 848 : index
    %swap3A_350 = tpu.vector_load %arg6[%swap3A_349] {strides = array<i32>} : memref<2000xf32, #tpu.memory_space<vmem>>, vector<16xf32>,
    %swap3A_351 = vector.shape_cast %swap3A_350 : vector<16xf32> to vector<16xf32>
    %swap3A_352 = vector.shape_cast %broadcast_in_dim3A_348 : vector<16xf32> to vector<16xf32>
    tpu.vector_store %arg6[%swap3A_349], %swap3A_352 {strides = array<i32>} : memref<2000xf32, #tpu.memory_space<vmem>>, vector<16xf32>,
    %broadcast_in_dim3A_353 = arith.constant 0.000000e+00 : f32
    %broadcast_in_dim3A_354 = vector.broadcast %broadcast_in_dim3A_353 : f32 to vector<16xf32>
    %swap3A_355 = arith.constant 864 : index
    %swap3A_356 = tpu.vector_load %arg6[%swap3A_355] {strides = array<i32>} : memref<2000xf32, #tpu.memory_space<vmem>>, vector<16xf32>,
    %swap3A_357 = vector.shape_cast %swap3A_356 : vector<16xf32> to vector<16xf32>
    %swap3A_358 = vector.shape_cast %broadcast_in_dim3A_354 : vector<16xf32> to vector<16xf32>
    tpu.vector_store %arg6[%swap3A_355], %swap3A_358 {strides = array<i32>} : memref<2000xf32, #tpu.memory_space<vmem>>, vector<16xf32>,
    %broadcast_in_dim3A_359 = arith.constant 0.000000e+00 : f32
    %broadcast_in_dim3A_360 = vector.broadcast %broadcast_in_dim3A_359 : f32 to vector<16xf32>
    %swap3A_361 = arith.constant 880 : index
    %swap3A_362 = tpu.vector_load %arg6[%swap3A_361] {strides = array<i32>} : memref<2000xf32, #tpu.memory_space<vmem>>, vector<16xf32>,
    %swap3A_363 = vector.shape_cast %swap3A_362 : vector<16xf32> to vector<16xf32>
    %swap3A_364 = vector.shape_cast %broadcast_in_dim3A_360 : vector<16xf32> to vector<16xf32>
    tpu.vector_store %arg6[%swap3A_361], %swap3A_364 {strides = array<i32>} : memref<2000xf32, #tpu.memory_space<vmem>>, vector<16xf32>,
    %broadcast_in_dim3A_365 = arith.constant 0.000000e+00 : f32
    %broadcast_in_dim3A_366 = vector.broadcast %broadcast_in_dim3A_365 : f32 to vector<16xf32>
    %swap3A_367 = arith.constant 896 : index
    %swap3A_368 = tpu.vector_load %arg6[%swap3A_367] {strides = array<i32>} : memref<2000xf32, #tpu.memory_space<vmem>>, vector<16xf32>,
    %swap3A_369 = vector.shape_cast %swap3A_368 : vector<16xf32> to vector<16xf32>
    %swap3A_370 = vector.shape_cast %broadcast_in_dim3A_366 : vector<16xf32> to vector<16xf32>
    tpu.vector_store %arg6[%swap3A_367], %swap3A_370 {strides = array<i32>} : memref<2000xf32, #tpu.memory_space<vmem>>, vector<16xf32>,
    %broadcast_in_dim3A_371 = arith.constant 0.000000e+00 : f32
    %broadcast_in_dim3A_372 = vector.broadcast %broadcast_in_dim3A_371 : f32 to vector<16xf32>
    %swap3A_373 = arith.constant 912 : index
    %swap3A_374 = tpu.vector_load %arg6[%swap3A_373] {strides = array<i32>} : memref<2000xf32, #tpu.memory_space<vmem>>, vector<16xf32>,
    %swap3A_375 = vector.shape_cast %swap3A_374 : vector<16xf32> to vector<16xf32>
    %swap3A_376 = vector.shape_cast %broadcast_in_dim3A_372 : vector<16xf32> to vector<16xf32>
    tpu.vector_store %arg6[%swap3A_373], %swap3A_376 {strides = array<i32>} : memref<2000xf32, #tpu.memory_space<vmem>>, vector<16xf32>,
    %broadcast_in_dim3A_377 = arith.constant 0.000000e+00 : f32
    %broadcast_in_dim3A_378 = vector.broadcast %broadcast_in_dim3A_377 : f32 to vector<16xf32>
    %swap3A_379 = arith.constant 928 : index
    %swap3A_380 = tpu.vector_load %arg6[%swap3A_379] {strides = array<i32>} : memref<2000xf32, #tpu.memory_space<vmem>>, vector<16xf32>,
    %swap3A_381 = vector.shape_cast %swap3A_380 : vector<16xf32> to vector<16xf32>
    %swap3A_382 = vector.shape_cast %broadcast_in_dim3A_378 : vector<16xf32> to vector<16xf32>
    tpu.vector_store %arg6[%swap3A_379], %swap3A_382 {strides = array<i32>} : memref<2000xf32, #tpu.memory_space<vmem>>, vector<16xf32>,
    %broadcast_in_dim3A_383 = arith.constant 0.000000e+00 : f32
    %broadcast_in_dim3A_384 = vector.broadcast %broadcast_in_dim3A_383 : f32 to vector<16xf32>
    %swap3A_385 = arith.constant 944 : index
    %swap3A_386 = tpu.vector_load %arg6[%swap3A_385] {strides = array<i32>} : memref<2000xf32, #tpu.memory_space<vmem>>, vector<16xf32>,
    %swap3A_387 = vector.shape_cast %swap3A_386 : vector<16xf32> to vector<16xf32>
    %swap3A_388 = vector.shape_cast %broadcast_in_dim3A_384 : vector<16xf32> to vector<16xf32>
    tpu.vector_store %arg6[%swap3A_385], %swap3A_388 {strides = array<i32>} : memref<2000xf32, #tpu.memory_space<vmem>>, vector<16xf32>,
    %broadcast_in_dim3A_389 = arith.constant 0.000000e+00 : f32
    %broadcast_in_dim3A_390 = vector.broadcast %broadcast_in_dim3A_389 : f32 to vector<16xf32>
    %swap3A_391 = arith.constant 960 : index
    %swap3A_392 = tpu.vector_load %arg6[%swap3A_391] {strides = array<i32>} : memref<2000xf32, #tpu.memory_space<vmem>>, vector<16xf32>,
    %swap3A_393 = vector.shape_cast %swap3A_392 : vector<16xf32> to vector<16xf32>
    %swap3A_394 = vector.shape_cast %broadcast_in_dim3A_390 : vector<16xf32> to vector<16xf32>
    tpu.vector_store %arg6[%swap3A_391], %swap3A_394 {strides = array<i32>} : memref<2000xf32, #tpu.memory_space<vmem>>, vector<16xf32>,
    %broadcast_in_dim3A_395 = arith.constant 0.000000e+00 : f32
    %broadcast_in_dim3A_396 = vector.broadcast %broadcast_in_dim3A_395 : f32 to vector<16xf32>
    %swap3A_397 = arith.constant 976 : index
    %swap3A_398 = tpu.vector_load %arg6[%swap3A_397] {strides = array<i32>} : memref<2000xf32, #tpu.memory_space<vmem>>, vector<16xf32>,
    %swap3A_399 = vector.shape_cast %swap3A_398 : vector<16xf32> to vector<16xf32>
    %swap3A_400 = vector.shape_cast %broadcast_in_dim3A_396 : vector<16xf32> to vector<16xf32>
    tpu.vector_store %arg6[%swap3A_397], %swap3A_400 {strides = array<i32>} : memref<2000xf32, #tpu.memory_space<vmem>>, vector<16xf32>,
    %broadcast_in_dim3A_401 = arith.constant 0.000000e+00 : f32
    %broadcast_in_dim3A_402 = vector.broadcast %broadcast_in_dim3A_401 : f32 to vector<16xf32>
    %swap3A_403 = arith.constant 992 : index
    %swap3A_404 = tpu.vector_load %arg6[%swap3A_403] {strides = array<i32>} : memref<2000xf32, #tpu.memory_space<vmem>>, vector<16xf32>,
    %swap3A_405 = vector.shape_cast %swap3A_404 : vector<16xf32> to vector<16xf32>
    %swap3A_406 = vector.shape_cast %broadcast_in_dim3A_402 : vector<16xf32> to vector<16xf32>
    tpu.vector_store %arg6[%swap3A_403], %swap3A_406 {strides = array<i32>} : memref<2000xf32, #tpu.memory_space<vmem>>, vector<16xf32>,
    %broadcast_in_dim3A_407 = arith.constant 0.000000e+00 : f32
    %broadcast_in_dim3A_408 = vector.broadcast %broadcast_in_dim3A_407 : f32 to vector<16xf32>
    %swap3A_409 = arith.constant 1008 : index
    %swap3A_410 = tpu.vector_load %arg6[%swap3A_409] {strides = array<i32>} : memref<2000xf32, #tpu.memory_space<vmem>>, vector<16xf32>,
    %swap3A_411 = vector.shape_cast %swap3A_410 : vector<16xf32> to vector<16xf32>
    %swap3A_412 = vector.shape_cast %broadcast_in_dim3A_408 : vector<16xf32> to vector<16xf32>
    tpu.vector_store %arg6[%swap3A_409], %swap3A_412 {strides = array<i32>} : memref<2000xf32, #tpu.memory_space<vmem>>, vector<16xf32>,
    %broadcast_in_dim3A_413 = arith.constant 0.000000e+00 : f32
    %broadcast_in_dim3A_414 = vector.broadcast %broadcast_in_dim3A_413 : f32 to vector<16xf32>
    %swap3A_415 = arith.constant 1024 : index
    %swap3A_416 = tpu.vector_load %arg6[%swap3A_415] {strides = array<i32>} : memref<2000xf32, #tpu.memory_space<vmem>>, vector<16xf32>,
    %swap3A_417 = vector.shape_cast %swap3A_416 : vector<16xf32> to vector<16xf32>
    %swap3A_418 = vector.shape_cast %broadcast_in_dim3A_414 : vector<16xf32> to vector<16xf32>
    tpu.vector_store %arg6[%swap3A_415], %swap3A_418 {strides = array<i32>} : memref<2000xf32, #tpu.memory_space<vmem>>, vector<16xf32>,
    %broadcast_in_dim3A_419 = arith.constant 0.000000e+00 : f32
    %broadcast_in_dim3A_420 = vector.broadcast %broadcast_in_dim3A_419 : f32 to vector<16xf32>
    %swap3A_421 = arith.constant 1040 : index
    %swap3A_422 = tpu.vector_load %arg6[%swap3A_421] {strides = array<i32>} : memref<2000xf32, #tpu.memory_space<vmem>>, vector<16xf32>,
    %swap3A_423 = vector.shape_cast %swap3A_422 : vector<16xf32> to vector<16xf32>
    %swap3A_424 = vector.shape_cast %broadcast_in_dim3A_420 : vector<16xf32> to vector<16xf32>
    tpu.vector_store %arg6[%swap3A_421], %swap3A_424 {strides = array<i32>} : memref<2000xf32, #tpu.memory_space<vmem>>, vector<16xf32>,
    %broadcast_in_dim3A_425 = arith.constant 0.000000e+00 : f32
    %broadcast_in_dim3A_426 = vector.broadcast %broadcast_in_dim3A_425 : f32 to vector<16xf32>
    %swap3A_427 = arith.constant 1056 : index
    %swap3A_428 = tpu.vector_load %arg6[%swap3A_427] {strides = array<i32>} : memref<2000xf32, #tpu.memory_space<vmem>>, vector<16xf32>,
    %swap3A_429 = vector.shape_cast %swap3A_428 : vector<16xf32> to vector<16xf32>
    %swap3A_430 = vector.shape_cast %broadcast_in_dim3A_426 : vector<16xf32> to vector<16xf32>
    tpu.vector_store %arg6[%swap3A_427], %swap3A_430 {strides = array<i32>} : memref<2000xf32, #tpu.memory_space<vmem>>, vector<16xf32>,
    %broadcast_in_dim3A_431 = arith.constant 0.000000e+00 : f32
    %broadcast_in_dim3A_432 = vector.broadcast %broadcast_in_dim3A_431 : f32 to vector<16xf32>
    %swap3A_433 = arith.constant 1072 : index
    %swap3A_434 = tpu.vector_load %arg6[%swap3A_433] {strides = array<i32>} : memref<2000xf32, #tpu.memory_space<vmem>>, vector<16xf32>,
    %swap3A_435 = vector.shape_cast %swap3A_434 : vector<16xf32> to vector<16xf32>
    %swap3A_436 = vector.shape_cast %broadcast_in_dim3A_432 : vector<16xf32> to vector<16xf32>
    tpu.vector_store %arg6[%swap3A_433], %swap3A_436 {strides = array<i32>} : memref<2000xf32, #tpu.memory_space<vmem>>, vector<16xf32>,
    %broadcast_in_dim3A_437 = arith.constant 0.000000e+00 : f32
    %broadcast_in_dim3A_438 = vector.broadcast %broadcast_in_dim3A_437 : f32 to vector<16xf32>
    %swap3A_439 = arith.constant 1088 : index
    %swap3A_440 = tpu.vector_load %arg6[%swap3A_439] {strides = array<i32>} : memref<2000xf32, #tpu.memory_space<vmem>>, vector<16xf32>,
    %swap3A_441 = vector.shape_cast %swap3A_440 : vector<16xf32> to vector<16xf32>
    %swap3A_442 = vector.shape_cast %broadcast_in_dim3A_438 : vector<16xf32> to vector<16xf32>
    tpu.vector_store %arg6[%swap3A_439], %swap3A_442 {strides = array<i32>} : memref<2000xf32, #tpu.memory_space<vmem>>, vector<16xf32>,
    %broadcast_in_dim3A_443 = arith.constant 0.000000e+00 : f32
    %broadcast_in_dim3A_444 = vector.broadcast %broadcast_in_dim3A_443 : f32 to vector<16xf32>
    %swap3A_445 = arith.constant 1104 : index
    %swap3A_446 = tpu.vector_load %arg6[%swap3A_445] {strides = array<i32>} : memref<2000xf32, #tpu.memory_space<vmem>>, vector<16xf32>,
    %swap3A_447 = vector.shape_cast %swap3A_446 : vector<16xf32> to vector<16xf32>
    %swap3A_448 = vector.shape_cast %broadcast_in_dim3A_444 : vector<16xf32> to vector<16xf32>
    tpu.vector_store %arg6[%swap3A_445], %swap3A_448 {strides = array<i32>} : memref<2000xf32, #tpu.memory_space<vmem>>, vector<16xf32>,
    %broadcast_in_dim3A_449 = arith.constant 0.000000e+00 : f32
    %broadcast_in_dim3A_450 = vector.broadcast %broadcast_in_dim3A_449 : f32 to vector<16xf32>
    %swap3A_451 = arith.constant 1120 : index
    %swap3A_452 = tpu.vector_load %arg6[%swap3A_451] {strides = array<i32>} : memref<2000xf32, #tpu.memory_space<vmem>>, vector<16xf32>,
    %swap3A_453 = vector.shape_cast %swap3A_452 : vector<16xf32> to vector<16xf32>
    %swap3A_454 = vector.shape_cast %broadcast_in_dim3A_450 : vector<16xf32> to vector<16xf32>
    tpu.vector_store %arg6[%swap3A_451], %swap3A_454 {strides = array<i32>} : memref<2000xf32, #tpu.memory_space<vmem>>, vector<16xf32>,
    %broadcast_in_dim3A_455 = arith.constant 0.000000e+00 : f32
    %broadcast_in_dim3A_456 = vector.broadcast %broadcast_in_dim3A_455 : f32 to vector<16xf32>
    %swap3A_457 = arith.constant 1136 : index
    %swap3A_458 = tpu.vector_load %arg6[%swap3A_457] {strides = array<i32>} : memref<2000xf32, #tpu.memory_space<vmem>>, vector<16xf32>,
    %swap3A_459 = vector.shape_cast %swap3A_458 : vector<16xf32> to vector<16xf32>
    %swap3A_460 = vector.shape_cast %broadcast_in_dim3A_456 : vector<16xf32> to vector<16xf32>
    tpu.vector_store %arg6[%swap3A_457], %swap3A_460 {strides = array<i32>} : memref<2000xf32, #tpu.memory_space<vmem>>, vector<16xf32>,
    %broadcast_in_dim3A_461 = arith.constant 0.000000e+00 : f32
    %broadcast_in_dim3A_462 = vector.broadcast %broadcast_in_dim3A_461 : f32 to vector<16xf32>
    %swap3A_463 = arith.constant 1152 : index
    %swap3A_464 = tpu.vector_load %arg6[%swap3A_463] {strides = array<i32>} : memref<2000xf32, #tpu.memory_space<vmem>>, vector<16xf32>,
    %swap3A_465 = vector.shape_cast %swap3A_464 : vector<16xf32> to vector<16xf32>
    %swap3A_466 = vector.shape_cast %broadcast_in_dim3A_462 : vector<16xf32> to vector<16xf32>
    tpu.vector_store %arg6[%swap3A_463], %swap3A_466 {strides = array<i32>} : memref<2000xf32, #tpu.memory_space<vmem>>, vector<16xf32>,
    %broadcast_in_dim3A_467 = arith.constant 0.000000e+00 : f32
    %broadcast_in_dim3A_468 = vector.broadcast %broadcast_in_dim3A_467 : f32 to vector<16xf32>
    %swap3A_469 = arith.constant 1168 : index
    %swap3A_470 = tpu.vector_load %arg6[%swap3A_469] {strides = array<i32>} : memref<2000xf32, #tpu.memory_space<vmem>>, vector<16xf32>,
    %swap3A_471 = vector.shape_cast %swap3A_470 : vector<16xf32> to vector<16xf32>
    %swap3A_472 = vector.shape_cast %broadcast_in_dim3A_468 : vector<16xf32> to vector<16xf32>
    tpu.vector_store %arg6[%swap3A_469], %swap3A_472 {strides = array<i32>} : memref<2000xf32, #tpu.memory_space<vmem>>, vector<16xf32>,
    %broadcast_in_dim3A_473 = arith.constant 0.000000e+00 : f32
    %broadcast_in_dim3A_474 = vector.broadcast %broadcast_in_dim3A_473 : f32 to vector<16xf32>
    %swap3A_475 = arith.constant 1184 : index
    %swap3A_476 = tpu.vector_load %arg6[%swap3A_475] {strides = array<i32>} : memref<2000xf32, #tpu.memory_space<vmem>>, vector<16xf32>,
    %swap3A_477 = vector.shape_cast %swap3A_476 : vector<16xf32> to vector<16xf32>
    %swap3A_478 = vector.shape_cast %broadcast_in_dim3A_474 : vector<16xf32> to vector<16xf32>
    tpu.vector_store %arg6[%swap3A_475], %swap3A_478 {strides = array<i32>} : memref<2000xf32, #tpu.memory_space<vmem>>, vector<16xf32>,
    %broadcast_in_dim3A_479 = arith.constant 0.000000e+00 : f32
    %broadcast_in_dim3A_480 = vector.broadcast %broadcast_in_dim3A_479 : f32 to vector<16xf32>
    %swap3A_481 = arith.constant 1200 : index
    %swap3A_482 = tpu.vector_load %arg6[%swap3A_481] {strides = array<i32>} : memref<2000xf32, #tpu.memory_space<vmem>>, vector<16xf32>,
    %swap3A_483 = vector.shape_cast %swap3A_482 : vector<16xf32> to vector<16xf32>
    %swap3A_484 = vector.shape_cast %broadcast_in_dim3A_480 : vector<16xf32> to vector<16xf32>
    tpu.vector_store %arg6[%swap3A_481], %swap3A_484 {strides = array<i32>} : memref<2000xf32, #tpu.memory_space<vmem>>, vector<16xf32>,
    %broadcast_in_dim3A_485 = arith.constant 0.000000e+00 : f32
    %broadcast_in_dim3A_486 = vector.broadcast %broadcast_in_dim3A_485 : f32 to vector<16xf32>
    %swap3A_487 = arith.constant 1216 : index
    %swap3A_488 = tpu.vector_load %arg6[%swap3A_487] {strides = array<i32>} : memref<2000xf32, #tpu.memory_space<vmem>>, vector<16xf32>,
    %swap3A_489 = vector.shape_cast %swap3A_488 : vector<16xf32> to vector<16xf32>
    %swap3A_490 = vector.shape_cast %broadcast_in_dim3A_486 : vector<16xf32> to vector<16xf32>
    tpu.vector_store %arg6[%swap3A_487], %swap3A_490 {strides = array<i32>} : memref<2000xf32, #tpu.memory_space<vmem>>, vector<16xf32>,
    %broadcast_in_dim3A_491 = arith.constant 0.000000e+00 : f32
    %broadcast_in_dim3A_492 = vector.broadcast %broadcast_in_dim3A_491 : f32 to vector<16xf32>
    %swap3A_493 = arith.constant 1232 : index
    %swap3A_494 = tpu.vector_load %arg6[%swap3A_493] {strides = array<i32>} : memref<2000xf32, #tpu.memory_space<vmem>>, vector<16xf32>,
    %swap3A_495 = vector.shape_cast %swap3A_494 : vector<16xf32> to vector<16xf32>
    %swap3A_496 = vector.shape_cast %broadcast_in_dim3A_492 : vector<16xf32> to vector<16xf32>
    tpu.vector_store %arg6[%swap3A_493], %swap3A_496 {strides = array<i32>} : memref<2000xf32, #tpu.memory_space<vmem>>, vector<16xf32>,
    %broadcast_in_dim3A_497 = arith.constant 0.000000e+00 : f32
    %broadcast_in_dim3A_498 = vector.broadcast %broadcast_in_dim3A_497 : f32 to vector<16xf32>
    %swap3A_499 = arith.constant 1248 : index
    %swap3A_500 = tpu.vector_load %arg6[%swap3A_499] {strides = array<i32>} : memref<2000xf32, #tpu.memory_space<vmem>>, vector<16xf32>,
    %swap3A_501 = vector.shape_cast %swap3A_500 : vector<16xf32> to vector<16xf32>
    %swap3A_502 = vector.shape_cast %broadcast_in_dim3A_498 : vector<16xf32> to vector<16xf32>
    tpu.vector_store %arg6[%swap3A_499], %swap3A_502 {strides = array<i32>} : memref<2000xf32, #tpu.memory_space<vmem>>, vector<16xf32>,
    %broadcast_in_dim3A_503 = arith.constant 0.000000e+00 : f32
    %broadcast_in_dim3A_504 = vector.broadcast %broadcast_in_dim3A_503 : f32 to vector<16xf32>
    %swap3A_505 = arith.constant 1264 : index
    %swap3A_506 = tpu.vector_load %arg6[%swap3A_505] {strides = array<i32>} : memref<2000xf32, #tpu.memory_space<vmem>>, vector<16xf32>,
    %swap3A_507 = vector.shape_cast %swap3A_506 : vector<16xf32> to vector<16xf32>
    %swap3A_508 = vector.shape_cast %broadcast_in_dim3A_504 : vector<16xf32> to vector<16xf32>
    tpu.vector_store %arg6[%swap3A_505], %swap3A_508 {strides = array<i32>} : memref<2000xf32, #tpu.memory_space<vmem>>, vector<16xf32>,
    %broadcast_in_dim3A_509 = arith.constant 0.000000e+00 : f32
    %broadcast_in_dim3A_510 = vector.broadcast %broadcast_in_dim3A_509 : f32 to vector<16xf32>
    %swap3A_511 = arith.constant 1280 : index
    %swap3A_512 = tpu.vector_load %arg6[%swap3A_511] {strides = array<i32>} : memref<2000xf32, #tpu.memory_space<vmem>>, vector<16xf32>,
    %swap3A_513 = vector.shape_cast %swap3A_512 : vector<16xf32> to vector<16xf32>
    %swap3A_514 = vector.shape_cast %broadcast_in_dim3A_510 : vector<16xf32> to vector<16xf32>
    tpu.vector_store %arg6[%swap3A_511], %swap3A_514 {strides = array<i32>} : memref<2000xf32, #tpu.memory_space<vmem>>, vector<16xf32>,
    %broadcast_in_dim3A_515 = arith.constant 0.000000e+00 : f32
    %broadcast_in_dim3A_516 = vector.broadcast %broadcast_in_dim3A_515 : f32 to vector<16xf32>
    %swap3A_517 = arith.constant 1296 : index
    %swap3A_518 = tpu.vector_load %arg6[%swap3A_517] {strides = array<i32>} : memref<2000xf32, #tpu.memory_space<vmem>>, vector<16xf32>,
    %swap3A_519 = vector.shape_cast %swap3A_518 : vector<16xf32> to vector<16xf32>
    %swap3A_520 = vector.shape_cast %broadcast_in_dim3A_516 : vector<16xf32> to vector<16xf32>
    tpu.vector_store %arg6[%swap3A_517], %swap3A_520 {strides = array<i32>} : memref<2000xf32, #tpu.memory_space<vmem>>, vector<16xf32>,
    %broadcast_in_dim3A_521 = arith.constant 0.000000e+00 : f32
    %broadcast_in_dim3A_522 = vector.broadcast %broadcast_in_dim3A_521 : f32 to vector<16xf32>
    %swap3A_523 = arith.constant 1312 : index
    %swap3A_524 = tpu.vector_load %arg6[%swap3A_523] {strides = array<i32>} : memref<2000xf32, #tpu.memory_space<vmem>>, vector<16xf32>,
    %swap3A_525 = vector.shape_cast %swap3A_524 : vector<16xf32> to vector<16xf32>
    %swap3A_526 = vector.shape_cast %broadcast_in_dim3A_522 : vector<16xf32> to vector<16xf32>
    tpu.vector_store %arg6[%swap3A_523], %swap3A_526 {strides = array<i32>} : memref<2000xf32, #tpu.memory_space<vmem>>, vector<16xf32>,
    %broadcast_in_dim3A_527 = arith.constant 0.000000e+00 : f32
    %broadcast_in_dim3A_528 = vector.broadcast %broadcast_in_dim3A_527 : f32 to vector<16xf32>
    %swap3A_529 = arith.constant 1328 : index
    %swap3A_530 = tpu.vector_load %arg6[%swap3A_529] {strides = array<i32>} : memref<2000xf32, #tpu.memory_space<vmem>>, vector<16xf32>,
    %swap3A_531 = vector.shape_cast %swap3A_530 : vector<16xf32> to vector<16xf32>
    %swap3A_532 = vector.shape_cast %broadcast_in_dim3A_528 : vector<16xf32> to vector<16xf32>
    tpu.vector_store %arg6[%swap3A_529], %swap3A_532 {strides = array<i32>} : memref<2000xf32, #tpu.memory_space<vmem>>, vector<16xf32>,
    %broadcast_in_dim3A_533 = arith.constant 0.000000e+00 : f32
    %broadcast_in_dim3A_534 = vector.broadcast %broadcast_in_dim3A_533 : f32 to vector<16xf32>
    %swap3A_535 = arith.constant 1344 : index
    %swap3A_536 = tpu.vector_load %arg6[%swap3A_535] {strides = array<i32>} : memref<2000xf32, #tpu.memory_space<vmem>>, vector<16xf32>,
    %swap3A_537 = vector.shape_cast %swap3A_536 : vector<16xf32> to vector<16xf32>
    %swap3A_538 = vector.shape_cast %broadcast_in_dim3A_534 : vector<16xf32> to vector<16xf32>
    tpu.vector_store %arg6[%swap3A_535], %swap3A_538 {strides = array<i32>} : memref<2000xf32, #tpu.memory_space<vmem>>, vector<16xf32>,
    %broadcast_in_dim3A_539 = arith.constant 0.000000e+00 : f32
    %broadcast_in_dim3A_540 = vector.broadcast %broadcast_in_dim3A_539 : f32 to vector<16xf32>
    %swap3A_541 = arith.constant 1360 : index
    %swap3A_542 = tpu.vector_load %arg6[%swap3A_541] {strides = array<i32>} : memref<2000xf32, #tpu.memory_space<vmem>>, vector<16xf32>,
    %swap3A_543 = vector.shape_cast %swap3A_542 : vector<16xf32> to vector<16xf32>
    %swap3A_544 = vector.shape_cast %broadcast_in_dim3A_540 : vector<16xf32> to vector<16xf32>
    tpu.vector_store %arg6[%swap3A_541], %swap3A_544 {strides = array<i32>} : memref<2000xf32, #tpu.memory_space<vmem>>, vector<16xf32>,
    %broadcast_in_dim3A_545 = arith.constant 0.000000e+00 : f32
    %broadcast_in_dim3A_546 = vector.broadcast %broadcast_in_dim3A_545 : f32 to vector<16xf32>
    %swap3A_547 = arith.constant 1376 : index
    %swap3A_548 = tpu.vector_load %arg6[%swap3A_547] {strides = array<i32>} : memref<2000xf32, #tpu.memory_space<vmem>>, vector<16xf32>,
    %swap3A_549 = vector.shape_cast %swap3A_548 : vector<16xf32> to vector<16xf32>
    %swap3A_550 = vector.shape_cast %broadcast_in_dim3A_546 : vector<16xf32> to vector<16xf32>
    tpu.vector_store %arg6[%swap3A_547], %swap3A_550 {strides = array<i32>} : memref<2000xf32, #tpu.memory_space<vmem>>, vector<16xf32>,
    %broadcast_in_dim3A_551 = arith.constant 0.000000e+00 : f32
    %broadcast_in_dim3A_552 = vector.broadcast %broadcast_in_dim3A_551 : f32 to vector<16xf32>
    %swap3A_553 = arith.constant 1392 : index
    %swap3A_554 = tpu.vector_load %arg6[%swap3A_553] {strides = array<i32>} : memref<2000xf32, #tpu.memory_space<vmem>>, vector<16xf32>,
    %swap3A_555 = vector.shape_cast %swap3A_554 : vector<16xf32> to vector<16xf32>
    %swap3A_556 = vector.shape_cast %broadcast_in_dim3A_552 : vector<16xf32> to vector<16xf32>
    tpu.vector_store %arg6[%swap3A_553], %swap3A_556 {strides = array<i32>} : memref<2000xf32, #tpu.memory_space<vmem>>, vector<16xf32>,
    %broadcast_in_dim3A_557 = arith.constant 0.000000e+00 : f32
    %broadcast_in_dim3A_558 = vector.broadcast %broadcast_in_dim3A_557 : f32 to vector<16xf32>
    %swap3A_559 = arith.constant 1408 : index
    %swap3A_560 = tpu.vector_load %arg6[%swap3A_559] {strides = array<i32>} : memref<2000xf32, #tpu.memory_space<vmem>>, vector<16xf32>,
    %swap3A_561 = vector.shape_cast %swap3A_560 : vector<16xf32> to vector<16xf32>
    %swap3A_562 = vector.shape_cast %broadcast_in_dim3A_558 : vector<16xf32> to vector<16xf32>
    tpu.vector_store %arg6[%swap3A_559], %swap3A_562 {strides = array<i32>} : memref<2000xf32, #tpu.memory_space<vmem>>, vector<16xf32>,
    %broadcast_in_dim3A_563 = arith.constant 0.000000e+00 : f32
    %broadcast_in_dim3A_564 = vector.broadcast %broadcast_in_dim3A_563 : f32 to vector<16xf32>
    %swap3A_565 = arith.constant 1424 : index
    %swap3A_566 = tpu.vector_load %arg6[%swap3A_565] {strides = array<i32>} : memref<2000xf32, #tpu.memory_space<vmem>>, vector<16xf32>,
    %swap3A_567 = vector.shape_cast %swap3A_566 : vector<16xf32> to vector<16xf32>
    %swap3A_568 = vector.shape_cast %broadcast_in_dim3A_564 : vector<16xf32> to vector<16xf32>
    tpu.vector_store %arg6[%swap3A_565], %swap3A_568 {strides = array<i32>} : memref<2000xf32, #tpu.memory_space<vmem>>, vector<16xf32>,
    %broadcast_in_dim3A_569 = arith.constant 0.000000e+00 : f32
    %broadcast_in_dim3A_570 = vector.broadcast %broadcast_in_dim3A_569 : f32 to vector<16xf32>
    %swap3A_571 = arith.constant 1440 : index
    %swap3A_572 = tpu.vector_load %arg6[%swap3A_571] {strides = array<i32>} : memref<2000xf32, #tpu.memory_space<vmem>>, vector<16xf32>,
    %swap3A_573 = vector.shape_cast %swap3A_572 : vector<16xf32> to vector<16xf32>
    %swap3A_574 = vector.shape_cast %broadcast_in_dim3A_570 : vector<16xf32> to vector<16xf32>
    tpu.vector_store %arg6[%swap3A_571], %swap3A_574 {strides = array<i32>} : memref<2000xf32, #tpu.memory_space<vmem>>, vector<16xf32>,
    %broadcast_in_dim3A_575 = arith.constant 0.000000e+00 : f32
    %broadcast_in_dim3A_576 = vector.broadcast %broadcast_in_dim3A_575 : f32 to vector<16xf32>
    %swap3A_577 = arith.constant 1456 : index
    %swap3A_578 = tpu.vector_load %arg6[%swap3A_577] {strides = array<i32>} : memref<2000xf32, #tpu.memory_space<vmem>>, vector<16xf32>,
    %swap3A_579 = vector.shape_cast %swap3A_578 : vector<16xf32> to vector<16xf32>
    %swap3A_580 = vector.shape_cast %broadcast_in_dim3A_576 : vector<16xf32> to vector<16xf32>
    tpu.vector_store %arg6[%swap3A_577], %swap3A_580 {strides = array<i32>} : memref<2000xf32, #tpu.memory_space<vmem>>, vector<16xf32>,
    %broadcast_in_dim3A_581 = arith.constant 0.000000e+00 : f32
    %broadcast_in_dim3A_582 = vector.broadcast %broadcast_in_dim3A_581 : f32 to vector<16xf32>
    %swap3A_583 = arith.constant 1472 : index
    %swap3A_584 = tpu.vector_load %arg6[%swap3A_583] {strides = array<i32>} : memref<2000xf32, #tpu.memory_space<vmem>>, vector<16xf32>,
    %swap3A_585 = vector.shape_cast %swap3A_584 : vector<16xf32> to vector<16xf32>
    %swap3A_586 = vector.shape_cast %broadcast_in_dim3A_582 : vector<16xf32> to vector<16xf32>
    tpu.vector_store %arg6[%swap3A_583], %swap3A_586 {strides = array<i32>} : memref<2000xf32, #tpu.memory_space<vmem>>, vector<16xf32>,
    %broadcast_in_dim3A_587 = arith.constant 0.000000e+00 : f32
    %broadcast_in_dim3A_588 = vector.broadcast %broadcast_in_dim3A_587 : f32 to vector<16xf32>
    %swap3A_589 = arith.constant 1488 : index
    %swap3A_590 = tpu.vector_load %arg6[%swap3A_589] {strides = array<i32>} : memref<2000xf32, #tpu.memory_space<vmem>>, vector<16xf32>,
    %swap3A_591 = vector.shape_cast %swap3A_590 : vector<16xf32> to vector<16xf32>
    %swap3A_592 = vector.shape_cast %broadcast_in_dim3A_588 : vector<16xf32> to vector<16xf32>
    tpu.vector_store %arg6[%swap3A_589], %swap3A_592 {strides = array<i32>} : memref<2000xf32, #tpu.memory_space<vmem>>, vector<16xf32>,
    %broadcast_in_dim3A_593 = arith.constant 0.000000e+00 : f32
    %broadcast_in_dim3A_594 = vector.broadcast %broadcast_in_dim3A_593 : f32 to vector<16xf32>
    %swap3A_595 = arith.constant 1504 : index
    %swap3A_596 = tpu.vector_load %arg6[%swap3A_595] {strides = array<i32>} : memref<2000xf32, #tpu.memory_space<vmem>>, vector<16xf32>,
    %swap3A_597 = vector.shape_cast %swap3A_596 : vector<16xf32> to vector<16xf32>
    %swap3A_598 = vector.shape_cast %broadcast_in_dim3A_594 : vector<16xf32> to vector<16xf32>
    tpu.vector_store %arg6[%swap3A_595], %swap3A_598 {strides = array<i32>} : memref<2000xf32, #tpu.memory_space<vmem>>, vector<16xf32>,
    %broadcast_in_dim3A_599 = arith.constant 0.000000e+00 : f32
    %broadcast_in_dim3A_600 = vector.broadcast %broadcast_in_dim3A_599 : f32 to vector<16xf32>
    %swap3A_601 = arith.constant 1520 : index
    %swap3A_602 = tpu.vector_load %arg6[%swap3A_601] {strides = array<i32>} : memref<2000xf32, #tpu.memory_space<vmem>>, vector<16xf32>,
    %swap3A_603 = vector.shape_cast %swap3A_602 : vector<16xf32> to vector<16xf32>
    %swap3A_604 = vector.shape_cast %broadcast_in_dim3A_600 : vector<16xf32> to vector<16xf32>
    tpu.vector_store %arg6[%swap3A_601], %swap3A_604 {strides = array<i32>} : memref<2000xf32, #tpu.memory_space<vmem>>, vector<16xf32>,
    %broadcast_in_dim3A_605 = arith.constant 0.000000e+00 : f32
    %broadcast_in_dim3A_606 = vector.broadcast %broadcast_in_dim3A_605 : f32 to vector<16xf32>
    %swap3A_607 = arith.constant 1536 : index
    %swap3A_608 = tpu.vector_load %arg6[%swap3A_607] {strides = array<i32>} : memref<2000xf32, #tpu.memory_space<vmem>>, vector<16xf32>,
    %swap3A_609 = vector.shape_cast %swap3A_608 : vector<16xf32> to vector<16xf32>
    %swap3A_610 = vector.shape_cast %broadcast_in_dim3A_606 : vector<16xf32> to vector<16xf32>
    tpu.vector_store %arg6[%swap3A_607], %swap3A_610 {strides = array<i32>} : memref<2000xf32, #tpu.memory_space<vmem>>, vector<16xf32>,
    %broadcast_in_dim3A_611 = arith.constant 0.000000e+00 : f32
    %broadcast_in_dim3A_612 = vector.broadcast %broadcast_in_dim3A_611 : f32 to vector<16xf32>
    %swap3A_613 = arith.constant 1552 : index
    %swap3A_614 = tpu.vector_load %arg6[%swap3A_613] {strides = array<i32>} : memref<2000xf32, #tpu.memory_space<vmem>>, vector<16xf32>,
    %swap3A_615 = vector.shape_cast %swap3A_614 : vector<16xf32> to vector<16xf32>
    %swap3A_616 = vector.shape_cast %broadcast_in_dim3A_612 : vector<16xf32> to vector<16xf32>
    tpu.vector_store %arg6[%swap3A_613], %swap3A_616 {strides = array<i32>} : memref<2000xf32, #tpu.memory_space<vmem>>, vector<16xf32>,
    %broadcast_in_dim3A_617 = arith.constant 0.000000e+00 : f32
    %broadcast_in_dim3A_618 = vector.broadcast %broadcast_in_dim3A_617 : f32 to vector<16xf32>
    %swap3A_619 = arith.constant 1568 : index
    %swap3A_620 = tpu.vector_load %arg6[%swap3A_619] {strides = array<i32>} : memref<2000xf32, #tpu.memory_space<vmem>>, vector<16xf32>,
    %swap3A_621 = vector.shape_cast %swap3A_620 : vector<16xf32> to vector<16xf32>
    %swap3A_622 = vector.shape_cast %broadcast_in_dim3A_618 : vector<16xf32> to vector<16xf32>
    tpu.vector_store %arg6[%swap3A_619], %swap3A_622 {strides = array<i32>} : memref<2000xf32, #tpu.memory_space<vmem>>, vector<16xf32>,
    %broadcast_in_dim3A_623 = arith.constant 0.000000e+00 : f32
    %broadcast_in_dim3A_624 = vector.broadcast %broadcast_in_dim3A_623 : f32 to vector<16xf32>
    %swap3A_625 = arith.constant 1584 : index
    %swap3A_626 = tpu.vector_load %arg6[%swap3A_625] {strides = array<i32>} : memref<2000xf32, #tpu.memory_space<vmem>>, vector<16xf32>,
    %swap3A_627 = vector.shape_cast %swap3A_626 : vector<16xf32> to vector<16xf32>
    %swap3A_628 = vector.shape_cast %broadcast_in_dim3A_624 : vector<16xf32> to vector<16xf32>
    tpu.vector_store %arg6[%swap3A_625], %swap3A_628 {strides = array<i32>} : memref<2000xf32, #tpu.memory_space<vmem>>, vector<16xf32>,
    %broadcast_in_dim3A_629 = arith.constant 0.000000e+00 : f32
    %broadcast_in_dim3A_630 = vector.broadcast %broadcast_in_dim3A_629 : f32 to vector<16xf32>
    %swap3A_631 = arith.constant 1600 : index
    %swap3A_632 = tpu.vector_load %arg6[%swap3A_631] {strides = array<i32>} : memref<2000xf32, #tpu.memory_space<vmem>>, vector<16xf32>,
    %swap3A_633 = vector.shape_cast %swap3A_632 : vector<16xf32> to vector<16xf32>
    %swap3A_634 = vector.shape_cast %broadcast_in_dim3A_630 : vector<16xf32> to vector<16xf32>
    tpu.vector_store %arg6[%swap3A_631], %swap3A_634 {strides = array<i32>} : memref<2000xf32, #tpu.memory_space<vmem>>, vector<16xf32>,
    %broadcast_in_dim3A_635 = arith.constant 0.000000e+00 : f32
    %broadcast_in_dim3A_636 = vector.broadcast %broadcast_in_dim3A_635 : f32 to vector<16xf32>
    %swap3A_637 = arith.constant 1616 : index
    %swap3A_638 = tpu.vector_load %arg6[%swap3A_637] {strides = array<i32>} : memref<2000xf32, #tpu.memory_space<vmem>>, vector<16xf32>,
    %swap3A_639 = vector.shape_cast %swap3A_638 : vector<16xf32> to vector<16xf32>
    %swap3A_640 = vector.shape_cast %broadcast_in_dim3A_636 : vector<16xf32> to vector<16xf32>
    tpu.vector_store %arg6[%swap3A_637], %swap3A_640 {strides = array<i32>} : memref<2000xf32, #tpu.memory_space<vmem>>, vector<16xf32>,
    %broadcast_in_dim3A_641 = arith.constant 0.000000e+00 : f32
    %broadcast_in_dim3A_642 = vector.broadcast %broadcast_in_dim3A_641 : f32 to vector<16xf32>
    %swap3A_643 = arith.constant 1632 : index
    %swap3A_644 = tpu.vector_load %arg6[%swap3A_643] {strides = array<i32>} : memref<2000xf32, #tpu.memory_space<vmem>>, vector<16xf32>,
    %swap3A_645 = vector.shape_cast %swap3A_644 : vector<16xf32> to vector<16xf32>
    %swap3A_646 = vector.shape_cast %broadcast_in_dim3A_642 : vector<16xf32> to vector<16xf32>
    tpu.vector_store %arg6[%swap3A_643], %swap3A_646 {strides = array<i32>} : memref<2000xf32, #tpu.memory_space<vmem>>, vector<16xf32>,
    %broadcast_in_dim3A_647 = arith.constant 0.000000e+00 : f32
    %broadcast_in_dim3A_648 = vector.broadcast %broadcast_in_dim3A_647 : f32 to vector<16xf32>
    %swap3A_649 = arith.constant 1648 : index
    %swap3A_650 = tpu.vector_load %arg6[%swap3A_649] {strides = array<i32>} : memref<2000xf32, #tpu.memory_space<vmem>>, vector<16xf32>,
    %swap3A_651 = vector.shape_cast %swap3A_650 : vector<16xf32> to vector<16xf32>
    %swap3A_652 = vector.shape_cast %broadcast_in_dim3A_648 : vector<16xf32> to vector<16xf32>
    tpu.vector_store %arg6[%swap3A_649], %swap3A_652 {strides = array<i32>} : memref<2000xf32, #tpu.memory_space<vmem>>, vector<16xf32>,
    %broadcast_in_dim3A_653 = arith.constant 0.000000e+00 : f32
    %broadcast_in_dim3A_654 = vector.broadcast %broadcast_in_dim3A_653 : f32 to vector<16xf32>
    %swap3A_655 = arith.constant 1664 : index
    %swap3A_656 = tpu.vector_load %arg6[%swap3A_655] {strides = array<i32>} : memref<2000xf32, #tpu.memory_space<vmem>>, vector<16xf32>,
    %swap3A_657 = vector.shape_cast %swap3A_656 : vector<16xf32> to vector<16xf32>
    %swap3A_658 = vector.shape_cast %broadcast_in_dim3A_654 : vector<16xf32> to vector<16xf32>
    tpu.vector_store %arg6[%swap3A_655], %swap3A_658 {strides = array<i32>} : memref<2000xf32, #tpu.memory_space<vmem>>, vector<16xf32>,
    %broadcast_in_dim3A_659 = arith.constant 0.000000e+00 : f32
    %broadcast_in_dim3A_660 = vector.broadcast %broadcast_in_dim3A_659 : f32 to vector<16xf32>
    %swap3A_661 = arith.constant 1680 : index
    %swap3A_662 = tpu.vector_load %arg6[%swap3A_661] {strides = array<i32>} : memref<2000xf32, #tpu.memory_space<vmem>>, vector<16xf32>,
    %swap3A_663 = vector.shape_cast %swap3A_662 : vector<16xf32> to vector<16xf32>
    %swap3A_664 = vector.shape_cast %broadcast_in_dim3A_660 : vector<16xf32> to vector<16xf32>
    tpu.vector_store %arg6[%swap3A_661], %swap3A_664 {strides = array<i32>} : memref<2000xf32, #tpu.memory_space<vmem>>, vector<16xf32>,
    %broadcast_in_dim3A_665 = arith.constant 0.000000e+00 : f32
    %broadcast_in_dim3A_666 = vector.broadcast %broadcast_in_dim3A_665 : f32 to vector<16xf32>
    %swap3A_667 = arith.constant 1696 : index
    %swap3A_668 = tpu.vector_load %arg6[%swap3A_667] {strides = array<i32>} : memref<2000xf32, #tpu.memory_space<vmem>>, vector<16xf32>,
    %swap3A_669 = vector.shape_cast %swap3A_668 : vector<16xf32> to vector<16xf32>
    %swap3A_670 = vector.shape_cast %broadcast_in_dim3A_666 : vector<16xf32> to vector<16xf32>
    tpu.vector_store %arg6[%swap3A_667], %swap3A_670 {strides = array<i32>} : memref<2000xf32, #tpu.memory_space<vmem>>, vector<16xf32>,
    %broadcast_in_dim3A_671 = arith.constant 0.000000e+00 : f32
    %broadcast_in_dim3A_672 = vector.broadcast %broadcast_in_dim3A_671 : f32 to vector<16xf32>
    %swap3A_673 = arith.constant 1712 : index
    %swap3A_674 = tpu.vector_load %arg6[%swap3A_673] {strides = array<i32>} : memref<2000xf32, #tpu.memory_space<vmem>>, vector<16xf32>,
    %swap3A_675 = vector.shape_cast %swap3A_674 : vector<16xf32> to vector<16xf32>
    %swap3A_676 = vector.shape_cast %broadcast_in_dim3A_672 : vector<16xf32> to vector<16xf32>
    tpu.vector_store %arg6[%swap3A_673], %swap3A_676 {strides = array<i32>} : memref<2000xf32, #tpu.memory_space<vmem>>, vector<16xf32>,
    %broadcast_in_dim3A_677 = arith.constant 0.000000e+00 : f32
    %broadcast_in_dim3A_678 = vector.broadcast %broadcast_in_dim3A_677 : f32 to vector<16xf32>
    %swap3A_679 = arith.constant 1728 : index
    %swap3A_680 = tpu.vector_load %arg6[%swap3A_679] {strides = array<i32>} : memref<2000xf32, #tpu.memory_space<vmem>>, vector<16xf32>,
    %swap3A_681 = vector.shape_cast %swap3A_680 : vector<16xf32> to vector<16xf32>
    %swap3A_682 = vector.shape_cast %broadcast_in_dim3A_678 : vector<16xf32> to vector<16xf32>
    tpu.vector_store %arg6[%swap3A_679], %swap3A_682 {strides = array<i32>} : memref<2000xf32, #tpu.memory_space<vmem>>, vector<16xf32>,
    %broadcast_in_dim3A_683 = arith.constant 0.000000e+00 : f32
    %broadcast_in_dim3A_684 = vector.broadcast %broadcast_in_dim3A_683 : f32 to vector<16xf32>
    %swap3A_685 = arith.constant 1744 : index
    %swap3A_686 = tpu.vector_load %arg6[%swap3A_685] {strides = array<i32>} : memref<2000xf32, #tpu.memory_space<vmem>>, vector<16xf32>,
    %swap3A_687 = vector.shape_cast %swap3A_686 : vector<16xf32> to vector<16xf32>
    %swap3A_688 = vector.shape_cast %broadcast_in_dim3A_684 : vector<16xf32> to vector<16xf32>
    tpu.vector_store %arg6[%swap3A_685], %swap3A_688 {strides = array<i32>} : memref<2000xf32, #tpu.memory_space<vmem>>, vector<16xf32>,
    %broadcast_in_dim3A_689 = arith.constant 0.000000e+00 : f32
    %broadcast_in_dim3A_690 = vector.broadcast %broadcast_in_dim3A_689 : f32 to vector<16xf32>
    %swap3A_691 = arith.constant 1760 : index
    %swap3A_692 = tpu.vector_load %arg6[%swap3A_691] {strides = array<i32>} : memref<2000xf32, #tpu.memory_space<vmem>>, vector<16xf32>,
    %swap3A_693 = vector.shape_cast %swap3A_692 : vector<16xf32> to vector<16xf32>
    %swap3A_694 = vector.shape_cast %broadcast_in_dim3A_690 : vector<16xf32> to vector<16xf32>
    tpu.vector_store %arg6[%swap3A_691], %swap3A_694 {strides = array<i32>} : memref<2000xf32, #tpu.memory_space<vmem>>, vector<16xf32>,
    %broadcast_in_dim3A_695 = arith.constant 0.000000e+00 : f32
    %broadcast_in_dim3A_696 = vector.broadcast %broadcast_in_dim3A_695 : f32 to vector<16xf32>
    %swap3A_697 = arith.constant 1776 : index
    %swap3A_698 = tpu.vector_load %arg6[%swap3A_697] {strides = array<i32>} : memref<2000xf32, #tpu.memory_space<vmem>>, vector<16xf32>,
    %swap3A_699 = vector.shape_cast %swap3A_698 : vector<16xf32> to vector<16xf32>
    %swap3A_700 = vector.shape_cast %broadcast_in_dim3A_696 : vector<16xf32> to vector<16xf32>
    tpu.vector_store %arg6[%swap3A_697], %swap3A_700 {strides = array<i32>} : memref<2000xf32, #tpu.memory_space<vmem>>, vector<16xf32>,
    %broadcast_in_dim3A_701 = arith.constant 0.000000e+00 : f32
    %broadcast_in_dim3A_702 = vector.broadcast %broadcast_in_dim3A_701 : f32 to vector<16xf32>
    %swap3A_703 = arith.constant 1792 : index
    %swap3A_704 = tpu.vector_load %arg6[%swap3A_703] {strides = array<i32>} : memref<2000xf32, #tpu.memory_space<vmem>>, vector<16xf32>,
    %swap3A_705 = vector.shape_cast %swap3A_704 : vector<16xf32> to vector<16xf32>
    %swap3A_706 = vector.shape_cast %broadcast_in_dim3A_702 : vector<16xf32> to vector<16xf32>
    tpu.vector_store %arg6[%swap3A_703], %swap3A_706 {strides = array<i32>} : memref<2000xf32, #tpu.memory_space<vmem>>, vector<16xf32>,
    %broadcast_in_dim3A_707 = arith.constant 0.000000e+00 : f32
    %broadcast_in_dim3A_708 = vector.broadcast %broadcast_in_dim3A_707 : f32 to vector<16xf32>
    %swap3A_709 = arith.constant 1808 : index
    %swap3A_710 = tpu.vector_load %arg6[%swap3A_709] {strides = array<i32>} : memref<2000xf32, #tpu.memory_space<vmem>>, vector<16xf32>,
    %swap3A_711 = vector.shape_cast %swap3A_710 : vector<16xf32> to vector<16xf32>
    %swap3A_712 = vector.shape_cast %broadcast_in_dim3A_708 : vector<16xf32> to vector<16xf32>
    tpu.vector_store %arg6[%swap3A_709], %swap3A_712 {strides = array<i32>} : memref<2000xf32, #tpu.memory_space<vmem>>, vector<16xf32>,
    %broadcast_in_dim3A_713 = arith.constant 0.000000e+00 : f32
    %broadcast_in_dim3A_714 = vector.broadcast %broadcast_in_dim3A_713 : f32 to vector<16xf32>
    %swap3A_715 = arith.constant 1824 : index
    %swap3A_716 = tpu.vector_load %arg6[%swap3A_715] {strides = array<i32>} : memref<2000xf32, #tpu.memory_space<vmem>>, vector<16xf32>,
    %swap3A_717 = vector.shape_cast %swap3A_716 : vector<16xf32> to vector<16xf32>
    %swap3A_718 = vector.shape_cast %broadcast_in_dim3A_714 : vector<16xf32> to vector<16xf32>
    tpu.vector_store %arg6[%swap3A_715], %swap3A_718 {strides = array<i32>} : memref<2000xf32, #tpu.memory_space<vmem>>, vector<16xf32>,
    %broadcast_in_dim3A_719 = arith.constant 0.000000e+00 : f32
    %broadcast_in_dim3A_720 = vector.broadcast %broadcast_in_dim3A_719 : f32 to vector<16xf32>
    %swap3A_721 = arith.constant 1840 : index
    %swap3A_722 = tpu.vector_load %arg6[%swap3A_721] {strides = array<i32>} : memref<2000xf32, #tpu.memory_space<vmem>>, vector<16xf32>,
    %swap3A_723 = vector.shape_cast %swap3A_722 : vector<16xf32> to vector<16xf32>
    %swap3A_724 = vector.shape_cast %broadcast_in_dim3A_720 : vector<16xf32> to vector<16xf32>
    tpu.vector_store %arg6[%swap3A_721], %swap3A_724 {strides = array<i32>} : memref<2000xf32, #tpu.memory_space<vmem>>, vector<16xf32>,
    %broadcast_in_dim3A_725 = arith.constant 0.000000e+00 : f32
    %broadcast_in_dim3A_726 = vector.broadcast %broadcast_in_dim3A_725 : f32 to vector<16xf32>
    %swap3A_727 = arith.constant 1856 : index
    %swap3A_728 = tpu.vector_load %arg6[%swap3A_727] {strides = array<i32>} : memref<2000xf32, #tpu.memory_space<vmem>>, vector<16xf32>,
    %swap3A_729 = vector.shape_cast %swap3A_728 : vector<16xf32> to vector<16xf32>
    %swap3A_730 = vector.shape_cast %broadcast_in_dim3A_726 : vector<16xf32> to vector<16xf32>
    tpu.vector_store %arg6[%swap3A_727], %swap3A_730 {strides = array<i32>} : memref<2000xf32, #tpu.memory_space<vmem>>, vector<16xf32>,
    %broadcast_in_dim3A_731 = arith.constant 0.000000e+00 : f32
    %broadcast_in_dim3A_732 = vector.broadcast %broadcast_in_dim3A_731 : f32 to vector<16xf32>
    %swap3A_733 = arith.constant 1872 : index
    %swap3A_734 = tpu.vector_load %arg6[%swap3A_733] {strides = array<i32>} : memref<2000xf32, #tpu.memory_space<vmem>>, vector<16xf32>,
    %swap3A_735 = vector.shape_cast %swap3A_734 : vector<16xf32> to vector<16xf32>
    %swap3A_736 = vector.shape_cast %broadcast_in_dim3A_732 : vector<16xf32> to vector<16xf32>
    tpu.vector_store %arg6[%swap3A_733], %swap3A_736 {strides = array<i32>} : memref<2000xf32, #tpu.memory_space<vmem>>, vector<16xf32>,
    %broadcast_in_dim3A_737 = arith.constant 0.000000e+00 : f32
    %broadcast_in_dim3A_738 = vector.broadcast %broadcast_in_dim3A_737 : f32 to vector<16xf32>
    %swap3A_739 = arith.constant 1888 : index
    %swap3A_740 = tpu.vector_load %arg6[%swap3A_739] {strides = array<i32>} : memref<2000xf32, #tpu.memory_space<vmem>>, vector<16xf32>,
    %swap3A_741 = vector.shape_cast %swap3A_740 : vector<16xf32> to vector<16xf32>
    %swap3A_742 = vector.shape_cast %broadcast_in_dim3A_738 : vector<16xf32> to vector<16xf32>
    tpu.vector_store %arg6[%swap3A_739], %swap3A_742 {strides = array<i32>} : memref<2000xf32, #tpu.memory_space<vmem>>, vector<16xf32>,
    %broadcast_in_dim3A_743 = arith.constant 0.000000e+00 : f32
    %broadcast_in_dim3A_744 = vector.broadcast %broadcast_in_dim3A_743 : f32 to vector<16xf32>
    %swap3A_745 = arith.constant 1904 : index
    %swap3A_746 = tpu.vector_load %arg6[%swap3A_745] {strides = array<i32>} : memref<2000xf32, #tpu.memory_space<vmem>>, vector<16xf32>,
    %swap3A_747 = vector.shape_cast %swap3A_746 : vector<16xf32> to vector<16xf32>
    %swap3A_748 = vector.shape_cast %broadcast_in_dim3A_744 : vector<16xf32> to vector<16xf32>
    tpu.vector_store %arg6[%swap3A_745], %swap3A_748 {strides = array<i32>} : memref<2000xf32, #tpu.memory_space<vmem>>, vector<16xf32>,
    %broadcast_in_dim3A_749 = arith.constant 0.000000e+00 : f32
    %broadcast_in_dim3A_750 = vector.broadcast %broadcast_in_dim3A_749 : f32 to vector<16xf32>
    %swap3A_751 = arith.constant 1920 : index
    %swap3A_752 = tpu.vector_load %arg6[%swap3A_751] {strides = array<i32>} : memref<2000xf32, #tpu.memory_space<vmem>>, vector<16xf32>,
    %swap3A_753 = vector.shape_cast %swap3A_752 : vector<16xf32> to vector<16xf32>
    %swap3A_754 = vector.shape_cast %broadcast_in_dim3A_750 : vector<16xf32> to vector<16xf32>
    tpu.vector_store %arg6[%swap3A_751], %swap3A_754 {strides = array<i32>} : memref<2000xf32, #tpu.memory_space<vmem>>, vector<16xf32>,
    %broadcast_in_dim3A_755 = arith.constant 0.000000e+00 : f32
    %broadcast_in_dim3A_756 = vector.broadcast %broadcast_in_dim3A_755 : f32 to vector<16xf32>
    %swap3A_757 = arith.constant 1936 : index
    %swap3A_758 = tpu.vector_load %arg6[%swap3A_757] {strides = array<i32>} : memref<2000xf32, #tpu.memory_space<vmem>>, vector<16xf32>,
    %swap3A_759 = vector.shape_cast %swap3A_758 : vector<16xf32> to vector<16xf32>
    %swap3A_760 = vector.shape_cast %broadcast_in_dim3A_756 : vector<16xf32> to vector<16xf32>
    tpu.vector_store %arg6[%swap3A_757], %swap3A_760 {strides = array<i32>} : memref<2000xf32, #tpu.memory_space<vmem>>, vector<16xf32>,
    %broadcast_in_dim3A_761 = arith.constant 0.000000e+00 : f32
    %broadcast_in_dim3A_762 = vector.broadcast %broadcast_in_dim3A_761 : f32 to vector<16xf32>
    %swap3A_763 = arith.constant 1952 : index
    %swap3A_764 = tpu.vector_load %arg6[%swap3A_763] {strides = array<i32>} : memref<2000xf32, #tpu.memory_space<vmem>>, vector<16xf32>,
    %swap3A_765 = vector.shape_cast %swap3A_764 : vector<16xf32> to vector<16xf32>
    %swap3A_766 = vector.shape_cast %broadcast_in_dim3A_762 : vector<16xf32> to vector<16xf32>
    tpu.vector_store %arg6[%swap3A_763], %swap3A_766 {strides = array<i32>} : memref<2000xf32, #tpu.memory_space<vmem>>, vector<16xf32>,
    %broadcast_in_dim3A_767 = arith.constant 0.000000e+00 : f32
    %broadcast_in_dim3A_768 = vector.broadcast %broadcast_in_dim3A_767 : f32 to vector<16xf32>
    %swap3A_769 = arith.constant 1968 : index
    %swap3A_770 = tpu.vector_load %arg6[%swap3A_769] {strides = array<i32>} : memref<2000xf32, #tpu.memory_space<vmem>>, vector<16xf32>,
    %swap3A_771 = vector.shape_cast %swap3A_770 : vector<16xf32> to vector<16xf32>
    %swap3A_772 = vector.shape_cast %broadcast_in_dim3A_768 : vector<16xf32> to vector<16xf32>
    tpu.vector_store %arg6[%swap3A_769], %swap3A_772 {strides = array<i32>} : memref<2000xf32, #tpu.memory_space<vmem>>, vector<16xf32>,
    %broadcast_in_dim3A_773 = arith.constant 0.000000e+00 : f32
    %broadcast_in_dim3A_774 = vector.broadcast %broadcast_in_dim3A_773 : f32 to vector<16xf32>
    %swap3A_775 = arith.constant 1984 : index
    %swap3A_776 = tpu.vector_load %arg6[%swap3A_775] {strides = array<i32>} : memref<2000xf32, #tpu.memory_space<vmem>>, vector<16xf32>,
    %swap3A_777 = vector.shape_cast %swap3A_776 : vector<16xf32> to vector<16xf32>
    %swap3A_778 = vector.shape_cast %broadcast_in_dim3A_774 : vector<16xf32> to vector<16xf32>
    tpu.vector_store %arg6[%swap3A_775], %swap3A_778 {strides = array<i32>} : memref<2000xf32, #tpu.memory_space<vmem>>, vector<16xf32>,
    %lt3A = arith.constant 5 : i32
    %lt3A_779 = arith.cmpi slt, %arg1, %lt3A : i32
    %convert_element_type3A = arith.extui %lt3A_779 : i1 to i32
    %cond3A = arith.constant 0 : i32
    %cond3A_780 = arith.cmpi ne, %convert_element_type3A, %cond3A : i32
    scf.if %cond3A_780 {
      %mul3A_791 = arith.constant 2000 : i32
      %mul3A_792 = arith.muli %arg1, %mul3A_791 : i32
      "tpu.region"() ({
        %run_scoped3A = tpu.sem_alloc : memref<!tpu.dma_semaphore, #tpu.memory_space<semaphore_mem>>
        %dma_start3A = tpu.memref_slice %arg7[%mul3A_792] : memref<10000xf32, #tpu.memory_space<vmem_shared>> -> memref<2000xf32, #tpu.memory_space<vmem_shared>>
        %dma_start3A_793 = tpu.memref_slice %arg7[%mul3A_792] : memref<10000xf32, #tpu.memory_space<vmem_shared>> -> memref<2000xf32, #tpu.memory_space<vmem_shared>>
        tpu.enqueue_dma source(%arg6 : memref<2000xf32, #tpu.memory_space<vmem>>) target(%dma_start3A_793 : memref<2000xf32, #tpu.memory_space<vmem_shared>>) target_semaphore(%run_scoped3A : memref<!tpu.dma_semaphore, #tpu.memory_space<semaphore_mem>>)
        %dma_wait3A = tpu.memref_slice %arg7[%mul3A_792] : memref<10000xf32, #tpu.memory_space<vmem_shared>> -> memref<2000xf32, #tpu.memory_space<vmem_shared>>
        %dma_wait3A_794 = tpu.memref_slice %arg7[%mul3A_792] : memref<10000xf32, #tpu.memory_space<vmem_shared>> -> memref<2000xf32, #tpu.memory_space<vmem_shared>>
        tpu.wait_dma2 semaphore(%run_scoped3A : memref<!tpu.dma_semaphore, #tpu.memory_space<semaphore_mem>>) src(%arg6 : memref<2000xf32, #tpu.memory_space<vmem>>) dst(%dma_wait3A_794 : memref<2000xf32, #tpu.memory_space<vmem_shared>>)
        tpu.yield
      }) : () -> ()
    } else {
    }
    %barrier3A = arith.constant 0 : index
    tpu.barrier barrier_id(%barrier3A)
    "tpu.region"() ({
      %run_scoped3A = tpu.sem_alloc : memref<!tpu.dma_semaphore, #tpu.memory_space<semaphore_mem>>
      %dma_start3A = arith.constant 0 : i32
      %dma_start3A_791 = arith.constant 0 : i32
      %dma_start3A_792 = tpu.memref_slice %arg2[%add3A, %dma_start3A, %dma_start3A_791] : memref<32x125x80xi32, #tpu.memory_space<hbm>> -> memref<1x125x80xi32, #tpu.memory_space<hbm>>
      %dma_start3A_793 = tpu.memref_squeeze %dma_start3A_792 : memref<1x125x80xi32, #tpu.memory_space<hbm>> -> memref<125x80xi32, #tpu.memory_space<hbm>>
      %dma_start3A_794 = arith.constant 0 : i32
      %dma_start3A_795 = arith.constant 0 : i32
      %dma_start3A_796 = tpu.memref_slice %arg2[%add3A, %dma_start3A_794, %dma_start3A_795] : memref<32x125x80xi32, #tpu.memory_space<hbm>> -> memref<1x125x80xi32, #tpu.memory_space<hbm>>
      %dma_start3A_797 = tpu.memref_squeeze %dma_start3A_796 : memref<1x125x80xi32, #tpu.memory_space<hbm>> -> memref<125x80xi32, #tpu.memory_space<hbm>>
      tpu.enqueue_dma source(%dma_start3A_797 : memref<125x80xi32, #tpu.memory_space<hbm>>) target(%arg4 : memref<125x80xi32, #tpu.memory_space<vmem>>) target_semaphore(%run_scoped3A : memref<!tpu.dma_semaphore, #tpu.memory_space<semaphore_mem>>)
      %dma_wait3A = arith.constant 0 : i32
      %dma_wait3A_798 = arith.constant 0 : i32
      %dma_wait3A_799 = tpu.memref_slice %arg2[%add3A, %dma_wait3A, %dma_wait3A_798] : memref<32x125x80xi32, #tpu.memory_space<hbm>> -> memref<1x125x80xi32, #tpu.memory_space<hbm>>
      %dma_wait3A_800 = tpu.memref_squeeze %dma_wait3A_799 : memref<1x125x80xi32, #tpu.memory_space<hbm>> -> memref<125x80xi32, #tpu.memory_space<hbm>>
      %dma_wait3A_801 = arith.constant 0 : i32
      %dma_wait3A_802 = arith.constant 0 : i32
      %dma_wait3A_803 = tpu.memref_slice %arg2[%add3A, %dma_wait3A_801, %dma_wait3A_802] : memref<32x125x80xi32, #tpu.memory_space<hbm>> -> memref<1x125x80xi32, #tpu.memory_space<hbm>>
      %dma_wait3A_804 = tpu.memref_squeeze %dma_wait3A_803 : memref<1x125x80xi32, #tpu.memory_space<hbm>> -> memref<125x80xi32, #tpu.memory_space<hbm>>
      tpu.wait_dma2 semaphore(%run_scoped3A : memref<!tpu.dma_semaphore, #tpu.memory_space<semaphore_mem>>) src(%dma_wait3A_804 : memref<125x80xi32, #tpu.memory_space<hbm>>) dst(%arg4 : memref<125x80xi32, #tpu.memory_space<vmem>>)
      tpu.yield
    }) : () -> ()
    %scan3A = arith.constant 0 : i32
    %scan3A_781 = arith.constant 0 : i32
    %scan3A_782 = arith.constant 125 : i32
    %scan3A_783 = arith.addi %scan3A_781, %scan3A_782 : i32
    %scan3A_784 = arith.constant 1 : i32
    scf.for %scan3A_791 = %scan3A_781 to %scan3A_783 step %scan3A_784  : i32 {
      "tpu.region"() ({
        %run_scoped3A = tpu.sem_alloc : memref<!tpu.dma_semaphore, #tpu.memory_space<semaphore_mem>>
        %dma_start3A = arith.constant 0 : i32
        %dma_start3A_792 = tpu.memref_slice %arg4[%scan3A_791, %dma_start3A] : memref<125x80xi32, #tpu.memory_space<vmem>> -> memref<1x80xi32, #tpu.memory_space<vmem>>
        %dma_start3A_793 = tpu.memref_squeeze %dma_start3A_792 : memref<1x80xi32, #tpu.memory_space<vmem>> -> memref<80xi32, #tpu.memory_space<vmem>>
        %dma_start3A_794 = arith.constant 0 : i32
        %dma_start3A_795 = tpu.memref_slice %arg7[%dma_start3A_794] : memref<10000xf32, #tpu.memory_space<vmem_shared>> -> memref<10000xf32, #tpu.memory_space<vmem_shared>>
        tpu.enqueue_indirect_dma source(%arg5 : memref<80xf32, #tpu.memory_space<vmem>>) target(%dma_start3A_795 : memref<10000xf32, #tpu.memory_space<vmem_shared>>) offsets(%dma_start3A_793 : memref<80xi32, #tpu.memory_space<vmem>>) semaphore(%run_scoped3A : memref<!tpu.dma_semaphore, #tpu.memory_space<semaphore_mem>>) {add = true}
        %dma_wait3A = arith.constant 0 : i32
        %dma_wait3A_796 = tpu.memref_slice %arg4[%scan3A_791, %dma_wait3A] : memref<125x80xi32, #tpu.memory_space<vmem>> -> memref<1x80xi32, #tpu.memory_space<vmem>>
        %dma_wait3A_797 = tpu.memref_squeeze %dma_wait3A_796 : memref<1x80xi32, #tpu.memory_space<vmem>> -> memref<80xi32, #tpu.memory_space<vmem>>
        %dma_wait3A_798 = arith.constant 0 : i32
        %dma_wait3A_799 = tpu.memref_slice %arg7[%dma_wait3A_798] : memref<10000xf32, #tpu.memory_space<vmem_shared>> -> memref<10000xf32, #tpu.memory_space<vmem_shared>>
        tpu.wait_indirect_dma semaphore(%run_scoped3A : memref<!tpu.dma_semaphore, #tpu.memory_space<semaphore_mem>>) src(%arg5 : memref<80xf32, #tpu.memory_space<vmem>>) dst(%dma_wait3A_799 : memref<10000xf32, #tpu.memory_space<vmem_shared>>)
        tpu.yield
      }) : () -> ()
    }
    %scan3A_785 = arith.constant 125 : i32
    %barrier3A_786 = arith.constant 0 : index
    tpu.barrier barrier_id(%barrier3A_786)
    %eq3A = arith.constant 0 : i32
    %eq3A_787 = arith.cmpi eq, %arg1, %eq3A : i32
    %convert_element_type3A_788 = arith.extui %eq3A_787 : i1 to i32
    %cond3A_789 = arith.constant 0 : i32
    %cond3A_790 = arith.cmpi ne, %convert_element_type3A_788, %cond3A_789 : i32
    scf.if %cond3A_790 {
      %run_scoped3A = arith.constant 0 : i32
      "tpu.region"() ({
        %run_scoped3A_791 = tpu.sem_alloc : memref<!tpu.dma_semaphore, #tpu.memory_space<semaphore_mem>>
        %dma_start3A = arith.constant 0 : i32
        %dma_start3A_792 = tpu.memref_slice %arg3[%arg0, %run_scoped3A, %dma_start3A] : memref<2x1x10000xf32, #tpu.memory_space<hbm>> -> memref<1x1x10000xf32, #tpu.memory_space<hbm>>
        %dma_start3A_793 = tpu.memref_squeeze %dma_start3A_792 : memref<1x1x10000xf32, #tpu.memory_space<hbm>> -> memref<10000xf32, #tpu.memory_space<hbm>>
        tpu.enqueue_dma source(%arg7 : memref<10000xf32, #tpu.memory_space<vmem_shared>>) target(%dma_start3A_793 : memref<10000xf32, #tpu.memory_space<hbm>>) target_semaphore(%run_scoped3A_791 : memref<!tpu.dma_semaphore, #tpu.memory_space<semaphore_mem>>)
        %dma_wait3A = arith.constant 0 : i32
        %dma_wait3A_794 = tpu.memref_slice %arg3[%arg0, %run_scoped3A, %dma_wait3A] : memref<2x1x10000xf32, #tpu.memory_space<hbm>> -> memref<1x1x10000xf32, #tpu.memory_space<hbm>>
        %dma_wait3A_795 = tpu.memref_squeeze %dma_wait3A_794 : memref<1x1x10000xf32, #tpu.memory_space<hbm>> -> memref<10000xf32, #tpu.memory_space<hbm>>
        tpu.wait_dma2 semaphore(%run_scoped3A_791 : memref<!tpu.dma_semaphore, #tpu.memory_space<semaphore_mem>>) src(%arg7 : memref<10000xf32, #tpu.memory_space<vmem_shared>>) dst(%dma_wait3A_795 : memref<10000xf32, #tpu.memory_space<hbm>>)
        tpu.yield
      }) : () -> ()
    } else {
    }
    return
  }
}

#map = affine_map<(d0, d1) -> (0, 0)>
#map1 = affine_map<(d0, d1) -> (0, 0, 0)>
module attributes {stable_mosaic.version = 14 : i64} {
  func.func @_sc_edge_agg_body(%arg0: i32, %arg1: i32, %arg2: memref<10000x128xf32, #tpu.memory_space<hbm>>, %arg3: memref<32x10000xi32, #tpu.memory_space<hbm>>, %arg4: memref<32x125x80xi32, #tpu.memory_space<hbm>>, %arg5: memref<2x10000x128xf32, #tpu.memory_space<hbm>>, %arg6: memref<10000xi32, #tpu.memory_space<vmem>>, %arg7: memref<125x80xi32, #tpu.memory_space<vmem>>, %arg8: memref<2x80x128xf32, #tpu.memory_space<vmem>>, %arg9: memref<!tpu.dma_semaphore, #tpu.memory_space<semaphore_mem>>, %arg10: memref<!tpu.dma_semaphore, #tpu.memory_space<semaphore_mem>>, %arg11: memref<10000x128xf32, #tpu.memory_space<vmem_shared>>) attributes {dimension_semantics = [#tpu.dimension_semantics<core_parallel>, #tpu.dimension_semantics<subcore_parallel>], iteration_bounds = array<i64: 2, 16>, scalar_prefetch = 0 : i64, scratch_operands = 6 : i64, tpu.core_type = #tpu.core_type<sc_vector_subcore>, window_params = [{transform_indices = #map}, {transform_indices = #map}, {transform_indices = #map1}, {transform_indices = #map1}]} {
    %mul3A = arith.constant 2 : i32
    %mul3A_0 = arith.muli %arg1, %mul3A : i32
    %add3A = arith.addi %mul3A_0, %arg0 : i32
    %broadcast_in_dim3A = arith.constant 0.000000e+00 : f32
    %broadcast_in_dim3A_1 = vector.broadcast %broadcast_in_dim3A : f32 to vector<16xf32>
    %swap3A = arith.constant 0 : i32
    %swap3A_2 = arith.constant 0 : i32
    %swap3A_3 = arith.index_cast %swap3A : i32 to index
    %swap3A_4 = arith.index_cast %swap3A_2 : i32 to index
    %swap3A_5 = arith.constant 0 : index
    %swap3A_6 = tpu.vector_load %arg8[%swap3A_3, %swap3A_4, %swap3A_5] {strides = array<i32>} : memref<2x80x128xf32, #tpu.memory_space<vmem>>, vector<1x1x16xf32>,
    %swap3A_7 = vector.shape_cast %swap3A_6 : vector<1x1x16xf32> to vector<16xf32>
    %swap3A_8 = vector.shape_cast %broadcast_in_dim3A_1 : vector<16xf32> to vector<1x1x16xf32>
    tpu.vector_store %arg8[%swap3A_3, %swap3A_4, %swap3A_5], %swap3A_8 {strides = array<i32>} : memref<2x80x128xf32, #tpu.memory_space<vmem>>, vector<1x1x16xf32>,
    %broadcast_in_dim3A_9 = arith.constant 0.000000e+00 : f32
    %broadcast_in_dim3A_10 = vector.broadcast %broadcast_in_dim3A_9 : f32 to vector<16xf32>
    %swap3A_11 = arith.constant 0 : i32
    %swap3A_12 = arith.constant 0 : i32
    %swap3A_13 = arith.index_cast %swap3A_11 : i32 to index
    %swap3A_14 = arith.index_cast %swap3A_12 : i32 to index
    %swap3A_15 = arith.constant 16 : index
    %swap3A_16 = tpu.vector_load %arg8[%swap3A_13, %swap3A_14, %swap3A_15] {strides = array<i32>} : memref<2x80x128xf32, #tpu.memory_space<vmem>>, vector<1x1x16xf32>,
    %swap3A_17 = vector.shape_cast %swap3A_16 : vector<1x1x16xf32> to vector<16xf32>
    %swap3A_18 = vector.shape_cast %broadcast_in_dim3A_10 : vector<16xf32> to vector<1x1x16xf32>
    tpu.vector_store %arg8[%swap3A_13, %swap3A_14, %swap3A_15], %swap3A_18 {strides = array<i32>} : memref<2x80x128xf32, #tpu.memory_space<vmem>>, vector<1x1x16xf32>,
    %broadcast_in_dim3A_19 = arith.constant 0.000000e+00 : f32
    %broadcast_in_dim3A_20 = vector.broadcast %broadcast_in_dim3A_19 : f32 to vector<16xf32>
    %swap3A_21 = arith.constant 0 : i32
    %swap3A_22 = arith.constant 0 : i32
    %swap3A_23 = arith.index_cast %swap3A_21 : i32 to index
    %swap3A_24 = arith.index_cast %swap3A_22 : i32 to index
    %swap3A_25 = arith.constant 32 : index
    %swap3A_26 = tpu.vector_load %arg8[%swap3A_23, %swap3A_24, %swap3A_25] {strides = array<i32>} : memref<2x80x128xf32, #tpu.memory_space<vmem>>, vector<1x1x16xf32>,
    %swap3A_27 = vector.shape_cast %swap3A_26 : vector<1x1x16xf32> to vector<16xf32>
    %swap3A_28 = vector.shape_cast %broadcast_in_dim3A_20 : vector<16xf32> to vector<1x1x16xf32>
    tpu.vector_store %arg8[%swap3A_23, %swap3A_24, %swap3A_25], %swap3A_28 {strides = array<i32>} : memref<2x80x128xf32, #tpu.memory_space<vmem>>, vector<1x1x16xf32>,
    %broadcast_in_dim3A_29 = arith.constant 0.000000e+00 : f32
    %broadcast_in_dim3A_30 = vector.broadcast %broadcast_in_dim3A_29 : f32 to vector<16xf32>
    %swap3A_31 = arith.constant 0 : i32
    %swap3A_32 = arith.constant 0 : i32
    %swap3A_33 = arith.index_cast %swap3A_31 : i32 to index
    %swap3A_34 = arith.index_cast %swap3A_32 : i32 to index
    %swap3A_35 = arith.constant 48 : index
    %swap3A_36 = tpu.vector_load %arg8[%swap3A_33, %swap3A_34, %swap3A_35] {strides = array<i32>} : memref<2x80x128xf32, #tpu.memory_space<vmem>>, vector<1x1x16xf32>,
    %swap3A_37 = vector.shape_cast %swap3A_36 : vector<1x1x16xf32> to vector<16xf32>
    %swap3A_38 = vector.shape_cast %broadcast_in_dim3A_30 : vector<16xf32> to vector<1x1x16xf32>
    tpu.vector_store %arg8[%swap3A_33, %swap3A_34, %swap3A_35], %swap3A_38 {strides = array<i32>} : memref<2x80x128xf32, #tpu.memory_space<vmem>>, vector<1x1x16xf32>,
    %broadcast_in_dim3A_39 = arith.constant 0.000000e+00 : f32
    %broadcast_in_dim3A_40 = vector.broadcast %broadcast_in_dim3A_39 : f32 to vector<16xf32>
    %swap3A_41 = arith.constant 0 : i32
    %swap3A_42 = arith.constant 0 : i32
    %swap3A_43 = arith.index_cast %swap3A_41 : i32 to index
    %swap3A_44 = arith.index_cast %swap3A_42 : i32 to index
    %swap3A_45 = arith.constant 64 : index
    %swap3A_46 = tpu.vector_load %arg8[%swap3A_43, %swap3A_44, %swap3A_45] {strides = array<i32>} : memref<2x80x128xf32, #tpu.memory_space<vmem>>, vector<1x1x16xf32>,
    %swap3A_47 = vector.shape_cast %swap3A_46 : vector<1x1x16xf32> to vector<16xf32>
    %swap3A_48 = vector.shape_cast %broadcast_in_dim3A_40 : vector<16xf32> to vector<1x1x16xf32>
    tpu.vector_store %arg8[%swap3A_43, %swap3A_44, %swap3A_45], %swap3A_48 {strides = array<i32>} : memref<2x80x128xf32, #tpu.memory_space<vmem>>, vector<1x1x16xf32>,
    %broadcast_in_dim3A_49 = arith.constant 0.000000e+00 : f32
    %broadcast_in_dim3A_50 = vector.broadcast %broadcast_in_dim3A_49 : f32 to vector<16xf32>
    %swap3A_51 = arith.constant 0 : i32
    %swap3A_52 = arith.constant 0 : i32
    %swap3A_53 = arith.index_cast %swap3A_51 : i32 to index
    %swap3A_54 = arith.index_cast %swap3A_52 : i32 to index
    %swap3A_55 = arith.constant 80 : index
    %swap3A_56 = tpu.vector_load %arg8[%swap3A_53, %swap3A_54, %swap3A_55] {strides = array<i32>} : memref<2x80x128xf32, #tpu.memory_space<vmem>>, vector<1x1x16xf32>,
    %swap3A_57 = vector.shape_cast %swap3A_56 : vector<1x1x16xf32> to vector<16xf32>
    %swap3A_58 = vector.shape_cast %broadcast_in_dim3A_50 : vector<16xf32> to vector<1x1x16xf32>
    tpu.vector_store %arg8[%swap3A_53, %swap3A_54, %swap3A_55], %swap3A_58 {strides = array<i32>} : memref<2x80x128xf32, #tpu.memory_space<vmem>>, vector<1x1x16xf32>,
    %broadcast_in_dim3A_59 = arith.constant 0.000000e+00 : f32
    %broadcast_in_dim3A_60 = vector.broadcast %broadcast_in_dim3A_59 : f32 to vector<16xf32>
    %swap3A_61 = arith.constant 0 : i32
    %swap3A_62 = arith.constant 0 : i32
    %swap3A_63 = arith.index_cast %swap3A_61 : i32 to index
    %swap3A_64 = arith.index_cast %swap3A_62 : i32 to index
    %swap3A_65 = arith.constant 96 : index
    %swap3A_66 = tpu.vector_load %arg8[%swap3A_63, %swap3A_64, %swap3A_65] {strides = array<i32>} : memref<2x80x128xf32, #tpu.memory_space<vmem>>, vector<1x1x16xf32>,
    %swap3A_67 = vector.shape_cast %swap3A_66 : vector<1x1x16xf32> to vector<16xf32>
    %swap3A_68 = vector.shape_cast %broadcast_in_dim3A_60 : vector<16xf32> to vector<1x1x16xf32>
    tpu.vector_store %arg8[%swap3A_63, %swap3A_64, %swap3A_65], %swap3A_68 {strides = array<i32>} : memref<2x80x128xf32, #tpu.memory_space<vmem>>, vector<1x1x16xf32>,
    %broadcast_in_dim3A_69 = arith.constant 0.000000e+00 : f32
    %broadcast_in_dim3A_70 = vector.broadcast %broadcast_in_dim3A_69 : f32 to vector<16xf32>
    %swap3A_71 = arith.constant 0 : i32
    %swap3A_72 = arith.constant 0 : i32
    %swap3A_73 = arith.index_cast %swap3A_71 : i32 to index
    %swap3A_74 = arith.index_cast %swap3A_72 : i32 to index
    %swap3A_75 = arith.constant 112 : index
    %swap3A_76 = tpu.vector_load %arg8[%swap3A_73, %swap3A_74, %swap3A_75] {strides = array<i32>} : memref<2x80x128xf32, #tpu.memory_space<vmem>>, vector<1x1x16xf32>,
    %swap3A_77 = vector.shape_cast %swap3A_76 : vector<1x1x16xf32> to vector<16xf32>
    %swap3A_78 = vector.shape_cast %broadcast_in_dim3A_70 : vector<16xf32> to vector<1x1x16xf32>
    tpu.vector_store %arg8[%swap3A_73, %swap3A_74, %swap3A_75], %swap3A_78 {strides = array<i32>} : memref<2x80x128xf32, #tpu.memory_space<vmem>>, vector<1x1x16xf32>,
    %broadcast_in_dim3A_79 = arith.constant 0.000000e+00 : f32
    %broadcast_in_dim3A_80 = vector.broadcast %broadcast_in_dim3A_79 : f32 to vector<16xf32>
    %swap3A_81 = arith.constant 0 : i32
    %swap3A_82 = arith.constant 1 : i32
    %swap3A_83 = arith.index_cast %swap3A_81 : i32 to index
    %swap3A_84 = arith.index_cast %swap3A_82 : i32 to index
    %swap3A_85 = arith.constant 0 : index
    %swap3A_86 = tpu.vector_load %arg8[%swap3A_83, %swap3A_84, %swap3A_85] {strides = array<i32>} : memref<2x80x128xf32, #tpu.memory_space<vmem>>, vector<1x1x16xf32>,
    %swap3A_87 = vector.shape_cast %swap3A_86 : vector<1x1x16xf32> to vector<16xf32>
    %swap3A_88 = vector.shape_cast %broadcast_in_dim3A_80 : vector<16xf32> to vector<1x1x16xf32>
    tpu.vector_store %arg8[%swap3A_83, %swap3A_84, %swap3A_85], %swap3A_88 {strides = array<i32>} : memref<2x80x128xf32, #tpu.memory_space<vmem>>, vector<1x1x16xf32>,
    %broadcast_in_dim3A_89 = arith.constant 0.000000e+00 : f32
    %broadcast_in_dim3A_90 = vector.broadcast %broadcast_in_dim3A_89 : f32 to vector<16xf32>
    %swap3A_91 = arith.constant 0 : i32
    %swap3A_92 = arith.constant 1 : i32
    %swap3A_93 = arith.index_cast %swap3A_91 : i32 to index
    %swap3A_94 = arith.index_cast %swap3A_92 : i32 to index
    %swap3A_95 = arith.constant 16 : index
    %swap3A_96 = tpu.vector_load %arg8[%swap3A_93, %swap3A_94, %swap3A_95] {strides = array<i32>} : memref<2x80x128xf32, #tpu.memory_space<vmem>>, vector<1x1x16xf32>,
    %swap3A_97 = vector.shape_cast %swap3A_96 : vector<1x1x16xf32> to vector<16xf32>
    %swap3A_98 = vector.shape_cast %broadcast_in_dim3A_90 : vector<16xf32> to vector<1x1x16xf32>
    tpu.vector_store %arg8[%swap3A_93, %swap3A_94, %swap3A_95], %swap3A_98 {strides = array<i32>} : memref<2x80x128xf32, #tpu.memory_space<vmem>>, vector<1x1x16xf32>,
    %broadcast_in_dim3A_99 = arith.constant 0.000000e+00 : f32
    %broadcast_in_dim3A_100 = vector.broadcast %broadcast_in_dim3A_99 : f32 to vector<16xf32>
    %swap3A_101 = arith.constant 0 : i32
    %swap3A_102 = arith.constant 1 : i32
    %swap3A_103 = arith.index_cast %swap3A_101 : i32 to index
    %swap3A_104 = arith.index_cast %swap3A_102 : i32 to index
    %swap3A_105 = arith.constant 32 : index
    %swap3A_106 = tpu.vector_load %arg8[%swap3A_103, %swap3A_104, %swap3A_105] {strides = array<i32>} : memref<2x80x128xf32, #tpu.memory_space<vmem>>, vector<1x1x16xf32>,
    %swap3A_107 = vector.shape_cast %swap3A_106 : vector<1x1x16xf32> to vector<16xf32>
    %swap3A_108 = vector.shape_cast %broadcast_in_dim3A_100 : vector<16xf32> to vector<1x1x16xf32>
    tpu.vector_store %arg8[%swap3A_103, %swap3A_104, %swap3A_105], %swap3A_108 {strides = array<i32>} : memref<2x80x128xf32, #tpu.memory_space<vmem>>, vector<1x1x16xf32>,
    %broadcast_in_dim3A_109 = arith.constant 0.000000e+00 : f32
    %broadcast_in_dim3A_110 = vector.broadcast %broadcast_in_dim3A_109 : f32 to vector<16xf32>
    %swap3A_111 = arith.constant 0 : i32
    %swap3A_112 = arith.constant 1 : i32
    %swap3A_113 = arith.index_cast %swap3A_111 : i32 to index
    %swap3A_114 = arith.index_cast %swap3A_112 : i32 to index
    %swap3A_115 = arith.constant 48 : index
    %swap3A_116 = tpu.vector_load %arg8[%swap3A_113, %swap3A_114, %swap3A_115] {strides = array<i32>} : memref<2x80x128xf32, #tpu.memory_space<vmem>>, vector<1x1x16xf32>,
    %swap3A_117 = vector.shape_cast %swap3A_116 : vector<1x1x16xf32> to vector<16xf32>
    %swap3A_118 = vector.shape_cast %broadcast_in_dim3A_110 : vector<16xf32> to vector<1x1x16xf32>
    tpu.vector_store %arg8[%swap3A_113, %swap3A_114, %swap3A_115], %swap3A_118 {strides = array<i32>} : memref<2x80x128xf32, #tpu.memory_space<vmem>>, vector<1x1x16xf32>,
    %broadcast_in_dim3A_119 = arith.constant 0.000000e+00 : f32
    %broadcast_in_dim3A_120 = vector.broadcast %broadcast_in_dim3A_119 : f32 to vector<16xf32>
    %swap3A_121 = arith.constant 0 : i32
    %swap3A_122 = arith.constant 1 : i32
    %swap3A_123 = arith.index_cast %swap3A_121 : i32 to index
    %swap3A_124 = arith.index_cast %swap3A_122 : i32 to index
    %swap3A_125 = arith.constant 64 : index
    %swap3A_126 = tpu.vector_load %arg8[%swap3A_123, %swap3A_124, %swap3A_125] {strides = array<i32>} : memref<2x80x128xf32, #tpu.memory_space<vmem>>, vector<1x1x16xf32>,
    %swap3A_127 = vector.shape_cast %swap3A_126 : vector<1x1x16xf32> to vector<16xf32>
    %swap3A_128 = vector.shape_cast %broadcast_in_dim3A_120 : vector<16xf32> to vector<1x1x16xf32>
    tpu.vector_store %arg8[%swap3A_123, %swap3A_124, %swap3A_125], %swap3A_128 {strides = array<i32>} : memref<2x80x128xf32, #tpu.memory_space<vmem>>, vector<1x1x16xf32>,
    %broadcast_in_dim3A_129 = arith.constant 0.000000e+00 : f32
    %broadcast_in_dim3A_130 = vector.broadcast %broadcast_in_dim3A_129 : f32 to vector<16xf32>
    %swap3A_131 = arith.constant 0 : i32
    %swap3A_132 = arith.constant 1 : i32
    %swap3A_133 = arith.index_cast %swap3A_131 : i32 to index
    %swap3A_134 = arith.index_cast %swap3A_132 : i32 to index
    %swap3A_135 = arith.constant 80 : index
    %swap3A_136 = tpu.vector_load %arg8[%swap3A_133, %swap3A_134, %swap3A_135] {strides = array<i32>} : memref<2x80x128xf32, #tpu.memory_space<vmem>>, vector<1x1x16xf32>,
    %swap3A_137 = vector.shape_cast %swap3A_136 : vector<1x1x16xf32> to vector<16xf32>
    %swap3A_138 = vector.shape_cast %broadcast_in_dim3A_130 : vector<16xf32> to vector<1x1x16xf32>
    tpu.vector_store %arg8[%swap3A_133, %swap3A_134, %swap3A_135], %swap3A_138 {strides = array<i32>} : memref<2x80x128xf32, #tpu.memory_space<vmem>>, vector<1x1x16xf32>,
    %broadcast_in_dim3A_139 = arith.constant 0.000000e+00 : f32
    %broadcast_in_dim3A_140 = vector.broadcast %broadcast_in_dim3A_139 : f32 to vector<16xf32>
    %swap3A_141 = arith.constant 0 : i32
    %swap3A_142 = arith.constant 1 : i32
    %swap3A_143 = arith.index_cast %swap3A_141 : i32 to index
    %swap3A_144 = arith.index_cast %swap3A_142 : i32 to index
    %swap3A_145 = arith.constant 96 : index
    %swap3A_146 = tpu.vector_load %arg8[%swap3A_143, %swap3A_144, %swap3A_145] {strides = array<i32>} : memref<2x80x128xf32, #tpu.memory_space<vmem>>, vector<1x1x16xf32>,
    %swap3A_147 = vector.shape_cast %swap3A_146 : vector<1x1x16xf32> to vector<16xf32>
    %swap3A_148 = vector.shape_cast %broadcast_in_dim3A_140 : vector<16xf32> to vector<1x1x16xf32>
    tpu.vector_store %arg8[%swap3A_143, %swap3A_144, %swap3A_145], %swap3A_148 {strides = array<i32>} : memref<2x80x128xf32, #tpu.memory_space<vmem>>, vector<1x1x16xf32>,
    %broadcast_in_dim3A_149 = arith.constant 0.000000e+00 : f32
    %broadcast_in_dim3A_150 = vector.broadcast %broadcast_in_dim3A_149 : f32 to vector<16xf32>
    %swap3A_151 = arith.constant 0 : i32
    %swap3A_152 = arith.constant 1 : i32
    %swap3A_153 = arith.index_cast %swap3A_151 : i32 to index
    %swap3A_154 = arith.index_cast %swap3A_152 : i32 to index
    %swap3A_155 = arith.constant 112 : index
    %swap3A_156 = tpu.vector_load %arg8[%swap3A_153, %swap3A_154, %swap3A_155] {strides = array<i32>} : memref<2x80x128xf32, #tpu.memory_space<vmem>>, vector<1x1x16xf32>,
    %swap3A_157 = vector.shape_cast %swap3A_156 : vector<1x1x16xf32> to vector<16xf32>
    %swap3A_158 = vector.shape_cast %broadcast_in_dim3A_150 : vector<16xf32> to vector<1x1x16xf32>
    tpu.vector_store %arg8[%swap3A_153, %swap3A_154, %swap3A_155], %swap3A_158 {strides = array<i32>} : memref<2x80x128xf32, #tpu.memory_space<vmem>>, vector<1x1x16xf32>,
    %broadcast_in_dim3A_159 = arith.constant 0.000000e+00 : f32
    %broadcast_in_dim3A_160 = vector.broadcast %broadcast_in_dim3A_159 : f32 to vector<16xf32>
    %swap3A_161 = arith.constant 0 : i32
    %swap3A_162 = arith.constant 2 : i32
    %swap3A_163 = arith.index_cast %swap3A_161 : i32 to index
    %swap3A_164 = arith.index_cast %swap3A_162 : i32 to index
    %swap3A_165 = arith.constant 0 : index
    %swap3A_166 = tpu.vector_load %arg8[%swap3A_163, %swap3A_164, %swap3A_165] {strides = array<i32>} : memref<2x80x128xf32, #tpu.memory_space<vmem>>, vector<1x1x16xf32>,
    %swap3A_167 = vector.shape_cast %swap3A_166 : vector<1x1x16xf32> to vector<16xf32>
    %swap3A_168 = vector.shape_cast %broadcast_in_dim3A_160 : vector<16xf32> to vector<1x1x16xf32>
    tpu.vector_store %arg8[%swap3A_163, %swap3A_164, %swap3A_165], %swap3A_168 {strides = array<i32>} : memref<2x80x128xf32, #tpu.memory_space<vmem>>, vector<1x1x16xf32>,
    %broadcast_in_dim3A_169 = arith.constant 0.000000e+00 : f32
    %broadcast_in_dim3A_170 = vector.broadcast %broadcast_in_dim3A_169 : f32 to vector<16xf32>
    %swap3A_171 = arith.constant 0 : i32
    %swap3A_172 = arith.constant 2 : i32
    %swap3A_173 = arith.index_cast %swap3A_171 : i32 to index
    %swap3A_174 = arith.index_cast %swap3A_172 : i32 to index
    %swap3A_175 = arith.constant 16 : index
    %swap3A_176 = tpu.vector_load %arg8[%swap3A_173, %swap3A_174, %swap3A_175] {strides = array<i32>} : memref<2x80x128xf32, #tpu.memory_space<vmem>>, vector<1x1x16xf32>,
    %swap3A_177 = vector.shape_cast %swap3A_176 : vector<1x1x16xf32> to vector<16xf32>
    %swap3A_178 = vector.shape_cast %broadcast_in_dim3A_170 : vector<16xf32> to vector<1x1x16xf32>
    tpu.vector_store %arg8[%swap3A_173, %swap3A_174, %swap3A_175], %swap3A_178 {strides = array<i32>} : memref<2x80x128xf32, #tpu.memory_space<vmem>>, vector<1x1x16xf32>,
    %broadcast_in_dim3A_179 = arith.constant 0.000000e+00 : f32
    %broadcast_in_dim3A_180 = vector.broadcast %broadcast_in_dim3A_179 : f32 to vector<16xf32>
    %swap3A_181 = arith.constant 0 : i32
    %swap3A_182 = arith.constant 2 : i32
    %swap3A_183 = arith.index_cast %swap3A_181 : i32 to index
    %swap3A_184 = arith.index_cast %swap3A_182 : i32 to index
    %swap3A_185 = arith.constant 32 : index
    %swap3A_186 = tpu.vector_load %arg8[%swap3A_183, %swap3A_184, %swap3A_185] {strides = array<i32>} : memref<2x80x128xf32, #tpu.memory_space<vmem>>, vector<1x1x16xf32>,
    %swap3A_187 = vector.shape_cast %swap3A_186 : vector<1x1x16xf32> to vector<16xf32>
    %swap3A_188 = vector.shape_cast %broadcast_in_dim3A_180 : vector<16xf32> to vector<1x1x16xf32>
    tpu.vector_store %arg8[%swap3A_183, %swap3A_184, %swap3A_185], %swap3A_188 {strides = array<i32>} : memref<2x80x128xf32, #tpu.memory_space<vmem>>, vector<1x1x16xf32>,
    %broadcast_in_dim3A_189 = arith.constant 0.000000e+00 : f32
    %broadcast_in_dim3A_190 = vector.broadcast %broadcast_in_dim3A_189 : f32 to vector<16xf32>
    %swap3A_191 = arith.constant 0 : i32
    %swap3A_192 = arith.constant 2 : i32
    %swap3A_193 = arith.index_cast %swap3A_191 : i32 to index
    %swap3A_194 = arith.index_cast %swap3A_192 : i32 to index
    %swap3A_195 = arith.constant 48 : index
    %swap3A_196 = tpu.vector_load %arg8[%swap3A_193, %swap3A_194, %swap3A_195] {strides = array<i32>} : memref<2x80x128xf32, #tpu.memory_space<vmem>>, vector<1x1x16xf32>,
    %swap3A_197 = vector.shape_cast %swap3A_196 : vector<1x1x16xf32> to vector<16xf32>
    %swap3A_198 = vector.shape_cast %broadcast_in_dim3A_190 : vector<16xf32> to vector<1x1x16xf32>
    tpu.vector_store %arg8[%swap3A_193, %swap3A_194, %swap3A_195], %swap3A_198 {strides = array<i32>} : memref<2x80x128xf32, #tpu.memory_space<vmem>>, vector<1x1x16xf32>,
    %broadcast_in_dim3A_199 = arith.constant 0.000000e+00 : f32
    %broadcast_in_dim3A_200 = vector.broadcast %broadcast_in_dim3A_199 : f32 to vector<16xf32>
    %swap3A_201 = arith.constant 0 : i32
    %swap3A_202 = arith.constant 2 : i32
    %swap3A_203 = arith.index_cast %swap3A_201 : i32 to index
    %swap3A_204 = arith.index_cast %swap3A_202 : i32 to index
    %swap3A_205 = arith.constant 64 : index
    %swap3A_206 = tpu.vector_load %arg8[%swap3A_203, %swap3A_204, %swap3A_205] {strides = array<i32>} : memref<2x80x128xf32, #tpu.memory_space<vmem>>, vector<1x1x16xf32>,
    %swap3A_207 = vector.shape_cast %swap3A_206 : vector<1x1x16xf32> to vector<16xf32>
    %swap3A_208 = vector.shape_cast %broadcast_in_dim3A_200 : vector<16xf32> to vector<1x1x16xf32>
    tpu.vector_store %arg8[%swap3A_203, %swap3A_204, %swap3A_205], %swap3A_208 {strides = array<i32>} : memref<2x80x128xf32, #tpu.memory_space<vmem>>, vector<1x1x16xf32>,
    %broadcast_in_dim3A_209 = arith.constant 0.000000e+00 : f32
    %broadcast_in_dim3A_210 = vector.broadcast %broadcast_in_dim3A_209 : f32 to vector<16xf32>
    %swap3A_211 = arith.constant 0 : i32
    %swap3A_212 = arith.constant 2 : i32
    %swap3A_213 = arith.index_cast %swap3A_211 : i32 to index
    %swap3A_214 = arith.index_cast %swap3A_212 : i32 to index
    %swap3A_215 = arith.constant 80 : index
    %swap3A_216 = tpu.vector_load %arg8[%swap3A_213, %swap3A_214, %swap3A_215] {strides = array<i32>} : memref<2x80x128xf32, #tpu.memory_space<vmem>>, vector<1x1x16xf32>,
    %swap3A_217 = vector.shape_cast %swap3A_216 : vector<1x1x16xf32> to vector<16xf32>
    %swap3A_218 = vector.shape_cast %broadcast_in_dim3A_210 : vector<16xf32> to vector<1x1x16xf32>
    tpu.vector_store %arg8[%swap3A_213, %swap3A_214, %swap3A_215], %swap3A_218 {strides = array<i32>} : memref<2x80x128xf32, #tpu.memory_space<vmem>>, vector<1x1x16xf32>,
    %broadcast_in_dim3A_219 = arith.constant 0.000000e+00 : f32
    %broadcast_in_dim3A_220 = vector.broadcast %broadcast_in_dim3A_219 : f32 to vector<16xf32>
    %swap3A_221 = arith.constant 0 : i32
    %swap3A_222 = arith.constant 2 : i32
    %swap3A_223 = arith.index_cast %swap3A_221 : i32 to index
    %swap3A_224 = arith.index_cast %swap3A_222 : i32 to index
    %swap3A_225 = arith.constant 96 : index
    %swap3A_226 = tpu.vector_load %arg8[%swap3A_223, %swap3A_224, %swap3A_225] {strides = array<i32>} : memref<2x80x128xf32, #tpu.memory_space<vmem>>, vector<1x1x16xf32>,
    %swap3A_227 = vector.shape_cast %swap3A_226 : vector<1x1x16xf32> to vector<16xf32>
    %swap3A_228 = vector.shape_cast %broadcast_in_dim3A_220 : vector<16xf32> to vector<1x1x16xf32>
    tpu.vector_store %arg8[%swap3A_223, %swap3A_224, %swap3A_225], %swap3A_228 {strides = array<i32>} : memref<2x80x128xf32, #tpu.memory_space<vmem>>, vector<1x1x16xf32>,
    %broadcast_in_dim3A_229 = arith.constant 0.000000e+00 : f32
    %broadcast_in_dim3A_230 = vector.broadcast %broadcast_in_dim3A_229 : f32 to vector<16xf32>
    %swap3A_231 = arith.constant 0 : i32
    %swap3A_232 = arith.constant 2 : i32
    %swap3A_233 = arith.index_cast %swap3A_231 : i32 to index
    %swap3A_234 = arith.index_cast %swap3A_232 : i32 to index
    %swap3A_235 = arith.constant 112 : index
    %swap3A_236 = tpu.vector_load %arg8[%swap3A_233, %swap3A_234, %swap3A_235] {strides = array<i32>} : memref<2x80x128xf32, #tpu.memory_space<vmem>>, vector<1x1x16xf32>,
    %swap3A_237 = vector.shape_cast %swap3A_236 : vector<1x1x16xf32> to vector<16xf32>
    %swap3A_238 = vector.shape_cast %broadcast_in_dim3A_230 : vector<16xf32> to vector<1x1x16xf32>
    tpu.vector_store %arg8[%swap3A_233, %swap3A_234, %swap3A_235], %swap3A_238 {strides = array<i32>} : memref<2x80x128xf32, #tpu.memory_space<vmem>>, vector<1x1x16xf32>,
    %broadcast_in_dim3A_239 = arith.constant 0.000000e+00 : f32
    %broadcast_in_dim3A_240 = vector.broadcast %broadcast_in_dim3A_239 : f32 to vector<16xf32>
    %swap3A_241 = arith.constant 0 : i32
    %swap3A_242 = arith.constant 3 : i32
    %swap3A_243 = arith.index_cast %swap3A_241 : i32 to index
    %swap3A_244 = arith.index_cast %swap3A_242 : i32 to index
    %swap3A_245 = arith.constant 0 : index
    %swap3A_246 = tpu.vector_load %arg8[%swap3A_243, %swap3A_244, %swap3A_245] {strides = array<i32>} : memref<2x80x128xf32, #tpu.memory_space<vmem>>, vector<1x1x16xf32>,
    %swap3A_247 = vector.shape_cast %swap3A_246 : vector<1x1x16xf32> to vector<16xf32>
    %swap3A_248 = vector.shape_cast %broadcast_in_dim3A_240 : vector<16xf32> to vector<1x1x16xf32>
    tpu.vector_store %arg8[%swap3A_243, %swap3A_244, %swap3A_245], %swap3A_248 {strides = array<i32>} : memref<2x80x128xf32, #tpu.memory_space<vmem>>, vector<1x1x16xf32>,
    %broadcast_in_dim3A_249 = arith.constant 0.000000e+00 : f32
    %broadcast_in_dim3A_250 = vector.broadcast %broadcast_in_dim3A_249 : f32 to vector<16xf32>
    %swap3A_251 = arith.constant 0 : i32
    %swap3A_252 = arith.constant 3 : i32
    %swap3A_253 = arith.index_cast %swap3A_251 : i32 to index
    %swap3A_254 = arith.index_cast %swap3A_252 : i32 to index
    %swap3A_255 = arith.constant 16 : index
    %swap3A_256 = tpu.vector_load %arg8[%swap3A_253, %swap3A_254, %swap3A_255] {strides = array<i32>} : memref<2x80x128xf32, #tpu.memory_space<vmem>>, vector<1x1x16xf32>,
    %swap3A_257 = vector.shape_cast %swap3A_256 : vector<1x1x16xf32> to vector<16xf32>
    %swap3A_258 = vector.shape_cast %broadcast_in_dim3A_250 : vector<16xf32> to vector<1x1x16xf32>
    tpu.vector_store %arg8[%swap3A_253, %swap3A_254, %swap3A_255], %swap3A_258 {strides = array<i32>} : memref<2x80x128xf32, #tpu.memory_space<vmem>>, vector<1x1x16xf32>,
    %broadcast_in_dim3A_259 = arith.constant 0.000000e+00 : f32
    %broadcast_in_dim3A_260 = vector.broadcast %broadcast_in_dim3A_259 : f32 to vector<16xf32>
    %swap3A_261 = arith.constant 0 : i32
    %swap3A_262 = arith.constant 3 : i32
    %swap3A_263 = arith.index_cast %swap3A_261 : i32 to index
    %swap3A_264 = arith.index_cast %swap3A_262 : i32 to index
    %swap3A_265 = arith.constant 32 : index
    %swap3A_266 = tpu.vector_load %arg8[%swap3A_263, %swap3A_264, %swap3A_265] {strides = array<i32>} : memref<2x80x128xf32, #tpu.memory_space<vmem>>, vector<1x1x16xf32>,
    %swap3A_267 = vector.shape_cast %swap3A_266 : vector<1x1x16xf32> to vector<16xf32>
    %swap3A_268 = vector.shape_cast %broadcast_in_dim3A_260 : vector<16xf32> to vector<1x1x16xf32>
    tpu.vector_store %arg8[%swap3A_263, %swap3A_264, %swap3A_265], %swap3A_268 {strides = array<i32>} : memref<2x80x128xf32, #tpu.memory_space<vmem>>, vector<1x1x16xf32>,
    %broadcast_in_dim3A_269 = arith.constant 0.000000e+00 : f32
    %broadcast_in_dim3A_270 = vector.broadcast %broadcast_in_dim3A_269 : f32 to vector<16xf32>
    %swap3A_271 = arith.constant 0 : i32
    %swap3A_272 = arith.constant 3 : i32
    %swap3A_273 = arith.index_cast %swap3A_271 : i32 to index
    %swap3A_274 = arith.index_cast %swap3A_272 : i32 to index
    %swap3A_275 = arith.constant 48 : index
    %swap3A_276 = tpu.vector_load %arg8[%swap3A_273, %swap3A_274, %swap3A_275] {strides = array<i32>} : memref<2x80x128xf32, #tpu.memory_space<vmem>>, vector<1x1x16xf32>,
    %swap3A_277 = vector.shape_cast %swap3A_276 : vector<1x1x16xf32> to vector<16xf32>
    %swap3A_278 = vector.shape_cast %broadcast_in_dim3A_270 : vector<16xf32> to vector<1x1x16xf32>
    tpu.vector_store %arg8[%swap3A_273, %swap3A_274, %swap3A_275], %swap3A_278 {strides = array<i32>} : memref<2x80x128xf32, #tpu.memory_space<vmem>>, vector<1x1x16xf32>,
    %broadcast_in_dim3A_279 = arith.constant 0.000000e+00 : f32
    %broadcast_in_dim3A_280 = vector.broadcast %broadcast_in_dim3A_279 : f32 to vector<16xf32>
    %swap3A_281 = arith.constant 0 : i32
    %swap3A_282 = arith.constant 3 : i32
    %swap3A_283 = arith.index_cast %swap3A_281 : i32 to index
    %swap3A_284 = arith.index_cast %swap3A_282 : i32 to index
    %swap3A_285 = arith.constant 64 : index
    %swap3A_286 = tpu.vector_load %arg8[%swap3A_283, %swap3A_284, %swap3A_285] {strides = array<i32>} : memref<2x80x128xf32, #tpu.memory_space<vmem>>, vector<1x1x16xf32>,
    %swap3A_287 = vector.shape_cast %swap3A_286 : vector<1x1x16xf32> to vector<16xf32>
    %swap3A_288 = vector.shape_cast %broadcast_in_dim3A_280 : vector<16xf32> to vector<1x1x16xf32>
    tpu.vector_store %arg8[%swap3A_283, %swap3A_284, %swap3A_285], %swap3A_288 {strides = array<i32>} : memref<2x80x128xf32, #tpu.memory_space<vmem>>, vector<1x1x16xf32>,
    %broadcast_in_dim3A_289 = arith.constant 0.000000e+00 : f32
    %broadcast_in_dim3A_290 = vector.broadcast %broadcast_in_dim3A_289 : f32 to vector<16xf32>
    %swap3A_291 = arith.constant 0 : i32
    %swap3A_292 = arith.constant 3 : i32
    %swap3A_293 = arith.index_cast %swap3A_291 : i32 to index
    %swap3A_294 = arith.index_cast %swap3A_292 : i32 to index
    %swap3A_295 = arith.constant 80 : index
    %swap3A_296 = tpu.vector_load %arg8[%swap3A_293, %swap3A_294, %swap3A_295] {strides = array<i32>} : memref<2x80x128xf32, #tpu.memory_space<vmem>>, vector<1x1x16xf32>,
    %swap3A_297 = vector.shape_cast %swap3A_296 : vector<1x1x16xf32> to vector<16xf32>
    %swap3A_298 = vector.shape_cast %broadcast_in_dim3A_290 : vector<16xf32> to vector<1x1x16xf32>
    tpu.vector_store %arg8[%swap3A_293, %swap3A_294, %swap3A_295], %swap3A_298 {strides = array<i32>} : memref<2x80x128xf32, #tpu.memory_space<vmem>>, vector<1x1x16xf32>,
    %broadcast_in_dim3A_299 = arith.constant 0.000000e+00 : f32
    %broadcast_in_dim3A_300 = vector.broadcast %broadcast_in_dim3A_299 : f32 to vector<16xf32>
    %swap3A_301 = arith.constant 0 : i32
    %swap3A_302 = arith.constant 3 : i32
    %swap3A_303 = arith.index_cast %swap3A_301 : i32 to index
    %swap3A_304 = arith.index_cast %swap3A_302 : i32 to index
    %swap3A_305 = arith.constant 96 : index
    %swap3A_306 = tpu.vector_load %arg8[%swap3A_303, %swap3A_304, %swap3A_305] {strides = array<i32>} : memref<2x80x128xf32, #tpu.memory_space<vmem>>, vector<1x1x16xf32>,
    %swap3A_307 = vector.shape_cast %swap3A_306 : vector<1x1x16xf32> to vector<16xf32>
    %swap3A_308 = vector.shape_cast %broadcast_in_dim3A_300 : vector<16xf32> to vector<1x1x16xf32>
    tpu.vector_store %arg8[%swap3A_303, %swap3A_304, %swap3A_305], %swap3A_308 {strides = array<i32>} : memref<2x80x128xf32, #tpu.memory_space<vmem>>, vector<1x1x16xf32>,
    %broadcast_in_dim3A_309 = arith.constant 0.000000e+00 : f32
    %broadcast_in_dim3A_310 = vector.broadcast %broadcast_in_dim3A_309 : f32 to vector<16xf32>
    %swap3A_311 = arith.constant 0 : i32
    %swap3A_312 = arith.constant 3 : i32
    %swap3A_313 = arith.index_cast %swap3A_311 : i32 to index
    %swap3A_314 = arith.index_cast %swap3A_312 : i32 to index
    %swap3A_315 = arith.constant 112 : index
    %swap3A_316 = tpu.vector_load %arg8[%swap3A_313, %swap3A_314, %swap3A_315] {strides = array<i32>} : memref<2x80x128xf32, #tpu.memory_space<vmem>>, vector<1x1x16xf32>,
    %swap3A_317 = vector.shape_cast %swap3A_316 : vector<1x1x16xf32> to vector<16xf32>
    %swap3A_318 = vector.shape_cast %broadcast_in_dim3A_310 : vector<16xf32> to vector<1x1x16xf32>
    tpu.vector_store %arg8[%swap3A_313, %swap3A_314, %swap3A_315], %swap3A_318 {strides = array<i32>} : memref<2x80x128xf32, #tpu.memory_space<vmem>>, vector<1x1x16xf32>,
    %broadcast_in_dim3A_319 = arith.constant 0.000000e+00 : f32
    %broadcast_in_dim3A_320 = vector.broadcast %broadcast_in_dim3A_319 : f32 to vector<16xf32>
    %swap3A_321 = arith.constant 0 : i32
    %swap3A_322 = arith.constant 4 : i32
    %swap3A_323 = arith.index_cast %swap3A_321 : i32 to index
    %swap3A_324 = arith.index_cast %swap3A_322 : i32 to index
    %swap3A_325 = arith.constant 0 : index
    %swap3A_326 = tpu.vector_load %arg8[%swap3A_323, %swap3A_324, %swap3A_325] {strides = array<i32>} : memref<2x80x128xf32, #tpu.memory_space<vmem>>, vector<1x1x16xf32>,
    %swap3A_327 = vector.shape_cast %swap3A_326 : vector<1x1x16xf32> to vector<16xf32>
    %swap3A_328 = vector.shape_cast %broadcast_in_dim3A_320 : vector<16xf32> to vector<1x1x16xf32>
    tpu.vector_store %arg8[%swap3A_323, %swap3A_324, %swap3A_325], %swap3A_328 {strides = array<i32>} : memref<2x80x128xf32, #tpu.memory_space<vmem>>, vector<1x1x16xf32>,
    %broadcast_in_dim3A_329 = arith.constant 0.000000e+00 : f32
    %broadcast_in_dim3A_330 = vector.broadcast %broadcast_in_dim3A_329 : f32 to vector<16xf32>
    %swap3A_331 = arith.constant 0 : i32
    %swap3A_332 = arith.constant 4 : i32
    %swap3A_333 = arith.index_cast %swap3A_331 : i32 to index
    %swap3A_334 = arith.index_cast %swap3A_332 : i32 to index
    %swap3A_335 = arith.constant 16 : index
    %swap3A_336 = tpu.vector_load %arg8[%swap3A_333, %swap3A_334, %swap3A_335] {strides = array<i32>} : memref<2x80x128xf32, #tpu.memory_space<vmem>>, vector<1x1x16xf32>,
    %swap3A_337 = vector.shape_cast %swap3A_336 : vector<1x1x16xf32> to vector<16xf32>
    %swap3A_338 = vector.shape_cast %broadcast_in_dim3A_330 : vector<16xf32> to vector<1x1x16xf32>
    tpu.vector_store %arg8[%swap3A_333, %swap3A_334, %swap3A_335], %swap3A_338 {strides = array<i32>} : memref<2x80x128xf32, #tpu.memory_space<vmem>>, vector<1x1x16xf32>,
    %broadcast_in_dim3A_339 = arith.constant 0.000000e+00 : f32
    %broadcast_in_dim3A_340 = vector.broadcast %broadcast_in_dim3A_339 : f32 to vector<16xf32>
    %swap3A_341 = arith.constant 0 : i32
    %swap3A_342 = arith.constant 4 : i32
    %swap3A_343 = arith.index_cast %swap3A_341 : i32 to index
    %swap3A_344 = arith.index_cast %swap3A_342 : i32 to index
    %swap3A_345 = arith.constant 32 : index
    %swap3A_346 = tpu.vector_load %arg8[%swap3A_343, %swap3A_344, %swap3A_345] {strides = array<i32>} : memref<2x80x128xf32, #tpu.memory_space<vmem>>, vector<1x1x16xf32>,
    %swap3A_347 = vector.shape_cast %swap3A_346 : vector<1x1x16xf32> to vector<16xf32>
    %swap3A_348 = vector.shape_cast %broadcast_in_dim3A_340 : vector<16xf32> to vector<1x1x16xf32>
    tpu.vector_store %arg8[%swap3A_343, %swap3A_344, %swap3A_345], %swap3A_348 {strides = array<i32>} : memref<2x80x128xf32, #tpu.memory_space<vmem>>, vector<1x1x16xf32>,
    %broadcast_in_dim3A_349 = arith.constant 0.000000e+00 : f32
    %broadcast_in_dim3A_350 = vector.broadcast %broadcast_in_dim3A_349 : f32 to vector<16xf32>
    %swap3A_351 = arith.constant 0 : i32
    %swap3A_352 = arith.constant 4 : i32
    %swap3A_353 = arith.index_cast %swap3A_351 : i32 to index
    %swap3A_354 = arith.index_cast %swap3A_352 : i32 to index
    %swap3A_355 = arith.constant 48 : index
    %swap3A_356 = tpu.vector_load %arg8[%swap3A_353, %swap3A_354, %swap3A_355] {strides = array<i32>} : memref<2x80x128xf32, #tpu.memory_space<vmem>>, vector<1x1x16xf32>,
    %swap3A_357 = vector.shape_cast %swap3A_356 : vector<1x1x16xf32> to vector<16xf32>
    %swap3A_358 = vector.shape_cast %broadcast_in_dim3A_350 : vector<16xf32> to vector<1x1x16xf32>
    tpu.vector_store %arg8[%swap3A_353, %swap3A_354, %swap3A_355], %swap3A_358 {strides = array<i32>} : memref<2x80x128xf32, #tpu.memory_space<vmem>>, vector<1x1x16xf32>,
    %broadcast_in_dim3A_359 = arith.constant 0.000000e+00 : f32
    %broadcast_in_dim3A_360 = vector.broadcast %broadcast_in_dim3A_359 : f32 to vector<16xf32>
    %swap3A_361 = arith.constant 0 : i32
    %swap3A_362 = arith.constant 4 : i32
    %swap3A_363 = arith.index_cast %swap3A_361 : i32 to index
    %swap3A_364 = arith.index_cast %swap3A_362 : i32 to index
    %swap3A_365 = arith.constant 64 : index
    %swap3A_366 = tpu.vector_load %arg8[%swap3A_363, %swap3A_364, %swap3A_365] {strides = array<i32>} : memref<2x80x128xf32, #tpu.memory_space<vmem>>, vector<1x1x16xf32>,
    %swap3A_367 = vector.shape_cast %swap3A_366 : vector<1x1x16xf32> to vector<16xf32>
    %swap3A_368 = vector.shape_cast %broadcast_in_dim3A_360 : vector<16xf32> to vector<1x1x16xf32>
    tpu.vector_store %arg8[%swap3A_363, %swap3A_364, %swap3A_365], %swap3A_368 {strides = array<i32>} : memref<2x80x128xf32, #tpu.memory_space<vmem>>, vector<1x1x16xf32>,
    %broadcast_in_dim3A_369 = arith.constant 0.000000e+00 : f32
    %broadcast_in_dim3A_370 = vector.broadcast %broadcast_in_dim3A_369 : f32 to vector<16xf32>
    %swap3A_371 = arith.constant 0 : i32
    %swap3A_372 = arith.constant 4 : i32
    %swap3A_373 = arith.index_cast %swap3A_371 : i32 to index
    %swap3A_374 = arith.index_cast %swap3A_372 : i32 to index
    %swap3A_375 = arith.constant 80 : index
    %swap3A_376 = tpu.vector_load %arg8[%swap3A_373, %swap3A_374, %swap3A_375] {strides = array<i32>} : memref<2x80x128xf32, #tpu.memory_space<vmem>>, vector<1x1x16xf32>,
    %swap3A_377 = vector.shape_cast %swap3A_376 : vector<1x1x16xf32> to vector<16xf32>
    %swap3A_378 = vector.shape_cast %broadcast_in_dim3A_370 : vector<16xf32> to vector<1x1x16xf32>
    tpu.vector_store %arg8[%swap3A_373, %swap3A_374, %swap3A_375], %swap3A_378 {strides = array<i32>} : memref<2x80x128xf32, #tpu.memory_space<vmem>>, vector<1x1x16xf32>,
    %broadcast_in_dim3A_379 = arith.constant 0.000000e+00 : f32
    %broadcast_in_dim3A_380 = vector.broadcast %broadcast_in_dim3A_379 : f32 to vector<16xf32>
    %swap3A_381 = arith.constant 0 : i32
    %swap3A_382 = arith.constant 4 : i32
    %swap3A_383 = arith.index_cast %swap3A_381 : i32 to index
    %swap3A_384 = arith.index_cast %swap3A_382 : i32 to index
    %swap3A_385 = arith.constant 96 : index
    %swap3A_386 = tpu.vector_load %arg8[%swap3A_383, %swap3A_384, %swap3A_385] {strides = array<i32>} : memref<2x80x128xf32, #tpu.memory_space<vmem>>, vector<1x1x16xf32>,
    %swap3A_387 = vector.shape_cast %swap3A_386 : vector<1x1x16xf32> to vector<16xf32>
    %swap3A_388 = vector.shape_cast %broadcast_in_dim3A_380 : vector<16xf32> to vector<1x1x16xf32>
    tpu.vector_store %arg8[%swap3A_383, %swap3A_384, %swap3A_385], %swap3A_388 {strides = array<i32>} : memref<2x80x128xf32, #tpu.memory_space<vmem>>, vector<1x1x16xf32>,
    %broadcast_in_dim3A_389 = arith.constant 0.000000e+00 : f32
    %broadcast_in_dim3A_390 = vector.broadcast %broadcast_in_dim3A_389 : f32 to vector<16xf32>
    %swap3A_391 = arith.constant 0 : i32
    %swap3A_392 = arith.constant 4 : i32
    %swap3A_393 = arith.index_cast %swap3A_391 : i32 to index
    %swap3A_394 = arith.index_cast %swap3A_392 : i32 to index
    %swap3A_395 = arith.constant 112 : index
    %swap3A_396 = tpu.vector_load %arg8[%swap3A_393, %swap3A_394, %swap3A_395] {strides = array<i32>} : memref<2x80x128xf32, #tpu.memory_space<vmem>>, vector<1x1x16xf32>,
    %swap3A_397 = vector.shape_cast %swap3A_396 : vector<1x1x16xf32> to vector<16xf32>
    %swap3A_398 = vector.shape_cast %broadcast_in_dim3A_390 : vector<16xf32> to vector<1x1x16xf32>
    tpu.vector_store %arg8[%swap3A_393, %swap3A_394, %swap3A_395], %swap3A_398 {strides = array<i32>} : memref<2x80x128xf32, #tpu.memory_space<vmem>>, vector<1x1x16xf32>,
    %broadcast_in_dim3A_399 = arith.constant 0.000000e+00 : f32
    %broadcast_in_dim3A_400 = vector.broadcast %broadcast_in_dim3A_399 : f32 to vector<16xf32>
    %swap3A_401 = arith.constant 0 : i32
    %swap3A_402 = arith.constant 5 : i32
    %swap3A_403 = arith.index_cast %swap3A_401 : i32 to index
    %swap3A_404 = arith.index_cast %swap3A_402 : i32 to index
    %swap3A_405 = arith.constant 0 : index
    %swap3A_406 = tpu.vector_load %arg8[%swap3A_403, %swap3A_404, %swap3A_405] {strides = array<i32>} : memref<2x80x128xf32, #tpu.memory_space<vmem>>, vector<1x1x16xf32>,
    %swap3A_407 = vector.shape_cast %swap3A_406 : vector<1x1x16xf32> to vector<16xf32>
    %swap3A_408 = vector.shape_cast %broadcast_in_dim3A_400 : vector<16xf32> to vector<1x1x16xf32>
    tpu.vector_store %arg8[%swap3A_403, %swap3A_404, %swap3A_405], %swap3A_408 {strides = array<i32>} : memref<2x80x128xf32, #tpu.memory_space<vmem>>, vector<1x1x16xf32>,
    %broadcast_in_dim3A_409 = arith.constant 0.000000e+00 : f32
    %broadcast_in_dim3A_410 = vector.broadcast %broadcast_in_dim3A_409 : f32 to vector<16xf32>
    %swap3A_411 = arith.constant 0 : i32
    %swap3A_412 = arith.constant 5 : i32
    %swap3A_413 = arith.index_cast %swap3A_411 : i32 to index
    %swap3A_414 = arith.index_cast %swap3A_412 : i32 to index
    %swap3A_415 = arith.constant 16 : index
    %swap3A_416 = tpu.vector_load %arg8[%swap3A_413, %swap3A_414, %swap3A_415] {strides = array<i32>} : memref<2x80x128xf32, #tpu.memory_space<vmem>>, vector<1x1x16xf32>,
    %swap3A_417 = vector.shape_cast %swap3A_416 : vector<1x1x16xf32> to vector<16xf32>
    %swap3A_418 = vector.shape_cast %broadcast_in_dim3A_410 : vector<16xf32> to vector<1x1x16xf32>
    tpu.vector_store %arg8[%swap3A_413, %swap3A_414, %swap3A_415], %swap3A_418 {strides = array<i32>} : memref<2x80x128xf32, #tpu.memory_space<vmem>>, vector<1x1x16xf32>,
    %broadcast_in_dim3A_419 = arith.constant 0.000000e+00 : f32
    %broadcast_in_dim3A_420 = vector.broadcast %broadcast_in_dim3A_419 : f32 to vector<16xf32>
    %swap3A_421 = arith.constant 0 : i32
    %swap3A_422 = arith.constant 5 : i32
    %swap3A_423 = arith.index_cast %swap3A_421 : i32 to index
    %swap3A_424 = arith.index_cast %swap3A_422 : i32 to index
    %swap3A_425 = arith.constant 32 : index
    %swap3A_426 = tpu.vector_load %arg8[%swap3A_423, %swap3A_424, %swap3A_425] {strides = array<i32>} : memref<2x80x128xf32, #tpu.memory_space<vmem>>, vector<1x1x16xf32>,
    %swap3A_427 = vector.shape_cast %swap3A_426 : vector<1x1x16xf32> to vector<16xf32>
    %swap3A_428 = vector.shape_cast %broadcast_in_dim3A_420 : vector<16xf32> to vector<1x1x16xf32>
    tpu.vector_store %arg8[%swap3A_423, %swap3A_424, %swap3A_425], %swap3A_428 {strides = array<i32>} : memref<2x80x128xf32, #tpu.memory_space<vmem>>, vector<1x1x16xf32>,
    %broadcast_in_dim3A_429 = arith.constant 0.000000e+00 : f32
    %broadcast_in_dim3A_430 = vector.broadcast %broadcast_in_dim3A_429 : f32 to vector<16xf32>
    %swap3A_431 = arith.constant 0 : i32
    %swap3A_432 = arith.constant 5 : i32
    %swap3A_433 = arith.index_cast %swap3A_431 : i32 to index
    %swap3A_434 = arith.index_cast %swap3A_432 : i32 to index
    %swap3A_435 = arith.constant 48 : index
    %swap3A_436 = tpu.vector_load %arg8[%swap3A_433, %swap3A_434, %swap3A_435] {strides = array<i32>} : memref<2x80x128xf32, #tpu.memory_space<vmem>>, vector<1x1x16xf32>,
    %swap3A_437 = vector.shape_cast %swap3A_436 : vector<1x1x16xf32> to vector<16xf32>
    %swap3A_438 = vector.shape_cast %broadcast_in_dim3A_430 : vector<16xf32> to vector<1x1x16xf32>
    tpu.vector_store %arg8[%swap3A_433, %swap3A_434, %swap3A_435], %swap3A_438 {strides = array<i32>} : memref<2x80x128xf32, #tpu.memory_space<vmem>>, vector<1x1x16xf32>,
    %broadcast_in_dim3A_439 = arith.constant 0.000000e+00 : f32
    %broadcast_in_dim3A_440 = vector.broadcast %broadcast_in_dim3A_439 : f32 to vector<16xf32>
    %swap3A_441 = arith.constant 0 : i32
    %swap3A_442 = arith.constant 5 : i32
    %swap3A_443 = arith.index_cast %swap3A_441 : i32 to index
    %swap3A_444 = arith.index_cast %swap3A_442 : i32 to index
    %swap3A_445 = arith.constant 64 : index
    %swap3A_446 = tpu.vector_load %arg8[%swap3A_443, %swap3A_444, %swap3A_445] {strides = array<i32>} : memref<2x80x128xf32, #tpu.memory_space<vmem>>, vector<1x1x16xf32>,
    %swap3A_447 = vector.shape_cast %swap3A_446 : vector<1x1x16xf32> to vector<16xf32>
    %swap3A_448 = vector.shape_cast %broadcast_in_dim3A_440 : vector<16xf32> to vector<1x1x16xf32>
    tpu.vector_store %arg8[%swap3A_443, %swap3A_444, %swap3A_445], %swap3A_448 {strides = array<i32>} : memref<2x80x128xf32, #tpu.memory_space<vmem>>, vector<1x1x16xf32>,
    %broadcast_in_dim3A_449 = arith.constant 0.000000e+00 : f32
    %broadcast_in_dim3A_450 = vector.broadcast %broadcast_in_dim3A_449 : f32 to vector<16xf32>
    %swap3A_451 = arith.constant 0 : i32
    %swap3A_452 = arith.constant 5 : i32
    %swap3A_453 = arith.index_cast %swap3A_451 : i32 to index
    %swap3A_454 = arith.index_cast %swap3A_452 : i32 to index
    %swap3A_455 = arith.constant 80 : index
    %swap3A_456 = tpu.vector_load %arg8[%swap3A_453, %swap3A_454, %swap3A_455] {strides = array<i32>} : memref<2x80x128xf32, #tpu.memory_space<vmem>>, vector<1x1x16xf32>,
    %swap3A_457 = vector.shape_cast %swap3A_456 : vector<1x1x16xf32> to vector<16xf32>
    %swap3A_458 = vector.shape_cast %broadcast_in_dim3A_450 : vector<16xf32> to vector<1x1x16xf32>
    tpu.vector_store %arg8[%swap3A_453, %swap3A_454, %swap3A_455], %swap3A_458 {strides = array<i32>} : memref<2x80x128xf32, #tpu.memory_space<vmem>>, vector<1x1x16xf32>,
    %broadcast_in_dim3A_459 = arith.constant 0.000000e+00 : f32
    %broadcast_in_dim3A_460 = vector.broadcast %broadcast_in_dim3A_459 : f32 to vector<16xf32>
    %swap3A_461 = arith.constant 0 : i32
    %swap3A_462 = arith.constant 5 : i32
    %swap3A_463 = arith.index_cast %swap3A_461 : i32 to index
    %swap3A_464 = arith.index_cast %swap3A_462 : i32 to index
    %swap3A_465 = arith.constant 96 : index
    %swap3A_466 = tpu.vector_load %arg8[%swap3A_463, %swap3A_464, %swap3A_465] {strides = array<i32>} : memref<2x80x128xf32, #tpu.memory_space<vmem>>, vector<1x1x16xf32>,
    %swap3A_467 = vector.shape_cast %swap3A_466 : vector<1x1x16xf32> to vector<16xf32>
    %swap3A_468 = vector.shape_cast %broadcast_in_dim3A_460 : vector<16xf32> to vector<1x1x16xf32>
    tpu.vector_store %arg8[%swap3A_463, %swap3A_464, %swap3A_465], %swap3A_468 {strides = array<i32>} : memref<2x80x128xf32, #tpu.memory_space<vmem>>, vector<1x1x16xf32>,
    %broadcast_in_dim3A_469 = arith.constant 0.000000e+00 : f32
    %broadcast_in_dim3A_470 = vector.broadcast %broadcast_in_dim3A_469 : f32 to vector<16xf32>
    %swap3A_471 = arith.constant 0 : i32
    %swap3A_472 = arith.constant 5 : i32
    %swap3A_473 = arith.index_cast %swap3A_471 : i32 to index
    %swap3A_474 = arith.index_cast %swap3A_472 : i32 to index
    %swap3A_475 = arith.constant 112 : index
    %swap3A_476 = tpu.vector_load %arg8[%swap3A_473, %swap3A_474, %swap3A_475] {strides = array<i32>} : memref<2x80x128xf32, #tpu.memory_space<vmem>>, vector<1x1x16xf32>,
    %swap3A_477 = vector.shape_cast %swap3A_476 : vector<1x1x16xf32> to vector<16xf32>
    %swap3A_478 = vector.shape_cast %broadcast_in_dim3A_470 : vector<16xf32> to vector<1x1x16xf32>
    tpu.vector_store %arg8[%swap3A_473, %swap3A_474, %swap3A_475], %swap3A_478 {strides = array<i32>} : memref<2x80x128xf32, #tpu.memory_space<vmem>>, vector<1x1x16xf32>,
    %broadcast_in_dim3A_479 = arith.constant 0.000000e+00 : f32
    %broadcast_in_dim3A_480 = vector.broadcast %broadcast_in_dim3A_479 : f32 to vector<16xf32>
    %swap3A_481 = arith.constant 0 : i32
    %swap3A_482 = arith.constant 6 : i32
    %swap3A_483 = arith.index_cast %swap3A_481 : i32 to index
    %swap3A_484 = arith.index_cast %swap3A_482 : i32 to index
    %swap3A_485 = arith.constant 0 : index
    %swap3A_486 = tpu.vector_load %arg8[%swap3A_483, %swap3A_484, %swap3A_485] {strides = array<i32>} : memref<2x80x128xf32, #tpu.memory_space<vmem>>, vector<1x1x16xf32>,
    %swap3A_487 = vector.shape_cast %swap3A_486 : vector<1x1x16xf32> to vector<16xf32>
    %swap3A_488 = vector.shape_cast %broadcast_in_dim3A_480 : vector<16xf32> to vector<1x1x16xf32>
    tpu.vector_store %arg8[%swap3A_483, %swap3A_484, %swap3A_485], %swap3A_488 {strides = array<i32>} : memref<2x80x128xf32, #tpu.memory_space<vmem>>, vector<1x1x16xf32>,
    %broadcast_in_dim3A_489 = arith.constant 0.000000e+00 : f32
    %broadcast_in_dim3A_490 = vector.broadcast %broadcast_in_dim3A_489 : f32 to vector<16xf32>
    %swap3A_491 = arith.constant 0 : i32
    %swap3A_492 = arith.constant 6 : i32
    %swap3A_493 = arith.index_cast %swap3A_491 : i32 to index
    %swap3A_494 = arith.index_cast %swap3A_492 : i32 to index
    %swap3A_495 = arith.constant 16 : index
    %swap3A_496 = tpu.vector_load %arg8[%swap3A_493, %swap3A_494, %swap3A_495] {strides = array<i32>} : memref<2x80x128xf32, #tpu.memory_space<vmem>>, vector<1x1x16xf32>,
    %swap3A_497 = vector.shape_cast %swap3A_496 : vector<1x1x16xf32> to vector<16xf32>
    %swap3A_498 = vector.shape_cast %broadcast_in_dim3A_490 : vector<16xf32> to vector<1x1x16xf32>
    tpu.vector_store %arg8[%swap3A_493, %swap3A_494, %swap3A_495], %swap3A_498 {strides = array<i32>} : memref<2x80x128xf32, #tpu.memory_space<vmem>>, vector<1x1x16xf32>,
    %broadcast_in_dim3A_499 = arith.constant 0.000000e+00 : f32
    %broadcast_in_dim3A_500 = vector.broadcast %broadcast_in_dim3A_499 : f32 to vector<16xf32>
    %swap3A_501 = arith.constant 0 : i32
    %swap3A_502 = arith.constant 6 : i32
    %swap3A_503 = arith.index_cast %swap3A_501 : i32 to index
    %swap3A_504 = arith.index_cast %swap3A_502 : i32 to index
    %swap3A_505 = arith.constant 32 : index
    %swap3A_506 = tpu.vector_load %arg8[%swap3A_503, %swap3A_504, %swap3A_505] {strides = array<i32>} : memref<2x80x128xf32, #tpu.memory_space<vmem>>, vector<1x1x16xf32>,
    %swap3A_507 = vector.shape_cast %swap3A_506 : vector<1x1x16xf32> to vector<16xf32>
    %swap3A_508 = vector.shape_cast %broadcast_in_dim3A_500 : vector<16xf32> to vector<1x1x16xf32>
    tpu.vector_store %arg8[%swap3A_503, %swap3A_504, %swap3A_505], %swap3A_508 {strides = array<i32>} : memref<2x80x128xf32, #tpu.memory_space<vmem>>, vector<1x1x16xf32>,
    %broadcast_in_dim3A_509 = arith.constant 0.000000e+00 : f32
    %broadcast_in_dim3A_510 = vector.broadcast %broadcast_in_dim3A_509 : f32 to vector<16xf32>
    %swap3A_511 = arith.constant 0 : i32
    %swap3A_512 = arith.constant 6 : i32
    %swap3A_513 = arith.index_cast %swap3A_511 : i32 to index
    %swap3A_514 = arith.index_cast %swap3A_512 : i32 to index
    %swap3A_515 = arith.constant 48 : index
    %swap3A_516 = tpu.vector_load %arg8[%swap3A_513, %swap3A_514, %swap3A_515] {strides = array<i32>} : memref<2x80x128xf32, #tpu.memory_space<vmem>>, vector<1x1x16xf32>,
    %swap3A_517 = vector.shape_cast %swap3A_516 : vector<1x1x16xf32> to vector<16xf32>
    %swap3A_518 = vector.shape_cast %broadcast_in_dim3A_510 : vector<16xf32> to vector<1x1x16xf32>
    tpu.vector_store %arg8[%swap3A_513, %swap3A_514, %swap3A_515], %swap3A_518 {strides = array<i32>} : memref<2x80x128xf32, #tpu.memory_space<vmem>>, vector<1x1x16xf32>,
    %broadcast_in_dim3A_519 = arith.constant 0.000000e+00 : f32
    %broadcast_in_dim3A_520 = vector.broadcast %broadcast_in_dim3A_519 : f32 to vector<16xf32>
    %swap3A_521 = arith.constant 0 : i32
    %swap3A_522 = arith.constant 6 : i32
    %swap3A_523 = arith.index_cast %swap3A_521 : i32 to index
    %swap3A_524 = arith.index_cast %swap3A_522 : i32 to index
    %swap3A_525 = arith.constant 64 : index
    %swap3A_526 = tpu.vector_load %arg8[%swap3A_523, %swap3A_524, %swap3A_525] {strides = array<i32>} : memref<2x80x128xf32, #tpu.memory_space<vmem>>, vector<1x1x16xf32>,
    %swap3A_527 = vector.shape_cast %swap3A_526 : vector<1x1x16xf32> to vector<16xf32>
    %swap3A_528 = vector.shape_cast %broadcast_in_dim3A_520 : vector<16xf32> to vector<1x1x16xf32>
    tpu.vector_store %arg8[%swap3A_523, %swap3A_524, %swap3A_525], %swap3A_528 {strides = array<i32>} : memref<2x80x128xf32, #tpu.memory_space<vmem>>, vector<1x1x16xf32>,
    %broadcast_in_dim3A_529 = arith.constant 0.000000e+00 : f32
    %broadcast_in_dim3A_530 = vector.broadcast %broadcast_in_dim3A_529 : f32 to vector<16xf32>
    %swap3A_531 = arith.constant 0 : i32
    %swap3A_532 = arith.constant 6 : i32
    %swap3A_533 = arith.index_cast %swap3A_531 : i32 to index
    %swap3A_534 = arith.index_cast %swap3A_532 : i32 to index
    %swap3A_535 = arith.constant 80 : index
    %swap3A_536 = tpu.vector_load %arg8[%swap3A_533, %swap3A_534, %swap3A_535] {strides = array<i32>} : memref<2x80x128xf32, #tpu.memory_space<vmem>>, vector<1x1x16xf32>,
    %swap3A_537 = vector.shape_cast %swap3A_536 : vector<1x1x16xf32> to vector<16xf32>
    %swap3A_538 = vector.shape_cast %broadcast_in_dim3A_530 : vector<16xf32> to vector<1x1x16xf32>
    tpu.vector_store %arg8[%swap3A_533, %swap3A_534, %swap3A_535], %swap3A_538 {strides = array<i32>} : memref<2x80x128xf32, #tpu.memory_space<vmem>>, vector<1x1x16xf32>,
    %broadcast_in_dim3A_539 = arith.constant 0.000000e+00 : f32
    %broadcast_in_dim3A_540 = vector.broadcast %broadcast_in_dim3A_539 : f32 to vector<16xf32>
    %swap3A_541 = arith.constant 0 : i32
    %swap3A_542 = arith.constant 6 : i32
    %swap3A_543 = arith.index_cast %swap3A_541 : i32 to index
    %swap3A_544 = arith.index_cast %swap3A_542 : i32 to index
    %swap3A_545 = arith.constant 96 : index
    %swap3A_546 = tpu.vector_load %arg8[%swap3A_543, %swap3A_544, %swap3A_545] {strides = array<i32>} : memref<2x80x128xf32, #tpu.memory_space<vmem>>, vector<1x1x16xf32>,
    %swap3A_547 = vector.shape_cast %swap3A_546 : vector<1x1x16xf32> to vector<16xf32>
    %swap3A_548 = vector.shape_cast %broadcast_in_dim3A_540 : vector<16xf32> to vector<1x1x16xf32>
    tpu.vector_store %arg8[%swap3A_543, %swap3A_544, %swap3A_545], %swap3A_548 {strides = array<i32>} : memref<2x80x128xf32, #tpu.memory_space<vmem>>, vector<1x1x16xf32>,
    %broadcast_in_dim3A_549 = arith.constant 0.000000e+00 : f32
    %broadcast_in_dim3A_550 = vector.broadcast %broadcast_in_dim3A_549 : f32 to vector<16xf32>
    %swap3A_551 = arith.constant 0 : i32
    %swap3A_552 = arith.constant 6 : i32
    %swap3A_553 = arith.index_cast %swap3A_551 : i32 to index
    %swap3A_554 = arith.index_cast %swap3A_552 : i32 to index
    %swap3A_555 = arith.constant 112 : index
    %swap3A_556 = tpu.vector_load %arg8[%swap3A_553, %swap3A_554, %swap3A_555] {strides = array<i32>} : memref<2x80x128xf32, #tpu.memory_space<vmem>>, vector<1x1x16xf32>,
    %swap3A_557 = vector.shape_cast %swap3A_556 : vector<1x1x16xf32> to vector<16xf32>
    %swap3A_558 = vector.shape_cast %broadcast_in_dim3A_550 : vector<16xf32> to vector<1x1x16xf32>
    tpu.vector_store %arg8[%swap3A_553, %swap3A_554, %swap3A_555], %swap3A_558 {strides = array<i32>} : memref<2x80x128xf32, #tpu.memory_space<vmem>>, vector<1x1x16xf32>,
    %broadcast_in_dim3A_559 = arith.constant 0.000000e+00 : f32
    %broadcast_in_dim3A_560 = vector.broadcast %broadcast_in_dim3A_559 : f32 to vector<16xf32>
    %swap3A_561 = arith.constant 0 : i32
    %swap3A_562 = arith.constant 7 : i32
    %swap3A_563 = arith.index_cast %swap3A_561 : i32 to index
    %swap3A_564 = arith.index_cast %swap3A_562 : i32 to index
    %swap3A_565 = arith.constant 0 : index
    %swap3A_566 = tpu.vector_load %arg8[%swap3A_563, %swap3A_564, %swap3A_565] {strides = array<i32>} : memref<2x80x128xf32, #tpu.memory_space<vmem>>, vector<1x1x16xf32>,
    %swap3A_567 = vector.shape_cast %swap3A_566 : vector<1x1x16xf32> to vector<16xf32>
    %swap3A_568 = vector.shape_cast %broadcast_in_dim3A_560 : vector<16xf32> to vector<1x1x16xf32>
    tpu.vector_store %arg8[%swap3A_563, %swap3A_564, %swap3A_565], %swap3A_568 {strides = array<i32>} : memref<2x80x128xf32, #tpu.memory_space<vmem>>, vector<1x1x16xf32>,
    %broadcast_in_dim3A_569 = arith.constant 0.000000e+00 : f32
    %broadcast_in_dim3A_570 = vector.broadcast %broadcast_in_dim3A_569 : f32 to vector<16xf32>
    %swap3A_571 = arith.constant 0 : i32
    %swap3A_572 = arith.constant 7 : i32
    %swap3A_573 = arith.index_cast %swap3A_571 : i32 to index
    %swap3A_574 = arith.index_cast %swap3A_572 : i32 to index
    %swap3A_575 = arith.constant 16 : index
    %swap3A_576 = tpu.vector_load %arg8[%swap3A_573, %swap3A_574, %swap3A_575] {strides = array<i32>} : memref<2x80x128xf32, #tpu.memory_space<vmem>>, vector<1x1x16xf32>,
    %swap3A_577 = vector.shape_cast %swap3A_576 : vector<1x1x16xf32> to vector<16xf32>
    %swap3A_578 = vector.shape_cast %broadcast_in_dim3A_570 : vector<16xf32> to vector<1x1x16xf32>
    tpu.vector_store %arg8[%swap3A_573, %swap3A_574, %swap3A_575], %swap3A_578 {strides = array<i32>} : memref<2x80x128xf32, #tpu.memory_space<vmem>>, vector<1x1x16xf32>,
    %broadcast_in_dim3A_579 = arith.constant 0.000000e+00 : f32
    %broadcast_in_dim3A_580 = vector.broadcast %broadcast_in_dim3A_579 : f32 to vector<16xf32>
    %swap3A_581 = arith.constant 0 : i32
    %swap3A_582 = arith.constant 7 : i32
    %swap3A_583 = arith.index_cast %swap3A_581 : i32 to index
    %swap3A_584 = arith.index_cast %swap3A_582 : i32 to index
    %swap3A_585 = arith.constant 32 : index
    %swap3A_586 = tpu.vector_load %arg8[%swap3A_583, %swap3A_584, %swap3A_585] {strides = array<i32>} : memref<2x80x128xf32, #tpu.memory_space<vmem>>, vector<1x1x16xf32>,
    %swap3A_587 = vector.shape_cast %swap3A_586 : vector<1x1x16xf32> to vector<16xf32>
    %swap3A_588 = vector.shape_cast %broadcast_in_dim3A_580 : vector<16xf32> to vector<1x1x16xf32>
    tpu.vector_store %arg8[%swap3A_583, %swap3A_584, %swap3A_585], %swap3A_588 {strides = array<i32>} : memref<2x80x128xf32, #tpu.memory_space<vmem>>, vector<1x1x16xf32>,
    %broadcast_in_dim3A_589 = arith.constant 0.000000e+00 : f32
    %broadcast_in_dim3A_590 = vector.broadcast %broadcast_in_dim3A_589 : f32 to vector<16xf32>
    %swap3A_591 = arith.constant 0 : i32
    %swap3A_592 = arith.constant 7 : i32
    %swap3A_593 = arith.index_cast %swap3A_591 : i32 to index
    %swap3A_594 = arith.index_cast %swap3A_592 : i32 to index
    %swap3A_595 = arith.constant 48 : index
    %swap3A_596 = tpu.vector_load %arg8[%swap3A_593, %swap3A_594, %swap3A_595] {strides = array<i32>} : memref<2x80x128xf32, #tpu.memory_space<vmem>>, vector<1x1x16xf32>,
    %swap3A_597 = vector.shape_cast %swap3A_596 : vector<1x1x16xf32> to vector<16xf32>
    %swap3A_598 = vector.shape_cast %broadcast_in_dim3A_590 : vector<16xf32> to vector<1x1x16xf32>
    tpu.vector_store %arg8[%swap3A_593, %swap3A_594, %swap3A_595], %swap3A_598 {strides = array<i32>} : memref<2x80x128xf32, #tpu.memory_space<vmem>>, vector<1x1x16xf32>,
    %broadcast_in_dim3A_599 = arith.constant 0.000000e+00 : f32
    %broadcast_in_dim3A_600 = vector.broadcast %broadcast_in_dim3A_599 : f32 to vector<16xf32>
    %swap3A_601 = arith.constant 0 : i32
    %swap3A_602 = arith.constant 7 : i32
    %swap3A_603 = arith.index_cast %swap3A_601 : i32 to index
    %swap3A_604 = arith.index_cast %swap3A_602 : i32 to index
    %swap3A_605 = arith.constant 64 : index
    %swap3A_606 = tpu.vector_load %arg8[%swap3A_603, %swap3A_604, %swap3A_605] {strides = array<i32>} : memref<2x80x128xf32, #tpu.memory_space<vmem>>, vector<1x1x16xf32>,
    %swap3A_607 = vector.shape_cast %swap3A_606 : vector<1x1x16xf32> to vector<16xf32>
    %swap3A_608 = vector.shape_cast %broadcast_in_dim3A_600 : vector<16xf32> to vector<1x1x16xf32>
    tpu.vector_store %arg8[%swap3A_603, %swap3A_604, %swap3A_605], %swap3A_608 {strides = array<i32>} : memref<2x80x128xf32, #tpu.memory_space<vmem>>, vector<1x1x16xf32>,
    %broadcast_in_dim3A_609 = arith.constant 0.000000e+00 : f32
    %broadcast_in_dim3A_610 = vector.broadcast %broadcast_in_dim3A_609 : f32 to vector<16xf32>
    %swap3A_611 = arith.constant 0 : i32
    %swap3A_612 = arith.constant 7 : i32
    %swap3A_613 = arith.index_cast %swap3A_611 : i32 to index
    %swap3A_614 = arith.index_cast %swap3A_612 : i32 to index
    %swap3A_615 = arith.constant 80 : index
    %swap3A_616 = tpu.vector_load %arg8[%swap3A_613, %swap3A_614, %swap3A_615] {strides = array<i32>} : memref<2x80x128xf32, #tpu.memory_space<vmem>>, vector<1x1x16xf32>,
    %swap3A_617 = vector.shape_cast %swap3A_616 : vector<1x1x16xf32> to vector<16xf32>
    %swap3A_618 = vector.shape_cast %broadcast_in_dim3A_610 : vector<16xf32> to vector<1x1x16xf32>
    tpu.vector_store %arg8[%swap3A_613, %swap3A_614, %swap3A_615], %swap3A_618 {strides = array<i32>} : memref<2x80x128xf32, #tpu.memory_space<vmem>>, vector<1x1x16xf32>,
    %broadcast_in_dim3A_619 = arith.constant 0.000000e+00 : f32
    %broadcast_in_dim3A_620 = vector.broadcast %broadcast_in_dim3A_619 : f32 to vector<16xf32>
    %swap3A_621 = arith.constant 0 : i32
    %swap3A_622 = arith.constant 7 : i32
    %swap3A_623 = arith.index_cast %swap3A_621 : i32 to index
    %swap3A_624 = arith.index_cast %swap3A_622 : i32 to index
    %swap3A_625 = arith.constant 96 : index
    %swap3A_626 = tpu.vector_load %arg8[%swap3A_623, %swap3A_624, %swap3A_625] {strides = array<i32>} : memref<2x80x128xf32, #tpu.memory_space<vmem>>, vector<1x1x16xf32>,
    %swap3A_627 = vector.shape_cast %swap3A_626 : vector<1x1x16xf32> to vector<16xf32>
    %swap3A_628 = vector.shape_cast %broadcast_in_dim3A_620 : vector<16xf32> to vector<1x1x16xf32>
    tpu.vector_store %arg8[%swap3A_623, %swap3A_624, %swap3A_625], %swap3A_628 {strides = array<i32>} : memref<2x80x128xf32, #tpu.memory_space<vmem>>, vector<1x1x16xf32>,
    %broadcast_in_dim3A_629 = arith.constant 0.000000e+00 : f32
    %broadcast_in_dim3A_630 = vector.broadcast %broadcast_in_dim3A_629 : f32 to vector<16xf32>
    %swap3A_631 = arith.constant 0 : i32
    %swap3A_632 = arith.constant 7 : i32
    %swap3A_633 = arith.index_cast %swap3A_631 : i32 to index
    %swap3A_634 = arith.index_cast %swap3A_632 : i32 to index
    %swap3A_635 = arith.constant 112 : index
    %swap3A_636 = tpu.vector_load %arg8[%swap3A_633, %swap3A_634, %swap3A_635] {strides = array<i32>} : memref<2x80x128xf32, #tpu.memory_space<vmem>>, vector<1x1x16xf32>,
    %swap3A_637 = vector.shape_cast %swap3A_636 : vector<1x1x16xf32> to vector<16xf32>
    %swap3A_638 = vector.shape_cast %broadcast_in_dim3A_630 : vector<16xf32> to vector<1x1x16xf32>
    tpu.vector_store %arg8[%swap3A_633, %swap3A_634, %swap3A_635], %swap3A_638 {strides = array<i32>} : memref<2x80x128xf32, #tpu.memory_space<vmem>>, vector<1x1x16xf32>,
    %broadcast_in_dim3A_639 = arith.constant 0.000000e+00 : f32
    %broadcast_in_dim3A_640 = vector.broadcast %broadcast_in_dim3A_639 : f32 to vector<16xf32>
    %swap3A_641 = arith.constant 0 : i32
    %swap3A_642 = arith.constant 8 : i32
    %swap3A_643 = arith.index_cast %swap3A_641 : i32 to index
    %swap3A_644 = arith.index_cast %swap3A_642 : i32 to index
    %swap3A_645 = arith.constant 0 : index
    %swap3A_646 = tpu.vector_load %arg8[%swap3A_643, %swap3A_644, %swap3A_645] {strides = array<i32>} : memref<2x80x128xf32, #tpu.memory_space<vmem>>, vector<1x1x16xf32>,
    %swap3A_647 = vector.shape_cast %swap3A_646 : vector<1x1x16xf32> to vector<16xf32>
    %swap3A_648 = vector.shape_cast %broadcast_in_dim3A_640 : vector<16xf32> to vector<1x1x16xf32>
    tpu.vector_store %arg8[%swap3A_643, %swap3A_644, %swap3A_645], %swap3A_648 {strides = array<i32>} : memref<2x80x128xf32, #tpu.memory_space<vmem>>, vector<1x1x16xf32>,
    %broadcast_in_dim3A_649 = arith.constant 0.000000e+00 : f32
    %broadcast_in_dim3A_650 = vector.broadcast %broadcast_in_dim3A_649 : f32 to vector<16xf32>
    %swap3A_651 = arith.constant 0 : i32
    %swap3A_652 = arith.constant 8 : i32
    %swap3A_653 = arith.index_cast %swap3A_651 : i32 to index
    %swap3A_654 = arith.index_cast %swap3A_652 : i32 to index
    %swap3A_655 = arith.constant 16 : index
    %swap3A_656 = tpu.vector_load %arg8[%swap3A_653, %swap3A_654, %swap3A_655] {strides = array<i32>} : memref<2x80x128xf32, #tpu.memory_space<vmem>>, vector<1x1x16xf32>,
    %swap3A_657 = vector.shape_cast %swap3A_656 : vector<1x1x16xf32> to vector<16xf32>
    %swap3A_658 = vector.shape_cast %broadcast_in_dim3A_650 : vector<16xf32> to vector<1x1x16xf32>
    tpu.vector_store %arg8[%swap3A_653, %swap3A_654, %swap3A_655], %swap3A_658 {strides = array<i32>} : memref<2x80x128xf32, #tpu.memory_space<vmem>>, vector<1x1x16xf32>,
    %broadcast_in_dim3A_659 = arith.constant 0.000000e+00 : f32
    %broadcast_in_dim3A_660 = vector.broadcast %broadcast_in_dim3A_659 : f32 to vector<16xf32>
    %swap3A_661 = arith.constant 0 : i32
    %swap3A_662 = arith.constant 8 : i32
    %swap3A_663 = arith.index_cast %swap3A_661 : i32 to index
    %swap3A_664 = arith.index_cast %swap3A_662 : i32 to index
    %swap3A_665 = arith.constant 32 : index
    %swap3A_666 = tpu.vector_load %arg8[%swap3A_663, %swap3A_664, %swap3A_665] {strides = array<i32>} : memref<2x80x128xf32, #tpu.memory_space<vmem>>, vector<1x1x16xf32>,
    %swap3A_667 = vector.shape_cast %swap3A_666 : vector<1x1x16xf32> to vector<16xf32>
    %swap3A_668 = vector.shape_cast %broadcast_in_dim3A_660 : vector<16xf32> to vector<1x1x16xf32>
    tpu.vector_store %arg8[%swap3A_663, %swap3A_664, %swap3A_665], %swap3A_668 {strides = array<i32>} : memref<2x80x128xf32, #tpu.memory_space<vmem>>, vector<1x1x16xf32>,
    %broadcast_in_dim3A_669 = arith.constant 0.000000e+00 : f32
    %broadcast_in_dim3A_670 = vector.broadcast %broadcast_in_dim3A_669 : f32 to vector<16xf32>
    %swap3A_671 = arith.constant 0 : i32
    %swap3A_672 = arith.constant 8 : i32
    %swap3A_673 = arith.index_cast %swap3A_671 : i32 to index
    %swap3A_674 = arith.index_cast %swap3A_672 : i32 to index
    %swap3A_675 = arith.constant 48 : index
    %swap3A_676 = tpu.vector_load %arg8[%swap3A_673, %swap3A_674, %swap3A_675] {strides = array<i32>} : memref<2x80x128xf32, #tpu.memory_space<vmem>>, vector<1x1x16xf32>,
    %swap3A_677 = vector.shape_cast %swap3A_676 : vector<1x1x16xf32> to vector<16xf32>
    %swap3A_678 = vector.shape_cast %broadcast_in_dim3A_670 : vector<16xf32> to vector<1x1x16xf32>
    tpu.vector_store %arg8[%swap3A_673, %swap3A_674, %swap3A_675], %swap3A_678 {strides = array<i32>} : memref<2x80x128xf32, #tpu.memory_space<vmem>>, vector<1x1x16xf32>,
    %broadcast_in_dim3A_679 = arith.constant 0.000000e+00 : f32
    %broadcast_in_dim3A_680 = vector.broadcast %broadcast_in_dim3A_679 : f32 to vector<16xf32>
    %swap3A_681 = arith.constant 0 : i32
    %swap3A_682 = arith.constant 8 : i32
    %swap3A_683 = arith.index_cast %swap3A_681 : i32 to index
    %swap3A_684 = arith.index_cast %swap3A_682 : i32 to index
    %swap3A_685 = arith.constant 64 : index
    %swap3A_686 = tpu.vector_load %arg8[%swap3A_683, %swap3A_684, %swap3A_685] {strides = array<i32>} : memref<2x80x128xf32, #tpu.memory_space<vmem>>, vector<1x1x16xf32>,
    %swap3A_687 = vector.shape_cast %swap3A_686 : vector<1x1x16xf32> to vector<16xf32>
    %swap3A_688 = vector.shape_cast %broadcast_in_dim3A_680 : vector<16xf32> to vector<1x1x16xf32>
    tpu.vector_store %arg8[%swap3A_683, %swap3A_684, %swap3A_685], %swap3A_688 {strides = array<i32>} : memref<2x80x128xf32, #tpu.memory_space<vmem>>, vector<1x1x16xf32>,
    %broadcast_in_dim3A_689 = arith.constant 0.000000e+00 : f32
    %broadcast_in_dim3A_690 = vector.broadcast %broadcast_in_dim3A_689 : f32 to vector<16xf32>
    %swap3A_691 = arith.constant 0 : i32
    %swap3A_692 = arith.constant 8 : i32
    %swap3A_693 = arith.index_cast %swap3A_691 : i32 to index
    %swap3A_694 = arith.index_cast %swap3A_692 : i32 to index
    %swap3A_695 = arith.constant 80 : index
    %swap3A_696 = tpu.vector_load %arg8[%swap3A_693, %swap3A_694, %swap3A_695] {strides = array<i32>} : memref<2x80x128xf32, #tpu.memory_space<vmem>>, vector<1x1x16xf32>,
    %swap3A_697 = vector.shape_cast %swap3A_696 : vector<1x1x16xf32> to vector<16xf32>
    %swap3A_698 = vector.shape_cast %broadcast_in_dim3A_690 : vector<16xf32> to vector<1x1x16xf32>
    tpu.vector_store %arg8[%swap3A_693, %swap3A_694, %swap3A_695], %swap3A_698 {strides = array<i32>} : memref<2x80x128xf32, #tpu.memory_space<vmem>>, vector<1x1x16xf32>,
    %broadcast_in_dim3A_699 = arith.constant 0.000000e+00 : f32
    %broadcast_in_dim3A_700 = vector.broadcast %broadcast_in_dim3A_699 : f32 to vector<16xf32>
    %swap3A_701 = arith.constant 0 : i32
    %swap3A_702 = arith.constant 8 : i32
    %swap3A_703 = arith.index_cast %swap3A_701 : i32 to index
    %swap3A_704 = arith.index_cast %swap3A_702 : i32 to index
    %swap3A_705 = arith.constant 96 : index
    %swap3A_706 = tpu.vector_load %arg8[%swap3A_703, %swap3A_704, %swap3A_705] {strides = array<i32>} : memref<2x80x128xf32, #tpu.memory_space<vmem>>, vector<1x1x16xf32>,
    %swap3A_707 = vector.shape_cast %swap3A_706 : vector<1x1x16xf32> to vector<16xf32>
    %swap3A_708 = vector.shape_cast %broadcast_in_dim3A_700 : vector<16xf32> to vector<1x1x16xf32>
    tpu.vector_store %arg8[%swap3A_703, %swap3A_704, %swap3A_705], %swap3A_708 {strides = array<i32>} : memref<2x80x128xf32, #tpu.memory_space<vmem>>, vector<1x1x16xf32>,
    %broadcast_in_dim3A_709 = arith.constant 0.000000e+00 : f32
    %broadcast_in_dim3A_710 = vector.broadcast %broadcast_in_dim3A_709 : f32 to vector<16xf32>
    %swap3A_711 = arith.constant 0 : i32
    %swap3A_712 = arith.constant 8 : i32
    %swap3A_713 = arith.index_cast %swap3A_711 : i32 to index
    %swap3A_714 = arith.index_cast %swap3A_712 : i32 to index
    %swap3A_715 = arith.constant 112 : index
    %swap3A_716 = tpu.vector_load %arg8[%swap3A_713, %swap3A_714, %swap3A_715] {strides = array<i32>} : memref<2x80x128xf32, #tpu.memory_space<vmem>>, vector<1x1x16xf32>,
    %swap3A_717 = vector.shape_cast %swap3A_716 : vector<1x1x16xf32> to vector<16xf32>
    %swap3A_718 = vector.shape_cast %broadcast_in_dim3A_710 : vector<16xf32> to vector<1x1x16xf32>
    tpu.vector_store %arg8[%swap3A_713, %swap3A_714, %swap3A_715], %swap3A_718 {strides = array<i32>} : memref<2x80x128xf32, #tpu.memory_space<vmem>>, vector<1x1x16xf32>,
    %broadcast_in_dim3A_719 = arith.constant 0.000000e+00 : f32
    %broadcast_in_dim3A_720 = vector.broadcast %broadcast_in_dim3A_719 : f32 to vector<16xf32>
    %swap3A_721 = arith.constant 0 : i32
    %swap3A_722 = arith.constant 9 : i32
    %swap3A_723 = arith.index_cast %swap3A_721 : i32 to index
    %swap3A_724 = arith.index_cast %swap3A_722 : i32 to index
    %swap3A_725 = arith.constant 0 : index
    %swap3A_726 = tpu.vector_load %arg8[%swap3A_723, %swap3A_724, %swap3A_725] {strides = array<i32>} : memref<2x80x128xf32, #tpu.memory_space<vmem>>, vector<1x1x16xf32>,
    %swap3A_727 = vector.shape_cast %swap3A_726 : vector<1x1x16xf32> to vector<16xf32>
    %swap3A_728 = vector.shape_cast %broadcast_in_dim3A_720 : vector<16xf32> to vector<1x1x16xf32>
    tpu.vector_store %arg8[%swap3A_723, %swap3A_724, %swap3A_725], %swap3A_728 {strides = array<i32>} : memref<2x80x128xf32, #tpu.memory_space<vmem>>, vector<1x1x16xf32>,
    %broadcast_in_dim3A_729 = arith.constant 0.000000e+00 : f32
    %broadcast_in_dim3A_730 = vector.broadcast %broadcast_in_dim3A_729 : f32 to vector<16xf32>
    %swap3A_731 = arith.constant 0 : i32
    %swap3A_732 = arith.constant 9 : i32
    %swap3A_733 = arith.index_cast %swap3A_731 : i32 to index
    %swap3A_734 = arith.index_cast %swap3A_732 : i32 to index
    %swap3A_735 = arith.constant 16 : index
    %swap3A_736 = tpu.vector_load %arg8[%swap3A_733, %swap3A_734, %swap3A_735] {strides = array<i32>} : memref<2x80x128xf32, #tpu.memory_space<vmem>>, vector<1x1x16xf32>,
    %swap3A_737 = vector.shape_cast %swap3A_736 : vector<1x1x16xf32> to vector<16xf32>
    %swap3A_738 = vector.shape_cast %broadcast_in_dim3A_730 : vector<16xf32> to vector<1x1x16xf32>
    tpu.vector_store %arg8[%swap3A_733, %swap3A_734, %swap3A_735], %swap3A_738 {strides = array<i32>} : memref<2x80x128xf32, #tpu.memory_space<vmem>>, vector<1x1x16xf32>,
    %broadcast_in_dim3A_739 = arith.constant 0.000000e+00 : f32
    %broadcast_in_dim3A_740 = vector.broadcast %broadcast_in_dim3A_739 : f32 to vector<16xf32>
    %swap3A_741 = arith.constant 0 : i32
    %swap3A_742 = arith.constant 9 : i32
    %swap3A_743 = arith.index_cast %swap3A_741 : i32 to index
    %swap3A_744 = arith.index_cast %swap3A_742 : i32 to index
    %swap3A_745 = arith.constant 32 : index
    %swap3A_746 = tpu.vector_load %arg8[%swap3A_743, %swap3A_744, %swap3A_745] {strides = array<i32>} : memref<2x80x128xf32, #tpu.memory_space<vmem>>, vector<1x1x16xf32>,
    %swap3A_747 = vector.shape_cast %swap3A_746 : vector<1x1x16xf32> to vector<16xf32>
    %swap3A_748 = vector.shape_cast %broadcast_in_dim3A_740 : vector<16xf32> to vector<1x1x16xf32>
    tpu.vector_store %arg8[%swap3A_743, %swap3A_744, %swap3A_745], %swap3A_748 {strides = array<i32>} : memref<2x80x128xf32, #tpu.memory_space<vmem>>, vector<1x1x16xf32>,
    %broadcast_in_dim3A_749 = arith.constant 0.000000e+00 : f32
    %broadcast_in_dim3A_750 = vector.broadcast %broadcast_in_dim3A_749 : f32 to vector<16xf32>
    %swap3A_751 = arith.constant 0 : i32
    %swap3A_752 = arith.constant 9 : i32
    %swap3A_753 = arith.index_cast %swap3A_751 : i32 to index
    %swap3A_754 = arith.index_cast %swap3A_752 : i32 to index
    %swap3A_755 = arith.constant 48 : index
    %swap3A_756 = tpu.vector_load %arg8[%swap3A_753, %swap3A_754, %swap3A_755] {strides = array<i32>} : memref<2x80x128xf32, #tpu.memory_space<vmem>>, vector<1x1x16xf32>,
    %swap3A_757 = vector.shape_cast %swap3A_756 : vector<1x1x16xf32> to vector<16xf32>
    %swap3A_758 = vector.shape_cast %broadcast_in_dim3A_750 : vector<16xf32> to vector<1x1x16xf32>
    tpu.vector_store %arg8[%swap3A_753, %swap3A_754, %swap3A_755], %swap3A_758 {strides = array<i32>} : memref<2x80x128xf32, #tpu.memory_space<vmem>>, vector<1x1x16xf32>,
    %broadcast_in_dim3A_759 = arith.constant 0.000000e+00 : f32
    %broadcast_in_dim3A_760 = vector.broadcast %broadcast_in_dim3A_759 : f32 to vector<16xf32>
    %swap3A_761 = arith.constant 0 : i32
    %swap3A_762 = arith.constant 9 : i32
    %swap3A_763 = arith.index_cast %swap3A_761 : i32 to index
    %swap3A_764 = arith.index_cast %swap3A_762 : i32 to index
    %swap3A_765 = arith.constant 64 : index
    %swap3A_766 = tpu.vector_load %arg8[%swap3A_763, %swap3A_764, %swap3A_765] {strides = array<i32>} : memref<2x80x128xf32, #tpu.memory_space<vmem>>, vector<1x1x16xf32>,
    %swap3A_767 = vector.shape_cast %swap3A_766 : vector<1x1x16xf32> to vector<16xf32>
    %swap3A_768 = vector.shape_cast %broadcast_in_dim3A_760 : vector<16xf32> to vector<1x1x16xf32>
    tpu.vector_store %arg8[%swap3A_763, %swap3A_764, %swap3A_765], %swap3A_768 {strides = array<i32>} : memref<2x80x128xf32, #tpu.memory_space<vmem>>, vector<1x1x16xf32>,
    %broadcast_in_dim3A_769 = arith.constant 0.000000e+00 : f32
    %broadcast_in_dim3A_770 = vector.broadcast %broadcast_in_dim3A_769 : f32 to vector<16xf32>
    %swap3A_771 = arith.constant 0 : i32
    %swap3A_772 = arith.constant 9 : i32
    %swap3A_773 = arith.index_cast %swap3A_771 : i32 to index
    %swap3A_774 = arith.index_cast %swap3A_772 : i32 to index
    %swap3A_775 = arith.constant 80 : index
    %swap3A_776 = tpu.vector_load %arg8[%swap3A_773, %swap3A_774, %swap3A_775] {strides = array<i32>} : memref<2x80x128xf32, #tpu.memory_space<vmem>>, vector<1x1x16xf32>,
    %swap3A_777 = vector.shape_cast %swap3A_776 : vector<1x1x16xf32> to vector<16xf32>
    %swap3A_778 = vector.shape_cast %broadcast_in_dim3A_770 : vector<16xf32> to vector<1x1x16xf32>
    tpu.vector_store %arg8[%swap3A_773, %swap3A_774, %swap3A_775], %swap3A_778 {strides = array<i32>} : memref<2x80x128xf32, #tpu.memory_space<vmem>>, vector<1x1x16xf32>,
    %broadcast_in_dim3A_779 = arith.constant 0.000000e+00 : f32
    %broadcast_in_dim3A_780 = vector.broadcast %broadcast_in_dim3A_779 : f32 to vector<16xf32>
    %swap3A_781 = arith.constant 0 : i32
    %swap3A_782 = arith.constant 9 : i32
    %swap3A_783 = arith.index_cast %swap3A_781 : i32 to index
    %swap3A_784 = arith.index_cast %swap3A_782 : i32 to index
    %swap3A_785 = arith.constant 96 : index
    %swap3A_786 = tpu.vector_load %arg8[%swap3A_783, %swap3A_784, %swap3A_785] {strides = array<i32>} : memref<2x80x128xf32, #tpu.memory_space<vmem>>, vector<1x1x16xf32>,
    %swap3A_787 = vector.shape_cast %swap3A_786 : vector<1x1x16xf32> to vector<16xf32>
    %swap3A_788 = vector.shape_cast %broadcast_in_dim3A_780 : vector<16xf32> to vector<1x1x16xf32>
    tpu.vector_store %arg8[%swap3A_783, %swap3A_784, %swap3A_785], %swap3A_788 {strides = array<i32>} : memref<2x80x128xf32, #tpu.memory_space<vmem>>, vector<1x1x16xf32>,
    %broadcast_in_dim3A_789 = arith.constant 0.000000e+00 : f32
    %broadcast_in_dim3A_790 = vector.broadcast %broadcast_in_dim3A_789 : f32 to vector<16xf32>
    %swap3A_791 = arith.constant 0 : i32
    %swap3A_792 = arith.constant 9 : i32
    %swap3A_793 = arith.index_cast %swap3A_791 : i32 to index
    %swap3A_794 = arith.index_cast %swap3A_792 : i32 to index
    %swap3A_795 = arith.constant 112 : index
    %swap3A_796 = tpu.vector_load %arg8[%swap3A_793, %swap3A_794, %swap3A_795] {strides = array<i32>} : memref<2x80x128xf32, #tpu.memory_space<vmem>>, vector<1x1x16xf32>,
    %swap3A_797 = vector.shape_cast %swap3A_796 : vector<1x1x16xf32> to vector<16xf32>
    %swap3A_798 = vector.shape_cast %broadcast_in_dim3A_790 : vector<16xf32> to vector<1x1x16xf32>
    tpu.vector_store %arg8[%swap3A_793, %swap3A_794, %swap3A_795], %swap3A_798 {strides = array<i32>} : memref<2x80x128xf32, #tpu.memory_space<vmem>>, vector<1x1x16xf32>,
    %broadcast_in_dim3A_799 = arith.constant 0.000000e+00 : f32
    %broadcast_in_dim3A_800 = vector.broadcast %broadcast_in_dim3A_799 : f32 to vector<16xf32>
    %swap3A_801 = arith.constant 0 : i32
    %swap3A_802 = arith.constant 10 : i32
    %swap3A_803 = arith.index_cast %swap3A_801 : i32 to index
    %swap3A_804 = arith.index_cast %swap3A_802 : i32 to index
    %swap3A_805 = arith.constant 0 : index
    %swap3A_806 = tpu.vector_load %arg8[%swap3A_803, %swap3A_804, %swap3A_805] {strides = array<i32>} : memref<2x80x128xf32, #tpu.memory_space<vmem>>, vector<1x1x16xf32>,
    %swap3A_807 = vector.shape_cast %swap3A_806 : vector<1x1x16xf32> to vector<16xf32>
    %swap3A_808 = vector.shape_cast %broadcast_in_dim3A_800 : vector<16xf32> to vector<1x1x16xf32>
    tpu.vector_store %arg8[%swap3A_803, %swap3A_804, %swap3A_805], %swap3A_808 {strides = array<i32>} : memref<2x80x128xf32, #tpu.memory_space<vmem>>, vector<1x1x16xf32>,
    %broadcast_in_dim3A_809 = arith.constant 0.000000e+00 : f32
    %broadcast_in_dim3A_810 = vector.broadcast %broadcast_in_dim3A_809 : f32 to vector<16xf32>
    %swap3A_811 = arith.constant 0 : i32
    %swap3A_812 = arith.constant 10 : i32
    %swap3A_813 = arith.index_cast %swap3A_811 : i32 to index
    %swap3A_814 = arith.index_cast %swap3A_812 : i32 to index
    %swap3A_815 = arith.constant 16 : index
    %swap3A_816 = tpu.vector_load %arg8[%swap3A_813, %swap3A_814, %swap3A_815] {strides = array<i32>} : memref<2x80x128xf32, #tpu.memory_space<vmem>>, vector<1x1x16xf32>,
    %swap3A_817 = vector.shape_cast %swap3A_816 : vector<1x1x16xf32> to vector<16xf32>
    %swap3A_818 = vector.shape_cast %broadcast_in_dim3A_810 : vector<16xf32> to vector<1x1x16xf32>
    tpu.vector_store %arg8[%swap3A_813, %swap3A_814, %swap3A_815], %swap3A_818 {strides = array<i32>} : memref<2x80x128xf32, #tpu.memory_space<vmem>>, vector<1x1x16xf32>,
    %broadcast_in_dim3A_819 = arith.constant 0.000000e+00 : f32
    %broadcast_in_dim3A_820 = vector.broadcast %broadcast_in_dim3A_819 : f32 to vector<16xf32>
    %swap3A_821 = arith.constant 0 : i32
    %swap3A_822 = arith.constant 10 : i32
    %swap3A_823 = arith.index_cast %swap3A_821 : i32 to index
    %swap3A_824 = arith.index_cast %swap3A_822 : i32 to index
    %swap3A_825 = arith.constant 32 : index
    %swap3A_826 = tpu.vector_load %arg8[%swap3A_823, %swap3A_824, %swap3A_825] {strides = array<i32>} : memref<2x80x128xf32, #tpu.memory_space<vmem>>, vector<1x1x16xf32>,
    %swap3A_827 = vector.shape_cast %swap3A_826 : vector<1x1x16xf32> to vector<16xf32>
    %swap3A_828 = vector.shape_cast %broadcast_in_dim3A_820 : vector<16xf32> to vector<1x1x16xf32>
    tpu.vector_store %arg8[%swap3A_823, %swap3A_824, %swap3A_825], %swap3A_828 {strides = array<i32>} : memref<2x80x128xf32, #tpu.memory_space<vmem>>, vector<1x1x16xf32>,
    %broadcast_in_dim3A_829 = arith.constant 0.000000e+00 : f32
    %broadcast_in_dim3A_830 = vector.broadcast %broadcast_in_dim3A_829 : f32 to vector<16xf32>
    %swap3A_831 = arith.constant 0 : i32
    %swap3A_832 = arith.constant 10 : i32
    %swap3A_833 = arith.index_cast %swap3A_831 : i32 to index
    %swap3A_834 = arith.index_cast %swap3A_832 : i32 to index
    %swap3A_835 = arith.constant 48 : index
    %swap3A_836 = tpu.vector_load %arg8[%swap3A_833, %swap3A_834, %swap3A_835] {strides = array<i32>} : memref<2x80x128xf32, #tpu.memory_space<vmem>>, vector<1x1x16xf32>,
    %swap3A_837 = vector.shape_cast %swap3A_836 : vector<1x1x16xf32> to vector<16xf32>
    %swap3A_838 = vector.shape_cast %broadcast_in_dim3A_830 : vector<16xf32> to vector<1x1x16xf32>
    tpu.vector_store %arg8[%swap3A_833, %swap3A_834, %swap3A_835], %swap3A_838 {strides = array<i32>} : memref<2x80x128xf32, #tpu.memory_space<vmem>>, vector<1x1x16xf32>,
    %broadcast_in_dim3A_839 = arith.constant 0.000000e+00 : f32
    %broadcast_in_dim3A_840 = vector.broadcast %broadcast_in_dim3A_839 : f32 to vector<16xf32>
    %swap3A_841 = arith.constant 0 : i32
    %swap3A_842 = arith.constant 10 : i32
    %swap3A_843 = arith.index_cast %swap3A_841 : i32 to index
    %swap3A_844 = arith.index_cast %swap3A_842 : i32 to index
    %swap3A_845 = arith.constant 64 : index
    %swap3A_846 = tpu.vector_load %arg8[%swap3A_843, %swap3A_844, %swap3A_845] {strides = array<i32>} : memref<2x80x128xf32, #tpu.memory_space<vmem>>, vector<1x1x16xf32>,
    %swap3A_847 = vector.shape_cast %swap3A_846 : vector<1x1x16xf32> to vector<16xf32>
    %swap3A_848 = vector.shape_cast %broadcast_in_dim3A_840 : vector<16xf32> to vector<1x1x16xf32>
    tpu.vector_store %arg8[%swap3A_843, %swap3A_844, %swap3A_845], %swap3A_848 {strides = array<i32>} : memref<2x80x128xf32, #tpu.memory_space<vmem>>, vector<1x1x16xf32>,
    %broadcast_in_dim3A_849 = arith.constant 0.000000e+00 : f32
    %broadcast_in_dim3A_850 = vector.broadcast %broadcast_in_dim3A_849 : f32 to vector<16xf32>
    %swap3A_851 = arith.constant 0 : i32
    %swap3A_852 = arith.constant 10 : i32
    %swap3A_853 = arith.index_cast %swap3A_851 : i32 to index
    %swap3A_854 = arith.index_cast %swap3A_852 : i32 to index
    %swap3A_855 = arith.constant 80 : index
    %swap3A_856 = tpu.vector_load %arg8[%swap3A_853, %swap3A_854, %swap3A_855] {strides = array<i32>} : memref<2x80x128xf32, #tpu.memory_space<vmem>>, vector<1x1x16xf32>,
    %swap3A_857 = vector.shape_cast %swap3A_856 : vector<1x1x16xf32> to vector<16xf32>
    %swap3A_858 = vector.shape_cast %broadcast_in_dim3A_850 : vector<16xf32> to vector<1x1x16xf32>
    tpu.vector_store %arg8[%swap3A_853, %swap3A_854, %swap3A_855], %swap3A_858 {strides = array<i32>} : memref<2x80x128xf32, #tpu.memory_space<vmem>>, vector<1x1x16xf32>,
    %broadcast_in_dim3A_859 = arith.constant 0.000000e+00 : f32
    %broadcast_in_dim3A_860 = vector.broadcast %broadcast_in_dim3A_859 : f32 to vector<16xf32>
    %swap3A_861 = arith.constant 0 : i32
    %swap3A_862 = arith.constant 10 : i32
    %swap3A_863 = arith.index_cast %swap3A_861 : i32 to index
    %swap3A_864 = arith.index_cast %swap3A_862 : i32 to index
    %swap3A_865 = arith.constant 96 : index
    %swap3A_866 = tpu.vector_load %arg8[%swap3A_863, %swap3A_864, %swap3A_865] {strides = array<i32>} : memref<2x80x128xf32, #tpu.memory_space<vmem>>, vector<1x1x16xf32>,
    %swap3A_867 = vector.shape_cast %swap3A_866 : vector<1x1x16xf32> to vector<16xf32>
    %swap3A_868 = vector.shape_cast %broadcast_in_dim3A_860 : vector<16xf32> to vector<1x1x16xf32>
    tpu.vector_store %arg8[%swap3A_863, %swap3A_864, %swap3A_865], %swap3A_868 {strides = array<i32>} : memref<2x80x128xf32, #tpu.memory_space<vmem>>, vector<1x1x16xf32>,
    %broadcast_in_dim3A_869 = arith.constant 0.000000e+00 : f32
    %broadcast_in_dim3A_870 = vector.broadcast %broadcast_in_dim3A_869 : f32 to vector<16xf32>
    %swap3A_871 = arith.constant 0 : i32
    %swap3A_872 = arith.constant 10 : i32
    %swap3A_873 = arith.index_cast %swap3A_871 : i32 to index
    %swap3A_874 = arith.index_cast %swap3A_872 : i32 to index
    %swap3A_875 = arith.constant 112 : index
    %swap3A_876 = tpu.vector_load %arg8[%swap3A_873, %swap3A_874, %swap3A_875] {strides = array<i32>} : memref<2x80x128xf32, #tpu.memory_space<vmem>>, vector<1x1x16xf32>,
    %swap3A_877 = vector.shape_cast %swap3A_876 : vector<1x1x16xf32> to vector<16xf32>
    %swap3A_878 = vector.shape_cast %broadcast_in_dim3A_870 : vector<16xf32> to vector<1x1x16xf32>
    tpu.vector_store %arg8[%swap3A_873, %swap3A_874, %swap3A_875], %swap3A_878 {strides = array<i32>} : memref<2x80x128xf32, #tpu.memory_space<vmem>>, vector<1x1x16xf32>,
    %broadcast_in_dim3A_879 = arith.constant 0.000000e+00 : f32
    %broadcast_in_dim3A_880 = vector.broadcast %broadcast_in_dim3A_879 : f32 to vector<16xf32>
    %swap3A_881 = arith.constant 0 : i32
    %swap3A_882 = arith.constant 11 : i32
    %swap3A_883 = arith.index_cast %swap3A_881 : i32 to index
    %swap3A_884 = arith.index_cast %swap3A_882 : i32 to index
    %swap3A_885 = arith.constant 0 : index
    %swap3A_886 = tpu.vector_load %arg8[%swap3A_883, %swap3A_884, %swap3A_885] {strides = array<i32>} : memref<2x80x128xf32, #tpu.memory_space<vmem>>, vector<1x1x16xf32>,
    %swap3A_887 = vector.shape_cast %swap3A_886 : vector<1x1x16xf32> to vector<16xf32>
    %swap3A_888 = vector.shape_cast %broadcast_in_dim3A_880 : vector<16xf32> to vector<1x1x16xf32>
    tpu.vector_store %arg8[%swap3A_883, %swap3A_884, %swap3A_885], %swap3A_888 {strides = array<i32>} : memref<2x80x128xf32, #tpu.memory_space<vmem>>, vector<1x1x16xf32>,
    %broadcast_in_dim3A_889 = arith.constant 0.000000e+00 : f32
    %broadcast_in_dim3A_890 = vector.broadcast %broadcast_in_dim3A_889 : f32 to vector<16xf32>
    %swap3A_891 = arith.constant 0 : i32
    %swap3A_892 = arith.constant 11 : i32
    %swap3A_893 = arith.index_cast %swap3A_891 : i32 to index
    %swap3A_894 = arith.index_cast %swap3A_892 : i32 to index
    %swap3A_895 = arith.constant 16 : index
    %swap3A_896 = tpu.vector_load %arg8[%swap3A_893, %swap3A_894, %swap3A_895] {strides = array<i32>} : memref<2x80x128xf32, #tpu.memory_space<vmem>>, vector<1x1x16xf32>,
    %swap3A_897 = vector.shape_cast %swap3A_896 : vector<1x1x16xf32> to vector<16xf32>
    %swap3A_898 = vector.shape_cast %broadcast_in_dim3A_890 : vector<16xf32> to vector<1x1x16xf32>
    tpu.vector_store %arg8[%swap3A_893, %swap3A_894, %swap3A_895], %swap3A_898 {strides = array<i32>} : memref<2x80x128xf32, #tpu.memory_space<vmem>>, vector<1x1x16xf32>,
    %broadcast_in_dim3A_899 = arith.constant 0.000000e+00 : f32
    %broadcast_in_dim3A_900 = vector.broadcast %broadcast_in_dim3A_899 : f32 to vector<16xf32>
    %swap3A_901 = arith.constant 0 : i32
    %swap3A_902 = arith.constant 11 : i32
    %swap3A_903 = arith.index_cast %swap3A_901 : i32 to index
    %swap3A_904 = arith.index_cast %swap3A_902 : i32 to index
    %swap3A_905 = arith.constant 32 : index
    %swap3A_906 = tpu.vector_load %arg8[%swap3A_903, %swap3A_904, %swap3A_905] {strides = array<i32>} : memref<2x80x128xf32, #tpu.memory_space<vmem>>, vector<1x1x16xf32>,
    %swap3A_907 = vector.shape_cast %swap3A_906 : vector<1x1x16xf32> to vector<16xf32>
    %swap3A_908 = vector.shape_cast %broadcast_in_dim3A_900 : vector<16xf32> to vector<1x1x16xf32>
    tpu.vector_store %arg8[%swap3A_903, %swap3A_904, %swap3A_905], %swap3A_908 {strides = array<i32>} : memref<2x80x128xf32, #tpu.memory_space<vmem>>, vector<1x1x16xf32>,
    %broadcast_in_dim3A_909 = arith.constant 0.000000e+00 : f32
    %broadcast_in_dim3A_910 = vector.broadcast %broadcast_in_dim3A_909 : f32 to vector<16xf32>
    %swap3A_911 = arith.constant 0 : i32
    %swap3A_912 = arith.constant 11 : i32
    %swap3A_913 = arith.index_cast %swap3A_911 : i32 to index
    %swap3A_914 = arith.index_cast %swap3A_912 : i32 to index
    %swap3A_915 = arith.constant 48 : index
    %swap3A_916 = tpu.vector_load %arg8[%swap3A_913, %swap3A_914, %swap3A_915] {strides = array<i32>} : memref<2x80x128xf32, #tpu.memory_space<vmem>>, vector<1x1x16xf32>,
    %swap3A_917 = vector.shape_cast %swap3A_916 : vector<1x1x16xf32> to vector<16xf32>
    %swap3A_918 = vector.shape_cast %broadcast_in_dim3A_910 : vector<16xf32> to vector<1x1x16xf32>
    tpu.vector_store %arg8[%swap3A_913, %swap3A_914, %swap3A_915], %swap3A_918 {strides = array<i32>} : memref<2x80x128xf32, #tpu.memory_space<vmem>>, vector<1x1x16xf32>,
    %broadcast_in_dim3A_919 = arith.constant 0.000000e+00 : f32
    %broadcast_in_dim3A_920 = vector.broadcast %broadcast_in_dim3A_919 : f32 to vector<16xf32>
    %swap3A_921 = arith.constant 0 : i32
    %swap3A_922 = arith.constant 11 : i32
    %swap3A_923 = arith.index_cast %swap3A_921 : i32 to index
    %swap3A_924 = arith.index_cast %swap3A_922 : i32 to index
    %swap3A_925 = arith.constant 64 : index
    %swap3A_926 = tpu.vector_load %arg8[%swap3A_923, %swap3A_924, %swap3A_925] {strides = array<i32>} : memref<2x80x128xf32, #tpu.memory_space<vmem>>, vector<1x1x16xf32>,
    %swap3A_927 = vector.shape_cast %swap3A_926 : vector<1x1x16xf32> to vector<16xf32>
    %swap3A_928 = vector.shape_cast %broadcast_in_dim3A_920 : vector<16xf32> to vector<1x1x16xf32>
    tpu.vector_store %arg8[%swap3A_923, %swap3A_924, %swap3A_925], %swap3A_928 {strides = array<i32>} : memref<2x80x128xf32, #tpu.memory_space<vmem>>, vector<1x1x16xf32>,
    %broadcast_in_dim3A_929 = arith.constant 0.000000e+00 : f32
    %broadcast_in_dim3A_930 = vector.broadcast %broadcast_in_dim3A_929 : f32 to vector<16xf32>
    %swap3A_931 = arith.constant 0 : i32
    %swap3A_932 = arith.constant 11 : i32
    %swap3A_933 = arith.index_cast %swap3A_931 : i32 to index
    %swap3A_934 = arith.index_cast %swap3A_932 : i32 to index
    %swap3A_935 = arith.constant 80 : index
    %swap3A_936 = tpu.vector_load %arg8[%swap3A_933, %swap3A_934, %swap3A_935] {strides = array<i32>} : memref<2x80x128xf32, #tpu.memory_space<vmem>>, vector<1x1x16xf32>,
    %swap3A_937 = vector.shape_cast %swap3A_936 : vector<1x1x16xf32> to vector<16xf32>
    %swap3A_938 = vector.shape_cast %broadcast_in_dim3A_930 : vector<16xf32> to vector<1x1x16xf32>
    tpu.vector_store %arg8[%swap3A_933, %swap3A_934, %swap3A_935], %swap3A_938 {strides = array<i32>} : memref<2x80x128xf32, #tpu.memory_space<vmem>>, vector<1x1x16xf32>,
    %broadcast_in_dim3A_939 = arith.constant 0.000000e+00 : f32
    %broadcast_in_dim3A_940 = vector.broadcast %broadcast_in_dim3A_939 : f32 to vector<16xf32>
    %swap3A_941 = arith.constant 0 : i32
    %swap3A_942 = arith.constant 11 : i32
    %swap3A_943 = arith.index_cast %swap3A_941 : i32 to index
    %swap3A_944 = arith.index_cast %swap3A_942 : i32 to index
    %swap3A_945 = arith.constant 96 : index
    %swap3A_946 = tpu.vector_load %arg8[%swap3A_943, %swap3A_944, %swap3A_945] {strides = array<i32>} : memref<2x80x128xf32, #tpu.memory_space<vmem>>, vector<1x1x16xf32>,
    %swap3A_947 = vector.shape_cast %swap3A_946 : vector<1x1x16xf32> to vector<16xf32>
    %swap3A_948 = vector.shape_cast %broadcast_in_dim3A_940 : vector<16xf32> to vector<1x1x16xf32>
    tpu.vector_store %arg8[%swap3A_943, %swap3A_944, %swap3A_945], %swap3A_948 {strides = array<i32>} : memref<2x80x128xf32, #tpu.memory_space<vmem>>, vector<1x1x16xf32>,
    %broadcast_in_dim3A_949 = arith.constant 0.000000e+00 : f32
    %broadcast_in_dim3A_950 = vector.broadcast %broadcast_in_dim3A_949 : f32 to vector<16xf32>
    %swap3A_951 = arith.constant 0 : i32
    %swap3A_952 = arith.constant 11 : i32
    %swap3A_953 = arith.index_cast %swap3A_951 : i32 to index
    %swap3A_954 = arith.index_cast %swap3A_952 : i32 to index
    %swap3A_955 = arith.constant 112 : index
    %swap3A_956 = tpu.vector_load %arg8[%swap3A_953, %swap3A_954, %swap3A_955] {strides = array<i32>} : memref<2x80x128xf32, #tpu.memory_space<vmem>>, vector<1x1x16xf32>,
    %swap3A_957 = vector.shape_cast %swap3A_956 : vector<1x1x16xf32> to vector<16xf32>
    %swap3A_958 = vector.shape_cast %broadcast_in_dim3A_950 : vector<16xf32> to vector<1x1x16xf32>
    tpu.vector_store %arg8[%swap3A_953, %swap3A_954, %swap3A_955], %swap3A_958 {strides = array<i32>} : memref<2x80x128xf32, #tpu.memory_space<vmem>>, vector<1x1x16xf32>,
    %broadcast_in_dim3A_959 = arith.constant 0.000000e+00 : f32
    %broadcast_in_dim3A_960 = vector.broadcast %broadcast_in_dim3A_959 : f32 to vector<16xf32>
    %swap3A_961 = arith.constant 0 : i32
    %swap3A_962 = arith.constant 12 : i32
    %swap3A_963 = arith.index_cast %swap3A_961 : i32 to index
    %swap3A_964 = arith.index_cast %swap3A_962 : i32 to index
    %swap3A_965 = arith.constant 0 : index
    %swap3A_966 = tpu.vector_load %arg8[%swap3A_963, %swap3A_964, %swap3A_965] {strides = array<i32>} : memref<2x80x128xf32, #tpu.memory_space<vmem>>, vector<1x1x16xf32>,
    %swap3A_967 = vector.shape_cast %swap3A_966 : vector<1x1x16xf32> to vector<16xf32>
    %swap3A_968 = vector.shape_cast %broadcast_in_dim3A_960 : vector<16xf32> to vector<1x1x16xf32>
    tpu.vector_store %arg8[%swap3A_963, %swap3A_964, %swap3A_965], %swap3A_968 {strides = array<i32>} : memref<2x80x128xf32, #tpu.memory_space<vmem>>, vector<1x1x16xf32>,
    %broadcast_in_dim3A_969 = arith.constant 0.000000e+00 : f32
    %broadcast_in_dim3A_970 = vector.broadcast %broadcast_in_dim3A_969 : f32 to vector<16xf32>
    %swap3A_971 = arith.constant 0 : i32
    %swap3A_972 = arith.constant 12 : i32
    %swap3A_973 = arith.index_cast %swap3A_971 : i32 to index
    %swap3A_974 = arith.index_cast %swap3A_972 : i32 to index
    %swap3A_975 = arith.constant 16 : index
    %swap3A_976 = tpu.vector_load %arg8[%swap3A_973, %swap3A_974, %swap3A_975] {strides = array<i32>} : memref<2x80x128xf32, #tpu.memory_space<vmem>>, vector<1x1x16xf32>,
    %swap3A_977 = vector.shape_cast %swap3A_976 : vector<1x1x16xf32> to vector<16xf32>
    %swap3A_978 = vector.shape_cast %broadcast_in_dim3A_970 : vector<16xf32> to vector<1x1x16xf32>
    tpu.vector_store %arg8[%swap3A_973, %swap3A_974, %swap3A_975], %swap3A_978 {strides = array<i32>} : memref<2x80x128xf32, #tpu.memory_space<vmem>>, vector<1x1x16xf32>,
    %broadcast_in_dim3A_979 = arith.constant 0.000000e+00 : f32
    %broadcast_in_dim3A_980 = vector.broadcast %broadcast_in_dim3A_979 : f32 to vector<16xf32>
    %swap3A_981 = arith.constant 0 : i32
    %swap3A_982 = arith.constant 12 : i32
    %swap3A_983 = arith.index_cast %swap3A_981 : i32 to index
    %swap3A_984 = arith.index_cast %swap3A_982 : i32 to index
    %swap3A_985 = arith.constant 32 : index
    %swap3A_986 = tpu.vector_load %arg8[%swap3A_983, %swap3A_984, %swap3A_985] {strides = array<i32>} : memref<2x80x128xf32, #tpu.memory_space<vmem>>, vector<1x1x16xf32>,
    %swap3A_987 = vector.shape_cast %swap3A_986 : vector<1x1x16xf32> to vector<16xf32>
    %swap3A_988 = vector.shape_cast %broadcast_in_dim3A_980 : vector<16xf32> to vector<1x1x16xf32>
    tpu.vector_store %arg8[%swap3A_983, %swap3A_984, %swap3A_985], %swap3A_988 {strides = array<i32>} : memref<2x80x128xf32, #tpu.memory_space<vmem>>, vector<1x1x16xf32>,
    %broadcast_in_dim3A_989 = arith.constant 0.000000e+00 : f32
    %broadcast_in_dim3A_990 = vector.broadcast %broadcast_in_dim3A_989 : f32 to vector<16xf32>
    %swap3A_991 = arith.constant 0 : i32
    %swap3A_992 = arith.constant 12 : i32
    %swap3A_993 = arith.index_cast %swap3A_991 : i32 to index
    %swap3A_994 = arith.index_cast %swap3A_992 : i32 to index
    %swap3A_995 = arith.constant 48 : index
    %swap3A_996 = tpu.vector_load %arg8[%swap3A_993, %swap3A_994, %swap3A_995] {strides = array<i32>} : memref<2x80x128xf32, #tpu.memory_space<vmem>>, vector<1x1x16xf32>,
    %swap3A_997 = vector.shape_cast %swap3A_996 : vector<1x1x16xf32> to vector<16xf32>
    %swap3A_998 = vector.shape_cast %broadcast_in_dim3A_990 : vector<16xf32> to vector<1x1x16xf32>
    tpu.vector_store %arg8[%swap3A_993, %swap3A_994, %swap3A_995], %swap3A_998 {strides = array<i32>} : memref<2x80x128xf32, #tpu.memory_space<vmem>>, vector<1x1x16xf32>,
    %broadcast_in_dim3A_999 = arith.constant 0.000000e+00 : f32
    %broadcast_in_dim3A_1000 = vector.broadcast %broadcast_in_dim3A_999 : f32 to vector<16xf32>
    %swap3A_1001 = arith.constant 0 : i32
    %swap3A_1002 = arith.constant 12 : i32
    %swap3A_1003 = arith.index_cast %swap3A_1001 : i32 to index
    %swap3A_1004 = arith.index_cast %swap3A_1002 : i32 to index
    %swap3A_1005 = arith.constant 64 : index
    %swap3A_1006 = tpu.vector_load %arg8[%swap3A_1003, %swap3A_1004, %swap3A_1005] {strides = array<i32>} : memref<2x80x128xf32, #tpu.memory_space<vmem>>, vector<1x1x16xf32>,
    %swap3A_1007 = vector.shape_cast %swap3A_1006 : vector<1x1x16xf32> to vector<16xf32>
    %swap3A_1008 = vector.shape_cast %broadcast_in_dim3A_1000 : vector<16xf32> to vector<1x1x16xf32>
    tpu.vector_store %arg8[%swap3A_1003, %swap3A_1004, %swap3A_1005], %swap3A_1008 {strides = array<i32>} : memref<2x80x128xf32, #tpu.memory_space<vmem>>, vector<1x1x16xf32>,
    %broadcast_in_dim3A_1009 = arith.constant 0.000000e+00 : f32
    %broadcast_in_dim3A_1010 = vector.broadcast %broadcast_in_dim3A_1009 : f32 to vector<16xf32>
    %swap3A_1011 = arith.constant 0 : i32
    %swap3A_1012 = arith.constant 12 : i32
    %swap3A_1013 = arith.index_cast %swap3A_1011 : i32 to index
    %swap3A_1014 = arith.index_cast %swap3A_1012 : i32 to index
    %swap3A_1015 = arith.constant 80 : index
    %swap3A_1016 = tpu.vector_load %arg8[%swap3A_1013, %swap3A_1014, %swap3A_1015] {strides = array<i32>} : memref<2x80x128xf32, #tpu.memory_space<vmem>>, vector<1x1x16xf32>,
    %swap3A_1017 = vector.shape_cast %swap3A_1016 : vector<1x1x16xf32> to vector<16xf32>
    %swap3A_1018 = vector.shape_cast %broadcast_in_dim3A_1010 : vector<16xf32> to vector<1x1x16xf32>
    tpu.vector_store %arg8[%swap3A_1013, %swap3A_1014, %swap3A_1015], %swap3A_1018 {strides = array<i32>} : memref<2x80x128xf32, #tpu.memory_space<vmem>>, vector<1x1x16xf32>,
    %broadcast_in_dim3A_1019 = arith.constant 0.000000e+00 : f32
    %broadcast_in_dim3A_1020 = vector.broadcast %broadcast_in_dim3A_1019 : f32 to vector<16xf32>
    %swap3A_1021 = arith.constant 0 : i32
    %swap3A_1022 = arith.constant 12 : i32
    %swap3A_1023 = arith.index_cast %swap3A_1021 : i32 to index
    %swap3A_1024 = arith.index_cast %swap3A_1022 : i32 to index
    %swap3A_1025 = arith.constant 96 : index
    %swap3A_1026 = tpu.vector_load %arg8[%swap3A_1023, %swap3A_1024, %swap3A_1025] {strides = array<i32>} : memref<2x80x128xf32, #tpu.memory_space<vmem>>, vector<1x1x16xf32>,
    %swap3A_1027 = vector.shape_cast %swap3A_1026 : vector<1x1x16xf32> to vector<16xf32>
    %swap3A_1028 = vector.shape_cast %broadcast_in_dim3A_1020 : vector<16xf32> to vector<1x1x16xf32>
    tpu.vector_store %arg8[%swap3A_1023, %swap3A_1024, %swap3A_1025], %swap3A_1028 {strides = array<i32>} : memref<2x80x128xf32, #tpu.memory_space<vmem>>, vector<1x1x16xf32>,
    %broadcast_in_dim3A_1029 = arith.constant 0.000000e+00 : f32
    %broadcast_in_dim3A_1030 = vector.broadcast %broadcast_in_dim3A_1029 : f32 to vector<16xf32>
    %swap3A_1031 = arith.constant 0 : i32
    %swap3A_1032 = arith.constant 12 : i32
    %swap3A_1033 = arith.index_cast %swap3A_1031 : i32 to index
    %swap3A_1034 = arith.index_cast %swap3A_1032 : i32 to index
    %swap3A_1035 = arith.constant 112 : index
    %swap3A_1036 = tpu.vector_load %arg8[%swap3A_1033, %swap3A_1034, %swap3A_1035] {strides = array<i32>} : memref<2x80x128xf32, #tpu.memory_space<vmem>>, vector<1x1x16xf32>,
    %swap3A_1037 = vector.shape_cast %swap3A_1036 : vector<1x1x16xf32> to vector<16xf32>
    %swap3A_1038 = vector.shape_cast %broadcast_in_dim3A_1030 : vector<16xf32> to vector<1x1x16xf32>
    tpu.vector_store %arg8[%swap3A_1033, %swap3A_1034, %swap3A_1035], %swap3A_1038 {strides = array<i32>} : memref<2x80x128xf32, #tpu.memory_space<vmem>>, vector<1x1x16xf32>,
    %broadcast_in_dim3A_1039 = arith.constant 0.000000e+00 : f32
    %broadcast_in_dim3A_1040 = vector.broadcast %broadcast_in_dim3A_1039 : f32 to vector<16xf32>
    %swap3A_1041 = arith.constant 0 : i32
    %swap3A_1042 = arith.constant 13 : i32
    %swap3A_1043 = arith.index_cast %swap3A_1041 : i32 to index
    %swap3A_1044 = arith.index_cast %swap3A_1042 : i32 to index
    %swap3A_1045 = arith.constant 0 : index
    %swap3A_1046 = tpu.vector_load %arg8[%swap3A_1043, %swap3A_1044, %swap3A_1045] {strides = array<i32>} : memref<2x80x128xf32, #tpu.memory_space<vmem>>, vector<1x1x16xf32>,
    %swap3A_1047 = vector.shape_cast %swap3A_1046 : vector<1x1x16xf32> to vector<16xf32>
    %swap3A_1048 = vector.shape_cast %broadcast_in_dim3A_1040 : vector<16xf32> to vector<1x1x16xf32>
    tpu.vector_store %arg8[%swap3A_1043, %swap3A_1044, %swap3A_1045], %swap3A_1048 {strides = array<i32>} : memref<2x80x128xf32, #tpu.memory_space<vmem>>, vector<1x1x16xf32>,
    %broadcast_in_dim3A_1049 = arith.constant 0.000000e+00 : f32
    %broadcast_in_dim3A_1050 = vector.broadcast %broadcast_in_dim3A_1049 : f32 to vector<16xf32>
    %swap3A_1051 = arith.constant 0 : i32
    %swap3A_1052 = arith.constant 13 : i32
    %swap3A_1053 = arith.index_cast %swap3A_1051 : i32 to index
    %swap3A_1054 = arith.index_cast %swap3A_1052 : i32 to index
    %swap3A_1055 = arith.constant 16 : index
    %swap3A_1056 = tpu.vector_load %arg8[%swap3A_1053, %swap3A_1054, %swap3A_1055] {strides = array<i32>} : memref<2x80x128xf32, #tpu.memory_space<vmem>>, vector<1x1x16xf32>,
    %swap3A_1057 = vector.shape_cast %swap3A_1056 : vector<1x1x16xf32> to vector<16xf32>
    %swap3A_1058 = vector.shape_cast %broadcast_in_dim3A_1050 : vector<16xf32> to vector<1x1x16xf32>
    tpu.vector_store %arg8[%swap3A_1053, %swap3A_1054, %swap3A_1055], %swap3A_1058 {strides = array<i32>} : memref<2x80x128xf32, #tpu.memory_space<vmem>>, vector<1x1x16xf32>,
    %broadcast_in_dim3A_1059 = arith.constant 0.000000e+00 : f32
    %broadcast_in_dim3A_1060 = vector.broadcast %broadcast_in_dim3A_1059 : f32 to vector<16xf32>
    %swap3A_1061 = arith.constant 0 : i32
    %swap3A_1062 = arith.constant 13 : i32
    %swap3A_1063 = arith.index_cast %swap3A_1061 : i32 to index
    %swap3A_1064 = arith.index_cast %swap3A_1062 : i32 to index
    %swap3A_1065 = arith.constant 32 : index
    %swap3A_1066 = tpu.vector_load %arg8[%swap3A_1063, %swap3A_1064, %swap3A_1065] {strides = array<i32>} : memref<2x80x128xf32, #tpu.memory_space<vmem>>, vector<1x1x16xf32>,
    %swap3A_1067 = vector.shape_cast %swap3A_1066 : vector<1x1x16xf32> to vector<16xf32>
    %swap3A_1068 = vector.shape_cast %broadcast_in_dim3A_1060 : vector<16xf32> to vector<1x1x16xf32>
    tpu.vector_store %arg8[%swap3A_1063, %swap3A_1064, %swap3A_1065], %swap3A_1068 {strides = array<i32>} : memref<2x80x128xf32, #tpu.memory_space<vmem>>, vector<1x1x16xf32>,
    %broadcast_in_dim3A_1069 = arith.constant 0.000000e+00 : f32
    %broadcast_in_dim3A_1070 = vector.broadcast %broadcast_in_dim3A_1069 : f32 to vector<16xf32>
    %swap3A_1071 = arith.constant 0 : i32
    %swap3A_1072 = arith.constant 13 : i32
    %swap3A_1073 = arith.index_cast %swap3A_1071 : i32 to index
    %swap3A_1074 = arith.index_cast %swap3A_1072 : i32 to index
    %swap3A_1075 = arith.constant 48 : index
    %swap3A_1076 = tpu.vector_load %arg8[%swap3A_1073, %swap3A_1074, %swap3A_1075] {strides = array<i32>} : memref<2x80x128xf32, #tpu.memory_space<vmem>>, vector<1x1x16xf32>,
    %swap3A_1077 = vector.shape_cast %swap3A_1076 : vector<1x1x16xf32> to vector<16xf32>
    %swap3A_1078 = vector.shape_cast %broadcast_in_dim3A_1070 : vector<16xf32> to vector<1x1x16xf32>
    tpu.vector_store %arg8[%swap3A_1073, %swap3A_1074, %swap3A_1075], %swap3A_1078 {strides = array<i32>} : memref<2x80x128xf32, #tpu.memory_space<vmem>>, vector<1x1x16xf32>,
    %broadcast_in_dim3A_1079 = arith.constant 0.000000e+00 : f32
    %broadcast_in_dim3A_1080 = vector.broadcast %broadcast_in_dim3A_1079 : f32 to vector<16xf32>
    %swap3A_1081 = arith.constant 0 : i32
    %swap3A_1082 = arith.constant 13 : i32
    %swap3A_1083 = arith.index_cast %swap3A_1081 : i32 to index
    %swap3A_1084 = arith.index_cast %swap3A_1082 : i32 to index
    %swap3A_1085 = arith.constant 64 : index
    %swap3A_1086 = tpu.vector_load %arg8[%swap3A_1083, %swap3A_1084, %swap3A_1085] {strides = array<i32>} : memref<2x80x128xf32, #tpu.memory_space<vmem>>, vector<1x1x16xf32>,
    %swap3A_1087 = vector.shape_cast %swap3A_1086 : vector<1x1x16xf32> to vector<16xf32>
    %swap3A_1088 = vector.shape_cast %broadcast_in_dim3A_1080 : vector<16xf32> to vector<1x1x16xf32>
    tpu.vector_store %arg8[%swap3A_1083, %swap3A_1084, %swap3A_1085], %swap3A_1088 {strides = array<i32>} : memref<2x80x128xf32, #tpu.memory_space<vmem>>, vector<1x1x16xf32>,
    %broadcast_in_dim3A_1089 = arith.constant 0.000000e+00 : f32
    %broadcast_in_dim3A_1090 = vector.broadcast %broadcast_in_dim3A_1089 : f32 to vector<16xf32>
    %swap3A_1091 = arith.constant 0 : i32
    %swap3A_1092 = arith.constant 13 : i32
    %swap3A_1093 = arith.index_cast %swap3A_1091 : i32 to index
    %swap3A_1094 = arith.index_cast %swap3A_1092 : i32 to index
    %swap3A_1095 = arith.constant 80 : index
    %swap3A_1096 = tpu.vector_load %arg8[%swap3A_1093, %swap3A_1094, %swap3A_1095] {strides = array<i32>} : memref<2x80x128xf32, #tpu.memory_space<vmem>>, vector<1x1x16xf32>,
    %swap3A_1097 = vector.shape_cast %swap3A_1096 : vector<1x1x16xf32> to vector<16xf32>
    %swap3A_1098 = vector.shape_cast %broadcast_in_dim3A_1090 : vector<16xf32> to vector<1x1x16xf32>
    tpu.vector_store %arg8[%swap3A_1093, %swap3A_1094, %swap3A_1095], %swap3A_1098 {strides = array<i32>} : memref<2x80x128xf32, #tpu.memory_space<vmem>>, vector<1x1x16xf32>,
    %broadcast_in_dim3A_1099 = arith.constant 0.000000e+00 : f32
    %broadcast_in_dim3A_1100 = vector.broadcast %broadcast_in_dim3A_1099 : f32 to vector<16xf32>
    %swap3A_1101 = arith.constant 0 : i32
    %swap3A_1102 = arith.constant 13 : i32
    %swap3A_1103 = arith.index_cast %swap3A_1101 : i32 to index
    %swap3A_1104 = arith.index_cast %swap3A_1102 : i32 to index
    %swap3A_1105 = arith.constant 96 : index
    %swap3A_1106 = tpu.vector_load %arg8[%swap3A_1103, %swap3A_1104, %swap3A_1105] {strides = array<i32>} : memref<2x80x128xf32, #tpu.memory_space<vmem>>, vector<1x1x16xf32>,
    %swap3A_1107 = vector.shape_cast %swap3A_1106 : vector<1x1x16xf32> to vector<16xf32>
    %swap3A_1108 = vector.shape_cast %broadcast_in_dim3A_1100 : vector<16xf32> to vector<1x1x16xf32>
    tpu.vector_store %arg8[%swap3A_1103, %swap3A_1104, %swap3A_1105], %swap3A_1108 {strides = array<i32>} : memref<2x80x128xf32, #tpu.memory_space<vmem>>, vector<1x1x16xf32>,
    %broadcast_in_dim3A_1109 = arith.constant 0.000000e+00 : f32
    %broadcast_in_dim3A_1110 = vector.broadcast %broadcast_in_dim3A_1109 : f32 to vector<16xf32>
    %swap3A_1111 = arith.constant 0 : i32
    %swap3A_1112 = arith.constant 13 : i32
    %swap3A_1113 = arith.index_cast %swap3A_1111 : i32 to index
    %swap3A_1114 = arith.index_cast %swap3A_1112 : i32 to index
    %swap3A_1115 = arith.constant 112 : index
    %swap3A_1116 = tpu.vector_load %arg8[%swap3A_1113, %swap3A_1114, %swap3A_1115] {strides = array<i32>} : memref<2x80x128xf32, #tpu.memory_space<vmem>>, vector<1x1x16xf32>,
    %swap3A_1117 = vector.shape_cast %swap3A_1116 : vector<1x1x16xf32> to vector<16xf32>
    %swap3A_1118 = vector.shape_cast %broadcast_in_dim3A_1110 : vector<16xf32> to vector<1x1x16xf32>
    tpu.vector_store %arg8[%swap3A_1113, %swap3A_1114, %swap3A_1115], %swap3A_1118 {strides = array<i32>} : memref<2x80x128xf32, #tpu.memory_space<vmem>>, vector<1x1x16xf32>,
    %broadcast_in_dim3A_1119 = arith.constant 0.000000e+00 : f32
    %broadcast_in_dim3A_1120 = vector.broadcast %broadcast_in_dim3A_1119 : f32 to vector<16xf32>
    %swap3A_1121 = arith.constant 0 : i32
    %swap3A_1122 = arith.constant 14 : i32
    %swap3A_1123 = arith.index_cast %swap3A_1121 : i32 to index
    %swap3A_1124 = arith.index_cast %swap3A_1122 : i32 to index
    %swap3A_1125 = arith.constant 0 : index
    %swap3A_1126 = tpu.vector_load %arg8[%swap3A_1123, %swap3A_1124, %swap3A_1125] {strides = array<i32>} : memref<2x80x128xf32, #tpu.memory_space<vmem>>, vector<1x1x16xf32>,
    %swap3A_1127 = vector.shape_cast %swap3A_1126 : vector<1x1x16xf32> to vector<16xf32>
    %swap3A_1128 = vector.shape_cast %broadcast_in_dim3A_1120 : vector<16xf32> to vector<1x1x16xf32>
    tpu.vector_store %arg8[%swap3A_1123, %swap3A_1124, %swap3A_1125], %swap3A_1128 {strides = array<i32>} : memref<2x80x128xf32, #tpu.memory_space<vmem>>, vector<1x1x16xf32>,
    %broadcast_in_dim3A_1129 = arith.constant 0.000000e+00 : f32
    %broadcast_in_dim3A_1130 = vector.broadcast %broadcast_in_dim3A_1129 : f32 to vector<16xf32>
    %swap3A_1131 = arith.constant 0 : i32
    %swap3A_1132 = arith.constant 14 : i32
    %swap3A_1133 = arith.index_cast %swap3A_1131 : i32 to index
    %swap3A_1134 = arith.index_cast %swap3A_1132 : i32 to index
    %swap3A_1135 = arith.constant 16 : index
    %swap3A_1136 = tpu.vector_load %arg8[%swap3A_1133, %swap3A_1134, %swap3A_1135] {strides = array<i32>} : memref<2x80x128xf32, #tpu.memory_space<vmem>>, vector<1x1x16xf32>,
    %swap3A_1137 = vector.shape_cast %swap3A_1136 : vector<1x1x16xf32> to vector<16xf32>
    %swap3A_1138 = vector.shape_cast %broadcast_in_dim3A_1130 : vector<16xf32> to vector<1x1x16xf32>
    tpu.vector_store %arg8[%swap3A_1133, %swap3A_1134, %swap3A_1135], %swap3A_1138 {strides = array<i32>} : memref<2x80x128xf32, #tpu.memory_space<vmem>>, vector<1x1x16xf32>,
    %broadcast_in_dim3A_1139 = arith.constant 0.000000e+00 : f32
    %broadcast_in_dim3A_1140 = vector.broadcast %broadcast_in_dim3A_1139 : f32 to vector<16xf32>
    %swap3A_1141 = arith.constant 0 : i32
    %swap3A_1142 = arith.constant 14 : i32
    %swap3A_1143 = arith.index_cast %swap3A_1141 : i32 to index
    %swap3A_1144 = arith.index_cast %swap3A_1142 : i32 to index
    %swap3A_1145 = arith.constant 32 : index
    %swap3A_1146 = tpu.vector_load %arg8[%swap3A_1143, %swap3A_1144, %swap3A_1145] {strides = array<i32>} : memref<2x80x128xf32, #tpu.memory_space<vmem>>, vector<1x1x16xf32>,
    %swap3A_1147 = vector.shape_cast %swap3A_1146 : vector<1x1x16xf32> to vector<16xf32>
    %swap3A_1148 = vector.shape_cast %broadcast_in_dim3A_1140 : vector<16xf32> to vector<1x1x16xf32>
    tpu.vector_store %arg8[%swap3A_1143, %swap3A_1144, %swap3A_1145], %swap3A_1148 {strides = array<i32>} : memref<2x80x128xf32, #tpu.memory_space<vmem>>, vector<1x1x16xf32>,
    %broadcast_in_dim3A_1149 = arith.constant 0.000000e+00 : f32
    %broadcast_in_dim3A_1150 = vector.broadcast %broadcast_in_dim3A_1149 : f32 to vector<16xf32>
    %swap3A_1151 = arith.constant 0 : i32
    %swap3A_1152 = arith.constant 14 : i32
    %swap3A_1153 = arith.index_cast %swap3A_1151 : i32 to index
    %swap3A_1154 = arith.index_cast %swap3A_1152 : i32 to index
    %swap3A_1155 = arith.constant 48 : index
    %swap3A_1156 = tpu.vector_load %arg8[%swap3A_1153, %swap3A_1154, %swap3A_1155] {strides = array<i32>} : memref<2x80x128xf32, #tpu.memory_space<vmem>>, vector<1x1x16xf32>,
    %swap3A_1157 = vector.shape_cast %swap3A_1156 : vector<1x1x16xf32> to vector<16xf32>
    %swap3A_1158 = vector.shape_cast %broadcast_in_dim3A_1150 : vector<16xf32> to vector<1x1x16xf32>
    tpu.vector_store %arg8[%swap3A_1153, %swap3A_1154, %swap3A_1155], %swap3A_1158 {strides = array<i32>} : memref<2x80x128xf32, #tpu.memory_space<vmem>>, vector<1x1x16xf32>,
    %broadcast_in_dim3A_1159 = arith.constant 0.000000e+00 : f32
    %broadcast_in_dim3A_1160 = vector.broadcast %broadcast_in_dim3A_1159 : f32 to vector<16xf32>
    %swap3A_1161 = arith.constant 0 : i32
    %swap3A_1162 = arith.constant 14 : i32
    %swap3A_1163 = arith.index_cast %swap3A_1161 : i32 to index
    %swap3A_1164 = arith.index_cast %swap3A_1162 : i32 to index
    %swap3A_1165 = arith.constant 64 : index
    %swap3A_1166 = tpu.vector_load %arg8[%swap3A_1163, %swap3A_1164, %swap3A_1165] {strides = array<i32>} : memref<2x80x128xf32, #tpu.memory_space<vmem>>, vector<1x1x16xf32>,
    %swap3A_1167 = vector.shape_cast %swap3A_1166 : vector<1x1x16xf32> to vector<16xf32>
    %swap3A_1168 = vector.shape_cast %broadcast_in_dim3A_1160 : vector<16xf32> to vector<1x1x16xf32>
    tpu.vector_store %arg8[%swap3A_1163, %swap3A_1164, %swap3A_1165], %swap3A_1168 {strides = array<i32>} : memref<2x80x128xf32, #tpu.memory_space<vmem>>, vector<1x1x16xf32>,
    %broadcast_in_dim3A_1169 = arith.constant 0.000000e+00 : f32
    %broadcast_in_dim3A_1170 = vector.broadcast %broadcast_in_dim3A_1169 : f32 to vector<16xf32>
    %swap3A_1171 = arith.constant 0 : i32
    %swap3A_1172 = arith.constant 14 : i32
    %swap3A_1173 = arith.index_cast %swap3A_1171 : i32 to index
    %swap3A_1174 = arith.index_cast %swap3A_1172 : i32 to index
    %swap3A_1175 = arith.constant 80 : index
    %swap3A_1176 = tpu.vector_load %arg8[%swap3A_1173, %swap3A_1174, %swap3A_1175] {strides = array<i32>} : memref<2x80x128xf32, #tpu.memory_space<vmem>>, vector<1x1x16xf32>,
    %swap3A_1177 = vector.shape_cast %swap3A_1176 : vector<1x1x16xf32> to vector<16xf32>
    %swap3A_1178 = vector.shape_cast %broadcast_in_dim3A_1170 : vector<16xf32> to vector<1x1x16xf32>
    tpu.vector_store %arg8[%swap3A_1173, %swap3A_1174, %swap3A_1175], %swap3A_1178 {strides = array<i32>} : memref<2x80x128xf32, #tpu.memory_space<vmem>>, vector<1x1x16xf32>,
    %broadcast_in_dim3A_1179 = arith.constant 0.000000e+00 : f32
    %broadcast_in_dim3A_1180 = vector.broadcast %broadcast_in_dim3A_1179 : f32 to vector<16xf32>
    %swap3A_1181 = arith.constant 0 : i32
    %swap3A_1182 = arith.constant 14 : i32
    %swap3A_1183 = arith.index_cast %swap3A_1181 : i32 to index
    %swap3A_1184 = arith.index_cast %swap3A_1182 : i32 to index
    %swap3A_1185 = arith.constant 96 : index
    %swap3A_1186 = tpu.vector_load %arg8[%swap3A_1183, %swap3A_1184, %swap3A_1185] {strides = array<i32>} : memref<2x80x128xf32, #tpu.memory_space<vmem>>, vector<1x1x16xf32>,
    %swap3A_1187 = vector.shape_cast %swap3A_1186 : vector<1x1x16xf32> to vector<16xf32>
    %swap3A_1188 = vector.shape_cast %broadcast_in_dim3A_1180 : vector<16xf32> to vector<1x1x16xf32>
    tpu.vector_store %arg8[%swap3A_1183, %swap3A_1184, %swap3A_1185], %swap3A_1188 {strides = array<i32>} : memref<2x80x128xf32, #tpu.memory_space<vmem>>, vector<1x1x16xf32>,
    %broadcast_in_dim3A_1189 = arith.constant 0.000000e+00 : f32
    %broadcast_in_dim3A_1190 = vector.broadcast %broadcast_in_dim3A_1189 : f32 to vector<16xf32>
    %swap3A_1191 = arith.constant 0 : i32
    %swap3A_1192 = arith.constant 14 : i32
    %swap3A_1193 = arith.index_cast %swap3A_1191 : i32 to index
    %swap3A_1194 = arith.index_cast %swap3A_1192 : i32 to index
    %swap3A_1195 = arith.constant 112 : index
    %swap3A_1196 = tpu.vector_load %arg8[%swap3A_1193, %swap3A_1194, %swap3A_1195] {strides = array<i32>} : memref<2x80x128xf32, #tpu.memory_space<vmem>>, vector<1x1x16xf32>,
    %swap3A_1197 = vector.shape_cast %swap3A_1196 : vector<1x1x16xf32> to vector<16xf32>
    %swap3A_1198 = vector.shape_cast %broadcast_in_dim3A_1190 : vector<16xf32> to vector<1x1x16xf32>
    tpu.vector_store %arg8[%swap3A_1193, %swap3A_1194, %swap3A_1195], %swap3A_1198 {strides = array<i32>} : memref<2x80x128xf32, #tpu.memory_space<vmem>>, vector<1x1x16xf32>,
    %broadcast_in_dim3A_1199 = arith.constant 0.000000e+00 : f32
    %broadcast_in_dim3A_1200 = vector.broadcast %broadcast_in_dim3A_1199 : f32 to vector<16xf32>
    %swap3A_1201 = arith.constant 0 : i32
    %swap3A_1202 = arith.constant 15 : i32
    %swap3A_1203 = arith.index_cast %swap3A_1201 : i32 to index
    %swap3A_1204 = arith.index_cast %swap3A_1202 : i32 to index
    %swap3A_1205 = arith.constant 0 : index
    %swap3A_1206 = tpu.vector_load %arg8[%swap3A_1203, %swap3A_1204, %swap3A_1205] {strides = array<i32>} : memref<2x80x128xf32, #tpu.memory_space<vmem>>, vector<1x1x16xf32>,
    %swap3A_1207 = vector.shape_cast %swap3A_1206 : vector<1x1x16xf32> to vector<16xf32>
    %swap3A_1208 = vector.shape_cast %broadcast_in_dim3A_1200 : vector<16xf32> to vector<1x1x16xf32>
    tpu.vector_store %arg8[%swap3A_1203, %swap3A_1204, %swap3A_1205], %swap3A_1208 {strides = array<i32>} : memref<2x80x128xf32, #tpu.memory_space<vmem>>, vector<1x1x16xf32>,
    %broadcast_in_dim3A_1209 = arith.constant 0.000000e+00 : f32
    %broadcast_in_dim3A_1210 = vector.broadcast %broadcast_in_dim3A_1209 : f32 to vector<16xf32>
    %swap3A_1211 = arith.constant 0 : i32
    %swap3A_1212 = arith.constant 15 : i32
    %swap3A_1213 = arith.index_cast %swap3A_1211 : i32 to index
    %swap3A_1214 = arith.index_cast %swap3A_1212 : i32 to index
    %swap3A_1215 = arith.constant 16 : index
    %swap3A_1216 = tpu.vector_load %arg8[%swap3A_1213, %swap3A_1214, %swap3A_1215] {strides = array<i32>} : memref<2x80x128xf32, #tpu.memory_space<vmem>>, vector<1x1x16xf32>,
    %swap3A_1217 = vector.shape_cast %swap3A_1216 : vector<1x1x16xf32> to vector<16xf32>
    %swap3A_1218 = vector.shape_cast %broadcast_in_dim3A_1210 : vector<16xf32> to vector<1x1x16xf32>
    tpu.vector_store %arg8[%swap3A_1213, %swap3A_1214, %swap3A_1215], %swap3A_1218 {strides = array<i32>} : memref<2x80x128xf32, #tpu.memory_space<vmem>>, vector<1x1x16xf32>,
    %broadcast_in_dim3A_1219 = arith.constant 0.000000e+00 : f32
    %broadcast_in_dim3A_1220 = vector.broadcast %broadcast_in_dim3A_1219 : f32 to vector<16xf32>
    %swap3A_1221 = arith.constant 0 : i32
    %swap3A_1222 = arith.constant 15 : i32
    %swap3A_1223 = arith.index_cast %swap3A_1221 : i32 to index
    %swap3A_1224 = arith.index_cast %swap3A_1222 : i32 to index
    %swap3A_1225 = arith.constant 32 : index
    %swap3A_1226 = tpu.vector_load %arg8[%swap3A_1223, %swap3A_1224, %swap3A_1225] {strides = array<i32>} : memref<2x80x128xf32, #tpu.memory_space<vmem>>, vector<1x1x16xf32>,
    %swap3A_1227 = vector.shape_cast %swap3A_1226 : vector<1x1x16xf32> to vector<16xf32>
    %swap3A_1228 = vector.shape_cast %broadcast_in_dim3A_1220 : vector<16xf32> to vector<1x1x16xf32>
    tpu.vector_store %arg8[%swap3A_1223, %swap3A_1224, %swap3A_1225], %swap3A_1228 {strides = array<i32>} : memref<2x80x128xf32, #tpu.memory_space<vmem>>, vector<1x1x16xf32>,
    %broadcast_in_dim3A_1229 = arith.constant 0.000000e+00 : f32
    %broadcast_in_dim3A_1230 = vector.broadcast %broadcast_in_dim3A_1229 : f32 to vector<16xf32>
    %swap3A_1231 = arith.constant 0 : i32
    %swap3A_1232 = arith.constant 15 : i32
    %swap3A_1233 = arith.index_cast %swap3A_1231 : i32 to index
    %swap3A_1234 = arith.index_cast %swap3A_1232 : i32 to index
    %swap3A_1235 = arith.constant 48 : index
    %swap3A_1236 = tpu.vector_load %arg8[%swap3A_1233, %swap3A_1234, %swap3A_1235] {strides = array<i32>} : memref<2x80x128xf32, #tpu.memory_space<vmem>>, vector<1x1x16xf32>,
    %swap3A_1237 = vector.shape_cast %swap3A_1236 : vector<1x1x16xf32> to vector<16xf32>
    %swap3A_1238 = vector.shape_cast %broadcast_in_dim3A_1230 : vector<16xf32> to vector<1x1x16xf32>
    tpu.vector_store %arg8[%swap3A_1233, %swap3A_1234, %swap3A_1235], %swap3A_1238 {strides = array<i32>} : memref<2x80x128xf32, #tpu.memory_space<vmem>>, vector<1x1x16xf32>,
    %broadcast_in_dim3A_1239 = arith.constant 0.000000e+00 : f32
    %broadcast_in_dim3A_1240 = vector.broadcast %broadcast_in_dim3A_1239 : f32 to vector<16xf32>
    %swap3A_1241 = arith.constant 0 : i32
    %swap3A_1242 = arith.constant 15 : i32
    %swap3A_1243 = arith.index_cast %swap3A_1241 : i32 to index
    %swap3A_1244 = arith.index_cast %swap3A_1242 : i32 to index
    %swap3A_1245 = arith.constant 64 : index
    %swap3A_1246 = tpu.vector_load %arg8[%swap3A_1243, %swap3A_1244, %swap3A_1245] {strides = array<i32>} : memref<2x80x128xf32, #tpu.memory_space<vmem>>, vector<1x1x16xf32>,
    %swap3A_1247 = vector.shape_cast %swap3A_1246 : vector<1x1x16xf32> to vector<16xf32>
    %swap3A_1248 = vector.shape_cast %broadcast_in_dim3A_1240 : vector<16xf32> to vector<1x1x16xf32>
    tpu.vector_store %arg8[%swap3A_1243, %swap3A_1244, %swap3A_1245], %swap3A_1248 {strides = array<i32>} : memref<2x80x128xf32, #tpu.memory_space<vmem>>, vector<1x1x16xf32>,
    %broadcast_in_dim3A_1249 = arith.constant 0.000000e+00 : f32
    %broadcast_in_dim3A_1250 = vector.broadcast %broadcast_in_dim3A_1249 : f32 to vector<16xf32>
    %swap3A_1251 = arith.constant 0 : i32
    %swap3A_1252 = arith.constant 15 : i32
    %swap3A_1253 = arith.index_cast %swap3A_1251 : i32 to index
    %swap3A_1254 = arith.index_cast %swap3A_1252 : i32 to index
    %swap3A_1255 = arith.constant 80 : index
    %swap3A_1256 = tpu.vector_load %arg8[%swap3A_1253, %swap3A_1254, %swap3A_1255] {strides = array<i32>} : memref<2x80x128xf32, #tpu.memory_space<vmem>>, vector<1x1x16xf32>,
    %swap3A_1257 = vector.shape_cast %swap3A_1256 : vector<1x1x16xf32> to vector<16xf32>
    %swap3A_1258 = vector.shape_cast %broadcast_in_dim3A_1250 : vector<16xf32> to vector<1x1x16xf32>
    tpu.vector_store %arg8[%swap3A_1253, %swap3A_1254, %swap3A_1255], %swap3A_1258 {strides = array<i32>} : memref<2x80x128xf32, #tpu.memory_space<vmem>>, vector<1x1x16xf32>,
    %broadcast_in_dim3A_1259 = arith.constant 0.000000e+00 : f32
    %broadcast_in_dim3A_1260 = vector.broadcast %broadcast_in_dim3A_1259 : f32 to vector<16xf32>
    %swap3A_1261 = arith.constant 0 : i32
    %swap3A_1262 = arith.constant 15 : i32
    %swap3A_1263 = arith.index_cast %swap3A_1261 : i32 to index
    %swap3A_1264 = arith.index_cast %swap3A_1262 : i32 to index
    %swap3A_1265 = arith.constant 96 : index
    %swap3A_1266 = tpu.vector_load %arg8[%swap3A_1263, %swap3A_1264, %swap3A_1265] {strides = array<i32>} : memref<2x80x128xf32, #tpu.memory_space<vmem>>, vector<1x1x16xf32>,
    %swap3A_1267 = vector.shape_cast %swap3A_1266 : vector<1x1x16xf32> to vector<16xf32>
    %swap3A_1268 = vector.shape_cast %broadcast_in_dim3A_1260 : vector<16xf32> to vector<1x1x16xf32>
    tpu.vector_store %arg8[%swap3A_1263, %swap3A_1264, %swap3A_1265], %swap3A_1268 {strides = array<i32>} : memref<2x80x128xf32, #tpu.memory_space<vmem>>, vector<1x1x16xf32>,
    %broadcast_in_dim3A_1269 = arith.constant 0.000000e+00 : f32
    %broadcast_in_dim3A_1270 = vector.broadcast %broadcast_in_dim3A_1269 : f32 to vector<16xf32>
    %swap3A_1271 = arith.constant 0 : i32
    %swap3A_1272 = arith.constant 15 : i32
    %swap3A_1273 = arith.index_cast %swap3A_1271 : i32 to index
    %swap3A_1274 = arith.index_cast %swap3A_1272 : i32 to index
    %swap3A_1275 = arith.constant 112 : index
    %swap3A_1276 = tpu.vector_load %arg8[%swap3A_1273, %swap3A_1274, %swap3A_1275] {strides = array<i32>} : memref<2x80x128xf32, #tpu.memory_space<vmem>>, vector<1x1x16xf32>,
    %swap3A_1277 = vector.shape_cast %swap3A_1276 : vector<1x1x16xf32> to vector<16xf32>
    %swap3A_1278 = vector.shape_cast %broadcast_in_dim3A_1270 : vector<16xf32> to vector<1x1x16xf32>
    tpu.vector_store %arg8[%swap3A_1273, %swap3A_1274, %swap3A_1275], %swap3A_1278 {strides = array<i32>} : memref<2x80x128xf32, #tpu.memory_space<vmem>>, vector<1x1x16xf32>,
    %mul3A_1279 = arith.constant 624 : i32
    %mul3A_1280 = arith.muli %arg1, %mul3A_1279 : i32
    %eq3A = arith.constant 15 : i32
    %eq3A_1281 = arith.cmpi eq, %arg1, %eq3A : i32
    %jit3A = arith.constant 40 : i32
    %jit3A_1282 = arith.constant 39 : i32
    %select_n3A = arith.select %eq3A_1281, %jit3A, %jit3A_1282 : i32
    %while3A = arith.constant 0 : i32
    %while3A_1283 = arith.constant 0 : i32
    %while3A_1284 = arith.subi %select_n3A, %while3A_1283 : i32
    %while3A_1285 = arith.addi %while3A_1283, %while3A_1284 : i32
    %while3A_1286 = arith.constant 1 : i32
    %while3A_1287 = arith.divsi %while3A_1284, %while3A_1286 : i32
    %while3A_1288 = arith.muli %while3A_1287, %while3A_1286 : i32
    %while3A_1289 = arith.addi %while3A_1283, %while3A_1288 : i32
    %while3A_1290 = arith.constant 1 : i32
    scf.for %while3A_1324 = %while3A_1283 to %while3A_1289 step %while3A_1290  : i32 {
      %mul3A_1325 = arith.constant 16 : i32
      %mul3A_1326 = arith.muli %while3A_1324, %mul3A_1325 : i32
      %add3A_1327 = arith.addi %mul3A_1280, %mul3A_1326 : i32
      %run_scoped3A_1328 = arith.constant 0 : i32
      "tpu.region"() ({
        %run_scoped3A_1329 = tpu.sem_alloc : memref<!tpu.dma_semaphore, #tpu.memory_space<semaphore_mem>>
        %dma_start3A_1330 = arith.constant 0 : i32
        %dma_start3A_1331 = arith.constant 0 : i32
        %dma_start3A_1332 = tpu.memref_slice %arg8[%run_scoped3A_1328, %dma_start3A_1330, %dma_start3A_1331] : memref<2x80x128xf32, #tpu.memory_space<vmem>> -> memref<1x16x128xf32, #tpu.memory_space<vmem>>
        %dma_start3A_1333 = tpu.memref_squeeze %dma_start3A_1332 : memref<1x16x128xf32, #tpu.memory_space<vmem>> -> memref<16x128xf32, #tpu.memory_space<vmem>>
        %dma_start3A_1334 = arith.constant 0 : i32
        %dma_start3A_1335 = tpu.memref_slice %arg11[%add3A_1327, %dma_start3A_1334] : memref<10000x128xf32, #tpu.memory_space<vmem_shared>> -> memref<16x128xf32, #tpu.memory_space<vmem_shared>>
        %dma_start3A_1336 = arith.constant 0 : i32
        %dma_start3A_1337 = tpu.memref_slice %arg11[%add3A_1327, %dma_start3A_1336] : memref<10000x128xf32, #tpu.memory_space<vmem_shared>> -> memref<16x128xf32, #tpu.memory_space<vmem_shared>>
        %dma_start3A_1338 = arith.constant 0 : i32
        %dma_start3A_1339 = arith.constant 0 : i32
        %dma_start3A_1340 = tpu.memref_slice %arg8[%run_scoped3A_1328, %dma_start3A_1338, %dma_start3A_1339] : memref<2x80x128xf32, #tpu.memory_space<vmem>> -> memref<1x16x128xf32, #tpu.memory_space<vmem>>
        %dma_start3A_1341 = tpu.memref_squeeze %dma_start3A_1340 : memref<1x16x128xf32, #tpu.memory_space<vmem>> -> memref<16x128xf32, #tpu.memory_space<vmem>>
        tpu.enqueue_dma source(%dma_start3A_1341 : memref<16x128xf32, #tpu.memory_space<vmem>>) target(%dma_start3A_1337 : memref<16x128xf32, #tpu.memory_space<vmem_shared>>) target_semaphore(%run_scoped3A_1329 : memref<!tpu.dma_semaphore, #tpu.memory_space<semaphore_mem>>)
        %dma_wait3A_1342 = arith.constant 0 : i32
        %dma_wait3A_1343 = arith.constant 0 : i32
        %dma_wait3A_1344 = tpu.memref_slice %arg8[%run_scoped3A_1328, %dma_wait3A_1342, %dma_wait3A_1343] : memref<2x80x128xf32, #tpu.memory_space<vmem>> -> memref<1x16x128xf32, #tpu.memory_space<vmem>>
        %dma_wait3A_1345 = tpu.memref_squeeze %dma_wait3A_1344 : memref<1x16x128xf32, #tpu.memory_space<vmem>> -> memref<16x128xf32, #tpu.memory_space<vmem>>
        %dma_wait3A_1346 = arith.constant 0 : i32
        %dma_wait3A_1347 = tpu.memref_slice %arg11[%add3A_1327, %dma_wait3A_1346] : memref<10000x128xf32, #tpu.memory_space<vmem_shared>> -> memref<16x128xf32, #tpu.memory_space<vmem_shared>>
        %dma_wait3A_1348 = arith.constant 0 : i32
        %dma_wait3A_1349 = tpu.memref_slice %arg11[%add3A_1327, %dma_wait3A_1348] : memref<10000x128xf32, #tpu.memory_space<vmem_shared>> -> memref<16x128xf32, #tpu.memory_space<vmem_shared>>
        %dma_wait3A_1350 = arith.constant 0 : i32
        %dma_wait3A_1351 = arith.constant 0 : i32
        %dma_wait3A_1352 = tpu.memref_slice %arg8[%run_scoped3A_1328, %dma_wait3A_1350, %dma_wait3A_1351] : memref<2x80x128xf32, #tpu.memory_space<vmem>> -> memref<1x16x128xf32, #tpu.memory_space<vmem>>
        %dma_wait3A_1353 = tpu.memref_squeeze %dma_wait3A_1352 : memref<1x16x128xf32, #tpu.memory_space<vmem>> -> memref<16x128xf32, #tpu.memory_space<vmem>>
        tpu.wait_dma2 semaphore(%run_scoped3A_1329 : memref<!tpu.dma_semaphore, #tpu.memory_space<semaphore_mem>>) src(%dma_wait3A_1353 : memref<16x128xf32, #tpu.memory_space<vmem>>) dst(%dma_wait3A_1349 : memref<16x128xf32, #tpu.memory_space<vmem_shared>>)
        tpu.yield
      }) : () -> ()
    }
    %while3A_1291 = arith.constant 1 : i32
    scf.for %while3A_1324 = %while3A_1289 to %while3A_1285 step %while3A_1291  : i32 {
      %mul3A_1325 = arith.constant 16 : i32
      %mul3A_1326 = arith.muli %while3A_1324, %mul3A_1325 : i32
      %add3A_1327 = arith.addi %mul3A_1280, %mul3A_1326 : i32
      %run_scoped3A_1328 = arith.constant 0 : i32
      "tpu.region"() ({
        %run_scoped3A_1329 = tpu.sem_alloc : memref<!tpu.dma_semaphore, #tpu.memory_space<semaphore_mem>>
        %dma_start3A_1330 = arith.constant 0 : i32
        %dma_start3A_1331 = arith.constant 0 : i32
        %dma_start3A_1332 = tpu.memref_slice %arg8[%run_scoped3A_1328, %dma_start3A_1330, %dma_start3A_1331] : memref<2x80x128xf32, #tpu.memory_space<vmem>> -> memref<1x16x128xf32, #tpu.memory_space<vmem>>
        %dma_start3A_1333 = tpu.memref_squeeze %dma_start3A_1332 : memref<1x16x128xf32, #tpu.memory_space<vmem>> -> memref<16x128xf32, #tpu.memory_space<vmem>>
        %dma_start3A_1334 = arith.constant 0 : i32
        %dma_start3A_1335 = tpu.memref_slice %arg11[%add3A_1327, %dma_start3A_1334] : memref<10000x128xf32, #tpu.memory_space<vmem_shared>> -> memref<16x128xf32, #tpu.memory_space<vmem_shared>>
        %dma_start3A_1336 = arith.constant 0 : i32
        %dma_start3A_1337 = tpu.memref_slice %arg11[%add3A_1327, %dma_start3A_1336] : memref<10000x128xf32, #tpu.memory_space<vmem_shared>> -> memref<16x128xf32, #tpu.memory_space<vmem_shared>>
        %dma_start3A_1338 = arith.constant 0 : i32
        %dma_start3A_1339 = arith.constant 0 : i32
        %dma_start3A_1340 = tpu.memref_slice %arg8[%run_scoped3A_1328, %dma_start3A_1338, %dma_start3A_1339] : memref<2x80x128xf32, #tpu.memory_space<vmem>> -> memref<1x16x128xf32, #tpu.memory_space<vmem>>
        %dma_start3A_1341 = tpu.memref_squeeze %dma_start3A_1340 : memref<1x16x128xf32, #tpu.memory_space<vmem>> -> memref<16x128xf32, #tpu.memory_space<vmem>>
        tpu.enqueue_dma source(%dma_start3A_1341 : memref<16x128xf32, #tpu.memory_space<vmem>>) target(%dma_start3A_1337 : memref<16x128xf32, #tpu.memory_space<vmem_shared>>) target_semaphore(%run_scoped3A_1329 : memref<!tpu.dma_semaphore, #tpu.memory_space<semaphore_mem>>)
        %dma_wait3A_1342 = arith.constant 0 : i32
        %dma_wait3A_1343 = arith.constant 0 : i32
        %dma_wait3A_1344 = tpu.memref_slice %arg8[%run_scoped3A_1328, %dma_wait3A_1342, %dma_wait3A_1343] : memref<2x80x128xf32, #tpu.memory_space<vmem>> -> memref<1x16x128xf32, #tpu.memory_space<vmem>>
        %dma_wait3A_1345 = tpu.memref_squeeze %dma_wait3A_1344 : memref<1x16x128xf32, #tpu.memory_space<vmem>> -> memref<16x128xf32, #tpu.memory_space<vmem>>
        %dma_wait3A_1346 = arith.constant 0 : i32
        %dma_wait3A_1347 = tpu.memref_slice %arg11[%add3A_1327, %dma_wait3A_1346] : memref<10000x128xf32, #tpu.memory_space<vmem_shared>> -> memref<16x128xf32, #tpu.memory_space<vmem_shared>>
        %dma_wait3A_1348 = arith.constant 0 : i32
        %dma_wait3A_1349 = tpu.memref_slice %arg11[%add3A_1327, %dma_wait3A_1348] : memref<10000x128xf32, #tpu.memory_space<vmem_shared>> -> memref<16x128xf32, #tpu.memory_space<vmem_shared>>
        %dma_wait3A_1350 = arith.constant 0 : i32
        %dma_wait3A_1351 = arith.constant 0 : i32
        %dma_wait3A_1352 = tpu.memref_slice %arg8[%run_scoped3A_1328, %dma_wait3A_1350, %dma_wait3A_1351] : memref<2x80x128xf32, #tpu.memory_space<vmem>> -> memref<1x16x128xf32, #tpu.memory_space<vmem>>
        %dma_wait3A_1353 = tpu.memref_squeeze %dma_wait3A_1352 : memref<1x16x128xf32, #tpu.memory_space<vmem>> -> memref<16x128xf32, #tpu.memory_space<vmem>>
        tpu.wait_dma2 semaphore(%run_scoped3A_1329 : memref<!tpu.dma_semaphore, #tpu.memory_space<semaphore_mem>>) src(%dma_wait3A_1353 : memref<16x128xf32, #tpu.memory_space<vmem>>) dst(%dma_wait3A_1349 : memref<16x128xf32, #tpu.memory_space<vmem_shared>>)
        tpu.yield
      }) : () -> ()
    }
    %barrier3A = arith.constant 0 : index
    tpu.barrier barrier_id(%barrier3A)
    "tpu.region"() ({
      %run_scoped3A_1324 = tpu.sem_alloc : memref<!tpu.dma_semaphore, #tpu.memory_space<semaphore_mem>>
      %dma_start3A_1325 = arith.constant 0 : i32
      %dma_start3A_1326 = tpu.memref_slice %arg3[%add3A, %dma_start3A_1325] : memref<32x10000xi32, #tpu.memory_space<hbm>> -> memref<1x10000xi32, #tpu.memory_space<hbm>>
      %dma_start3A_1327 = tpu.memref_squeeze %dma_start3A_1326 : memref<1x10000xi32, #tpu.memory_space<hbm>> -> memref<10000xi32, #tpu.memory_space<hbm>>
      %dma_start3A_1328 = arith.constant 0 : i32
      %dma_start3A_1329 = tpu.memref_slice %arg3[%add3A, %dma_start3A_1328] : memref<32x10000xi32, #tpu.memory_space<hbm>> -> memref<1x10000xi32, #tpu.memory_space<hbm>>
      %dma_start3A_1330 = tpu.memref_squeeze %dma_start3A_1329 : memref<1x10000xi32, #tpu.memory_space<hbm>> -> memref<10000xi32, #tpu.memory_space<hbm>>
      tpu.enqueue_dma source(%dma_start3A_1330 : memref<10000xi32, #tpu.memory_space<hbm>>) target(%arg6 : memref<10000xi32, #tpu.memory_space<vmem>>) target_semaphore(%run_scoped3A_1324 : memref<!tpu.dma_semaphore, #tpu.memory_space<semaphore_mem>>)
      %dma_wait3A_1331 = arith.constant 0 : i32
      %dma_wait3A_1332 = tpu.memref_slice %arg3[%add3A, %dma_wait3A_1331] : memref<32x10000xi32, #tpu.memory_space<hbm>> -> memref<1x10000xi32, #tpu.memory_space<hbm>>
      %dma_wait3A_1333 = tpu.memref_squeeze %dma_wait3A_1332 : memref<1x10000xi32, #tpu.memory_space<hbm>> -> memref<10000xi32, #tpu.memory_space<hbm>>
      %dma_wait3A_1334 = arith.constant 0 : i32
      %dma_wait3A_1335 = tpu.memref_slice %arg3[%add3A, %dma_wait3A_1334] : memref<32x10000xi32, #tpu.memory_space<hbm>> -> memref<1x10000xi32, #tpu.memory_space<hbm>>
      %dma_wait3A_1336 = tpu.memref_squeeze %dma_wait3A_1335 : memref<1x10000xi32, #tpu.memory_space<hbm>> -> memref<10000xi32, #tpu.memory_space<hbm>>
      tpu.wait_dma2 semaphore(%run_scoped3A_1324 : memref<!tpu.dma_semaphore, #tpu.memory_space<semaphore_mem>>) src(%dma_wait3A_1336 : memref<10000xi32, #tpu.memory_space<hbm>>) dst(%arg6 : memref<10000xi32, #tpu.memory_space<vmem>>)
      tpu.yield
    }) : () -> ()
    "tpu.region"() ({
      %run_scoped3A_1324 = tpu.sem_alloc : memref<!tpu.dma_semaphore, #tpu.memory_space<semaphore_mem>>
      %dma_start3A_1325 = arith.constant 0 : i32
      %dma_start3A_1326 = arith.constant 0 : i32
      %dma_start3A_1327 = tpu.memref_slice %arg4[%add3A, %dma_start3A_1325, %dma_start3A_1326] : memref<32x125x80xi32, #tpu.memory_space<hbm>> -> memref<1x125x80xi32, #tpu.memory_space<hbm>>
      %dma_start3A_1328 = tpu.memref_squeeze %dma_start3A_1327 : memref<1x125x80xi32, #tpu.memory_space<hbm>> -> memref<125x80xi32, #tpu.memory_space<hbm>>
      %dma_start3A_1329 = arith.constant 0 : i32
      %dma_start3A_1330 = arith.constant 0 : i32
      %dma_start3A_1331 = tpu.memref_slice %arg4[%add3A, %dma_start3A_1329, %dma_start3A_1330] : memref<32x125x80xi32, #tpu.memory_space<hbm>> -> memref<1x125x80xi32, #tpu.memory_space<hbm>>
      %dma_start3A_1332 = tpu.memref_squeeze %dma_start3A_1331 : memref<1x125x80xi32, #tpu.memory_space<hbm>> -> memref<125x80xi32, #tpu.memory_space<hbm>>
      tpu.enqueue_dma source(%dma_start3A_1332 : memref<125x80xi32, #tpu.memory_space<hbm>>) target(%arg7 : memref<125x80xi32, #tpu.memory_space<vmem>>) target_semaphore(%run_scoped3A_1324 : memref<!tpu.dma_semaphore, #tpu.memory_space<semaphore_mem>>)
      %dma_wait3A_1333 = arith.constant 0 : i32
      %dma_wait3A_1334 = arith.constant 0 : i32
      %dma_wait3A_1335 = tpu.memref_slice %arg4[%add3A, %dma_wait3A_1333, %dma_wait3A_1334] : memref<32x125x80xi32, #tpu.memory_space<hbm>> -> memref<1x125x80xi32, #tpu.memory_space<hbm>>
      %dma_wait3A_1336 = tpu.memref_squeeze %dma_wait3A_1335 : memref<1x125x80xi32, #tpu.memory_space<hbm>> -> memref<125x80xi32, #tpu.memory_space<hbm>>
      %dma_wait3A_1337 = arith.constant 0 : i32
      %dma_wait3A_1338 = arith.constant 0 : i32
      %dma_wait3A_1339 = tpu.memref_slice %arg4[%add3A, %dma_wait3A_1337, %dma_wait3A_1338] : memref<32x125x80xi32, #tpu.memory_space<hbm>> -> memref<1x125x80xi32, #tpu.memory_space<hbm>>
      %dma_wait3A_1340 = tpu.memref_squeeze %dma_wait3A_1339 : memref<1x125x80xi32, #tpu.memory_space<hbm>> -> memref<125x80xi32, #tpu.memory_space<hbm>>
      tpu.wait_dma2 semaphore(%run_scoped3A_1324 : memref<!tpu.dma_semaphore, #tpu.memory_space<semaphore_mem>>) src(%dma_wait3A_1340 : memref<125x80xi32, #tpu.memory_space<hbm>>) dst(%arg7 : memref<125x80xi32, #tpu.memory_space<vmem>>)
      tpu.yield
    }) : () -> ()
    %dma_start3A = arith.constant 0 : i32
    %dma_start3A_1292 = arith.constant 0 : i32
    %dma_start3A_1293 = arith.constant 0 : i32
    %dma_start3A_1294 = tpu.memref_slice %arg8[%dma_start3A, %dma_start3A_1292, %dma_start3A_1293] : memref<2x80x128xf32, #tpu.memory_space<vmem>> -> memref<1x80x128xf32, #tpu.memory_space<vmem>>
    %dma_start3A_1295 = tpu.memref_squeeze %dma_start3A_1294 : memref<1x80x128xf32, #tpu.memory_space<vmem>> -> memref<80x128xf32, #tpu.memory_space<vmem>>
    %dma_start3A_1296 = arith.constant 0 : i32
    %dma_start3A_1297 = tpu.memref_slice %arg6[%dma_start3A_1296] : memref<10000xi32, #tpu.memory_space<vmem>> -> memref<80xi32, #tpu.memory_space<vmem>>
    %dma_start3A_1298 = arith.constant 0 : i32
    %dma_start3A_1299 = arith.constant 0 : i32
    %dma_start3A_1300 = tpu.memref_slice %arg2[%dma_start3A_1298, %dma_start3A_1299] : memref<10000x128xf32, #tpu.memory_space<hbm>> -> memref<10000x128xf32, #tpu.memory_space<hbm>>
    tpu.enqueue_indirect_dma source(%dma_start3A_1300 : memref<10000x128xf32, #tpu.memory_space<hbm>>) target(%dma_start3A_1295 : memref<80x128xf32, #tpu.memory_space<vmem>>) offsets(%dma_start3A_1297 : memref<80xi32, #tpu.memory_space<vmem>>) semaphore(%arg9 : memref<!tpu.dma_semaphore, #tpu.memory_space<semaphore_mem>>)
    %scan3A = arith.constant 0 : i32
    %scan3A_1301 = arith.constant 0 : i32
    %scan3A_1302 = arith.constant 62 : i32
    %scan3A_1303 = arith.addi %scan3A_1301, %scan3A_1302 : i32
    %scan3A_1304 = arith.constant 1 : i32
    scf.for %scan3A_1324 = %scan3A_1301 to %scan3A_1303 step %scan3A_1304  : i32 {
      %mul3A_1325 = arith.constant 2 : i32
      %mul3A_1326 = arith.muli %mul3A_1325, %scan3A_1324 : i32
      %mul3A_1327 = arith.constant 80 : i32
      %mul3A_1328 = arith.muli %mul3A_1326, %mul3A_1327 : i32
      %dma_wait3A_1329 = arith.constant 0 : i32
      %dma_wait3A_1330 = arith.constant 0 : i32
      %dma_wait3A_1331 = arith.constant 0 : i32
      %dma_wait3A_1332 = tpu.memref_slice %arg8[%dma_wait3A_1329, %dma_wait3A_1330, %dma_wait3A_1331] : memref<2x80x128xf32, #tpu.memory_space<vmem>> -> memref<1x80x128xf32, #tpu.memory_space<vmem>>
      %dma_wait3A_1333 = tpu.memref_squeeze %dma_wait3A_1332 : memref<1x80x128xf32, #tpu.memory_space<vmem>> -> memref<80x128xf32, #tpu.memory_space<vmem>>
      %dma_wait3A_1334 = tpu.memref_slice %arg6[%mul3A_1328] : memref<10000xi32, #tpu.memory_space<vmem>> -> memref<80xi32, #tpu.memory_space<vmem>>
      %dma_wait3A_1335 = arith.constant 0 : i32
      %dma_wait3A_1336 = arith.constant 0 : i32
      %dma_wait3A_1337 = tpu.memref_slice %arg2[%dma_wait3A_1335, %dma_wait3A_1336] : memref<10000x128xf32, #tpu.memory_space<hbm>> -> memref<10000x128xf32, #tpu.memory_space<hbm>>
      tpu.wait_indirect_dma semaphore(%arg9 : memref<!tpu.dma_semaphore, #tpu.memory_space<semaphore_mem>>) src(%dma_wait3A_1337 : memref<10000x128xf32, #tpu.memory_space<hbm>>) dst(%dma_wait3A_1333 : memref<80x128xf32, #tpu.memory_space<vmem>>)
      %add3A_1338 = arith.constant 1 : i32
      %add3A_1339 = arith.addi %mul3A_1326, %add3A_1338 : i32
      %mul3A_1340 = arith.constant 80 : i32
      %mul3A_1341 = arith.muli %add3A_1339, %mul3A_1340 : i32
      %dma_start3A_1342 = arith.constant 1 : i32
      %dma_start3A_1343 = arith.constant 0 : i32
      %dma_start3A_1344 = arith.constant 0 : i32
      %dma_start3A_1345 = tpu.memref_slice %arg8[%dma_start3A_1342, %dma_start3A_1343, %dma_start3A_1344] : memref<2x80x128xf32, #tpu.memory_space<vmem>> -> memref<1x80x128xf32, #tpu.memory_space<vmem>>
      %dma_start3A_1346 = tpu.memref_squeeze %dma_start3A_1345 : memref<1x80x128xf32, #tpu.memory_space<vmem>> -> memref<80x128xf32, #tpu.memory_space<vmem>>
      %dma_start3A_1347 = tpu.memref_slice %arg6[%mul3A_1341] : memref<10000xi32, #tpu.memory_space<vmem>> -> memref<80xi32, #tpu.memory_space<vmem>>
      %dma_start3A_1348 = arith.constant 0 : i32
      %dma_start3A_1349 = arith.constant 0 : i32
      %dma_start3A_1350 = tpu.memref_slice %arg2[%dma_start3A_1348, %dma_start3A_1349] : memref<10000x128xf32, #tpu.memory_space<hbm>> -> memref<10000x128xf32, #tpu.memory_space<hbm>>
      tpu.enqueue_indirect_dma source(%dma_start3A_1350 : memref<10000x128xf32, #tpu.memory_space<hbm>>) target(%dma_start3A_1346 : memref<80x128xf32, #tpu.memory_space<vmem>>) offsets(%dma_start3A_1347 : memref<80xi32, #tpu.memory_space<vmem>>) semaphore(%arg10 : memref<!tpu.dma_semaphore, #tpu.memory_space<semaphore_mem>>)
      %run_scoped3A_1351 = arith.constant 0 : i32
      "tpu.region"() ({
        %run_scoped3A_1381 = tpu.sem_alloc : memref<!tpu.dma_semaphore, #tpu.memory_space<semaphore_mem>>
        %dma_start3A_1382 = arith.constant 0 : i32
        %dma_start3A_1383 = arith.constant 0 : i32
        %dma_start3A_1384 = tpu.memref_slice %arg8[%run_scoped3A_1351, %dma_start3A_1382, %dma_start3A_1383] : memref<2x80x128xf32, #tpu.memory_space<vmem>> -> memref<1x80x128xf32, #tpu.memory_space<vmem>>
        %dma_start3A_1385 = tpu.memref_squeeze %dma_start3A_1384 : memref<1x80x128xf32, #tpu.memory_space<vmem>> -> memref<80x128xf32, #tpu.memory_space<vmem>>
        %dma_start3A_1386 = arith.constant 0 : i32
        %dma_start3A_1387 = tpu.memref_slice %arg7[%mul3A_1326, %dma_start3A_1386] : memref<125x80xi32, #tpu.memory_space<vmem>> -> memref<1x80xi32, #tpu.memory_space<vmem>>
        %dma_start3A_1388 = tpu.memref_squeeze %dma_start3A_1387 : memref<1x80xi32, #tpu.memory_space<vmem>> -> memref<80xi32, #tpu.memory_space<vmem>>
        %dma_start3A_1389 = arith.constant 0 : i32
        %dma_start3A_1390 = arith.constant 0 : i32
        %dma_start3A_1391 = tpu.memref_slice %arg11[%dma_start3A_1389, %dma_start3A_1390] : memref<10000x128xf32, #tpu.memory_space<vmem_shared>> -> memref<10000x128xf32, #tpu.memory_space<vmem_shared>>
        tpu.enqueue_indirect_dma source(%dma_start3A_1385 : memref<80x128xf32, #tpu.memory_space<vmem>>) target(%dma_start3A_1391 : memref<10000x128xf32, #tpu.memory_space<vmem_shared>>) offsets(%dma_start3A_1388 : memref<80xi32, #tpu.memory_space<vmem>>) semaphore(%run_scoped3A_1381 : memref<!tpu.dma_semaphore, #tpu.memory_space<semaphore_mem>>) {add = true}
        %dma_wait3A_1392 = arith.constant 0 : i32
        %dma_wait3A_1393 = arith.constant 0 : i32
        %dma_wait3A_1394 = tpu.memref_slice %arg8[%run_scoped3A_1351, %dma_wait3A_1392, %dma_wait3A_1393] : memref<2x80x128xf32, #tpu.memory_space<vmem>> -> memref<1x80x128xf32, #tpu.memory_space<vmem>>
        %dma_wait3A_1395 = tpu.memref_squeeze %dma_wait3A_1394 : memref<1x80x128xf32, #tpu.memory_space<vmem>> -> memref<80x128xf32, #tpu.memory_space<vmem>>
        %dma_wait3A_1396 = arith.constant 0 : i32
        %dma_wait3A_1397 = tpu.memref_slice %arg7[%mul3A_1326, %dma_wait3A_1396] : memref<125x80xi32, #tpu.memory_space<vmem>> -> memref<1x80xi32, #tpu.memory_space<vmem>>
        %dma_wait3A_1398 = tpu.memref_squeeze %dma_wait3A_1397 : memref<1x80xi32, #tpu.memory_space<vmem>> -> memref<80xi32, #tpu.memory_space<vmem>>
        %dma_wait3A_1399 = arith.constant 0 : i32
        %dma_wait3A_1400 = arith.constant 0 : i32
        %dma_wait3A_1401 = tpu.memref_slice %arg11[%dma_wait3A_1399, %dma_wait3A_1400] : memref<10000x128xf32, #tpu.memory_space<vmem_shared>> -> memref<10000x128xf32, #tpu.memory_space<vmem_shared>>
        tpu.wait_indirect_dma semaphore(%run_scoped3A_1381 : memref<!tpu.dma_semaphore, #tpu.memory_space<semaphore_mem>>) src(%dma_wait3A_1395 : memref<80x128xf32, #tpu.memory_space<vmem>>) dst(%dma_wait3A_1401 : memref<10000x128xf32, #tpu.memory_space<vmem_shared>>)
        tpu.yield
      }) : () -> ()
      %add3A_1352 = arith.constant 1 : i32
      %add3A_1353 = arith.addi %mul3A_1326, %add3A_1352 : i32
      %mul3A_1354 = arith.constant 80 : i32
      %mul3A_1355 = arith.muli %add3A_1353, %mul3A_1354 : i32
      %dma_wait3A_1356 = arith.constant 1 : i32
      %dma_wait3A_1357 = arith.constant 0 : i32
      %dma_wait3A_1358 = arith.constant 0 : i32
      %dma_wait3A_1359 = tpu.memref_slice %arg8[%dma_wait3A_1356, %dma_wait3A_1357, %dma_wait3A_1358] : memref<2x80x128xf32, #tpu.memory_space<vmem>> -> memref<1x80x128xf32, #tpu.memory_space<vmem>>
      %dma_wait3A_1360 = tpu.memref_squeeze %dma_wait3A_1359 : memref<1x80x128xf32, #tpu.memory_space<vmem>> -> memref<80x128xf32, #tpu.memory_space<vmem>>
      %dma_wait3A_1361 = tpu.memref_slice %arg6[%mul3A_1355] : memref<10000xi32, #tpu.memory_space<vmem>> -> memref<80xi32, #tpu.memory_space<vmem>>
      %dma_wait3A_1362 = arith.constant 0 : i32
      %dma_wait3A_1363 = arith.constant 0 : i32
      %dma_wait3A_1364 = tpu.memref_slice %arg2[%dma_wait3A_1362, %dma_wait3A_1363] : memref<10000x128xf32, #tpu.memory_space<hbm>> -> memref<10000x128xf32, #tpu.memory_space<hbm>>
      tpu.wait_indirect_dma semaphore(%arg10 : memref<!tpu.dma_semaphore, #tpu.memory_space<semaphore_mem>>) src(%dma_wait3A_1364 : memref<10000x128xf32, #tpu.memory_space<hbm>>) dst(%dma_wait3A_1360 : memref<80x128xf32, #tpu.memory_space<vmem>>)
      %add3A_1365 = arith.constant 2 : i32
      %add3A_1366 = arith.addi %mul3A_1326, %add3A_1365 : i32
      %mul3A_1367 = arith.constant 80 : i32
      %mul3A_1368 = arith.muli %add3A_1366, %mul3A_1367 : i32
      %dma_start3A_1369 = arith.constant 0 : i32
      %dma_start3A_1370 = arith.constant 0 : i32
      %dma_start3A_1371 = arith.constant 0 : i32
      %dma_start3A_1372 = tpu.memref_slice %arg8[%dma_start3A_1369, %dma_start3A_1370, %dma_start3A_1371] : memref<2x80x128xf32, #tpu.memory_space<vmem>> -> memref<1x80x128xf32, #tpu.memory_space<vmem>>
      %dma_start3A_1373 = tpu.memref_squeeze %dma_start3A_1372 : memref<1x80x128xf32, #tpu.memory_space<vmem>> -> memref<80x128xf32, #tpu.memory_space<vmem>>
      %dma_start3A_1374 = tpu.memref_slice %arg6[%mul3A_1368] : memref<10000xi32, #tpu.memory_space<vmem>> -> memref<80xi32, #tpu.memory_space<vmem>>
      %dma_start3A_1375 = arith.constant 0 : i32
      %dma_start3A_1376 = arith.constant 0 : i32
      %dma_start3A_1377 = tpu.memref_slice %arg2[%dma_start3A_1375, %dma_start3A_1376] : memref<10000x128xf32, #tpu.memory_space<hbm>> -> memref<10000x128xf32, #tpu.memory_space<hbm>>
      tpu.enqueue_indirect_dma source(%dma_start3A_1377 : memref<10000x128xf32, #tpu.memory_space<hbm>>) target(%dma_start3A_1373 : memref<80x128xf32, #tpu.memory_space<vmem>>) offsets(%dma_start3A_1374 : memref<80xi32, #tpu.memory_space<vmem>>) semaphore(%arg9 : memref<!tpu.dma_semaphore, #tpu.memory_space<semaphore_mem>>)
      %add3A_1378 = arith.constant 1 : i32
      %add3A_1379 = arith.addi %mul3A_1326, %add3A_1378 : i32
      %run_scoped3A_1380 = arith.constant 1 : i32
      "tpu.region"() ({
        %run_scoped3A_1381 = tpu.sem_alloc : memref<!tpu.dma_semaphore, #tpu.memory_space<semaphore_mem>>
        %dma_start3A_1382 = arith.constant 0 : i32
        %dma_start3A_1383 = arith.constant 0 : i32
        %dma_start3A_1384 = tpu.memref_slice %arg8[%run_scoped3A_1380, %dma_start3A_1382, %dma_start3A_1383] : memref<2x80x128xf32, #tpu.memory_space<vmem>> -> memref<1x80x128xf32, #tpu.memory_space<vmem>>
        %dma_start3A_1385 = tpu.memref_squeeze %dma_start3A_1384 : memref<1x80x128xf32, #tpu.memory_space<vmem>> -> memref<80x128xf32, #tpu.memory_space<vmem>>
        %dma_start3A_1386 = arith.constant 0 : i32
        %dma_start3A_1387 = tpu.memref_slice %arg7[%add3A_1379, %dma_start3A_1386] : memref<125x80xi32, #tpu.memory_space<vmem>> -> memref<1x80xi32, #tpu.memory_space<vmem>>
        %dma_start3A_1388 = tpu.memref_squeeze %dma_start3A_1387 : memref<1x80xi32, #tpu.memory_space<vmem>> -> memref<80xi32, #tpu.memory_space<vmem>>
        %dma_start3A_1389 = arith.constant 0 : i32
        %dma_start3A_1390 = arith.constant 0 : i32
        %dma_start3A_1391 = tpu.memref_slice %arg11[%dma_start3A_1389, %dma_start3A_1390] : memref<10000x128xf32, #tpu.memory_space<vmem_shared>> -> memref<10000x128xf32, #tpu.memory_space<vmem_shared>>
        tpu.enqueue_indirect_dma source(%dma_start3A_1385 : memref<80x128xf32, #tpu.memory_space<vmem>>) target(%dma_start3A_1391 : memref<10000x128xf32, #tpu.memory_space<vmem_shared>>) offsets(%dma_start3A_1388 : memref<80xi32, #tpu.memory_space<vmem>>) semaphore(%run_scoped3A_1381 : memref<!tpu.dma_semaphore, #tpu.memory_space<semaphore_mem>>) {add = true}
        %dma_wait3A_1392 = arith.constant 0 : i32
        %dma_wait3A_1393 = arith.constant 0 : i32
        %dma_wait3A_1394 = tpu.memref_slice %arg8[%run_scoped3A_1380, %dma_wait3A_1392, %dma_wait3A_1393] : memref<2x80x128xf32, #tpu.memory_space<vmem>> -> memref<1x80x128xf32, #tpu.memory_space<vmem>>
        %dma_wait3A_1395 = tpu.memref_squeeze %dma_wait3A_1394 : memref<1x80x128xf32, #tpu.memory_space<vmem>> -> memref<80x128xf32, #tpu.memory_space<vmem>>
        %dma_wait3A_1396 = arith.constant 0 : i32
        %dma_wait3A_1397 = tpu.memref_slice %arg7[%add3A_1379, %dma_wait3A_1396] : memref<125x80xi32, #tpu.memory_space<vmem>> -> memref<1x80xi32, #tpu.memory_space<vmem>>
        %dma_wait3A_1398 = tpu.memref_squeeze %dma_wait3A_1397 : memref<1x80xi32, #tpu.memory_space<vmem>> -> memref<80xi32, #tpu.memory_space<vmem>>
        %dma_wait3A_1399 = arith.constant 0 : i32
        %dma_wait3A_1400 = arith.constant 0 : i32
        %dma_wait3A_1401 = tpu.memref_slice %arg11[%dma_wait3A_1399, %dma_wait3A_1400] : memref<10000x128xf32, #tpu.memory_space<vmem_shared>> -> memref<10000x128xf32, #tpu.memory_space<vmem_shared>>
        tpu.wait_indirect_dma semaphore(%run_scoped3A_1381 : memref<!tpu.dma_semaphore, #tpu.memory_space<semaphore_mem>>) src(%dma_wait3A_1395 : memref<80x128xf32, #tpu.memory_space<vmem>>) dst(%dma_wait3A_1401 : memref<10000x128xf32, #tpu.memory_space<vmem_shared>>)
        tpu.yield
      }) : () -> ()
    }
    %scan3A_1305 = arith.constant 62 : i32
    %dma_wait3A = arith.constant 0 : i32
    %dma_wait3A_1306 = arith.constant 0 : i32
    %dma_wait3A_1307 = arith.constant 0 : i32
    %dma_wait3A_1308 = tpu.memref_slice %arg8[%dma_wait3A, %dma_wait3A_1306, %dma_wait3A_1307] : memref<2x80x128xf32, #tpu.memory_space<vmem>> -> memref<1x80x128xf32, #tpu.memory_space<vmem>>
    %dma_wait3A_1309 = tpu.memref_squeeze %dma_wait3A_1308 : memref<1x80x128xf32, #tpu.memory_space<vmem>> -> memref<80x128xf32, #tpu.memory_space<vmem>>
    %dma_wait3A_1310 = arith.constant 9920 : i32
    %dma_wait3A_1311 = tpu.memref_slice %arg6[%dma_wait3A_1310] : memref<10000xi32, #tpu.memory_space<vmem>> -> memref<80xi32, #tpu.memory_space<vmem>>
    %dma_wait3A_1312 = arith.constant 0 : i32
    %dma_wait3A_1313 = arith.constant 0 : i32
    %dma_wait3A_1314 = tpu.memref_slice %arg2[%dma_wait3A_1312, %dma_wait3A_1313] : memref<10000x128xf32, #tpu.memory_space<hbm>> -> memref<10000x128xf32, #tpu.memory_space<hbm>>
    tpu.wait_indirect_dma semaphore(%arg9 : memref<!tpu.dma_semaphore, #tpu.memory_space<semaphore_mem>>) src(%dma_wait3A_1314 : memref<10000x128xf32, #tpu.memory_space<hbm>>) dst(%dma_wait3A_1309 : memref<80x128xf32, #tpu.memory_space<vmem>>)
    %run_scoped3A = arith.constant 0 : i32
    %run_scoped3A_1315 = arith.constant 124 : i32
    "tpu.region"() ({
      %run_scoped3A_1324 = tpu.sem_alloc : memref<!tpu.dma_semaphore, #tpu.memory_space<semaphore_mem>>
      %dma_start3A_1325 = arith.constant 0 : i32
      %dma_start3A_1326 = arith.constant 0 : i32
      %dma_start3A_1327 = tpu.memref_slice %arg8[%run_scoped3A, %dma_start3A_1325, %dma_start3A_1326] : memref<2x80x128xf32, #tpu.memory_space<vmem>> -> memref<1x80x128xf32, #tpu.memory_space<vmem>>
      %dma_start3A_1328 = tpu.memref_squeeze %dma_start3A_1327 : memref<1x80x128xf32, #tpu.memory_space<vmem>> -> memref<80x128xf32, #tpu.memory_space<vmem>>
      %dma_start3A_1329 = arith.constant 0 : i32
      %dma_start3A_1330 = tpu.memref_slice %arg7[%run_scoped3A_1315, %dma_start3A_1329] : memref<125x80xi32, #tpu.memory_space<vmem>> -> memref<1x80xi32, #tpu.memory_space<vmem>>
      %dma_start3A_1331 = tpu.memref_squeeze %dma_start3A_1330 : memref<1x80xi32, #tpu.memory_space<vmem>> -> memref<80xi32, #tpu.memory_space<vmem>>
      %dma_start3A_1332 = arith.constant 0 : i32
      %dma_start3A_1333 = arith.constant 0 : i32
      %dma_start3A_1334 = tpu.memref_slice %arg11[%dma_start3A_1332, %dma_start3A_1333] : memref<10000x128xf32, #tpu.memory_space<vmem_shared>> -> memref<10000x128xf32, #tpu.memory_space<vmem_shared>>
      tpu.enqueue_indirect_dma source(%dma_start3A_1328 : memref<80x128xf32, #tpu.memory_space<vmem>>) target(%dma_start3A_1334 : memref<10000x128xf32, #tpu.memory_space<vmem_shared>>) offsets(%dma_start3A_1331 : memref<80xi32, #tpu.memory_space<vmem>>) semaphore(%run_scoped3A_1324 : memref<!tpu.dma_semaphore, #tpu.memory_space<semaphore_mem>>) {add = true}
      %dma_wait3A_1335 = arith.constant 0 : i32
      %dma_wait3A_1336 = arith.constant 0 : i32
      %dma_wait3A_1337 = tpu.memref_slice %arg8[%run_scoped3A, %dma_wait3A_1335, %dma_wait3A_1336] : memref<2x80x128xf32, #tpu.memory_space<vmem>> -> memref<1x80x128xf32, #tpu.memory_space<vmem>>
      %dma_wait3A_1338 = tpu.memref_squeeze %dma_wait3A_1337 : memref<1x80x128xf32, #tpu.memory_space<vmem>> -> memref<80x128xf32, #tpu.memory_space<vmem>>
      %dma_wait3A_1339 = arith.constant 0 : i32
      %dma_wait3A_1340 = tpu.memref_slice %arg7[%run_scoped3A_1315, %dma_wait3A_1339] : memref<125x80xi32, #tpu.memory_space<vmem>> -> memref<1x80xi32, #tpu.memory_space<vmem>>
      %dma_wait3A_1341 = tpu.memref_squeeze %dma_wait3A_1340 : memref<1x80xi32, #tpu.memory_space<vmem>> -> memref<80xi32, #tpu.memory_space<vmem>>
      %dma_wait3A_1342 = arith.constant 0 : i32
      %dma_wait3A_1343 = arith.constant 0 : i32
      %dma_wait3A_1344 = tpu.memref_slice %arg11[%dma_wait3A_1342, %dma_wait3A_1343] : memref<10000x128xf32, #tpu.memory_space<vmem_shared>> -> memref<10000x128xf32, #tpu.memory_space<vmem_shared>>
      tpu.wait_indirect_dma semaphore(%run_scoped3A_1324 : memref<!tpu.dma_semaphore, #tpu.memory_space<semaphore_mem>>) src(%dma_wait3A_1338 : memref<80x128xf32, #tpu.memory_space<vmem>>) dst(%dma_wait3A_1344 : memref<10000x128xf32, #tpu.memory_space<vmem_shared>>)
      tpu.yield
    }) : () -> ()
    %barrier3A_1316 = arith.constant 0 : index
    tpu.barrier barrier_id(%barrier3A_1316)
    %lt3A = arith.constant 15 : i32
    %lt3A_1317 = arith.cmpi slt, %arg1, %lt3A : i32
    %convert_element_type3A = arith.extui %lt3A_1317 : i1 to i32
    %cond3A = arith.constant 0 : i32
    %cond3A_1318 = arith.cmpi ne, %convert_element_type3A, %cond3A : i32
    scf.if %cond3A_1318 {
      "tpu.region"() ({
        %run_scoped3A_1324 = tpu.sem_alloc : memref<!tpu.dma_semaphore, #tpu.memory_space<semaphore_mem>>
        %dma_start3A_1325 = arith.constant 0 : i32
        %dma_start3A_1326 = tpu.memref_slice %arg5[%arg0, %mul3A_1280, %dma_start3A_1325] : memref<2x10000x128xf32, #tpu.memory_space<hbm>> -> memref<1x624x128xf32, #tpu.memory_space<hbm>>
        %dma_start3A_1327 = tpu.memref_squeeze %dma_start3A_1326 : memref<1x624x128xf32, #tpu.memory_space<hbm>> -> memref<624x128xf32, #tpu.memory_space<hbm>>
        %dma_start3A_1328 = arith.constant 0 : i32
        %dma_start3A_1329 = tpu.memref_slice %arg11[%mul3A_1280, %dma_start3A_1328] : memref<10000x128xf32, #tpu.memory_space<vmem_shared>> -> memref<624x128xf32, #tpu.memory_space<vmem_shared>>
        tpu.enqueue_dma source(%dma_start3A_1329 : memref<624x128xf32, #tpu.memory_space<vmem_shared>>) target(%dma_start3A_1327 : memref<624x128xf32, #tpu.memory_space<hbm>>) target_semaphore(%run_scoped3A_1324 : memref<!tpu.dma_semaphore, #tpu.memory_space<semaphore_mem>>)
        %dma_wait3A_1330 = arith.constant 0 : i32
        %dma_wait3A_1331 = tpu.memref_slice %arg5[%arg0, %mul3A_1280, %dma_wait3A_1330] : memref<2x10000x128xf32, #tpu.memory_space<hbm>> -> memref<1x624x128xf32, #tpu.memory_space<hbm>>
        %dma_wait3A_1332 = tpu.memref_squeeze %dma_wait3A_1331 : memref<1x624x128xf32, #tpu.memory_space<hbm>> -> memref<624x128xf32, #tpu.memory_space<hbm>>
        %dma_wait3A_1333 = arith.constant 0 : i32
        %dma_wait3A_1334 = tpu.memref_slice %arg11[%mul3A_1280, %dma_wait3A_1333] : memref<10000x128xf32, #tpu.memory_space<vmem_shared>> -> memref<624x128xf32, #tpu.memory_space<vmem_shared>>
        tpu.wait_dma2 semaphore(%run_scoped3A_1324 : memref<!tpu.dma_semaphore, #tpu.memory_space<semaphore_mem>>) src(%dma_wait3A_1334 : memref<624x128xf32, #tpu.memory_space<vmem_shared>>) dst(%dma_wait3A_1332 : memref<624x128xf32, #tpu.memory_space<hbm>>)
        tpu.yield
      }) : () -> ()
    } else {
    }
    %eq3A_1319 = arith.constant 15 : i32
    %eq3A_1320 = arith.cmpi eq, %arg1, %eq3A_1319 : i32
    %convert_element_type3A_1321 = arith.extui %eq3A_1320 : i1 to i32
    %cond3A_1322 = arith.constant 0 : i32
    %cond3A_1323 = arith.cmpi ne, %convert_element_type3A_1321, %cond3A_1322 : i32
    scf.if %cond3A_1323 {
      "tpu.region"() ({
        %run_scoped3A_1324 = tpu.sem_alloc : memref<!tpu.dma_semaphore, #tpu.memory_space<semaphore_mem>>
        %dma_start3A_1325 = arith.constant 9360 : i32
        %dma_start3A_1326 = arith.constant 0 : i32
        %dma_start3A_1327 = tpu.memref_slice %arg5[%arg0, %dma_start3A_1325, %dma_start3A_1326] : memref<2x10000x128xf32, #tpu.memory_space<hbm>> -> memref<1x640x128xf32, #tpu.memory_space<hbm>>
        %dma_start3A_1328 = tpu.memref_squeeze %dma_start3A_1327 : memref<1x640x128xf32, #tpu.memory_space<hbm>> -> memref<640x128xf32, #tpu.memory_space<hbm>>
        %dma_start3A_1329 = arith.constant 9360 : i32
        %dma_start3A_1330 = arith.constant 0 : i32
        %dma_start3A_1331 = tpu.memref_slice %arg11[%dma_start3A_1329, %dma_start3A_1330] : memref<10000x128xf32, #tpu.memory_space<vmem_shared>> -> memref<640x128xf32, #tpu.memory_space<vmem_shared>>
        tpu.enqueue_dma source(%dma_start3A_1331 : memref<640x128xf32, #tpu.memory_space<vmem_shared>>) target(%dma_start3A_1328 : memref<640x128xf32, #tpu.memory_space<hbm>>) target_semaphore(%run_scoped3A_1324 : memref<!tpu.dma_semaphore, #tpu.memory_space<semaphore_mem>>)
        %dma_wait3A_1332 = arith.constant 9360 : i32
        %dma_wait3A_1333 = arith.constant 0 : i32
        %dma_wait3A_1334 = tpu.memref_slice %arg5[%arg0, %dma_wait3A_1332, %dma_wait3A_1333] : memref<2x10000x128xf32, #tpu.memory_space<hbm>> -> memref<1x640x128xf32, #tpu.memory_space<hbm>>
        %dma_wait3A_1335 = tpu.memref_squeeze %dma_wait3A_1334 : memref<1x640x128xf32, #tpu.memory_space<hbm>> -> memref<640x128xf32, #tpu.memory_space<hbm>>
        %dma_wait3A_1336 = arith.constant 9360 : i32
        %dma_wait3A_1337 = arith.constant 0 : i32
        %dma_wait3A_1338 = tpu.memref_slice %arg11[%dma_wait3A_1336, %dma_wait3A_1337] : memref<10000x128xf32, #tpu.memory_space<vmem_shared>> -> memref<640x128xf32, #tpu.memory_space<vmem_shared>>
        tpu.wait_dma2 semaphore(%run_scoped3A_1324 : memref<!tpu.dma_semaphore, #tpu.memory_space<semaphore_mem>>) src(%dma_wait3A_1338 : memref<640x128xf32, #tpu.memory_space<vmem_shared>>) dst(%dma_wait3A_1335 : memref<640x128xf32, #tpu.memory_space<hbm>>)
        tpu.yield
      }) : () -> ()
    } else {
    }
    return
  }
}

module attributes {stable_mosaic.version = 14 : i64} {
  func.func @_tc1_body(%arg0: i32, %arg1: memref<1000x1xi32, #tpu.memory_space<vmem>>, %arg2: memref<1000x1xf32, #tpu.memory_space<vmem>>, %arg3: memref<1000x1xf32, #tpu.memory_space<vmem>>, %arg4: memref<128x128xf32, #tpu.memory_space<vmem>>, %arg5: memref<128x128xf32, #tpu.memory_space<vmem>>, %arg6: memref<1000x128xf32, #tpu.memory_space<vmem>>, %arg7: memref<1000x1xf32, #tpu.memory_space<vmem>>) attributes {dimension_semantics = [#tpu.dimension_semantics<arbitrary>], iteration_bounds = array<i64: 10>, scalar_prefetch = 0 : i64, scratch_operands = 0 : i64, tpu.core_type = #tpu.core_type<tc>, window_params = [{transform_indices = @transform_0, window_bounds = array<i64: 1000, 1>}, {transform_indices = @transform_1, window_bounds = array<i64: 1000, 1>}, {transform_indices = @transform_2, window_bounds = array<i64: 1000, 1>}, {pipeline_mode = #tpu.pipeline_mode<synchronous>, transform_indices = @transform_3, window_bounds = array<i64: 128, 128>}, {pipeline_mode = #tpu.pipeline_mode<synchronous>, transform_indices = @transform_4, window_bounds = array<i64: 128, 128>}, {transform_indices = @transform_5, window_bounds = array<i64: 1000, 128>}, {transform_indices = @transform_6, window_bounds = array<i64: 1000, 1>}]} {
    %get3A = arith.constant 0 : index
    %get3A_0 = arith.constant 0 : index
    %get3A_1 = vector.load %arg2[%get3A, %get3A_0] : memref<1000x1xf32, #tpu.memory_space<vmem>>, vector<1000x1xf32>
    %get3A_2 = arith.constant 0 : index
    %get3A_3 = arith.constant 0 : index
    %get3A_4 = vector.load %arg3[%get3A_2, %get3A_3] : memref<1000x1xf32, #tpu.memory_space<vmem>>, vector<1000x1xf32>
    %add3A = arith.addf %get3A_1, %get3A_4 : vector<1000x1xf32>
    %add3A_5 = arith.constant 1.000000e+00 : f32
    %add3A_6 = vector.broadcast %add3A_5 : f32 to vector<1000x1xf32>
    %add3A_7 = arith.addf %add3A, %add3A_6 : vector<1000x1xf32>
    %rsqrt3A = math.rsqrt %add3A_7 : vector<1000x1xf32>
    %get3A_8 = arith.constant 0 : index
    %get3A_9 = arith.constant 0 : index
    %get3A_10 = vector.load %arg1[%get3A_8, %get3A_9] : memref<1000x1xi32, #tpu.memory_space<vmem>>, vector<1000x1xi32>
    %iota3A = tpu.iota {dimensions = array<i32: 1>} : vector<1000x128xi32>
    %eq3A = vector.broadcast %get3A_10 : vector<1000x1xi32> to vector<1000x128xi32>
    %eq3A_11 = arith.cmpi eq, %eq3A, %iota3A : vector<1000x128xi32>
    %convert_element_type3A = arith.extui %eq3A_11 : vector<1000x128xi1> to vector<1000x128xi32>
    %convert_element_type3A_12 = arith.sitofp %convert_element_type3A : vector<1000x128xi32> to vector<1000x128xf32>
    %get3A_13 = arith.constant 0 : index
    %get3A_14 = arith.constant 0 : index
    %get3A_15 = vector.load %arg4[%get3A_13, %get3A_14] : memref<128x128xf32, #tpu.memory_space<vmem>>, vector<128x128xf32>
    %get3A_16 = arith.constant 0 : index
    %get3A_17 = arith.constant 0 : index
    %get3A_18 = vector.load %arg5[%get3A_16, %get3A_17] : memref<128x128xf32, #tpu.memory_space<vmem>>, vector<128x128xf32>
    %dot_general3A = arith.constant dense<0.000000e+00> : vector<128x128xf32>
    %dot_general3A_19 = tpu.matmul %get3A_15, %get3A_18, %dot_general3A {dimension_numbers = #tpu.dot_dimension_numbers<[1], [0], [0], [1], [0, 0, 1, 1], [], []>, transpose_lhs_hint = false} : vector<128x128xf32>, vector<128x128xf32>, vector<128x128xf32> -> vector<128x128xf32>
    %dot_general3A_20 = arith.constant dense<0.000000e+00> : vector<1000x128xf32>
    %dot_general3A_21 = tpu.matmul %convert_element_type3A_12, %dot_general3A_19, %dot_general3A_20 {dimension_numbers = #tpu.dot_dimension_numbers<[1], [0], [0], [1], [0, 0, 1, 1], [], []>, transpose_lhs_hint = false} : vector<1000x128xf32>, vector<128x128xf32>, vector<1000x128xf32> -> vector<1000x128xf32>
    %mul3A = vector.broadcast %rsqrt3A : vector<1000x1xf32> to vector<1000x128xf32>
    %mul3A_22 = arith.mulf %mul3A, %dot_general3A_21 : vector<1000x128xf32>
    %swap3A = arith.constant 0 : index
    %swap3A_23 = arith.constant 0 : index
    %swap3A_24 = vector.load %arg6[%swap3A, %swap3A_23] : memref<1000x128xf32, #tpu.memory_space<vmem>>, vector<1000x128xf32>
    tpu.vector_store %arg6[%swap3A, %swap3A_23], %mul3A_22 {strides = array<i32>} : memref<1000x128xf32, #tpu.memory_space<vmem>>, vector<1000x128xf32>,
    %swap3A_25 = arith.constant 0 : index
    %swap3A_26 = arith.constant 0 : index
    %swap3A_27 = vector.load %arg7[%swap3A_25, %swap3A_26] : memref<1000x1xf32, #tpu.memory_space<vmem>>, vector<1000x1xf32>
    tpu.vector_store %arg7[%swap3A_25, %swap3A_26], %rsqrt3A {strides = array<i32>} : memref<1000x1xf32, #tpu.memory_space<vmem>>, vector<1000x1xf32>,
    return
  }
  func.func @transform_0(%arg0: i32) -> (i32, i32) {
    %c0_i32 = arith.constant 0 : i32
    %c0_i32_0 = arith.constant 0 : i32
    return %arg0, %c0_i32 : i32, i32
  }
  func.func @transform_1(%arg0: i32) -> (i32, i32) {
    %c0_i32 = arith.constant 0 : i32
    %c0_i32_0 = arith.constant 0 : i32
    return %arg0, %c0_i32 : i32, i32
  }
  func.func @transform_2(%arg0: i32) -> (i32, i32) {
    %c0_i32 = arith.constant 0 : i32
    %c0_i32_0 = arith.constant 0 : i32
    return %arg0, %c0_i32 : i32, i32
  }
  func.func @transform_3(%arg0: i32) -> (i32, i32) {
    %c0_i32 = arith.constant 0 : i32
    %c0_i32_0 = arith.constant 0 : i32
    %c0_i32_1 = arith.constant 0 : i32
    return %c0_i32, %c0_i32_0 : i32, i32
  }
  func.func @transform_4(%arg0: i32) -> (i32, i32) {
    %c0_i32 = arith.constant 0 : i32
    %c0_i32_0 = arith.constant 0 : i32
    %c0_i32_1 = arith.constant 0 : i32
    return %c0_i32, %c0_i32_0 : i32, i32
  }
  func.func @transform_5(%arg0: i32) -> (i32, i32) {
    %c0_i32 = arith.constant 0 : i32
    %c0_i32_0 = arith.constant 0 : i32
    return %arg0, %c0_i32 : i32, i32
  }
  func.func @transform_6(%arg0: i32) -> (i32, i32) {
    %c0_i32 = arith.constant 0 : i32
    %c0_i32_0 = arith.constant 0 : i32
    return %arg0, %c0_i32 : i32, i32
  }
}

module attributes {stable_mosaic.version = 14 : i64} {
  func.func @_tc2_body(%arg0: i32, %arg1: memref<2x1000x128xf32, #tpu.memory_space<vmem>>, %arg2: memref<1000x128xf32, #tpu.memory_space<vmem>>, %arg3: memref<1000x1xf32, #tpu.memory_space<vmem>>, %arg4: memref<1x128xf32, #tpu.memory_space<vmem>>, %arg5: memref<128x128xf32, #tpu.memory_space<vmem>>, %arg6: memref<1000x128xf32, #tpu.memory_space<vmem>>) attributes {dimension_semantics = [#tpu.dimension_semantics<arbitrary>], iteration_bounds = array<i64: 10>, scalar_prefetch = 0 : i64, scratch_operands = 0 : i64, tpu.core_type = #tpu.core_type<tc>, window_params = [{transform_indices = @transform_0, window_bounds = array<i64: 2, 1000, 128>}, {transform_indices = @transform_1, window_bounds = array<i64: 1000, 128>}, {transform_indices = @transform_2, window_bounds = array<i64: 1000, 1>}, {pipeline_mode = #tpu.pipeline_mode<synchronous>, transform_indices = @transform_3, window_bounds = array<i64: 1, 128>}, {pipeline_mode = #tpu.pipeline_mode<synchronous>, transform_indices = @transform_4, window_bounds = array<i64: 128, 128>}, {transform_indices = @transform_5, window_bounds = array<i64: 1000, 128>}]} {
    %get3A = arith.constant 0 : index
    %get3A_0 = arith.constant 0 : index
    %get3A_1 = vector.load %arg3[%get3A, %get3A_0] : memref<1000x1xf32, #tpu.memory_space<vmem>>, vector<1000x1xf32>
    %get3A_2 = arith.constant 0 : index
    %get3A_3 = arith.constant 0 : index
    %get3A_4 = arith.constant 0 : index
    %get3A_5 = vector.load %arg1[%get3A_2, %get3A_3, %get3A_4] : memref<2x1000x128xf32, #tpu.memory_space<vmem>>, vector<1x1000x128xf32>
    %get3A_6 = vector.shape_cast %get3A_5 : vector<1x1000x128xf32> to vector<1000x128xf32>
    %get3A_7 = arith.constant 1 : index
    %get3A_8 = arith.constant 0 : index
    %get3A_9 = arith.constant 0 : index
    %get3A_10 = vector.load %arg1[%get3A_7, %get3A_8, %get3A_9] : memref<2x1000x128xf32, #tpu.memory_space<vmem>>, vector<1x1000x128xf32>
    %get3A_11 = vector.shape_cast %get3A_10 : vector<1x1000x128xf32> to vector<1000x128xf32>
    %add3A = arith.addf %get3A_6, %get3A_11 : vector<1000x128xf32>
    %get3A_12 = arith.constant 0 : index
    %get3A_13 = arith.constant 0 : index
    %get3A_14 = vector.load %arg2[%get3A_12, %get3A_13] : memref<1000x128xf32, #tpu.memory_space<vmem>>, vector<1000x128xf32>
    %add3A_15 = arith.addf %add3A, %get3A_14 : vector<1000x128xf32>
    %mul3A = vector.broadcast %get3A_1 : vector<1000x1xf32> to vector<1000x128xf32>
    %mul3A_16 = arith.mulf %mul3A, %add3A_15 : vector<1000x128xf32>
    %get3A_17 = arith.constant 0 : index
    %get3A_18 = arith.constant 0 : index
    %get3A_19 = vector.load %arg4[%get3A_17, %get3A_18] : memref<1x128xf32, #tpu.memory_space<vmem>>, vector<1x128xf32>
    %add3A_20 = vector.broadcast %get3A_19 : vector<1x128xf32> to vector<1000x128xf32>
    %add3A_21 = arith.addf %mul3A_16, %add3A_20 : vector<1000x128xf32>
    %max3A = arith.constant 0.000000e+00 : f32
    %max3A_22 = vector.broadcast %max3A : f32 to vector<1000x128xf32>
    %max3A_23 = arith.maximumf %add3A_21, %max3A_22 : vector<1000x128xf32>
    %get3A_24 = arith.constant 0 : index
    %get3A_25 = arith.constant 0 : index
    %get3A_26 = vector.load %arg5[%get3A_24, %get3A_25] : memref<128x128xf32, #tpu.memory_space<vmem>>, vector<128x128xf32>
    %dot_general3A = arith.constant dense<0.000000e+00> : vector<1000x128xf32>
    %dot_general3A_27 = tpu.matmul %max3A_23, %get3A_26, %dot_general3A {dimension_numbers = #tpu.dot_dimension_numbers<[1], [0], [0], [1], [0, 0, 1, 1], [], []>, transpose_lhs_hint = false} : vector<1000x128xf32>, vector<128x128xf32>, vector<1000x128xf32> -> vector<1000x128xf32>
    %mul3A_28 = vector.broadcast %get3A_1 : vector<1000x1xf32> to vector<1000x128xf32>
    %mul3A_29 = arith.mulf %mul3A_28, %dot_general3A_27 : vector<1000x128xf32>
    %swap3A = arith.constant 0 : index
    %swap3A_30 = arith.constant 0 : index
    %swap3A_31 = vector.load %arg6[%swap3A, %swap3A_30] : memref<1000x128xf32, #tpu.memory_space<vmem>>, vector<1000x128xf32>
    tpu.vector_store %arg6[%swap3A, %swap3A_30], %mul3A_29 {strides = array<i32>} : memref<1000x128xf32, #tpu.memory_space<vmem>>, vector<1000x128xf32>,
    return
  }
  func.func @transform_0(%arg0: i32) -> (i32, i32, i32) {
    %c0_i32 = arith.constant 0 : i32
    %c0_i32_0 = arith.constant 0 : i32
    %c0_i32_1 = arith.constant 0 : i32
    return %c0_i32, %arg0, %c0_i32_0 : i32, i32, i32
  }
  func.func @transform_1(%arg0: i32) -> (i32, i32) {
    %c0_i32 = arith.constant 0 : i32
    %c0_i32_0 = arith.constant 0 : i32
    return %arg0, %c0_i32 : i32, i32
  }
  func.func @transform_2(%arg0: i32) -> (i32, i32) {
    %c0_i32 = arith.constant 0 : i32
    %c0_i32_0 = arith.constant 0 : i32
    return %arg0, %c0_i32 : i32, i32
  }
  func.func @transform_3(%arg0: i32) -> (i32, i32) {
    %c0_i32 = arith.constant 0 : i32
    %c0_i32_0 = arith.constant 0 : i32
    %c0_i32_1 = arith.constant 0 : i32
    return %c0_i32, %c0_i32_0 : i32, i32
  }
  func.func @transform_4(%arg0: i32) -> (i32, i32) {
    %c0_i32 = arith.constant 0 : i32
    %c0_i32_0 = arith.constant 0 : i32
    %c0_i32_1 = arith.constant 0 : i32
    return %c0_i32, %c0_i32_0 : i32, i32
  }
  func.func @transform_5(%arg0: i32) -> (i32, i32) {
    %c0_i32 = arith.constant 0 : i32
    %c0_i32_0 = arith.constant 0 : i32
    return %arg0, %c0_i32 : i32, i32
  }
}

module attributes {stable_mosaic.version = 14 : i64} {
  func.func @_tc3_body(%arg0: i32, %arg1: memref<2x1000x128xf32, #tpu.memory_space<vmem>>, %arg2: memref<1000x128xf32, #tpu.memory_space<vmem>>, %arg3: memref<1000x1xf32, #tpu.memory_space<vmem>>, %arg4: memref<1x128xf32, #tpu.memory_space<vmem>>, %arg5: memref<1000x1xi32, #tpu.memory_space<vmem>>, %arg6: memref<128x64xf32, #tpu.memory_space<vmem>>, %arg7: memref<1x64xf32, #tpu.memory_space<vmem>>, %arg8: memref<64x1xf32, #tpu.memory_space<vmem>>, %arg9: memref<1x1xf32, #tpu.memory_space<vmem>>, %arg10: memref<16x1xf32, #tpu.memory_space<vmem>>, %arg11: memref<16x128xf32, #tpu.memory_space<vmem>>, %arg12: memref<16x1xf32, #tpu.memory_space<vmem>>) attributes {dimension_semantics = [#tpu.dimension_semantics<arbitrary>], iteration_bounds = array<i64: 10>, scalar_prefetch = 0 : i64, scratch_operands = 2 : i64, tpu.core_type = #tpu.core_type<tc>, window_params = [{transform_indices = @transform_0, window_bounds = array<i64: 2, 1000, 128>}, {transform_indices = @transform_1, window_bounds = array<i64: 1000, 128>}, {transform_indices = @transform_2, window_bounds = array<i64: 1000, 1>}, {pipeline_mode = #tpu.pipeline_mode<synchronous>, transform_indices = @transform_3, window_bounds = array<i64: 1, 128>}, {transform_indices = @transform_4, window_bounds = array<i64: 1000, 1>}, {pipeline_mode = #tpu.pipeline_mode<synchronous>, transform_indices = @transform_5, window_bounds = array<i64: 128, 64>}, {pipeline_mode = #tpu.pipeline_mode<synchronous>, transform_indices = @transform_6, window_bounds = array<i64: 1, 64>}, {pipeline_mode = #tpu.pipeline_mode<synchronous>, transform_indices = @transform_7, window_bounds = array<i64: 64, 1>}, {pipeline_mode = #tpu.pipeline_mode<synchronous>, transform_indices = @transform_8, window_bounds = array<i64: 1, 1>}, {pipeline_mode = #tpu.pipeline_mode<synchronous>, transform_indices = @transform_9, window_bounds = array<i64: 16, 1>}]} {
    %get3A = arith.constant 0 : index
    %get3A_0 = arith.constant 0 : index
    %get3A_1 = vector.load %arg3[%get3A, %get3A_0] : memref<1000x1xf32, #tpu.memory_space<vmem>>, vector<1000x1xf32>
    %get3A_2 = arith.constant 0 : index
    %get3A_3 = arith.constant 0 : index
    %get3A_4 = arith.constant 0 : index
    %get3A_5 = vector.load %arg1[%get3A_2, %get3A_3, %get3A_4] : memref<2x1000x128xf32, #tpu.memory_space<vmem>>, vector<1x1000x128xf32>
    %get3A_6 = vector.shape_cast %get3A_5 : vector<1x1000x128xf32> to vector<1000x128xf32>
    %get3A_7 = arith.constant 1 : index
    %get3A_8 = arith.constant 0 : index
    %get3A_9 = arith.constant 0 : index
    %get3A_10 = vector.load %arg1[%get3A_7, %get3A_8, %get3A_9] : memref<2x1000x128xf32, #tpu.memory_space<vmem>>, vector<1x1000x128xf32>
    %get3A_11 = vector.shape_cast %get3A_10 : vector<1x1000x128xf32> to vector<1000x128xf32>
    %add3A = arith.addf %get3A_6, %get3A_11 : vector<1000x128xf32>
    %get3A_12 = arith.constant 0 : index
    %get3A_13 = arith.constant 0 : index
    %get3A_14 = vector.load %arg2[%get3A_12, %get3A_13] : memref<1000x128xf32, #tpu.memory_space<vmem>>, vector<1000x128xf32>
    %add3A_15 = arith.addf %add3A, %get3A_14 : vector<1000x128xf32>
    %mul3A = vector.broadcast %get3A_1 : vector<1000x1xf32> to vector<1000x128xf32>
    %mul3A_16 = arith.mulf %mul3A, %add3A_15 : vector<1000x128xf32>
    %get3A_17 = arith.constant 0 : index
    %get3A_18 = arith.constant 0 : index
    %get3A_19 = vector.load %arg4[%get3A_17, %get3A_18] : memref<1x128xf32, #tpu.memory_space<vmem>>, vector<1x128xf32>
    %add3A_20 = vector.broadcast %get3A_19 : vector<1x128xf32> to vector<1000x128xf32>
    %add3A_21 = arith.addf %mul3A_16, %add3A_20 : vector<1000x128xf32>
    %max3A = arith.constant 0.000000e+00 : f32
    %max3A_22 = vector.broadcast %max3A : f32 to vector<1000x128xf32>
    %max3A_23 = arith.maximumf %add3A_21, %max3A_22 : vector<1000x128xf32>
    %get3A_24 = arith.constant 0 : index
    %get3A_25 = arith.constant 0 : index
    %get3A_26 = vector.load %arg5[%get3A_24, %get3A_25] : memref<1000x1xi32, #tpu.memory_space<vmem>>, vector<1000x1xi32>
    %iota3A = tpu.iota {dimensions = array<i32: 1>} : vector<1000x16xi32>
    %eq3A = vector.broadcast %get3A_26 : vector<1000x1xi32> to vector<1000x16xi32>
    %eq3A_27 = arith.cmpi eq, %eq3A, %iota3A : vector<1000x16xi32>
    %convert_element_type3A = arith.extui %eq3A_27 : vector<1000x16xi1> to vector<1000x16xi32>
    %convert_element_type3A_28 = arith.sitofp %convert_element_type3A : vector<1000x16xi32> to vector<1000x16xf32>
    %dot_general3A = arith.constant dense<0.000000e+00> : vector<16x128xf32>
    %dot_general3A_29 = tpu.matmul %convert_element_type3A_28, %max3A_23, %dot_general3A {dimension_numbers = #tpu.dot_dimension_numbers<[0], [0], [1], [1], [0, 1, 1, 1], [], []>, transpose_lhs_hint = false} : vector<1000x16xf32>, vector<1000x128xf32>, vector<16x128xf32> -> vector<16x128xf32>
    %broadcast_in_dim3A = arith.constant 1.000000e+00 : f32
    %broadcast_in_dim3A_30 = vector.broadcast %broadcast_in_dim3A : f32 to vector<1000x1xf32>
    %dot_general3A_31 = arith.constant dense<0.000000e+00> : vector<16x1xf32>
    %dot_general3A_32 = tpu.matmul %convert_element_type3A_28, %broadcast_in_dim3A_30, %dot_general3A_31 {dimension_numbers = #tpu.dot_dimension_numbers<[0], [0], [1], [1], [0, 1, 1, 1], [], []>, transpose_lhs_hint = false} : vector<1000x16xf32>, vector<1000x1xf32>, vector<16x1xf32> -> vector<16x1xf32>
    %eq3A_33 = arith.constant 0 : i32
    %eq3A_34 = arith.cmpi eq, %arg0, %eq3A_33 : i32
    %convert_element_type3A_35 = arith.extui %eq3A_34 : i1 to i32
    %cond3A = arith.constant 0 : i32
    %cond3A_36 = arith.cmpi ne, %convert_element_type3A_35, %cond3A : i32
    scf.if %cond3A_36 {
      %broadcast_in_dim3A_55 = arith.constant 0.000000e+00 : f32
      %broadcast_in_dim3A_56 = vector.broadcast %broadcast_in_dim3A_55 : f32 to vector<16x128xf32>
      %swap3A_57 = arith.constant 0 : index
      %swap3A_58 = arith.constant 0 : index
      %swap3A_59 = vector.load %arg11[%swap3A_57, %swap3A_58] : memref<16x128xf32, #tpu.memory_space<vmem>>, vector<16x128xf32>
      tpu.vector_store %arg11[%swap3A_57, %swap3A_58], %broadcast_in_dim3A_56 {strides = array<i32>} : memref<16x128xf32, #tpu.memory_space<vmem>>, vector<16x128xf32>,
      %broadcast_in_dim3A_60 = arith.constant 0.000000e+00 : f32
      %broadcast_in_dim3A_61 = vector.broadcast %broadcast_in_dim3A_60 : f32 to vector<16x1xf32>
      %swap3A_62 = arith.constant 0 : index
      %swap3A_63 = arith.constant 0 : index
      %swap3A_64 = vector.load %arg12[%swap3A_62, %swap3A_63] : memref<16x1xf32, #tpu.memory_space<vmem>>, vector<16x1xf32>
      tpu.vector_store %arg12[%swap3A_62, %swap3A_63], %broadcast_in_dim3A_61 {strides = array<i32>} : memref<16x1xf32, #tpu.memory_space<vmem>>, vector<16x1xf32>,
    } else {
    }
    %get3A_37 = arith.constant 0 : index
    %get3A_38 = arith.constant 0 : index
    %get3A_39 = vector.load %arg11[%get3A_37, %get3A_38] : memref<16x128xf32, #tpu.memory_space<vmem>>, vector<16x128xf32>
    %add3A_40 = arith.addf %get3A_39, %dot_general3A_29 : vector<16x128xf32>
    %swap3A = arith.constant 0 : index
    %swap3A_41 = arith.constant 0 : index
    %swap3A_42 = vector.load %arg11[%swap3A, %swap3A_41] : memref<16x128xf32, #tpu.memory_space<vmem>>, vector<16x128xf32>
    tpu.vector_store %arg11[%swap3A, %swap3A_41], %add3A_40 {strides = array<i32>} : memref<16x128xf32, #tpu.memory_space<vmem>>, vector<16x128xf32>,
    %get3A_43 = arith.constant 0 : index
    %get3A_44 = arith.constant 0 : index
    %get3A_45 = vector.load %arg12[%get3A_43, %get3A_44] : memref<16x1xf32, #tpu.memory_space<vmem>>, vector<16x1xf32>
    %add3A_46 = arith.addf %get3A_45, %dot_general3A_32 : vector<16x1xf32>
    %swap3A_47 = arith.constant 0 : index
    %swap3A_48 = arith.constant 0 : index
    %swap3A_49 = vector.load %arg12[%swap3A_47, %swap3A_48] : memref<16x1xf32, #tpu.memory_space<vmem>>, vector<16x1xf32>
    tpu.vector_store %arg12[%swap3A_47, %swap3A_48], %add3A_46 {strides = array<i32>} : memref<16x1xf32, #tpu.memory_space<vmem>>, vector<16x1xf32>,
    %eq3A_50 = arith.constant 9 : i32
    %eq3A_51 = arith.cmpi eq, %arg0, %eq3A_50 : i32
    %convert_element_type3A_52 = arith.extui %eq3A_51 : i1 to i32
    %cond3A_53 = arith.constant 0 : i32
    %cond3A_54 = arith.cmpi ne, %convert_element_type3A_52, %cond3A_53 : i32
    scf.if %cond3A_54 {
      %get3A_55 = arith.constant 0 : index
      %get3A_56 = arith.constant 0 : index
      %get3A_57 = vector.load %arg11[%get3A_55, %get3A_56] : memref<16x128xf32, #tpu.memory_space<vmem>>, vector<16x128xf32>
      %get3A_58 = arith.constant 0 : index
      %get3A_59 = arith.constant 0 : index
      %get3A_60 = vector.load %arg12[%get3A_58, %get3A_59] : memref<16x1xf32, #tpu.memory_space<vmem>>, vector<16x1xf32>
      %max3A_61 = arith.constant 1.000000e+00 : f32
      %max3A_62 = vector.broadcast %max3A_61 : f32 to vector<16x1xf32>
      %max3A_63 = arith.maximumf %get3A_60, %max3A_62 : vector<16x1xf32>
      %div3A = vector.broadcast %max3A_63 : vector<16x1xf32> to vector<16x128xf32>
      %div3A_64 = arith.divf %get3A_57, %div3A : vector<16x128xf32>
      %get3A_65 = arith.constant 0 : index
      %get3A_66 = arith.constant 0 : index
      %get3A_67 = vector.load %arg6[%get3A_65, %get3A_66] : memref<128x64xf32, #tpu.memory_space<vmem>>, vector<128x64xf32>
      %dot_general3A_68 = arith.constant dense<0.000000e+00> : vector<16x64xf32>
      %dot_general3A_69 = tpu.matmul %div3A_64, %get3A_67, %dot_general3A_68 {dimension_numbers = #tpu.dot_dimension_numbers<[1], [0], [0], [1], [0, 0, 1, 1], [], []>, transpose_lhs_hint = false} : vector<16x128xf32>, vector<128x64xf32>, vector<16x64xf32> -> vector<16x64xf32>
      %get3A_70 = arith.constant 0 : index
      %get3A_71 = arith.constant 0 : index
      %get3A_72 = vector.load %arg7[%get3A_70, %get3A_71] : memref<1x64xf32, #tpu.memory_space<vmem>>, vector<1x64xf32>
      %add3A_73 = vector.broadcast %get3A_72 : vector<1x64xf32> to vector<16x64xf32>
      %add3A_74 = arith.addf %dot_general3A_69, %add3A_73 : vector<16x64xf32>
      %logistic3A = arith.negf %add3A_74 : vector<16x64xf32>
      %logistic3A_75 = math.exp %logistic3A : vector<16x64xf32>
      %logistic3A_76 = arith.constant 1.000000e+00 : f32
      %logistic3A_77 = vector.broadcast %logistic3A_76 : f32 to vector<16x64xf32>
      %logistic3A_78 = arith.addf %logistic3A_77, %logistic3A_75 : vector<16x64xf32>
      %logistic3A_79 = arith.divf %logistic3A_77, %logistic3A_78 : vector<16x64xf32>
      %mul3A_80 = arith.mulf %add3A_74, %logistic3A_79 : vector<16x64xf32>
      %get3A_81 = arith.constant 0 : index
      %get3A_82 = arith.constant 0 : index
      %get3A_83 = vector.load %arg8[%get3A_81, %get3A_82] : memref<64x1xf32, #tpu.memory_space<vmem>>, vector<64x1xf32>
      %dot_general3A_84 = arith.constant dense<0.000000e+00> : vector<16x1xf32>
      %dot_general3A_85 = tpu.matmul %mul3A_80, %get3A_83, %dot_general3A_84 {dimension_numbers = #tpu.dot_dimension_numbers<[1], [0], [0], [1], [0, 0, 1, 1], [], []>, transpose_lhs_hint = false} : vector<16x64xf32>, vector<64x1xf32>, vector<16x1xf32> -> vector<16x1xf32>
      %get3A_86 = arith.constant 0 : index
      %get3A_87 = arith.constant 0 : index
      %get3A_88 = vector.load %arg9[%get3A_86, %get3A_87] : memref<1x1xf32, #tpu.memory_space<vmem>>, vector<1x1xf32>
      %add3A_89 = vector.broadcast %get3A_88 : vector<1x1xf32> to vector<16x1xf32>
      %add3A_90 = arith.addf %dot_general3A_85, %add3A_89 : vector<16x1xf32>
      %swap3A_91 = arith.constant 0 : index
      %swap3A_92 = arith.constant 0 : index
      %swap3A_93 = vector.load %arg10[%swap3A_91, %swap3A_92] : memref<16x1xf32, #tpu.memory_space<vmem>>, vector<16x1xf32>
      tpu.vector_store %arg10[%swap3A_91, %swap3A_92], %add3A_90 {strides = array<i32>} : memref<16x1xf32, #tpu.memory_space<vmem>>, vector<16x1xf32>,
    } else {
    }
    return
  }
  func.func @transform_0(%arg0: i32) -> (i32, i32, i32) {
    %c0_i32 = arith.constant 0 : i32
    %c0_i32_0 = arith.constant 0 : i32
    %c0_i32_1 = arith.constant 0 : i32
    return %c0_i32, %arg0, %c0_i32_0 : i32, i32, i32
  }
  func.func @transform_1(%arg0: i32) -> (i32, i32) {
    %c0_i32 = arith.constant 0 : i32
    %c0_i32_0 = arith.constant 0 : i32
    return %arg0, %c0_i32 : i32, i32
  }
  func.func @transform_2(%arg0: i32) -> (i32, i32) {
    %c0_i32 = arith.constant 0 : i32
    %c0_i32_0 = arith.constant 0 : i32
    return %arg0, %c0_i32 : i32, i32
  }
  func.func @transform_3(%arg0: i32) -> (i32, i32) {
    %c0_i32 = arith.constant 0 : i32
    %c0_i32_0 = arith.constant 0 : i32
    %c0_i32_1 = arith.constant 0 : i32
    return %c0_i32, %c0_i32_0 : i32, i32
  }
  func.func @transform_4(%arg0: i32) -> (i32, i32) {
    %c0_i32 = arith.constant 0 : i32
    %c0_i32_0 = arith.constant 0 : i32
    return %arg0, %c0_i32 : i32, i32
  }
  func.func @transform_5(%arg0: i32) -> (i32, i32) {
    %c0_i32 = arith.constant 0 : i32
    %c0_i32_0 = arith.constant 0 : i32
    %c0_i32_1 = arith.constant 0 : i32
    return %c0_i32, %c0_i32_0 : i32, i32
  }
  func.func @transform_6(%arg0: i32) -> (i32, i32) {
    %c0_i32 = arith.constant 0 : i32
    %c0_i32_0 = arith.constant 0 : i32
    %c0_i32_1 = arith.constant 0 : i32
    return %c0_i32, %c0_i32_0 : i32, i32
  }
  func.func @transform_7(%arg0: i32) -> (i32, i32) {
    %c0_i32 = arith.constant 0 : i32
    %c0_i32_0 = arith.constant 0 : i32
    %c0_i32_1 = arith.constant 0 : i32
    return %c0_i32, %c0_i32_0 : i32, i32
  }
  func.func @transform_8(%arg0: i32) -> (i32, i32) {
    %c0_i32 = arith.constant 0 : i32
    %c0_i32_0 = arith.constant 0 : i32
    %c0_i32_1 = arith.constant 0 : i32
    return %c0_i32, %c0_i32_0 : i32, i32
  }
  func.func @transform_9(%arg0: i32) -> (i32, i32) {
    %c0_i32 = arith.constant 0 : i32
    %c0_i32_0 = arith.constant 0 : i32
    %c0_i32_1 = arith.constant 0 : i32
    return %c0_i32, %c0_i32_0 : i32, i32
  }
}

</mosaic_0001>

<sc_bundles>
// kernel: kernel.11.cloned.1.call-start
scs
__scs_entry_jumppad:
0x0: {  	(pc) =	sbr.rel $0x88, $3  }
0x1: {  	(tag) =	ssettag $0x0;
	lr =	simm.s32 $0x1  }
0x2: {  	[smem:$0x3F95] =	sst lr;
	_ =	strace $0xD0000000  }
0x3: {  	_ = 	snop  }
0x4: {  	_ = 	snop  }
0x5: {  	_ = 	snop  }
0x6: {  	_ = 	snop  }
0x7: {  	_ = 	snop  }
__scs_overlays_trampoline_lowered:
0x8: {  	[smem:$0x3FA4] =	sst s0  }
0x9: {  	[smem:$0x3FA5] =	sst s1  }
0xa: {  	[smem:$0x3FA6] =	sst s2  }
0xb: {  	[smem:$0x3FA7] =	sst s3  }
0xc: {  	[smem:$0x3FA8] =	sst s4  }
0xd: {  	[smem:$0x3FA9] =	sst s5  }
0xe: {  	[smem:$0x3FAA] =	sst s6  }
0xf: {  	[smem:$0x3FAB] =	sst s7  }
0x10: {  	[smem:$0x3FAC] =	sst s8  }
0x11: {  	[smem:$0x3FAD] =	sst s9;
	s0 =	simm.s32 @!p0 $0x0  }
0x12: {  	s1 =	sld [smem:$0x3F93];
	s0 =	simm.s32 @p0 $0x1  }
0x13: {  	[smem:$0x3FAE] =	sst s0;
	s0 =	simm.s32 @!p1 $0x0  }
0x14: {  	s2 =	sld [smem:$0x3F92];
	s0 =	simm.s32 @p1 $0x1  }
0x15: {  	[smem:$0x3FAF] =	sst s0;
	s0 =	simm.s32 @!p2 $0x0  }
0x16: {  	s3 =	sld [smem:$0x3FDB];
	s0 =	simm.s32 @p2 $0x1  }
0x17: {  	s4 =	simm.s32 $0x1BF5;
	[smem:$0x3FB1] =	sst s0  }
0x18: {  	s0 =	sld [smem:$0x3F94];
	_ =	swait.ge [sflag:s4], $0x0  }
0x19: {  	s7 =	sld [smem:$0x3F95]  }
0x1a: {  	s8 =	sadd.s32 $0xFFFFE003, lr  }
0x1b: {  	s9 =	sadd.s32 $0xFFFFFEF7, lr;
	s5 =	simm.s32 $0xFFFFFFFF;
	p2 =	slt.u32 s8, $0xFFFFF086  }
0x1c: {  	p1 =	slt.u32 s9, $0xF7A;
	s5 =	simm.s32 @!p2 $0x0  }
0x1d: {  	s5 =	simm.s32 @p1 $0x1;
	p0 =	seq.s32 s7, s2  }
0x1e: {  	s7 =	smul.u32 @!p0 $0xF7A, s2;
	p2 =	seq.s32 @!p0 s5, $0x0  }
0x1f: {  	s9 =	smul.u32 $0xF7A, s1;
	s8 =	simm.s32 @!p0 $0x1BF5;
	p2 =	por !p2, p0  }
0x20: {  	[sflag:s8] =	ssyncset.s32 @!p0 $0xFFFFF086;
	s6 =	sadd.s32 @!p0 s3, s7;
	s7 =	simm.s32 @!p0 $0x108  }
0x21: {  	s3 =	sadd.s32 s3, s9;
	s6 =	sadd.s32 @!p0 $0x88, s6;
	s7 =	simm.s32 @p2 $0x1082  }
0x22: {  	[simem:s7], [sflag:s8] =	dma.local @!p0 [hbm:s6], $0xF7A  }
0x23: {  	s9 =	sor.u32 $0xD0000000, s2;
	s6 =	simm.s32 $0x108;
	_ =	swait.ge @!p0 [sflag:s8], $0x0  }
0x24: {  	s3 =	sadd.s32 $0x88, s3;
	s6 =	simm.s32 @!p1 $0x1082;
	[sflag:s4] =	ssyncset.s32 $0xFFFFF086  }
0x25: {  	[simem:s6], [sflag:s4] =	dma.local [hbm:s3], $0xF7A  }
0x26: {  	[smem:$0x3F95] =	sst s1;
	(tag) =	ssettag s2;
	_ =	strace s9  }
0x27: {  	s1 =	sld [smem:$0x3FA5]  }
0x28: {  	s2 =	sld [smem:$0x3FA6]  }
0x29: {  	s4 =	sld [smem:$0x3FA8]  }
0x2a: {  	p0 =	seq.s32 s5, $0x0;
	s5 =	sld [smem:$0x3FA9]  }
0x2b: {  	s6 =	sld [smem:$0x3FAA]  }
0x2c: {  	s7 =	sld [smem:$0x3FAB]  }
0x2d: {  	s3 =	simm.s32 $0x108;
	s8 =	sld [smem:$0x3FAC]  }
0x2e: {  	s3 =	simm.s32 @!p0 $0x1082;
	s9 =	sld [smem:$0x3FAD]  }
0x2f: {  	lr =	sadd.s32 s0, s3;
	s0 =	sld [smem:$0x3FA4]  }
0x30: {  	s3 =	sld [smem:$0x3FA7]  }
0x31: {  	[smem:$0x3FB0] =	sst s10  }
0x32: {  	s10 =	sld [smem:$0x3FAE];
	_ =	sdelay $0x3  }
0x33: {  	p0 =	seq.s32 s10, $0x1;
	s10 =	sld [smem:$0x3FB0];
	_ =	sdelay $0x3  }
0x34: {  	[smem:$0x3FB0] =	sst s10  }
0x35: {  	s10 =	sld [smem:$0x3FAF];
	_ =	sdelay $0x3  }
0x36: {  	p1 =	seq.s32 s10, $0x1;
	s10 =	sld [smem:$0x3FB0];
	_ =	sdelay $0x3  }
0x37: {  	[smem:$0x3FB0] =	sst s10  }
0x38: {  	s10 =	sld [smem:$0x3FB1]  }
0x39: {  	_ = 	snop;
	(pc) =	sbr.ind lr, $3  }
0x3a: {  	_ = 	snop  }
0x3b: {  	_ = 	snop  }
0x3c: {  	p2 =	seq.s32 s10, $0x1;
	s10 =	sld [smem:$0x3FB0]  }
0x3d: {  	_ =	shalt  }
0x3e: {  	_ =	shalt  }
0x3f: {  	_ =	shalt  }
0x40: {  	_ =	shalt  }
0x41: {  	_ =	shalt  }
0x42: {  	_ =	shalt  }
0x43: {  	_ =	shalt  }
0x44: {  	_ =	shalt  }
0x45: {  	_ =	shalt  }
0x46: {  	_ =	shalt  }
0x47: {  	_ =	shalt  }
0x48: {  	_ =	shalt  }
0x49: {  	_ =	shalt  }
0x4a: {  	_ =	shalt  }
0x4b: {  	_ =	shalt  }
0x4c: {  	_ =	shalt  }
0x4d: {  	_ =	shalt  }
0x4e: {  	_ =	shalt  }
0x4f: {  	_ =	shalt  }
0x50: {  	_ =	shalt  }
0x51: {  	_ =	shalt  }
0x52: {  	_ =	shalt  }
0x53: {  	_ =	shalt  }
0x54: {  	_ =	shalt  }
0x55: {  	_ =	shalt  }
0x56: {  	_ =	shalt  }
0x57: {  	_ =	shalt  }
0x58: {  	_ =	shalt  }
0x59: {  	_ =	shalt  }
0x5a: {  	_ =	shalt  }
0x5b: {  	_ =	shalt  }
0x5c: {  	_ =	shalt  }
0x5d: {  	_ =	shalt  }
0x5e: {  	_ =	shalt  }
0x5f: {  	_ =	shalt  }
0x60: {  	_ =	shalt  }
0x61: {  	_ =	shalt  }
0x62: {  	_ =	shalt  }
0x63: {  	_ =	shalt  }
0x64: {  	_ =	shalt  }
0x65: {  	_ =	shalt  }
0x66: {  	_ =	shalt  }
0x67: {  	_ =	shalt  }
0x68: {  	_ =	shalt  }
0x69: {  	_ =	shalt  }
0x6a: {  	_ =	shalt  }
0x6b: {  	_ =	shalt  }
0x6c: {  	_ =	shalt  }
0x6d: {  	_ =	shalt  }
0x6e: {  	_ =	shalt  }
0x6f: {  	_ =	shalt  }
0x70: {  	_ =	shalt  }
0x71: {  	_ =	shalt  }
0x72: {  	_ =	shalt  }
0x73: {  	_ =	shalt  }
0x74: {  	_ =	shalt  }
0x75: {  	_ =	shalt  }
0x76: {  	_ =	shalt  }
0x77: {  	_ =	shalt  }
0x78: {  	_ =	shalt  }
0x79: {  	_ =	shalt  }
0x7a: {  	_ =	shalt  }
0x7b: {  	_ =	shalt  }
0x7c: {  	_ =	shalt  }
0x7d: {  	_ =	shalt  }
0x7e: {  	_ =	shalt  }
0x7f: {  	_ =	shalt  }
0x80: {  	_ =	shalt  }
0x81: {  	_ =	shalt  }
0x82: {  	_ =	shalt  }
0x83: {  	_ =	shalt  }
0x84: {  	_ =	shalt  }
0x85: {  	_ =	shalt  }
0x86: {  	_ =	shalt  }
0x87: {  	_ =	shalt  }
.Lfunc_end0:
.L_simem_size_0:
called_computation.1_lowered:
.L_overlay_start_0:
0x88: {  	s2 =	sld [smem:$0x3FD9]  }
0x89: {  	s3 =	sld [smem:$0x3FFE];
	_ =	sdelay $0x1  }
0x8a: {  	s1 =	srdreg.scid  }
0x8b: {  	s0 =	sand.u32 $0x1, s1  }
0x8c: {  	s16 =	sshll.u32 s0, $0xA;
	s2 =	sadd.s32 s3, s2  }
0x8d: {  	s2 =	sadd.s32 s2, s16  }
0x8e: {  	[smem:$0x3FBC] =	sst s2  }
0x8f: {  	_ = 	snop  }
0x90: {  	(tm) =	ssettm $0x1  }
0x91: {  	s17 =	sld [smem:$0x3FFB];
	_ =	sdelay $0x3  }
0x92: {  	_ =	strace s17  }
0x93: {  	s2 =	sld [smem:$0x3FFC];
	_ =	sdelay $0x3  }
0x94: {  	_ =	strace s2  }
0x95: {  	s2 =	sld [smem:$0x3FFD];
	_ =	sdelay $0x3  }
0x96: {  	_ =	strace s2  }
0x97: {  	_ =	strace $0x8FFFFFFF  }
0x98: {  	s18 =	sld [smem:$0x3FDB];
	_ =	sdelay $0x1  }
0x99: {  	s19 =	simm.s32 $_scs_section_size  }
0x9a: {  	s4 =	simm.s32 $_size__tile_overlayer_lowered;
	s5 =	simm.s32 $_tile_overlayer_lowered  }
0x9b: {  	s22 =	simm.s32 $0x1BFF;
	s21 =	sshll.u32 s5, $0x1;
	s2 =	sadd.s32 s19, s18  }
0x9c: {  	s6 =	simm.s32 $0x0;
	s20 =	sshll.u32 s4, $0x1;
	s4 =	sadd.s32 s21, s2  }
0x9d: {  	[timem:s6], [sflag:s22] =	dma.local [hbm:s4], s20  }
0x9e: {  	_ =	swait.ge [sflag:s22], s20  }
0x9f: {  	s3 =	ssub.s32 $0x0, s20;
	[sflag:s22] =	ssyncset.done $0x0  }
0xa0: {  	[sflag:s22] =	ssyncadd.s32 s3;
	_ =	sdelay $0x1  }
0xa1: {  	s23 =	simm.s32 $0x1B8B  }
0xa2: {  	_ =	swait.ge [sflag:s23], $0x1  }
0xa3: {  	[sflag:s23] =	ssyncset.done $0x0  }
0xa4: {  	s25 =	simm.s32 $0x1B8E;
	s24 =	sld [smem:$0x3FFE];
	[sflag:s23] =	ssyncadd.s32 $0xFFFFFFFF  }
0xa5: {  	s26 =	simm.s32 $execute0_lowered;
	[smem:$0x3FD2] =	sst s25  }
0xa6: {  	s4 =	sshll.u32 s26, $0x1;
	_ =	strace $0x80000049;
	[dreg:$0x1] =	wrdreg $0xFFFFFFFF  }
0xa7: {  	s28 =	simm.s32 $_size_execute0_lowered;
	s2 =	sadd.s32 s2, s4;
	[dreg:$0x0] =	wrdreg $0x0  }
0xa8: {  	s4 =	sshll.u32 s28, $0x1;
	[dreg:$0x2] =	wrdreg s2  }
0xa9: {  	[dreg:$0x3] =	wrdreg s4  }
0xaa: {  	[dreg:$0x4] =	wrdreg $0xC0  }
0xab: {  	_ =	task [dreg:s6], $0x5FFFF  }
0xac: {  	[dreg:$0x1] =	wrdreg $0xFFFFFFFF  }
0xad: {  	[dreg:$0x0] =	wrdreg $0x60  }
0xae: {  	[dreg:$0x2] =	wrdreg s24  }
0xaf: {  	[dreg:$0x3] =	wrdreg $0xB7800  }
0xb0: {  	[dreg:$0x4] =	wrdreg $0x9  }
0xb1: {  	_ =	task.clear_ibuf [dreg:s6], $0x5FFFF;
	_ =	strace $0x90000049  }
0xb2: {  	s29 =	simm.s32 $0x9;
	_ =	strace $0x8000004B  }
0xb3: {  	_ =	swait.ge [sflag:s29], $0x1  }
0xb4: {  	[sflag:s29] =	ssyncadd.s32 $0xFFFFFFFF  }
0xb5: {  	_ =	strace $0x9000004B  }
0xb6: {  	_ =	sfence  }
0xb7: {  	s30 =	sld [smem:$0x0];
	_ =	sdelay $0x2  }
0xb8: {  	s31 =	sshll.u32 s1, $0xD;
	s1 =	sshrl.u32 s1, $0x2  }
0xb9: {  	s3 =	sand.u32 $0x4000, s31;
	s1 =	sadd.s32 s1, s30  }
0xba: {  	s0 =	sor.u32 s3, s0;
	s1 =	sshll.u32 s1, $0x11  }
0xbb: {  	s0 =	sor.u32 s1, s0  }
0xbc: {  	s0 =	sadd.s32 $0x8F2B, s0  }
0xbd: {  	[sflag:s0] =	ssyncadd.remote.s32 $0x1  }
0xbe: {  	_ =	sfence.sel $0xFFFF  }
0xbf: {  	[dreg:$0x0] =	wrdreg $0xFFFFFFFF;
	(pc) =	sbr.abs _section_cstart, $3  }
0xc0: {  	[dreg:$0x1] =	wrdreg $0xFFFFFFFF  }
0xc1: {  	_ =	task.clear_ibuf [dreg:s6], $0x2FFFF;
	_ =	strace $0x9FFFFFFF  }
0xc2: {  	(tm) =	ssettm $0x7FFFFFFF  }
0xc3: {  	_ =	shalt  }
tec
execute0_lowered:
.L_overlay_start_1:
0x0: {  	(tag) =	ssettag $0x1  }
0x1: {  	s1 =	srdreg.scid  }
0x2: {  	s0 =	stileid.u32;
	s6 =	rddreg [dreg:$0x0]  }
0x3: {  	s2 =	rddreg [dreg:$0x1];
	s3 =	simm.s32 $0x0;
	s14 =	simm.s32 $0x80  }
0x4: {  	s15 =	simm.s32 $0x400;
	s16 =	simm.s32 $0x2780;
	s17 =	simm.s32 $0x50  }
0x5: {  	s18 =	simm.s32 $0x1;
	s19 =	simm.s32 $0x8F80;
	s20 =	simm.s32 $0x2  }
0x6: {  	s21 =	simm.s32 $0x6580;
	s5 =	sand.u32 $0x1, s1;
	s1 =	rddreg [dreg:$0x2]  }
0x7: {  	s26 =	sshll.u32 s0, $0x1;
	s28 =	sshrl.u32 s0, $0x2;
	[smem:$0x7FF] =	sst s3  }
0x8: {  	s9 =	sadd.s32 $0x43E00, s6;
	s10 =	smul.u32 $0x4E000, s0;
	p0 =	seq.s32 s0, $0xF  }
0x9: {  	s13 =	smul.u32 $0x13800, s0;
	s22 =	sadd.s32 $0x124800, s2;
	s4 =	sor.u32 s5, s26  }
0xa: {  	s7 =	smul.u32 $0x13C00, s28;
	_ =	strace $0x8000004A;
	s30 =	ssub.s32 $0x2, s5  }
0xb: {  	s12 =	smul.u32 $0x138800, s5;
	s5 =	simm.s32 $0x28;
	s22 =	sshrl.u32 @p0 s22, $0x3  }
0xc: {  	s8 =	sshll.u32 s4, $0x7;
	s29 =	sshll.u32 s4, $0xB;
	s4 =	sadd.s32 $0x1CC00, s6  }
0xd: {  	s11 =	sshrl.u32 s30, $0x1;
	s10 =	sshrl.u32 s10, $0x2;
	s5 =	simm.s32 @!p0 $0x27  }
0xe: {  	s8 =	sand.u32 $0x380, s8;
	s11 =	ssub.s32 s30, s11;
	s31 =	sadd.s32 s13, s12  }
0xf: {  	s12 =	sshrl.u32 s12, $0x3;
	s13 =	simm.s32 $0x3;
	s7 =	sor.u32 s7, s8  }
0x10: {  	s8 =	sadd.s32 s29, s6;
	s12 =	sadd.s32 s9, s12;
	s7 =	sshrl.u32 s7, $0x3  }
0x11: {  	s11 =	smax.u32 s11, $0x1;
	s8 =	sadd.s32 $0x2400, s8;
	s7 =	sadd.s32 s7, s6  }
0x12: {  	s6 =	sadd.s32 s10, s2;
	s10 =	sshrl.u32 s31, $0x3;
	s7 =	sadd.s32 $0x12E00, s7  }
0x13: {  	v0 =	vimm.f32 $0.0e+00;
	s9 =	sadd.s32 s9, s10;
	s10 =	sadd.s32 $0x24900, s12;
	s12 =	simm.s32 $0x6780  }
.LBB2_1:
0x14: {  	[tilespmem:$0x6780] =	vst v0  }
0x15: {  	[tilespmem:$0x6790] =	vst v0  }
0x16: {  	[tilespmem:$0x67A0] =	vst v0  }
0x17: {  	[tilespmem:$0x67B0] =	vst v0  }
0x18: {  	[tilespmem:$0x67C0] =	vst v0  }
0x19: {  	[tilespmem:$0x67D0] =	vst v0  }
0x1a: {  	[tilespmem:$0x67E0] =	vst v0  }
0x1b: {  	[tilespmem:$0x67F0] =	vst v0  }
0x1c: {  	[tilespmem:$0x6800] =	vst v0  }
0x1d: {  	[tilespmem:$0x6810] =	vst v0  }
0x1e: {  	[tilespmem:$0x6820] =	vst v0  }
0x1f: {  	[tilespmem:$0x6830] =	vst v0  }
0x20: {  	[tilespmem:$0x6840] =	vst v0  }
0x21: {  	[tilespmem:$0x6850] =	vst v0  }
0x22: {  	[tilespmem:$0x6860] =	vst v0  }
0x23: {  	[tilespmem:$0x6870] =	vst v0  }
0x24: {  	[tilespmem:$0x6880] =	vst v0  }
0x25: {  	[tilespmem:$0x6890] =	vst v0  }
0x26: {  	[tilespmem:$0x68A0] =	vst v0  }
0x27: {  	[tilespmem:$0x68B0] =	vst v0  }
0x28: {  	[tilespmem:$0x68C0] =	vst v0  }
0x29: {  	[tilespmem:$0x68D0] =	vst v0  }
0x2a: {  	[tilespmem:$0x68E0] =	vst v0  }
0x2b: {  	[tilespmem:$0x68F0] =	vst v0  }
0x2c: {  	[tilespmem:$0x6900] =	vst v0  }
0x2d: {  	[tilespmem:$0x6910] =	vst v0  }
0x2e: {  	[tilespmem:$0x6920] =	vst v0  }
0x2f: {  	[tilespmem:$0x6930] =	vst v0  }
0x30: {  	[tilespmem:$0x6940] =	vst v0  }
0x31: {  	[tilespmem:$0x6950] =	vst v0  }
0x32: {  	[tilespmem:$0x6960] =	vst v0  }
0x33: {  	[tilespmem:$0x6970] =	vst v0  }
0x34: {  	[tilespmem:$0x6980] =	vst v0  }
0x35: {  	[tilespmem:$0x6990] =	vst v0  }
0x36: {  	[tilespmem:$0x69A0] =	vst v0  }
0x37: {  	[tilespmem:$0x69B0] =	vst v0  }
0x38: {  	[tilespmem:$0x69C0] =	vst v0  }
0x39: {  	[tilespmem:$0x69D0] =	vst v0  }
0x3a: {  	[tilespmem:$0x69E0] =	vst v0  }
0x3b: {  	[tilespmem:$0x69F0] =	vst v0  }
0x3c: {  	[tilespmem:$0x6A00] =	vst v0  }
0x3d: {  	[tilespmem:$0x6A10] =	vst v0  }
0x3e: {  	[tilespmem:$0x6A20] =	vst v0  }
0x3f: {  	[tilespmem:$0x6A30] =	vst v0  }
0x40: {  	[tilespmem:$0x6A40] =	vst v0  }
0x41: {  	[tilespmem:$0x6A50] =	vst v0  }
0x42: {  	[tilespmem:$0x6A60] =	vst v0  }
0x43: {  	[tilespmem:$0x6A70] =	vst v0  }
0x44: {  	[tilespmem:$0x6A80] =	vst v0  }
0x45: {  	[tilespmem:$0x6A90] =	vst v0  }
0x46: {  	[tilespmem:$0x6AA0] =	vst v0  }
0x47: {  	[tilespmem:$0x6AB0] =	vst v0  }
0x48: {  	[tilespmem:$0x6AC0] =	vst v0  }
0x49: {  	[tilespmem:$0x6AD0] =	vst v0  }
0x4a: {  	[tilespmem:$0x6AE0] =	vst v0  }
0x4b: {  	[tilespmem:$0x6AF0] =	vst v0  }
0x4c: {  	[tilespmem:$0x6B00] =	vst v0  }
0x4d: {  	[tilespmem:$0x6B10] =	vst v0  }
0x4e: {  	[tilespmem:$0x6B20] =	vst v0  }
0x4f: {  	[tilespmem:$0x6B30] =	vst v0  }
0x50: {  	[tilespmem:$0x6B40] =	vst v0  }
0x51: {  	[tilespmem:$0x6B50] =	vst v0  }
0x52: {  	[tilespmem:$0x6B60] =	vst v0  }
0x53: {  	[tilespmem:$0x6B70] =	vst v0  }
0x54: {  	[tilespmem:$0x6B80] =	vst v0  }
0x55: {  	[tilespmem:$0x6B90] =	vst v0  }
0x56: {  	[tilespmem:$0x6BA0] =	vst v0  }
0x57: {  	[tilespmem:$0x6BB0] =	vst v0  }
0x58: {  	[tilespmem:$0x6BC0] =	vst v0  }
0x59: {  	[tilespmem:$0x6BD0] =	vst v0  }
0x5a: {  	[tilespmem:$0x6BE0] =	vst v0  }
0x5b: {  	[tilespmem:$0x6BF0] =	vst v0  }
0x5c: {  	[tilespmem:$0x6C00] =	vst v0  }
0x5d: {  	[tilespmem:$0x6C10] =	vst v0  }
0x5e: {  	[tilespmem:$0x6C20] =	vst v0  }
0x5f: {  	[tilespmem:$0x6C30] =	vst v0  }
0x60: {  	[tilespmem:$0x6C40] =	vst v0  }
0x61: {  	[tilespmem:$0x6C50] =	vst v0  }
0x62: {  	[tilespmem:$0x6C60] =	vst v0  }
0x63: {  	[tilespmem:$0x6C70] =	vst v0  }
0x64: {  	[tilespmem:$0x6C80] =	vst v0  }
0x65: {  	[tilespmem:$0x6C90] =	vst v0  }
0x66: {  	[tilespmem:$0x6CA0] =	vst v0  }
0x67: {  	[tilespmem:$0x6CB0] =	vst v0  }
0x68: {  	[tilespmem:$0x6CC0] =	vst v0  }
0x69: {  	[tilespmem:$0x6CD0] =	vst v0  }
0x6a: {  	[tilespmem:$0x6CE0] =	vst v0  }
0x6b: {  	[tilespmem:$0x6CF0] =	vst v0  }
0x6c: {  	[tilespmem:$0x6D00] =	vst v0  }
0x6d: {  	[tilespmem:$0x6D10] =	vst v0  }
0x6e: {  	[tilespmem:$0x6D20] =	vst v0  }
0x6f: {  	[tilespmem:$0x6D30] =	vst v0  }
0x70: {  	[tilespmem:$0x6D40] =	vst v0  }
0x71: {  	[tilespmem:$0x6D50] =	vst v0  }
0x72: {  	[tilespmem:$0x6D60] =	vst v0  }
0x73: {  	[tilespmem:$0x6D70] =	vst v0  }
0x74: {  	[tilespmem:$0x6D80] =	vst v0  }
0x75: {  	[tilespmem:$0x6D90] =	vst v0  }
0x76: {  	[tilespmem:$0x6DA0] =	vst v0  }
0x77: {  	[tilespmem:$0x6DB0] =	vst v0  }
0x78: {  	[tilespmem:$0x6DC0] =	vst v0  }
0x79: {  	[tilespmem:$0x6DD0] =	vst v0  }
0x7a: {  	[tilespmem:$0x6DE0] =	vst v0  }
0x7b: {  	[tilespmem:$0x6DF0] =	vst v0  }
0x7c: {  	[tilespmem:$0x6E00] =	vst v0  }
0x7d: {  	[tilespmem:$0x6E10] =	vst v0  }
0x7e: {  	[tilespmem:$0x6E20] =	vst v0  }
0x7f: {  	[tilespmem:$0x6E30] =	vst v0  }
0x80: {  	[tilespmem:$0x6E40] =	vst v0  }
0x81: {  	[tilespmem:$0x6E50] =	vst v0  }
0x82: {  	[tilespmem:$0x6E60] =	vst v0  }
0x83: {  	[tilespmem:$0x6E70] =	vst v0  }
0x84: {  	[tilespmem:$0x6E80] =	vst v0  }
0x85: {  	[tilespmem:$0x6E90] =	vst v0  }
0x86: {  	[tilespmem:$0x6EA0] =	vst v0  }
0x87: {  	[tilespmem:$0x6EB0] =	vst v0  }
0x88: {  	[tilespmem:$0x6EC0] =	vst v0  }
0x89: {  	[tilespmem:$0x6ED0] =	vst v0  }
0x8a: {  	[tilespmem:$0x6EE0] =	vst v0  }
0x8b: {  	[tilespmem:$0x6EF0] =	vst v0  }
0x8c: {  	[tilespmem:$0x6F00] =	vst v0  }
0x8d: {  	[tilespmem:$0x6F10] =	vst v0  }
0x8e: {  	[tilespmem:$0x6F20] =	vst v0  }
0x8f: {  	[tilespmem:$0x6F30] =	vst v0  }
0x90: {  	[tilespmem:$0x6F40] =	vst v0  }
0x91: {  	[tilespmem:$0x6F50] =	vst v0;
	p1 =	sne.s32 s5, $0x1  }
.Ltmp0:
0x92: {  	[tilespmem:$0x6F60] =	vst v0;
	(pc) =	sbr.rel @!p1 .LBB2_3-.Ltmp0, $4  }
0x93: {  	[tilespmem:$0x6F70] =	vst v0  }
0x94: {  	[spmem:s6] =	stream.linear.scatter [tilespmem:s12], [sflag:$0x3], $0x800, $0x38;
	[tilespmem:$0x1F000] =	vst v63  }
0x95: {  	_ =	swait.ge [sflag:s13], $0x800  }
0x96: {  	s23 =	sadd.s32 $0xFFFFFFFF, s5;
	s24 =	smov.u32 s6;
	[sflag:s13] =	ssyncset.done $0x0  }
.LBB2_2:
0x97: {  	p1 =	sne.s32 s23, $0x1;
	[sflag:s13] =	ssyncadd.s32 $0xFFFFF800;
	s24 =	sadd.s32 $0x800, s24  }
.Ltmp1:
0x98: {  	s23 =	sadd.s32 $0xFFFFFFFF, s23;
	(pc) =	sbr.rel @p1 .LBB2_2-.Ltmp1, $4  }
0x99: {  	_ = 	snop  }
0x9a: {  	[spmem:s24] =	stream.linear.scatter [tilespmem:s12], [sflag:$0x3], $0x800, $0x38;
	[tilespmem:$0x1F000] =	vst v63  }
0x9b: {  	_ =	swait.ge [sflag:s13], $0x800  }
0x9c: {  	[sflag:s13] =	ssyncset.done $0x0  }
.LBB2_3:
0x9d: {  	[sflag:s13] =	ssyncadd.s32 $0xFFFFF800  }
0x9e: {  	s23 =	simm.s32 $0x0;
	[bflag:$0x0] =	sbarrier.arrive $0xFFFF  }
0x9f: {  	[tilespmem:s23], [sflag:$0x3] =	stream.strided.gather [hbm4b:s7+s14], $0x2780, s15, s14, $0x38;
	[tilespmem:$0x1F000] =	vst v63  }
0xa0: {  	_ =	swait.ge [sflag:s13], $0x2780  }
0xa1: {  	[sflag:s13] =	ssyncset.done $0x0  }
0xa2: {  	[sflag:s13] =	ssyncadd.s32 $0xFFFFD880  }
0xa3: {  	[tilespmem:s16], [sflag:$0x3] =	stream.linear.gather [hbm4b:s8+s23], $0x3E80, $0x38;
	[tilespmem:$0x1F000] =	vst v63  }
0xa4: {  	_ =	swait.ge [sflag:s13], $0x3E80  }
0xa5: {  	[sflag:s13] =	ssyncset.done $0x0  }
0xa6: {  	[sflag:s13] =	ssyncadd.s32 $0xFFFFC180  }
0xa7: {  	[tilespmem:s12], [sflag:$0x1] =	stream.indirect.gather [hbm4b:s4+s17], $0x80, s23, s17, $0xb8;
	[tilespmem:$0x1F000] =	vst v63  }
0xa8: {  	_ =	swait.ge [sflag:s18], $0x2800  }
0xa9: {  	[sflag:s18] =	ssyncset.done $0x0  }
0xaa: {  	s30 =	simm.s32 $0x50;
	[sflag:s18] =	ssyncadd.s32 $0xFFFFD800  }
0xab: {  	[tilespmem:s19], [sflag:$0x2] =	stream.indirect.gather [hbm4b:s4+s17], $0x80, s30, s17, $0xb8;
	[tilespmem:$0x1F000] =	vst v63  }
0xac: {  	s31 =	simm.s32 $0x2780  }
0xad: {  	[spmem:s2] =	stream.indirect.scatter.add.f32 [tilespmem:s12], [sflag:$0x3], $0x80, s31, s17, $0xb8;
	[tilespmem:$0x1F000] =	vst v63  }
0xae: {  	_ =	swait.ge [sflag:s13], $0x2800  }
0xaf: {  	[sflag:s13] =	ssyncset.done $0x0  }
0xb0: {  	[sflag:s13] =	ssyncadd.s32 $0xFFFFD800  }
0xb1: {  	_ =	swait.ge [sflag:s20], $0x2800  }
0xb2: {  	[sflag:s20] =	ssyncset.done $0x0  }
0xb3: {  	s23 =	simm.s32 $0xA0;
	[sflag:s20] =	ssyncadd.s32 $0xFFFFD800  }
0xb4: {  	[tilespmem:s12], [sflag:$0x1] =	stream.indirect.gather [hbm4b:s4+s17], $0x80, s23, s17, $0xb8;
	[tilespmem:$0x1F000] =	vst v63  }
0xb5: {  	s24 =	simm.s32 $0x2800  }
0xb6: {  	[spmem:s2] =	stream.indirect.scatter.add.f32 [tilespmem:s19], [sflag:$0x3], $0x80, s24, s17, $0xb8;
	[tilespmem:$0x1F000] =	vst v63  }
0xb7: {  	_ =	swait.ge [sflag:s13], $0x2800  }
0xb8: {  	s24 =	simm.s32 $0x400;
	[sflag:s13] =	ssyncset.done $0x0  }
.LBB2_4:
0xb9: {  	p1 =	sne.s32 s24, $0xF400;
	[sflag:s13] =	ssyncadd.s32 $0xFFFFD800;
	s23 =	sadd.s32 $0xA0, s23  }
0xba: {  	s25 =	smov.u32 s24;
	s24 =	sadd.s32 $0x400, s24  }
0xbb: {  	_ =	swait.ge [sflag:s18], $0x2800  }
0xbc: {  	[sflag:s18] =	ssyncset.done $0x0  }
0xbd: {  	s26 =	sadd.s32 $0xFFFFFFB0, s23;
	s25 =	sshra.s32 s25, $0x2;
	[sflag:s18] =	ssyncadd.s32 $0xFFFFD800  }
0xbe: {  	[tilespmem:s19], [sflag:$0x2] =	stream.indirect.gather [hbm4b:s4+s17], $0x80, s26, s17, $0xb8;
	[tilespmem:$0x1F000] =	vst v63  }
0xbf: {  	s26 =	sadd.s32 $0x2780, s25  }
0xc0: {  	[spmem:s2] =	stream.indirect.scatter.add.f32 [tilespmem:s12], [sflag:$0x3], $0x80, s26, s17, $0xb8;
	[tilespmem:$0x1F000] =	vst v63  }
0xc1: {  	_ =	swait.ge [sflag:s13], $0x2800  }
0xc2: {  	[sflag:s13] =	ssyncset.done $0x0  }
0xc3: {  	[sflag:s13] =	ssyncadd.s32 $0xFFFFD800  }
0xc4: {  	_ =	swait.ge [sflag:s20], $0x2800  }
0xc5: {  	[sflag:s20] =	ssyncset.done $0x0  }
0xc6: {  	[sflag:s20] =	ssyncadd.s32 $0xFFFFD800  }
0xc7: {  	[tilespmem:s12], [sflag:$0x1] =	stream.indirect.gather [hbm4b:s4+s17], $0x80, s23, s17, $0xb8;
	[tilespmem:$0x1F000] =	vst v63  }
.Ltmp2:
0xc8: {  	_ = 	snop;
	(pc) =	sbr.rel @p1 .LBB2_4-.Ltmp2, $4  }
0xc9: {  	s25 =	sadd.s32 $0x2800, s25  }
0xca: {  	[spmem:s2] =	stream.indirect.scatter.add.f32 [tilespmem:s19], [sflag:$0x3], $0x80, s25, s17, $0xb8;
	[tilespmem:$0x1F000] =	vst v63  }
0xcb: {  	_ =	swait.ge [sflag:s13], $0x2800  }
0xcc: {  	[sflag:s13] =	ssyncset.done $0x0  }
0xcd: {  	[sflag:s13] =	ssyncadd.s32 $0xFFFFD800  }
0xce: {  	_ =	swait.ge [sflag:s18], $0x2800  }
0xcf: {  	[sflag:s18] =	ssyncset.done $0x0  }
0xd0: {  	[sflag:s18] =	ssyncadd.s32 $0xFFFFD800  }
0xd1: {  	[spmem:s2] =	stream.indirect.scatter.add.f32 [tilespmem:s12], [sflag:$0x3], $0x80, s21, s17, $0xb8;
	[tilespmem:$0x1F000] =	vst v63  }
0xd2: {  	_ =	swait.ge [sflag:s13], $0x2800  }
0xd3: {  	[sflag:s13] =	ssyncset.done $0x0  }
0xd4: {  	[sflag:s13] =	ssyncadd.s32 $0xFFFFD800  }
0xd5: {  	s23 =	simm.s32 @p0 $0x1FC3;
	[bflag:$0x0] =	sbarrier.arrive $0xFFFF  }
0xd6: {  	[hbm:s10], [sflag:s23] =	dma.local @p0 [spmem:s22], $0x2800  }
0xd7: {  	s23 =	simm.s32 @p0 $0x3  }
0xd8: {  	s3 =	sadd.s32 $0x1, s3;
	_ =	swait.ge @p0 [sflag:s23], $0x2800  }
0xd9: {  	s24 =	sshll.u32 @!p0 s0, $0x6;
	p1 =	sne.s32 s3, s11;
	[sflag:s23] =	ssyncset.done @p0 $0x0  }
0xda: {  	[sflag:s23] =	ssyncadd.s32 @p0 $0xFFFFD800;
	s23 =	sor.u32 @!p0 $0x1C03, s24;
	s24 =	sshrl.u32 @!p0 s6, $0x3  }
0xdb: {  	[hbm:s9], [sflag:s23] =	dma.local @!p0 [spmem:s24], $0x2700  }
.Ltmp3:
0xdc: {  	_ = 	snop;
	(pc) =	sbr.rel @p1 .LBB2_1-.Ltmp3, $4  }
0xdd: {  	s23 =	simm.s32 @!p0 $0x3  }
0xde: {  	_ =	swait.ge @!p0 [sflag:s23], $0x2700  }
0xdf: {  	[sflag:s23] =	ssyncset.done @!p0 $0x0  }
0xe0: {  	[sflag:s23] =	ssyncadd.s32 @!p0 $0xFFFFD900  }
0xe1: {  	_ =	sfence.sel $0x180000  }
0xe2: {  	[bflag:$0x0] =	sbarrier.arrive $0xFFFF  }
0xe3: {  	p0 =	sne.s32 s0, $0x0;
	_ =	strace $0x9000004A  }
0xe4: {  	s0 =	sadd.s32 @!p0 $0x100000, s1;
	[bflag:$0x2] =	sbarrier.arrive $0xFFFF  }
0xe5: {  	[sflag:s0] =	ssyncadd.tile.s32 @!p0 $0x1;
	_ =	shalt  }
.Lfunc_end2:
_tile_overlayer_lowered:
.L_overlay_start_2:
0xe6: {  	(tag) =	ssettag $0x2  }
0xe7: {  	s0 =	rddreg [dreg:$0x0];
	s2 =	stileid.u32  }
0xe8: {  	s1 =	rddreg [dreg:$0x1];
	p0 =	sne.s32 s2, $0x0  }
0xe9: {  	s3 =	rddreg [dreg:$0x2];
	[bflag:$0x3] =	sbarrier.arrive $0xFFFF;
	s2 =	simm.s32 @!p0 $0x1C03  }
0xea: {  	[timem:s3], [sflag:s2] =	dma.local @!p0 [hbm:s0], s1  }
0xeb: {  	s0 =	simm.s32 @!p0 $0x3  }
0xec: {  	_ =	swait.ge @!p0 [sflag:s0], s1  }
0xed: {  	s1 =	ssub.s32 @!p0 $0x0, s1;
	[sflag:s0] =	ssyncset.done @!p0 $0x0  }
0xee: {  	[sflag:s0] =	ssyncadd.s32 @!p0 s1  }
0xef: {  	[bflag:$0x3] =	sbarrier.arrive $0xFFFF  }
0xf0: {  	_ =	shalt  }

// kernel: kernel.14.cloned.1.call-start
scs
__scs_entry_jumppad:
0x0: {  	(pc) =	sbr.rel $0x88, $3  }
0x1: {  	(tag) =	ssettag $0x0;
	lr =	simm.s32 $0x1  }
0x2: {  	[smem:$0x3F95] =	sst lr;
	_ =	strace $0xD0000000  }
0x3: {  	_ = 	snop  }
0x4: {  	_ = 	snop  }
0x5: {  	_ = 	snop  }
0x6: {  	_ = 	snop  }
0x7: {  	_ = 	snop  }
__scs_overlays_trampoline_lowered:
0x8: {  	[smem:$0x3FA4] =	sst s0  }
0x9: {  	[smem:$0x3FA5] =	sst s1  }
0xa: {  	[smem:$0x3FA6] =	sst s2  }
0xb: {  	[smem:$0x3FA7] =	sst s3  }
0xc: {  	[smem:$0x3FA8] =	sst s4  }
0xd: {  	[smem:$0x3FA9] =	sst s5  }
0xe: {  	[smem:$0x3FAA] =	sst s6  }
0xf: {  	[smem:$0x3FAB] =	sst s7  }
0x10: {  	[smem:$0x3FAC] =	sst s8  }
0x11: {  	[smem:$0x3FAD] =	sst s9;
	s0 =	simm.s32 @!p0 $0x0  }
0x12: {  	s1 =	sld [smem:$0x3F93];
	s0 =	simm.s32 @p0 $0x1  }
0x13: {  	[smem:$0x3FAE] =	sst s0;
	s0 =	simm.s32 @!p1 $0x0  }
0x14: {  	s2 =	sld [smem:$0x3F92];
	s0 =	simm.s32 @p1 $0x1  }
0x15: {  	[smem:$0x3FAF] =	sst s0;
	s0 =	simm.s32 @!p2 $0x0  }
0x16: {  	s3 =	sld [smem:$0x3FDB];
	s0 =	simm.s32 @p2 $0x1  }
0x17: {  	s4 =	simm.s32 $0x1BF5;
	[smem:$0x3FB1] =	sst s0  }
0x18: {  	s0 =	sld [smem:$0x3F94];
	_ =	swait.ge [sflag:s4], $0x0  }
0x19: {  	s7 =	sld [smem:$0x3F95]  }
0x1a: {  	s8 =	sadd.s32 $0xFFFFE003, lr  }
0x1b: {  	s9 =	sadd.s32 $0xFFFFFEF7, lr;
	s5 =	simm.s32 $0xFFFFFFFF;
	p2 =	slt.u32 s8, $0xFFFFF086  }
0x1c: {  	p1 =	slt.u32 s9, $0xF7A;
	s5 =	simm.s32 @!p2 $0x0  }
0x1d: {  	s5 =	simm.s32 @p1 $0x1;
	p0 =	seq.s32 s7, s2  }
0x1e: {  	s7 =	smul.u32 @!p0 $0xF7A, s2;
	p2 =	seq.s32 @!p0 s5, $0x0  }
0x1f: {  	s9 =	smul.u32 $0xF7A, s1;
	s8 =	simm.s32 @!p0 $0x1BF5;
	p2 =	por !p2, p0  }
0x20: {  	[sflag:s8] =	ssyncset.s32 @!p0 $0xFFFFF086;
	s6 =	sadd.s32 @!p0 s3, s7;
	s7 =	simm.s32 @!p0 $0x108  }
0x21: {  	s3 =	sadd.s32 s3, s9;
	s6 =	sadd.s32 @!p0 $0x88, s6;
	s7 =	simm.s32 @p2 $0x1082  }
0x22: {  	[simem:s7], [sflag:s8] =	dma.local @!p0 [hbm:s6], $0xF7A  }
0x23: {  	s9 =	sor.u32 $0xD0000000, s2;
	s6 =	simm.s32 $0x108;
	_ =	swait.ge @!p0 [sflag:s8], $0x0  }
0x24: {  	s3 =	sadd.s32 $0x88, s3;
	s6 =	simm.s32 @!p1 $0x1082;
	[sflag:s4] =	ssyncset.s32 $0xFFFFF086  }
0x25: {  	[simem:s6], [sflag:s4] =	dma.local [hbm:s3], $0xF7A  }
0x26: {  	[smem:$0x3F95] =	sst s1;
	(tag) =	ssettag s2;
	_ =	strace s9  }
0x27: {  	s1 =	sld [smem:$0x3FA5]  }
0x28: {  	s2 =	sld [smem:$0x3FA6]  }
0x29: {  	s4 =	sld [smem:$0x3FA8]  }
0x2a: {  	p0 =	seq.s32 s5, $0x0;
	s5 =	sld [smem:$0x3FA9]  }
0x2b: {  	s6 =	sld [smem:$0x3FAA]  }
0x2c: {  	s7 =	sld [smem:$0x3FAB]  }
0x2d: {  	s3 =	simm.s32 $0x108;
	s8 =	sld [smem:$0x3FAC]  }
0x2e: {  	s3 =	simm.s32 @!p0 $0x1082;
	s9 =	sld [smem:$0x3FAD]  }
0x2f: {  	lr =	sadd.s32 s0, s3;
	s0 =	sld [smem:$0x3FA4]  }
0x30: {  	s3 =	sld [smem:$0x3FA7]  }
0x31: {  	[smem:$0x3FB0] =	sst s10  }
0x32: {  	s10 =	sld [smem:$0x3FAE];
	_ =	sdelay $0x3  }
0x33: {  	p0 =	seq.s32 s10, $0x1;
	s10 =	sld [smem:$0x3FB0];
	_ =	sdelay $0x3  }
0x34: {  	[smem:$0x3FB0] =	sst s10  }
0x35: {  	s10 =	sld [smem:$0x3FAF];
	_ =	sdelay $0x3  }
0x36: {  	p1 =	seq.s32 s10, $0x1;
	s10 =	sld [smem:$0x3FB0];
	_ =	sdelay $0x3  }
0x37: {  	[smem:$0x3FB0] =	sst s10  }
0x38: {  	s10 =	sld [smem:$0x3FB1]  }
0x39: {  	_ = 	snop;
	(pc) =	sbr.ind lr, $3  }
0x3a: {  	_ = 	snop  }
0x3b: {  	_ = 	snop  }
0x3c: {  	p2 =	seq.s32 s10, $0x1;
	s10 =	sld [smem:$0x3FB0]  }
0x3d: {  	_ =	shalt  }
0x3e: {  	_ =	shalt  }
0x3f: {  	_ =	shalt  }
0x40: {  	_ =	shalt  }
0x41: {  	_ =	shalt  }
0x42: {  	_ =	shalt  }
0x43: {  	_ =	shalt  }
0x44: {  	_ =	shalt  }
0x45: {  	_ =	shalt  }
0x46: {  	_ =	shalt  }
0x47: {  	_ =	shalt  }
0x48: {  	_ =	shalt  }
0x49: {  	_ =	shalt  }
0x4a: {  	_ =	shalt  }
0x4b: {  	_ =	shalt  }
0x4c: {  	_ =	shalt  }
0x4d: {  	_ =	shalt  }
0x4e: {  	_ =	shalt  }
0x4f: {  	_ =	shalt  }
0x50: {  	_ =	shalt  }
0x51: {  	_ =	shalt  }
0x52: {  	_ =	shalt  }
0x53: {  	_ =	shalt  }
0x54: {  	_ =	shalt  }
0x55: {  	_ =	shalt  }
0x56: {  	_ =	shalt  }
0x57: {  	_ =	shalt  }
0x58: {  	_ =	shalt  }
0x59: {  	_ =	shalt  }
0x5a: {  	_ =	shalt  }
0x5b: {  	_ =	shalt  }
0x5c: {  	_ =	shalt  }
0x5d: {  	_ =	shalt  }
0x5e: {  	_ =	shalt  }
0x5f: {  	_ =	shalt  }
0x60: {  	_ =	shalt  }
0x61: {  	_ =	shalt  }
0x62: {  	_ =	shalt  }
0x63: {  	_ =	shalt  }
0x64: {  	_ =	shalt  }
0x65: {  	_ =	shalt  }
0x66: {  	_ =	shalt  }
0x67: {  	_ =	shalt  }
0x68: {  	_ =	shalt  }
0x69: {  	_ =	shalt  }
0x6a: {  	_ =	shalt  }
0x6b: {  	_ =	shalt  }
0x6c: {  	_ =	shalt  }
0x6d: {  	_ =	shalt  }
0x6e: {  	_ =	shalt  }
0x6f: {  	_ =	shalt  }
0x70: {  	_ =	shalt  }
0x71: {  	_ =	shalt  }
0x72: {  	_ =	shalt  }
0x73: {  	_ =	shalt  }
0x74: {  	_ =	shalt  }
0x75: {  	_ =	shalt  }
0x76: {  	_ =	shalt  }
0x77: {  	_ =	shalt  }
0x78: {  	_ =	shalt  }
0x79: {  	_ =	shalt  }
0x7a: {  	_ =	shalt  }
0x7b: {  	_ =	shalt  }
0x7c: {  	_ =	shalt  }
0x7d: {  	_ =	shalt  }
0x7e: {  	_ =	shalt  }
0x7f: {  	_ =	shalt  }
0x80: {  	_ =	shalt  }
0x81: {  	_ =	shalt  }
0x82: {  	_ =	shalt  }
0x83: {  	_ =	shalt  }
0x84: {  	_ =	shalt  }
0x85: {  	_ =	shalt  }
0x86: {  	_ =	shalt  }
0x87: {  	_ =	shalt  }
.Lfunc_end0:
.L_simem_size_0:
called_computation.2_lowered:
.L_overlay_start_0:
0x88: {  	s2 =	sld [smem:$0x3FD9]  }
0x89: {  	s3 =	sld [smem:$0x3FFE];
	_ =	sdelay $0x1  }
0x8a: {  	s1 =	srdreg.scid  }
0x8b: {  	s0 =	sand.u32 $0x1, s1  }
0x8c: {  	s16 =	sshll.u32 s0, $0xA;
	s2 =	sadd.s32 s3, s2  }
0x8d: {  	s2 =	sadd.s32 s2, s16  }
0x8e: {  	[smem:$0x3FBC] =	sst s2  }
0x8f: {  	_ = 	snop  }
0x90: {  	(tm) =	ssettm $0x1  }
0x91: {  	s17 =	sld [smem:$0x3FFB];
	_ =	sdelay $0x3  }
0x92: {  	_ =	strace s17  }
0x93: {  	s2 =	sld [smem:$0x3FFC];
	_ =	sdelay $0x3  }
0x94: {  	_ =	strace s2  }
0x95: {  	s2 =	sld [smem:$0x3FFD];
	_ =	sdelay $0x3  }
0x96: {  	_ =	strace s2  }
0x97: {  	_ =	strace $0x8FFFFFFF  }
0x98: {  	s18 =	sld [smem:$0x3FDB];
	_ =	sdelay $0x1  }
0x99: {  	s19 =	simm.s32 $_scs_section_size  }
0x9a: {  	s4 =	simm.s32 $_size__tile_overlayer_lowered;
	s5 =	simm.s32 $_tile_overlayer_lowered  }
0x9b: {  	s22 =	simm.s32 $0x1BFF;
	s21 =	sshll.u32 s5, $0x1;
	s2 =	sadd.s32 s19, s18  }
0x9c: {  	s6 =	simm.s32 $0x0;
	s20 =	sshll.u32 s4, $0x1;
	s4 =	sadd.s32 s21, s2  }
0x9d: {  	[timem:s6], [sflag:s22] =	dma.local [hbm:s4], s20  }
0x9e: {  	_ =	swait.ge [sflag:s22], s20  }
0x9f: {  	s3 =	ssub.s32 $0x0, s20;
	[sflag:s22] =	ssyncset.done $0x0  }
0xa0: {  	[sflag:s22] =	ssyncadd.s32 s3;
	_ =	sdelay $0x1  }
0xa1: {  	s23 =	simm.s32 $0x1B8B  }
0xa2: {  	_ =	swait.ge [sflag:s23], $0x1  }
0xa3: {  	[sflag:s23] =	ssyncset.done $0x0  }
0xa4: {  	s25 =	simm.s32 $0x1B8E;
	s24 =	sld [smem:$0x3FFE];
	[sflag:s23] =	ssyncadd.s32 $0xFFFFFFFF  }
0xa5: {  	s26 =	simm.s32 $execute0_lowered;
	[smem:$0x3FD2] =	sst s25  }
0xa6: {  	s4 =	sshll.u32 s26, $0x1;
	_ =	strace $0x8000004C;
	[dreg:$0x1] =	wrdreg $0xFFFFFFFF  }
0xa7: {  	s28 =	simm.s32 $_size_execute0_lowered;
	s2 =	sadd.s32 s2, s4;
	[dreg:$0x0] =	wrdreg $0x0  }
0xa8: {  	s4 =	sshll.u32 s28, $0x1;
	[dreg:$0x2] =	wrdreg s2  }
0xa9: {  	[dreg:$0x3] =	wrdreg s4  }
0xaa: {  	[dreg:$0x4] =	wrdreg $0xC0  }
0xab: {  	_ =	task [dreg:s6], $0x5FFFF  }
0xac: {  	[dreg:$0x1] =	wrdreg $0xFFFFFFFF  }
0xad: {  	[dreg:$0x0] =	wrdreg $0x60  }
0xae: {  	[dreg:$0x2] =	wrdreg s24  }
0xaf: {  	[dreg:$0x3] =	wrdreg $0xB7800  }
0xb0: {  	[dreg:$0x4] =	wrdreg $0x9  }
0xb1: {  	_ =	task.clear_ibuf [dreg:s6], $0x5FFFF;
	_ =	strace $0x9000004C  }
0xb2: {  	s29 =	simm.s32 $0x9;
	_ =	strace $0x8000004E  }
0xb3: {  	_ =	swait.ge [sflag:s29], $0x1  }
0xb4: {  	[sflag:s29] =	ssyncadd.s32 $0xFFFFFFFF  }
0xb5: {  	_ =	strace $0x9000004E  }
0xb6: {  	_ =	sfence  }
0xb7: {  	s30 =	sld [smem:$0x0];
	_ =	sdelay $0x2  }
0xb8: {  	s31 =	sshll.u32 s1, $0xD;
	s1 =	sshrl.u32 s1, $0x2  }
0xb9: {  	s3 =	sand.u32 $0x4000, s31;
	s1 =	sadd.s32 s1, s30  }
0xba: {  	s0 =	sor.u32 s3, s0;
	s1 =	sshll.u32 s1, $0x11  }
0xbb: {  	s0 =	sor.u32 s1, s0  }
0xbc: {  	s0 =	sadd.s32 $0x8F2B, s0  }
0xbd: {  	[sflag:s0] =	ssyncadd.remote.s32 $0x1  }
0xbe: {  	_ =	sfence.sel $0xFFFF  }
0xbf: {  	[dreg:$0x0] =	wrdreg $0xFFFFFFFF;
	(pc) =	sbr.abs _section_cstart, $3  }
0xc0: {  	[dreg:$0x1] =	wrdreg $0xFFFFFFFF  }
0xc1: {  	_ =	task.clear_ibuf [dreg:s6], $0x2FFFF;
	_ =	strace $0x9FFFFFFF  }
0xc2: {  	(tm) =	ssettm $0x7FFFFFFF  }
0xc3: {  	_ =	shalt  }
tec
execute0_lowered:
.L_overlay_start_1:
0x0: {  	(tag) =	ssettag $0x1  }
0x1: {  	s1 =	srdreg.scid  }
0x2: {  	s0 =	stileid.u32;
	s6 =	rddreg [dreg:$0x0]  }
0x3: {  	s2 =	rddreg [dreg:$0x1];
	s3 =	simm.s32 $0x0;
	s14 =	simm.s32 $0x80  }
0x4: {  	s15 =	simm.s32 $0x400;
	s16 =	simm.s32 $0x2780;
	s17 =	simm.s32 $0x50  }
0x5: {  	s18 =	simm.s32 $0x1;
	s19 =	simm.s32 $0x8F80;
	s20 =	simm.s32 $0x2  }
0x6: {  	s21 =	simm.s32 $0x6580;
	s5 =	sand.u32 $0x1, s1;
	s1 =	rddreg [dreg:$0x2]  }
0x7: {  	s26 =	sshll.u32 s0, $0x1;
	s28 =	sshrl.u32 s0, $0x2;
	[smem:$0x7FF] =	sst s3  }
0x8: {  	s9 =	sadd.s32 $0x43E00, s6;
	s10 =	smul.u32 $0x4E000, s0;
	p0 =	seq.s32 s0, $0xF  }
0x9: {  	s13 =	smul.u32 $0x13800, s0;
	s22 =	sadd.s32 $0x124800, s2;
	s4 =	sor.u32 s5, s26  }
0xa: {  	s7 =	smul.u32 $0x13C00, s28;
	_ =	strace $0x8000004D;
	s30 =	ssub.s32 $0x2, s5  }
0xb: {  	s12 =	smul.u32 $0x138800, s5;
	s5 =	simm.s32 $0x28;
	s22 =	sshrl.u32 @p0 s22, $0x3  }
0xc: {  	s8 =	sshll.u32 s4, $0x7;
	s29 =	sshll.u32 s4, $0xB;
	s4 =	sadd.s32 $0x1CC00, s6  }
0xd: {  	s11 =	sshrl.u32 s30, $0x1;
	s10 =	sshrl.u32 s10, $0x2;
	s5 =	simm.s32 @!p0 $0x27  }
0xe: {  	s8 =	sand.u32 $0x380, s8;
	s11 =	ssub.s32 s30, s11;
	s31 =	sadd.s32 s13, s12  }
0xf: {  	s12 =	sshrl.u32 s12, $0x3;
	s13 =	simm.s32 $0x3;
	s7 =	sor.u32 s7, s8  }
0x10: {  	s8 =	sadd.s32 s29, s6;
	s12 =	sadd.s32 s9, s12;
	s7 =	sshrl.u32 s7, $0x3  }
0x11: {  	s11 =	smax.u32 s11, $0x1;
	s8 =	sadd.s32 $0x2400, s8;
	s7 =	sadd.s32 s7, s6  }
0x12: {  	s6 =	sadd.s32 s10, s2;
	s10 =	sshrl.u32 s31, $0x3;
	s7 =	sadd.s32 $0x12E00, s7  }
0x13: {  	v0 =	vimm.f32 $0.0e+00;
	s9 =	sadd.s32 s9, s10;
	s10 =	sadd.s32 $0x24900, s12;
	s12 =	simm.s32 $0x6780  }
.LBB2_1:
0x14: {  	[tilespmem:$0x6780] =	vst v0  }
0x15: {  	[tilespmem:$0x6790] =	vst v0  }
0x16: {  	[tilespmem:$0x67A0] =	vst v0  }
0x17: {  	[tilespmem:$0x67B0] =	vst v0  }
0x18: {  	[tilespmem:$0x67C0] =	vst v0  }
0x19: {  	[tilespmem:$0x67D0] =	vst v0  }
0x1a: {  	[tilespmem:$0x67E0] =	vst v0  }
0x1b: {  	[tilespmem:$0x67F0] =	vst v0  }
0x1c: {  	[tilespmem:$0x6800] =	vst v0  }
0x1d: {  	[tilespmem:$0x6810] =	vst v0  }
0x1e: {  	[tilespmem:$0x6820] =	vst v0  }
0x1f: {  	[tilespmem:$0x6830] =	vst v0  }
0x20: {  	[tilespmem:$0x6840] =	vst v0  }
0x21: {  	[tilespmem:$0x6850] =	vst v0  }
0x22: {  	[tilespmem:$0x6860] =	vst v0  }
0x23: {  	[tilespmem:$0x6870] =	vst v0  }
0x24: {  	[tilespmem:$0x6880] =	vst v0  }
0x25: {  	[tilespmem:$0x6890] =	vst v0  }
0x26: {  	[tilespmem:$0x68A0] =	vst v0  }
0x27: {  	[tilespmem:$0x68B0] =	vst v0  }
0x28: {  	[tilespmem:$0x68C0] =	vst v0  }
0x29: {  	[tilespmem:$0x68D0] =	vst v0  }
0x2a: {  	[tilespmem:$0x68E0] =	vst v0  }
0x2b: {  	[tilespmem:$0x68F0] =	vst v0  }
0x2c: {  	[tilespmem:$0x6900] =	vst v0  }
0x2d: {  	[tilespmem:$0x6910] =	vst v0  }
0x2e: {  	[tilespmem:$0x6920] =	vst v0  }
0x2f: {  	[tilespmem:$0x6930] =	vst v0  }
0x30: {  	[tilespmem:$0x6940] =	vst v0  }
0x31: {  	[tilespmem:$0x6950] =	vst v0  }
0x32: {  	[tilespmem:$0x6960] =	vst v0  }
0x33: {  	[tilespmem:$0x6970] =	vst v0  }
0x34: {  	[tilespmem:$0x6980] =	vst v0  }
0x35: {  	[tilespmem:$0x6990] =	vst v0  }
0x36: {  	[tilespmem:$0x69A0] =	vst v0  }
0x37: {  	[tilespmem:$0x69B0] =	vst v0  }
0x38: {  	[tilespmem:$0x69C0] =	vst v0  }
0x39: {  	[tilespmem:$0x69D0] =	vst v0  }
0x3a: {  	[tilespmem:$0x69E0] =	vst v0  }
0x3b: {  	[tilespmem:$0x69F0] =	vst v0  }
0x3c: {  	[tilespmem:$0x6A00] =	vst v0  }
0x3d: {  	[tilespmem:$0x6A10] =	vst v0  }
0x3e: {  	[tilespmem:$0x6A20] =	vst v0  }
0x3f: {  	[tilespmem:$0x6A30] =	vst v0  }
0x40: {  	[tilespmem:$0x6A40] =	vst v0  }
0x41: {  	[tilespmem:$0x6A50] =	vst v0  }
0x42: {  	[tilespmem:$0x6A60] =	vst v0  }
0x43: {  	[tilespmem:$0x6A70] =	vst v0  }
0x44: {  	[tilespmem:$0x6A80] =	vst v0  }
0x45: {  	[tilespmem:$0x6A90] =	vst v0  }
0x46: {  	[tilespmem:$0x6AA0] =	vst v0  }
0x47: {  	[tilespmem:$0x6AB0] =	vst v0  }
0x48: {  	[tilespmem:$0x6AC0] =	vst v0  }
0x49: {  	[tilespmem:$0x6AD0] =	vst v0  }
0x4a: {  	[tilespmem:$0x6AE0] =	vst v0  }
0x4b: {  	[tilespmem:$0x6AF0] =	vst v0  }
0x4c: {  	[tilespmem:$0x6B00] =	vst v0  }
0x4d: {  	[tilespmem:$0x6B10] =	vst v0  }
0x4e: {  	[tilespmem:$0x6B20] =	vst v0  }
0x4f: {  	[tilespmem:$0x6B30] =	vst v0  }
0x50: {  	[tilespmem:$0x6B40] =	vst v0  }
0x51: {  	[tilespmem:$0x6B50] =	vst v0  }
0x52: {  	[tilespmem:$0x6B60] =	vst v0  }
0x53: {  	[tilespmem:$0x6B70] =	vst v0  }
0x54: {  	[tilespmem:$0x6B80] =	vst v0  }
0x55: {  	[tilespmem:$0x6B90] =	vst v0  }
0x56: {  	[tilespmem:$0x6BA0] =	vst v0  }
0x57: {  	[tilespmem:$0x6BB0] =	vst v0  }
0x58: {  	[tilespmem:$0x6BC0] =	vst v0  }
0x59: {  	[tilespmem:$0x6BD0] =	vst v0  }
0x5a: {  	[tilespmem:$0x6BE0] =	vst v0  }
0x5b: {  	[tilespmem:$0x6BF0] =	vst v0  }
0x5c: {  	[tilespmem:$0x6C00] =	vst v0  }
0x5d: {  	[tilespmem:$0x6C10] =	vst v0  }
0x5e: {  	[tilespmem:$0x6C20] =	vst v0  }
0x5f: {  	[tilespmem:$0x6C30] =	vst v0  }
0x60: {  	[tilespmem:$0x6C40] =	vst v0  }
0x61: {  	[tilespmem:$0x6C50] =	vst v0  }
0x62: {  	[tilespmem:$0x6C60] =	vst v0  }
0x63: {  	[tilespmem:$0x6C70] =	vst v0  }
0x64: {  	[tilespmem:$0x6C80] =	vst v0  }
0x65: {  	[tilespmem:$0x6C90] =	vst v0  }
0x66: {  	[tilespmem:$0x6CA0] =	vst v0  }
0x67: {  	[tilespmem:$0x6CB0] =	vst v0  }
0x68: {  	[tilespmem:$0x6CC0] =	vst v0  }
0x69: {  	[tilespmem:$0x6CD0] =	vst v0  }
0x6a: {  	[tilespmem:$0x6CE0] =	vst v0  }
0x6b: {  	[tilespmem:$0x6CF0] =	vst v0  }
0x6c: {  	[tilespmem:$0x6D00] =	vst v0  }
0x6d: {  	[tilespmem:$0x6D10] =	vst v0  }
0x6e: {  	[tilespmem:$0x6D20] =	vst v0  }
0x6f: {  	[tilespmem:$0x6D30] =	vst v0  }
0x70: {  	[tilespmem:$0x6D40] =	vst v0  }
0x71: {  	[tilespmem:$0x6D50] =	vst v0  }
0x72: {  	[tilespmem:$0x6D60] =	vst v0  }
0x73: {  	[tilespmem:$0x6D70] =	vst v0  }
0x74: {  	[tilespmem:$0x6D80] =	vst v0  }
0x75: {  	[tilespmem:$0x6D90] =	vst v0  }
0x76: {  	[tilespmem:$0x6DA0] =	vst v0  }
0x77: {  	[tilespmem:$0x6DB0] =	vst v0  }
0x78: {  	[tilespmem:$0x6DC0] =	vst v0  }
0x79: {  	[tilespmem:$0x6DD0] =	vst v0  }
0x7a: {  	[tilespmem:$0x6DE0] =	vst v0  }
0x7b: {  	[tilespmem:$0x6DF0] =	vst v0  }
0x7c: {  	[tilespmem:$0x6E00] =	vst v0  }
0x7d: {  	[tilespmem:$0x6E10] =	vst v0  }
0x7e: {  	[tilespmem:$0x6E20] =	vst v0  }
0x7f: {  	[tilespmem:$0x6E30] =	vst v0  }
0x80: {  	[tilespmem:$0x6E40] =	vst v0  }
0x81: {  	[tilespmem:$0x6E50] =	vst v0  }
0x82: {  	[tilespmem:$0x6E60] =	vst v0  }
0x83: {  	[tilespmem:$0x6E70] =	vst v0  }
0x84: {  	[tilespmem:$0x6E80] =	vst v0  }
0x85: {  	[tilespmem:$0x6E90] =	vst v0  }
0x86: {  	[tilespmem:$0x6EA0] =	vst v0  }
0x87: {  	[tilespmem:$0x6EB0] =	vst v0  }
0x88: {  	[tilespmem:$0x6EC0] =	vst v0  }
0x89: {  	[tilespmem:$0x6ED0] =	vst v0  }
0x8a: {  	[tilespmem:$0x6EE0] =	vst v0  }
0x8b: {  	[tilespmem:$0x6EF0] =	vst v0  }
0x8c: {  	[tilespmem:$0x6F00] =	vst v0  }
0x8d: {  	[tilespmem:$0x6F10] =	vst v0  }
0x8e: {  	[tilespmem:$0x6F20] =	vst v0  }
0x8f: {  	[tilespmem:$0x6F30] =	vst v0  }
0x90: {  	[tilespmem:$0x6F40] =	vst v0  }
0x91: {  	[tilespmem:$0x6F50] =	vst v0;
	p1 =	sne.s32 s5, $0x1  }
.Ltmp0:
0x92: {  	[tilespmem:$0x6F60] =	vst v0;
	(pc) =	sbr.rel @!p1 .LBB2_3-.Ltmp0, $4  }
0x93: {  	[tilespmem:$0x6F70] =	vst v0  }
0x94: {  	[spmem:s6] =	stream.linear.scatter [tilespmem:s12], [sflag:$0x3], $0x800, $0x38;
	[tilespmem:$0x1F000] =	vst v63  }
0x95: {  	_ =	swait.ge [sflag:s13], $0x800  }
0x96: {  	s23 =	sadd.s32 $0xFFFFFFFF, s5;
	s24 =	smov.u32 s6;
	[sflag:s13] =	ssyncset.done $0x0  }
.LBB2_2:
0x97: {  	p1 =	sne.s32 s23, $0x1;
	[sflag:s13] =	ssyncadd.s32 $0xFFFFF800;
	s24 =	sadd.s32 $0x800, s24  }
.Ltmp1:
0x98: {  	s23 =	sadd.s32 $0xFFFFFFFF, s23;
	(pc) =	sbr.rel @p1 .LBB2_2-.Ltmp1, $4  }
0x99: {  	_ = 	snop  }
0x9a: {  	[spmem:s24] =	stream.linear.scatter [tilespmem:s12], [sflag:$0x3], $0x800, $0x38;
	[tilespmem:$0x1F000] =	vst v63  }
0x9b: {  	_ =	swait.ge [sflag:s13], $0x800  }
0x9c: {  	[sflag:s13] =	ssyncset.done $0x0  }
.LBB2_3:
0x9d: {  	[sflag:s13] =	ssyncadd.s32 $0xFFFFF800  }
0x9e: {  	s23 =	simm.s32 $0x0;
	[bflag:$0x0] =	sbarrier.arrive $0xFFFF  }
0x9f: {  	[tilespmem:s23], [sflag:$0x3] =	stream.strided.gather [hbm4b:s7+s14], $0x2780, s15, s14, $0x38;
	[tilespmem:$0x1F000] =	vst v63  }
0xa0: {  	_ =	swait.ge [sflag:s13], $0x2780  }
0xa1: {  	[sflag:s13] =	ssyncset.done $0x0  }
0xa2: {  	[sflag:s13] =	ssyncadd.s32 $0xFFFFD880  }
0xa3: {  	[tilespmem:s16], [sflag:$0x3] =	stream.linear.gather [hbm4b:s8+s23], $0x3E80, $0x38;
	[tilespmem:$0x1F000] =	vst v63  }
0xa4: {  	_ =	swait.ge [sflag:s13], $0x3E80  }
0xa5: {  	[sflag:s13] =	ssyncset.done $0x0  }
0xa6: {  	[sflag:s13] =	ssyncadd.s32 $0xFFFFC180  }
0xa7: {  	[tilespmem:s12], [sflag:$0x1] =	stream.indirect.gather [hbm4b:s4+s17], $0x80, s23, s17, $0xb8;
	[tilespmem:$0x1F000] =	vst v63  }
0xa8: {  	_ =	swait.ge [sflag:s18], $0x2800  }
0xa9: {  	[sflag:s18] =	ssyncset.done $0x0  }
0xaa: {  	s30 =	simm.s32 $0x50;
	[sflag:s18] =	ssyncadd.s32 $0xFFFFD800  }
0xab: {  	[tilespmem:s19], [sflag:$0x2] =	stream.indirect.gather [hbm4b:s4+s17], $0x80, s30, s17, $0xb8;
	[tilespmem:$0x1F000] =	vst v63  }
0xac: {  	s31 =	simm.s32 $0x2780  }
0xad: {  	[spmem:s2] =	stream.indirect.scatter.add.f32 [tilespmem:s12], [sflag:$0x3], $0x80, s31, s17, $0xb8;
	[tilespmem:$0x1F000] =	vst v63  }
0xae: {  	_ =	swait.ge [sflag:s13], $0x2800  }
0xaf: {  	[sflag:s13] =	ssyncset.done $0x0  }
0xb0: {  	[sflag:s13] =	ssyncadd.s32 $0xFFFFD800  }
0xb1: {  	_ =	swait.ge [sflag:s20], $0x2800  }
0xb2: {  	[sflag:s20] =	ssyncset.done $0x0  }
0xb3: {  	s23 =	simm.s32 $0xA0;
	[sflag:s20] =	ssyncadd.s32 $0xFFFFD800  }
0xb4: {  	[tilespmem:s12], [sflag:$0x1] =	stream.indirect.gather [hbm4b:s4+s17], $0x80, s23, s17, $0xb8;
	[tilespmem:$0x1F000] =	vst v63  }
0xb5: {  	s24 =	simm.s32 $0x2800  }
0xb6: {  	[spmem:s2] =	stream.indirect.scatter.add.f32 [tilespmem:s19], [sflag:$0x3], $0x80, s24, s17, $0xb8;
	[tilespmem:$0x1F000] =	vst v63  }
0xb7: {  	_ =	swait.ge [sflag:s13], $0x2800  }
0xb8: {  	s24 =	simm.s32 $0x400;
	[sflag:s13] =	ssyncset.done $0x0  }
.LBB2_4:
0xb9: {  	p1 =	sne.s32 s24, $0xF400;
	[sflag:s13] =	ssyncadd.s32 $0xFFFFD800;
	s23 =	sadd.s32 $0xA0, s23  }
0xba: {  	s25 =	smov.u32 s24;
	s24 =	sadd.s32 $0x400, s24  }
0xbb: {  	_ =	swait.ge [sflag:s18], $0x2800  }
0xbc: {  	[sflag:s18] =	ssyncset.done $0x0  }
0xbd: {  	s26 =	sadd.s32 $0xFFFFFFB0, s23;
	s25 =	sshra.s32 s25, $0x2;
	[sflag:s18] =	ssyncadd.s32 $0xFFFFD800  }
0xbe: {  	[tilespmem:s19], [sflag:$0x2] =	stream.indirect.gather [hbm4b:s4+s17], $0x80, s26, s17, $0xb8;
	[tilespmem:$0x1F000] =	vst v63  }
0xbf: {  	s26 =	sadd.s32 $0x2780, s25  }
0xc0: {  	[spmem:s2] =	stream.indirect.scatter.add.f32 [tilespmem:s12], [sflag:$0x3], $0x80, s26, s17, $0xb8;
	[tilespmem:$0x1F000] =	vst v63  }
0xc1: {  	_ =	swait.ge [sflag:s13], $0x2800  }
0xc2: {  	[sflag:s13] =	ssyncset.done $0x0  }
0xc3: {  	[sflag:s13] =	ssyncadd.s32 $0xFFFFD800  }
0xc4: {  	_ =	swait.ge [sflag:s20], $0x2800  }
0xc5: {  	[sflag:s20] =	ssyncset.done $0x0  }
0xc6: {  	[sflag:s20] =	ssyncadd.s32 $0xFFFFD800  }
0xc7: {  	[tilespmem:s12], [sflag:$0x1] =	stream.indirect.gather [hbm4b:s4+s17], $0x80, s23, s17, $0xb8;
	[tilespmem:$0x1F000] =	vst v63  }
.Ltmp2:
0xc8: {  	_ = 	snop;
	(pc) =	sbr.rel @p1 .LBB2_4-.Ltmp2, $4  }
0xc9: {  	s25 =	sadd.s32 $0x2800, s25  }
0xca: {  	[spmem:s2] =	stream.indirect.scatter.add.f32 [tilespmem:s19], [sflag:$0x3], $0x80, s25, s17, $0xb8;
	[tilespmem:$0x1F000] =	vst v63  }
0xcb: {  	_ =	swait.ge [sflag:s13], $0x2800  }
0xcc: {  	[sflag:s13] =	ssyncset.done $0x0  }
0xcd: {  	[sflag:s13] =	ssyncadd.s32 $0xFFFFD800  }
0xce: {  	_ =	swait.ge [sflag:s18], $0x2800  }
0xcf: {  	[sflag:s18] =	ssyncset.done $0x0  }
0xd0: {  	[sflag:s18] =	ssyncadd.s32 $0xFFFFD800  }
0xd1: {  	[spmem:s2] =	stream.indirect.scatter.add.f32 [tilespmem:s12], [sflag:$0x3], $0x80, s21, s17, $0xb8;
	[tilespmem:$0x1F000] =	vst v63  }
0xd2: {  	_ =	swait.ge [sflag:s13], $0x2800  }
0xd3: {  	[sflag:s13] =	ssyncset.done $0x0  }
0xd4: {  	[sflag:s13] =	ssyncadd.s32 $0xFFFFD800  }
0xd5: {  	s23 =	simm.s32 @p0 $0x1FC3;
	[bflag:$0x0] =	sbarrier.arrive $0xFFFF  }
0xd6: {  	[hbm:s10], [sflag:s23] =	dma.local @p0 [spmem:s22], $0x2800  }
0xd7: {  	s23 =	simm.s32 @p0 $0x3  }
0xd8: {  	s3 =	sadd.s32 $0x1, s3;
	_ =	swait.ge @p0 [sflag:s23], $0x2800  }
0xd9: {  	s24 =	sshll.u32 @!p0 s0, $0x6;
	p1 =	sne.s32 s3, s11;
	[sflag:s23] =	ssyncset.done @p0 $0x0  }
0xda: {  	[sflag:s23] =	ssyncadd.s32 @p0 $0xFFFFD800;
	s23 =	sor.u32 @!p0 $0x1C03, s24;
	s24 =	sshrl.u32 @!p0 s6, $0x3  }
0xdb: {  	[hbm:s9], [sflag:s23] =	dma.local @!p0 [spmem:s24], $0x2700  }
.Ltmp3:
0xdc: {  	_ = 	snop;
	(pc) =	sbr.rel @p1 .LBB2_1-.Ltmp3, $4  }
0xdd: {  	s23 =	simm.s32 @!p0 $0x3  }
0xde: {  	_ =	swait.ge @!p0 [sflag:s23], $0x2700  }
0xdf: {  	[sflag:s23] =	ssyncset.done @!p0 $0x0  }
0xe0: {  	[sflag:s23] =	ssyncadd.s32 @!p0 $0xFFFFD900  }
0xe1: {  	_ =	sfence.sel $0x180000  }
0xe2: {  	[bflag:$0x0] =	sbarrier.arrive $0xFFFF  }
0xe3: {  	p0 =	sne.s32 s0, $0x0;
	_ =	strace $0x9000004D  }
0xe4: {  	s0 =	sadd.s32 @!p0 $0x100000, s1;
	[bflag:$0x2] =	sbarrier.arrive $0xFFFF  }
0xe5: {  	[sflag:s0] =	ssyncadd.tile.s32 @!p0 $0x1;
	_ =	shalt  }
.Lfunc_end2:
_tile_overlayer_lowered:
.L_overlay_start_2:
0xe6: {  	(tag) =	ssettag $0x2  }
0xe7: {  	s0 =	rddreg [dreg:$0x0];
	s2 =	stileid.u32  }
0xe8: {  	s1 =	rddreg [dreg:$0x1];
	p0 =	sne.s32 s2, $0x0  }
0xe9: {  	s3 =	rddreg [dreg:$0x2];
	[bflag:$0x3] =	sbarrier.arrive $0xFFFF;
	s2 =	simm.s32 @!p0 $0x1C03  }
0xea: {  	[timem:s3], [sflag:s2] =	dma.local @!p0 [hbm:s0], s1  }
0xeb: {  	s0 =	simm.s32 @!p0 $0x3  }
0xec: {  	_ =	swait.ge @!p0 [sflag:s0], s1  }
0xed: {  	s1 =	ssub.s32 @!p0 $0x0, s1;
	[sflag:s0] =	ssyncset.done @!p0 $0x0  }
0xee: {  	[sflag:s0] =	ssyncadd.s32 @!p0 s1  }
0xef: {  	[bflag:$0x3] =	sbarrier.arrive $0xFFFF  }
0xf0: {  	_ =	shalt  }

// kernel: kernel.8.cloned.1.call-start
scs
__scs_entry_jumppad:
0x0: {  	(pc) =	sbr.rel $0x88, $3  }
0x1: {  	(tag) =	ssettag $0x0;
	lr =	simm.s32 $0x1  }
0x2: {  	[smem:$0x3F95] =	sst lr;
	_ =	strace $0xD0000000  }
0x3: {  	_ = 	snop  }
0x4: {  	_ = 	snop  }
0x5: {  	_ = 	snop  }
0x6: {  	_ = 	snop  }
0x7: {  	_ = 	snop  }
__scs_overlays_trampoline_lowered:
0x8: {  	[smem:$0x3FA4] =	sst s0  }
0x9: {  	[smem:$0x3FA5] =	sst s1  }
0xa: {  	[smem:$0x3FA6] =	sst s2  }
0xb: {  	[smem:$0x3FA7] =	sst s3  }
0xc: {  	[smem:$0x3FA8] =	sst s4  }
0xd: {  	[smem:$0x3FA9] =	sst s5  }
0xe: {  	[smem:$0x3FAA] =	sst s6  }
0xf: {  	[smem:$0x3FAB] =	sst s7  }
0x10: {  	[smem:$0x3FAC] =	sst s8  }
0x11: {  	[smem:$0x3FAD] =	sst s9;
	s0 =	simm.s32 @!p0 $0x0  }
0x12: {  	s1 =	sld [smem:$0x3F93];
	s0 =	simm.s32 @p0 $0x1  }
0x13: {  	[smem:$0x3FAE] =	sst s0;
	s0 =	simm.s32 @!p1 $0x0  }
0x14: {  	s2 =	sld [smem:$0x3F92];
	s0 =	simm.s32 @p1 $0x1  }
0x15: {  	[smem:$0x3FAF] =	sst s0;
	s0 =	simm.s32 @!p2 $0x0  }
0x16: {  	s3 =	sld [smem:$0x3FDB];
	s0 =	simm.s32 @p2 $0x1  }
0x17: {  	s4 =	simm.s32 $0x1BF5;
	[smem:$0x3FB1] =	sst s0  }
0x18: {  	s0 =	sld [smem:$0x3F94];
	_ =	swait.ge [sflag:s4], $0x0  }
0x19: {  	s7 =	sld [smem:$0x3F95]  }
0x1a: {  	s8 =	sadd.s32 $0xFFFFE003, lr  }
0x1b: {  	s9 =	sadd.s32 $0xFFFFFEF7, lr;
	s5 =	simm.s32 $0xFFFFFFFF;
	p2 =	slt.u32 s8, $0xFFFFF086  }
0x1c: {  	p1 =	slt.u32 s9, $0xF7A;
	s5 =	simm.s32 @!p2 $0x0  }
0x1d: {  	s5 =	simm.s32 @p1 $0x1;
	p0 =	seq.s32 s7, s2  }
0x1e: {  	s7 =	smul.u32 @!p0 $0xF7A, s2;
	p2 =	seq.s32 @!p0 s5, $0x0  }
0x1f: {  	s9 =	smul.u32 $0xF7A, s1;
	s8 =	simm.s32 @!p0 $0x1BF5;
	p2 =	por !p2, p0  }
0x20: {  	[sflag:s8] =	ssyncset.s32 @!p0 $0xFFFFF086;
	s6 =	sadd.s32 @!p0 s3, s7;
	s7 =	simm.s32 @!p0 $0x108  }
0x21: {  	s3 =	sadd.s32 s3, s9;
	s6 =	sadd.s32 @!p0 $0x88, s6;
	s7 =	simm.s32 @p2 $0x1082  }
0x22: {  	[simem:s7], [sflag:s8] =	dma.local @!p0 [hbm:s6], $0xF7A  }
0x23: {  	s9 =	sor.u32 $0xD0000000, s2;
	s6 =	simm.s32 $0x108;
	_ =	swait.ge @!p0 [sflag:s8], $0x0  }
0x24: {  	s3 =	sadd.s32 $0x88, s3;
	s6 =	simm.s32 @!p1 $0x1082;
	[sflag:s4] =	ssyncset.s32 $0xFFFFF086  }
0x25: {  	[simem:s6], [sflag:s4] =	dma.local [hbm:s3], $0xF7A  }
0x26: {  	[smem:$0x3F95] =	sst s1;
	(tag) =	ssettag s2;
	_ =	strace s9  }
0x27: {  	s1 =	sld [smem:$0x3FA5]  }
0x28: {  	s2 =	sld [smem:$0x3FA6]  }
0x29: {  	s4 =	sld [smem:$0x3FA8]  }
0x2a: {  	p0 =	seq.s32 s5, $0x0;
	s5 =	sld [smem:$0x3FA9]  }
0x2b: {  	s6 =	sld [smem:$0x3FAA]  }
0x2c: {  	s7 =	sld [smem:$0x3FAB]  }
0x2d: {  	s3 =	simm.s32 $0x108;
	s8 =	sld [smem:$0x3FAC]  }
0x2e: {  	s3 =	simm.s32 @!p0 $0x1082;
	s9 =	sld [smem:$0x3FAD]  }
0x2f: {  	lr =	sadd.s32 s0, s3;
	s0 =	sld [smem:$0x3FA4]  }
0x30: {  	s3 =	sld [smem:$0x3FA7]  }
0x31: {  	[smem:$0x3FB0] =	sst s10  }
0x32: {  	s10 =	sld [smem:$0x3FAE];
	_ =	sdelay $0x3  }
0x33: {  	p0 =	seq.s32 s10, $0x1;
	s10 =	sld [smem:$0x3FB0];
	_ =	sdelay $0x3  }
0x34: {  	[smem:$0x3FB0] =	sst s10  }
0x35: {  	s10 =	sld [smem:$0x3FAF];
	_ =	sdelay $0x3  }
0x36: {  	p1 =	seq.s32 s10, $0x1;
	s10 =	sld [smem:$0x3FB0];
	_ =	sdelay $0x3  }
0x37: {  	[smem:$0x3FB0] =	sst s10  }
0x38: {  	s10 =	sld [smem:$0x3FB1]  }
0x39: {  	_ = 	snop;
	(pc) =	sbr.ind lr, $3  }
0x3a: {  	_ = 	snop  }
0x3b: {  	_ = 	snop  }
0x3c: {  	p2 =	seq.s32 s10, $0x1;
	s10 =	sld [smem:$0x3FB0]  }
0x3d: {  	_ =	shalt  }
0x3e: {  	_ =	shalt  }
0x3f: {  	_ =	shalt  }
0x40: {  	_ =	shalt  }
0x41: {  	_ =	shalt  }
0x42: {  	_ =	shalt  }
0x43: {  	_ =	shalt  }
0x44: {  	_ =	shalt  }
0x45: {  	_ =	shalt  }
0x46: {  	_ =	shalt  }
0x47: {  	_ =	shalt  }
0x48: {  	_ =	shalt  }
0x49: {  	_ =	shalt  }
0x4a: {  	_ =	shalt  }
0x4b: {  	_ =	shalt  }
0x4c: {  	_ =	shalt  }
0x4d: {  	_ =	shalt  }
0x4e: {  	_ =	shalt  }
0x4f: {  	_ =	shalt  }
0x50: {  	_ =	shalt  }
0x51: {  	_ =	shalt  }
0x52: {  	_ =	shalt  }
0x53: {  	_ =	shalt  }
0x54: {  	_ =	shalt  }
0x55: {  	_ =	shalt  }
0x56: {  	_ =	shalt  }
0x57: {  	_ =	shalt  }
0x58: {  	_ =	shalt  }
0x59: {  	_ =	shalt  }
0x5a: {  	_ =	shalt  }
0x5b: {  	_ =	shalt  }
0x5c: {  	_ =	shalt  }
0x5d: {  	_ =	shalt  }
0x5e: {  	_ =	shalt  }
0x5f: {  	_ =	shalt  }
0x60: {  	_ =	shalt  }
0x61: {  	_ =	shalt  }
0x62: {  	_ =	shalt  }
0x63: {  	_ =	shalt  }
0x64: {  	_ =	shalt  }
0x65: {  	_ =	shalt  }
0x66: {  	_ =	shalt  }
0x67: {  	_ =	shalt  }
0x68: {  	_ =	shalt  }
0x69: {  	_ =	shalt  }
0x6a: {  	_ =	shalt  }
0x6b: {  	_ =	shalt  }
0x6c: {  	_ =	shalt  }
0x6d: {  	_ =	shalt  }
0x6e: {  	_ =	shalt  }
0x6f: {  	_ =	shalt  }
0x70: {  	_ =	shalt  }
0x71: {  	_ =	shalt  }
0x72: {  	_ =	shalt  }
0x73: {  	_ =	shalt  }
0x74: {  	_ =	shalt  }
0x75: {  	_ =	shalt  }
0x76: {  	_ =	shalt  }
0x77: {  	_ =	shalt  }
0x78: {  	_ =	shalt  }
0x79: {  	_ =	shalt  }
0x7a: {  	_ =	shalt  }
0x7b: {  	_ =	shalt  }
0x7c: {  	_ =	shalt  }
0x7d: {  	_ =	shalt  }
0x7e: {  	_ =	shalt  }
0x7f: {  	_ =	shalt  }
0x80: {  	_ =	shalt  }
0x81: {  	_ =	shalt  }
0x82: {  	_ =	shalt  }
0x83: {  	_ =	shalt  }
0x84: {  	_ =	shalt  }
0x85: {  	_ =	shalt  }
0x86: {  	_ =	shalt  }
0x87: {  	_ =	shalt  }
.Lfunc_end0:
.L_simem_size_0:
called_computation_lowered:
.L_overlay_start_0:
0x88: {  	s2 =	sld [smem:$0x3FD9]  }
0x89: {  	s3 =	sld [smem:$0x3FFE];
	_ =	sdelay $0x1  }
0x8a: {  	s1 =	srdreg.scid  }
0x8b: {  	s0 =	sand.u32 $0x1, s1  }
0x8c: {  	s16 =	sshll.u32 s0, $0xA;
	s2 =	sadd.s32 s3, s2  }
0x8d: {  	s2 =	sadd.s32 s2, s16  }
0x8e: {  	[smem:$0x3FBC] =	sst s2  }
0x8f: {  	_ = 	snop  }
0x90: {  	(tm) =	ssettm $0x1  }
0x91: {  	s17 =	sld [smem:$0x3FFB];
	_ =	sdelay $0x3  }
0x92: {  	_ =	strace s17  }
0x93: {  	s2 =	sld [smem:$0x3FFC];
	_ =	sdelay $0x3  }
0x94: {  	_ =	strace s2  }
0x95: {  	s2 =	sld [smem:$0x3FFD];
	_ =	sdelay $0x3  }
0x96: {  	_ =	strace s2  }
0x97: {  	_ =	strace $0x8FFFFFFF  }
0x98: {  	s18 =	sld [smem:$0x3FDB];
	_ =	sdelay $0x1  }
0x99: {  	s19 =	simm.s32 $_scs_section_size  }
0x9a: {  	s4 =	simm.s32 $_size__tile_overlayer_lowered;
	s5 =	simm.s32 $_tile_overlayer_lowered  }
0x9b: {  	s22 =	simm.s32 $0x1BFF;
	s21 =	sshll.u32 s5, $0x1;
	s2 =	sadd.s32 s19, s18  }
0x9c: {  	s6 =	simm.s32 $0x0;
	s20 =	sshll.u32 s4, $0x1;
	s4 =	sadd.s32 s21, s2  }
0x9d: {  	[timem:s6], [sflag:s22] =	dma.local [hbm:s4], s20  }
0x9e: {  	_ =	swait.ge [sflag:s22], s20  }
0x9f: {  	s3 =	ssub.s32 $0x0, s20;
	[sflag:s22] =	ssyncset.done $0x0  }
0xa0: {  	[sflag:s22] =	ssyncadd.s32 s3;
	_ =	sdelay $0x1  }
0xa1: {  	s23 =	simm.s32 $0x1B8B  }
0xa2: {  	_ =	swait.ge [sflag:s23], $0x1  }
0xa3: {  	[sflag:s23] =	ssyncset.done $0x0  }
0xa4: {  	s25 =	simm.s32 $0x1B8E;
	s24 =	sld [smem:$0x3FFE];
	[sflag:s23] =	ssyncadd.s32 $0xFFFFFFFF  }
0xa5: {  	s26 =	simm.s32 $execute0_lowered;
	[smem:$0x3FD2] =	sst s25  }
0xa6: {  	s4 =	sshll.u32 s26, $0x1;
	_ =	strace $0x80000046;
	[dreg:$0x1] =	wrdreg $0xFFFFFFFF  }
0xa7: {  	s28 =	simm.s32 $_size_execute0_lowered;
	s2 =	sadd.s32 s2, s4;
	[dreg:$0x0] =	wrdreg $0x0  }
0xa8: {  	s4 =	sshll.u32 s28, $0x1;
	[dreg:$0x2] =	wrdreg s2  }
0xa9: {  	[dreg:$0x3] =	wrdreg s4  }
0xaa: {  	[dreg:$0x4] =	wrdreg $0xC0  }
0xab: {  	_ =	task [dreg:s6], $0x5FFFF  }
0xac: {  	[dreg:$0x1] =	wrdreg $0xFFFFFFFF  }
0xad: {  	[dreg:$0x0] =	wrdreg $0x60  }
0xae: {  	[dreg:$0x2] =	wrdreg s24  }
0xaf: {  	[dreg:$0x3] =	wrdreg $0x48800  }
0xb0: {  	[dreg:$0x4] =	wrdreg $0x9  }
0xb1: {  	_ =	task.clear_ibuf [dreg:s6], $0x5FFFF;
	_ =	strace $0x90000046  }
0xb2: {  	s29 =	simm.s32 $0x9;
	_ =	strace $0x80000048  }
0xb3: {  	_ =	swait.ge [sflag:s29], $0x1  }
0xb4: {  	[sflag:s29] =	ssyncadd.s32 $0xFFFFFFFF  }
0xb5: {  	_ =	strace $0x90000048  }
0xb6: {  	_ =	sfence  }
0xb7: {  	s30 =	sld [smem:$0x0];
	_ =	sdelay $0x2  }
0xb8: {  	s31 =	sshll.u32 s1, $0xD;
	s1 =	sshrl.u32 s1, $0x2  }
0xb9: {  	s3 =	sand.u32 $0x4000, s31;
	s1 =	sadd.s32 s1, s30  }
0xba: {  	s0 =	sor.u32 s3, s0;
	s1 =	sshll.u32 s1, $0x11  }
0xbb: {  	s0 =	sor.u32 s1, s0  }
0xbc: {  	s0 =	sadd.s32 $0x8F2B, s0  }
0xbd: {  	[sflag:s0] =	ssyncadd.remote.s32 $0x1  }
0xbe: {  	_ =	sfence.sel $0xFFFF  }
0xbf: {  	[dreg:$0x0] =	wrdreg $0xFFFFFFFF;
	(pc) =	sbr.abs _section_cstart, $3  }
0xc0: {  	[dreg:$0x1] =	wrdreg $0xFFFFFFFF  }
0xc1: {  	_ =	task.clear_ibuf [dreg:s6], $0x2FFFF;
	_ =	strace $0x9FFFFFFF  }
0xc2: {  	(tm) =	ssettm $0x7FFFFFFF  }
0xc3: {  	_ =	shalt  }
tec
execute0_lowered:
.L_overlay_start_1:
0x0: {  	(tag) =	ssettag $0x1  }
0x1: {  	s3 =	rddreg [dreg:$0x0]  }
0x2: {  	s1 =	rddreg [dreg:$0x1]  }
0x3: {  	s0 =	rddreg [dreg:$0x2];
	s2 =	simm.s32 $0x0  }
0x4: {  	s4 =	srdreg.scid;
	s9 =	stileid.u32;
	s11 =	simm.s32 $0x0  }
0x5: {  	[smem:$0x7FF] =	sst s2;
	s4 =	sand.u32 $0x1, s4;
	s7 =	smul.u32 $0x1F40, s9  }
0x6: {  	s31 =	sshll.u32 s9, $0xC;
	p1 =	sgt.u32 s9, $0x4;
	p0 =	sne.s32 s9, $0x0  }
0x7: {  	s9 =	simm.s32 $0x4000;
	s5 =	sshll.u32 s4, $0xB;
	s6 =	smul.u32 $0x4F0, s4  }
0x8: {  	_ =	strace $0x80000047;
	s30 =	ssub.s32 $0x2, s4;
	s10 =	sshrl.u32 @!p0 s1, $0x3  }
0x9: {  	s5 =	sadd.s32 s5, s3;
	s8 =	sshrl.u32 s30, $0x1;
	s7 =	sshrl.u32 s7, $0x2  }
0xa: {  	s6 =	sadd.s32 s6, s3;
	s4 =	sadd.s32 s31, s5;
	s8 =	ssub.s32 s30, s8  }
0xb: {  	s3 =	sadd.s32 s7, s1;
	s7 =	simm.s32 $0x1;
	s4 =	sadd.s32 $0x2400, s4  }
0xc: {  	v0 =	vimm.f32 $1.000000000e+00;
	v1 =	vimm.f32 $0.0e+00;
	s5 =	sadd.s32 $0x12400, s6;
	s6 =	smax.u32 s8, $0x1;
	s8 =	simm.s32 $0x50  }
.LBB2_1:
0xd: {  	[tilespmem:$0x4000] =	vst v0  }
0xe: {  	[tilespmem:$0x4010] =	vst v0  }
0xf: {  	[tilespmem:$0x4020] =	vst v0  }
0x10: {  	[tilespmem:$0x4030] =	vst v0  }
0x11: {  	[tilespmem:$0x4040] =	vst v0  }
0x12: {  	[tilespmem:$0x4080] =	vst v1  }
0x13: {  	[tilespmem:$0x4090] =	vst v1  }
0x14: {  	[tilespmem:$0x40A0] =	vst v1  }
0x15: {  	[tilespmem:$0x40B0] =	vst v1  }
0x16: {  	[tilespmem:$0x40C0] =	vst v1  }
0x17: {  	[tilespmem:$0x40D0] =	vst v1  }
0x18: {  	[tilespmem:$0x40E0] =	vst v1  }
0x19: {  	[tilespmem:$0x40F0] =	vst v1  }
0x1a: {  	[tilespmem:$0x4100] =	vst v1  }
0x1b: {  	[tilespmem:$0x4110] =	vst v1  }
0x1c: {  	[tilespmem:$0x4120] =	vst v1  }
0x1d: {  	[tilespmem:$0x4130] =	vst v1  }
0x1e: {  	[tilespmem:$0x4140] =	vst v1  }
0x1f: {  	[tilespmem:$0x4150] =	vst v1  }
0x20: {  	[tilespmem:$0x4160] =	vst v1  }
0x21: {  	[tilespmem:$0x4170] =	vst v1  }
0x22: {  	[tilespmem:$0x4180] =	vst v1  }
0x23: {  	[tilespmem:$0x4190] =	vst v1  }
0x24: {  	[tilespmem:$0x41A0] =	vst v1  }
0x25: {  	[tilespmem:$0x41B0] =	vst v1  }
0x26: {  	[tilespmem:$0x41C0] =	vst v1  }
0x27: {  	[tilespmem:$0x41D0] =	vst v1  }
0x28: {  	[tilespmem:$0x41E0] =	vst v1  }
0x29: {  	[tilespmem:$0x41F0] =	vst v1  }
0x2a: {  	[tilespmem:$0x4200] =	vst v1  }
0x2b: {  	[tilespmem:$0x4210] =	vst v1  }
0x2c: {  	[tilespmem:$0x4220] =	vst v1  }
0x2d: {  	[tilespmem:$0x4230] =	vst v1  }
0x2e: {  	[tilespmem:$0x4240] =	vst v1  }
0x2f: {  	[tilespmem:$0x4250] =	vst v1  }
0x30: {  	[tilespmem:$0x4260] =	vst v1  }
0x31: {  	[tilespmem:$0x4270] =	vst v1  }
0x32: {  	[tilespmem:$0x4280] =	vst v1  }
0x33: {  	[tilespmem:$0x4290] =	vst v1  }
0x34: {  	[tilespmem:$0x42A0] =	vst v1  }
0x35: {  	[tilespmem:$0x42B0] =	vst v1  }
0x36: {  	[tilespmem:$0x42C0] =	vst v1  }
0x37: {  	[tilespmem:$0x42D0] =	vst v1  }
0x38: {  	[tilespmem:$0x42E0] =	vst v1  }
0x39: {  	[tilespmem:$0x42F0] =	vst v1  }
0x3a: {  	[tilespmem:$0x4300] =	vst v1  }
0x3b: {  	[tilespmem:$0x4310] =	vst v1  }
0x3c: {  	[tilespmem:$0x4320] =	vst v1  }
0x3d: {  	[tilespmem:$0x4330] =	vst v1  }
0x3e: {  	[tilespmem:$0x4340] =	vst v1  }
0x3f: {  	[tilespmem:$0x4350] =	vst v1  }
0x40: {  	[tilespmem:$0x4360] =	vst v1  }
0x41: {  	[tilespmem:$0x4370] =	vst v1  }
0x42: {  	[tilespmem:$0x4380] =	vst v1  }
0x43: {  	[tilespmem:$0x4390] =	vst v1  }
0x44: {  	[tilespmem:$0x43A0] =	vst v1  }
0x45: {  	[tilespmem:$0x43B0] =	vst v1  }
0x46: {  	[tilespmem:$0x43C0] =	vst v1  }
0x47: {  	[tilespmem:$0x43D0] =	vst v1  }
0x48: {  	[tilespmem:$0x43E0] =	vst v1  }
0x49: {  	[tilespmem:$0x43F0] =	vst v1  }
0x4a: {  	[tilespmem:$0x4400] =	vst v1  }
0x4b: {  	[tilespmem:$0x4410] =	vst v1  }
0x4c: {  	[tilespmem:$0x4420] =	vst v1  }
0x4d: {  	[tilespmem:$0x4430] =	vst v1  }
0x4e: {  	[tilespmem:$0x4440] =	vst v1  }
0x4f: {  	[tilespmem:$0x4450] =	vst v1  }
0x50: {  	[tilespmem:$0x4460] =	vst v1  }
0x51: {  	[tilespmem:$0x4470] =	vst v1  }
0x52: {  	[tilespmem:$0x4480] =	vst v1  }
0x53: {  	[tilespmem:$0x4490] =	vst v1  }
0x54: {  	[tilespmem:$0x44A0] =	vst v1  }
0x55: {  	[tilespmem:$0x44B0] =	vst v1  }
0x56: {  	[tilespmem:$0x44C0] =	vst v1  }
0x57: {  	[tilespmem:$0x44D0] =	vst v1  }
0x58: {  	[tilespmem:$0x44E0] =	vst v1  }
0x59: {  	[tilespmem:$0x44F0] =	vst v1  }
0x5a: {  	[tilespmem:$0x4500] =	vst v1  }
0x5b: {  	[tilespmem:$0x4510] =	vst v1  }
0x5c: {  	[tilespmem:$0x4520] =	vst v1  }
0x5d: {  	[tilespmem:$0x4530] =	vst v1  }
0x5e: {  	[tilespmem:$0x4540] =	vst v1  }
0x5f: {  	[tilespmem:$0x4550] =	vst v1  }
0x60: {  	[tilespmem:$0x4560] =	vst v1  }
0x61: {  	[tilespmem:$0x4570] =	vst v1  }
0x62: {  	[tilespmem:$0x4580] =	vst v1  }
0x63: {  	[tilespmem:$0x4590] =	vst v1  }
0x64: {  	[tilespmem:$0x45A0] =	vst v1  }
0x65: {  	[tilespmem:$0x45B0] =	vst v1  }
0x66: {  	[tilespmem:$0x45C0] =	vst v1  }
0x67: {  	[tilespmem:$0x45D0] =	vst v1  }
0x68: {  	[tilespmem:$0x45E0] =	vst v1  }
0x69: {  	[tilespmem:$0x45F0] =	vst v1  }
0x6a: {  	[tilespmem:$0x4600] =	vst v1  }
0x6b: {  	[tilespmem:$0x4610] =	vst v1  }
0x6c: {  	[tilespmem:$0x4620] =	vst v1  }
0x6d: {  	[tilespmem:$0x4630] =	vst v1  }
0x6e: {  	[tilespmem:$0x4640] =	vst v1  }
0x6f: {  	[tilespmem:$0x4650] =	vst v1  }
0x70: {  	[tilespmem:$0x4660] =	vst v1  }
0x71: {  	[tilespmem:$0x4670] =	vst v1  }
0x72: {  	[tilespmem:$0x4680] =	vst v1  }
0x73: {  	[tilespmem:$0x4690] =	vst v1  }
0x74: {  	[tilespmem:$0x46A0] =	vst v1  }
0x75: {  	[tilespmem:$0x46B0] =	vst v1  }
0x76: {  	[tilespmem:$0x46C0] =	vst v1  }
0x77: {  	[tilespmem:$0x46D0] =	vst v1  }
0x78: {  	[tilespmem:$0x46E0] =	vst v1  }
0x79: {  	[tilespmem:$0x46F0] =	vst v1  }
0x7a: {  	[tilespmem:$0x4700] =	vst v1  }
0x7b: {  	[tilespmem:$0x4710] =	vst v1  }
0x7c: {  	[tilespmem:$0x4720] =	vst v1  }
0x7d: {  	[tilespmem:$0x4730] =	vst v1  }
0x7e: {  	[tilespmem:$0x4740] =	vst v1  }
0x7f: {  	[tilespmem:$0x4750] =	vst v1  }
0x80: {  	[tilespmem:$0x4760] =	vst v1  }
0x81: {  	[tilespmem:$0x4770] =	vst v1  }
0x82: {  	[tilespmem:$0x4780] =	vst v1  }
0x83: {  	[tilespmem:$0x4790] =	vst v1  }
0x84: {  	[tilespmem:$0x47A0] =	vst v1  }
0x85: {  	[tilespmem:$0x47B0] =	vst v1  }
0x86: {  	[tilespmem:$0x47C0] =	vst v1  }
0x87: {  	[tilespmem:$0x47D0] =	vst v1  }
0x88: {  	[tilespmem:$0x47E0] =	vst v1  }
0x89: {  	[tilespmem:$0x47F0] =	vst v1  }
0x8a: {  	[tilespmem:$0x4800] =	vst v1  }
0x8b: {  	[tilespmem:$0x4810] =	vst v1  }
0x8c: {  	[tilespmem:$0x4820] =	vst v1  }
0x8d: {  	[tilespmem:$0x4830] =	vst v1  }
0x8e: {  	[tilespmem:$0x4840] =	vst v1;
	s12 =	simm.s32 @!p1 $0x4080  }
0x8f: {  	[spmem:s3] =	stream.linear.scatter @!p1 [tilespmem:s12], [sflag:$0x1], $0x7D0, $0x38;
	[tilespmem:$0x4AF8] =	vst v63  }
0x90: {  	s12 =	simm.s32 @!p1 $0x1  }
0x91: {  	_ =	swait.ge @!p1 [sflag:s12], $0x7D0  }
0x92: {  	[sflag:s12] =	ssyncset.done @!p1 $0x0  }
0x93: {  	[sflag:s12] =	ssyncadd.s32 @!p1 $0xFFFFF830  }
0x94: {  	[bflag:$0x0] =	sbarrier.arrive $0xFFFF  }
0x95: {  	[tilespmem:s2], [sflag:$0x1] =	stream.linear.gather [hbm4b:s4+s2], $0x3E80, $0x38;
	[tilespmem:$0x4AF8] =	vst v63  }
0x96: {  	_ =	swait.ge [sflag:s7], $0x3E80  }
0x97: {  	[sflag:s7] =	ssyncset.done $0x0  }
0x98: {  	s31 =	simm.s32 $0x0;
	[sflag:s7] =	ssyncadd.s32 $0xFFFFC180  }
0x99: {  	[spmem:s1] =	stream.indirect.scatter.add.f32 [tilespmem:s9], [sflag:$0x1], $0x1, s31, s8, $0xb8;
	[tilespmem:$0x4AF8] =	vst v63  }
0x9a: {  	_ =	swait.ge [sflag:s7], $0x50  }
0x9b: {  	s12 =	simm.s32 $0x200;
	[sflag:s7] =	ssyncset.done $0x0  }
.LBB2_2:
0x9c: {  	s13 =	sshra.s32 s12, $0x2;
	[sflag:s7] =	ssyncadd.s32 $0xFFFFFFB0;
	p2 =	sne.s32 s12, $0xF800  }
0x9d: {  	[spmem:s1] =	stream.indirect.scatter.add.f32 [tilespmem:s9], [sflag:$0x1], $0x1, s13, s8, $0xb8;
	[tilespmem:$0x4AF8] =	vst v63  }
.Ltmp0:
0x9e: {  	_ = 	snop;
	(pc) =	sbr.rel @p2 .LBB2_2-.Ltmp0, $4  }
0x9f: {  	_ = 	snop  }
0xa0: {  	s12 =	sadd.s32 $0x200, s12  }
0xa1: {  	_ =	swait.ge [sflag:s7], $0x50  }
0xa2: {  	[sflag:s7] =	ssyncset.done $0x0  }
0xa3: {  	[sflag:s7] =	ssyncadd.s32 $0xFFFFFFB0;
	s11 =	sadd.s32 $0x1, s11  }
0xa4: {  	s12 =	simm.s32 @!p0 $0x1C01;
	[bflag:$0x0] =	sbarrier.arrive $0xFFFF;
	p2 =	sne.s32 s11, s6  }
0xa5: {  	[hbm:s5], [sflag:s12] =	dma.local @!p0 [spmem:s10], $0x4F0  }
.Ltmp1:
0xa6: {  	_ = 	snop;
	(pc) =	sbr.rel @p2 .LBB2_1-.Ltmp1, $4  }
0xa7: {  	s12 =	simm.s32 @!p0 $0x1  }
0xa8: {  	_ =	swait.ge @!p0 [sflag:s12], $0x4F0  }
0xa9: {  	[sflag:s12] =	ssyncset.done @!p0 $0x0  }
0xaa: {  	[sflag:s12] =	ssyncadd.s32 @!p0 $0xFFFFFB10  }
0xab: {  	_ =	sfence.sel $0x180000  }
0xac: {  	[bflag:$0x0] =	sbarrier.arrive $0xFFFF  }
0xad: {  	_ =	strace $0x90000047  }
0xae: {  	s0 =	sadd.s32 @!p0 $0x100000, s0;
	[bflag:$0x2] =	sbarrier.arrive $0xFFFF  }
0xaf: {  	[sflag:s0] =	ssyncadd.tile.s32 @!p0 $0x1;
	_ =	shalt  }
.Lfunc_end2:
_tile_overlayer_lowered:
.L_overlay_start_2:
0xb0: {  	(tag) =	ssettag $0x2  }
0xb1: {  	s0 =	rddreg [dreg:$0x0];
	s2 =	stileid.u32  }
0xb2: {  	s1 =	rddreg [dreg:$0x1];
	p0 =	sne.s32 s2, $0x0  }
0xb3: {  	s3 =	rddreg [dreg:$0x2];
	[bflag:$0x3] =	sbarrier.arrive $0xFFFF;
	s2 =	simm.s32 @!p0 $0x1C01  }
0xb4: {  	[timem:s3], [sflag:s2] =	dma.local @!p0 [hbm:s0], s1  }
0xb5: {  	s0 =	simm.s32 @!p0 $0x1  }
0xb6: {  	_ =	swait.ge @!p0 [sflag:s0], s1  }
0xb7: {  	s1 =	ssub.s32 @!p0 $0x0, s1;
	[sflag:s0] =	ssyncset.done @!p0 $0x0  }
0xb8: {  	[sflag:s0] =	ssyncadd.s32 @!p0 s1  }
0xb9: {  	[bflag:$0x3] =	sbarrier.arrive $0xFFFF  }
0xba: {  	_ =	shalt  }

</sc_bundles>
